<compile_context>
chip_gen: v7x
topology: tpu7x:2x2x1
jax: 0.10.2.dev20260603
libtpu: 0.0.44.dev20260713+nightly
codegen_flags: <defaults>
</compile_context>

<pallas_src>
import functools

import jax
import jax.numpy as jnp
from jax import lax
from jax.experimental import pallas as pl
from jax.experimental.pallas import tpu as pltpu
from jax.experimental.pallas import tpu_sc as plsc

EPS = 1e-12


GATHER_WINDOW = 128


def _sc_gather_body(win_off, num_windows, table_hbm, i_hbm, o_hbm):
    def body(i_vmem, o_vmem):
        pltpu.sync_copy(table_hbm.at[i_vmem.at[0]], o_vmem)

    pltpu.emit_pipeline(
        body,
        grid=(num_windows,),
        in_specs=[pl.BlockSpec((1, GATHER_WINDOW),
                               index_map=lambda w, _o=win_off: (w + _o, 0))],
        out_specs=[pl.BlockSpec((GATHER_WINDOW, table_hbm.shape[1]),
                                index_map=lambda w: (w, 0))],
        core_axis_name=("c", "s"),
        dimension_semantics=(pltpu.PARALLEL,),
    )(i_hbm, o_hbm)


def _sc_gather(table, idx2, row_off, nrows):
    mesh = plsc.VectorSubcoreMesh(core_axis_name="c", subcore_axis_name="s")
    kern = pl.kernel(
        functools.partial(_sc_gather_body, row_off // GATHER_WINDOW,
                          nrows // GATHER_WINDOW),
        out_type=jax.ShapeDtypeStruct((nrows, table.shape[1]), table.dtype),
        mesh=mesh,
    )
    return kern(table, idx2)



ROW_BLOCK = 8192
CHUNK_BLOCKS = [5, 5, 5, 5, 5]


HALVES = 4


def _tc_ln_body(g_ref, pid_ref, sid_ref, tbl_ref, sc_ref, bi_ref, o_ref):
    r = g_ref.shape[0]
    k = tbl_ref.shape[0]
    max_pos = k - 2
    tbl = tbl_ref[...]
    rh = r // HALVES
    for hf in range(HALVES):
        rows = pl.ds(hf * rh, rh)
        x = g_ref[rows, :]
        pid = pid_ref[0, :, pl.ds(hf * rh, rh)]
        sid = sid_ref[0, :, pl.ds(hf * rh, rh)]
        iota_p = lax.broadcasted_iota(jnp.int32, (max_pos, rh), 0)
        iota_s = lax.broadcasted_iota(jnp.int32, (2, rh), 0)
        oh = jnp.concatenate(
            [(iota_p == pid).astype(jnp.bfloat16),
             (iota_s == sid).astype(jnp.bfloat16)], axis=0)
        posegv = lax.dot_general(
            oh, tbl,
            dimension_numbers=(((0,), (0,)), ((), ())),
            preferred_element_type=jnp.float32,
        )
        x = x + posegv
        m = jnp.mean(x, axis=-1, keepdims=True)
        d = x - m
        v = jnp.mean(d * d, axis=-1, keepdims=True)
        normed = d * lax.rsqrt(v + EPS)
        o_ref[rows, :] = normed * sc_ref[...] + bi_ref[...]


def _tc_ln_chunk_body(g_ref, pid_ref, sid_ref, tbl_ref, sc_ref, bi_ref,
                      prev_ref, o_ref):
    del prev_ref
    _tc_ln_body(g_ref, pid_ref, sid_ref, tbl_ref, sc_ref, bi_ref, o_ref)


def _tc_ln_chunk(gathered_k, pos_ids, seg_ids, tbl, ln_scale, ln_bias,
                 prev_out, block_off, n):
    ck, h = gathered_k.shape
    grid = (ck // ROW_BLOCK,)
    body = _tc_ln_chunk_body if prev_out is not None else _tc_ln_body
    in_specs = [
        pl.BlockSpec((ROW_BLOCK, h), lambda i: (i, 0)),
        pl.BlockSpec((1, 1, ROW_BLOCK),
                     lambda i, _o=block_off: (i + _o, 0, 0)),
        pl.BlockSpec((1, 1, ROW_BLOCK),
                     lambda i, _o=block_off: (i + _o, 0, 0)),
        pl.BlockSpec(tbl.shape, lambda i: (0, 0)),
        pl.BlockSpec((1, h), lambda i: (0, 0)),
        pl.BlockSpec((1, h), lambda i: (0, 0)),
    ]
    args = [gathered_k, pos_ids, seg_ids, tbl, ln_scale, ln_bias]
    aliases = {}
    if prev_out is not None:
        in_specs.append(pl.BlockSpec(memory_space=pltpu.HBM))
        args.append(prev_out)
        aliases = {6: 0}
    return pl.pallas_call(
        body,
        grid=grid,
        in_specs=in_specs,
        out_specs=pl.BlockSpec((ROW_BLOCK, h),
                               lambda i, _o=block_off: (i + _o, 0)),
        out_shape=jax.ShapeDtypeStruct((n, h), jnp.float32),
        input_output_aliases=aliases,
        compiler_params=pltpu.CompilerParams(
            dimension_semantics=("arbitrary",),
        ),
    )(*args)


def kernel(input_ids, token_type_ids, position_ids, tok_emb, pos_emb, seg_emb,
           ln_scale, ln_bias):
    b, l = input_ids.shape
    h = tok_emb.shape[1]
    n = b * l
    ids = input_ids.reshape(-1).astype(jnp.int32)
    pids = position_ids.reshape(n // ROW_BLOCK, 1, ROW_BLOCK).astype(jnp.int32)
    sids = token_type_ids.reshape(n // ROW_BLOCK, 1, ROW_BLOCK).astype(jnp.int32)

    tbl = jnp.concatenate([pos_emb, seg_emb], axis=0).astype(jnp.bfloat16)
    scale = ln_scale.reshape(1, h)
    bias = ln_bias.reshape(1, h)

    ids2 = ids.reshape(n // GATHER_WINDOW, GATHER_WINDOW)
    offs = [0]
    for nb in CHUNK_BLOCKS:
        offs.append(offs[-1] + nb)
    assert offs[-1] * ROW_BLOCK == n
    gs = [_sc_gather(tok_emb, ids2, offs[k] * ROW_BLOCK,
                     CHUNK_BLOCKS[k] * ROW_BLOCK)
          for k in range(len(CHUNK_BLOCKS))]
    out = None
    for k in range(len(CHUNK_BLOCKS)):
        out = _tc_ln_chunk(gs[k], pids, sids, tbl, scale, bias,
                           out, offs[k], n)
    return out.reshape(b, l, h)

# --- scband reference (transcript-rebuilt; emitter-appended) ---
"""Pipeline reference for scband-embeddings-75728863363483 (READ-ONLY COPY).

The authoritative reference and input builder live on the scoring server;
editing this copy changes nothing except your own understanding.
"""

import jax, jax.numpy as jnp
import numpy as np

VOCAB = 100000
HIDDEN = 128
MAX_POS = 512
TYPE_VOCAB = 2
EPS = 1e-12
B, L = 1024, 200

def setup_inputs(seed: int = 0) -> dict:
    key = jax.random.key(seed)
    k1, k2, k3, k4, k5, k6, k7 = jax.random.split(key, 7)
    input_ids = jax.random.randint(k1, (B, L), 0, VOCAB, dtype=jnp.int64 if jax.config.jax_enable_x64 else jnp.int32)
    token_type_ids = jax.random.randint(k2, (B, L), 0, TYPE_VOCAB, dtype=input_ids.dtype)
    position_ids = jax.random.randint(k3, (B, L), 0, MAX_POS, dtype=input_ids.dtype)
    tok_emb = jax.random.normal(k4, (VOCAB, HIDDEN), dtype=jnp.float32) * 0.02
    pos_emb = jax.random.normal(k5, (MAX_POS, HIDDEN), dtype=jnp.float32) * 0.02
    seg_emb = jax.random.normal(k6, (TYPE_VOCAB, HIDDEN), dtype=jnp.float32) * 0.02
    ln_scale = jnp.ones((HIDDEN,), dtype=jnp.float32)
    ln_bias = jnp.zeros((HIDDEN,), dtype=jnp.float32)
    return {"input_ids": input_ids, "token_type_ids": token_type_ids, "position_ids": position_ids,
            "tok_emb": tok_emb, "pos_emb": pos_emb, "seg_emb": seg_emb,
            "ln_scale": ln_scale, "ln_bias": ln_bias}

def reference(input_ids, token_type_ids, position_ids, tok_emb, pos_emb, seg_emb, ln_scale, ln_bias):
    input_embeds = jnp.take(tok_emb, input_ids, axis=0)
    position_embeds = jnp.take(pos_emb, position_ids, axis=0)
    segment_embeds = jnp.take(seg_emb, token_type_ids, axis=0)
    embeddings = input_embeds + position_embeds + segment_embeds
    mean = jnp.mean(embeddings, axis=-1, keepdims=True)
    var = jnp.var(embeddings, axis=-1, keepdims=True)
    normed = (embeddings - mean) / jnp.sqrt(var + EPS)
    out = normed * ln_scale + ln_bias
    # dropout is deterministic (train=False) -> identity
    return out

if __name__ == "__main__":
    import jax
    _d = setup_inputs()
    print(jax.jit(kernel)(*tuple(_d.values())))

</pallas_src>

<mosaic_0001>
#map = affine_map<(d0, d1) -> (0, 0)>
module attributes {stable_mosaic.version = 14 : i64} {
  func.func @_sc_gather_body(%arg0: i32, %arg1: i32, %arg2: memref<100000x128xf32, #tpu.memory_space<hbm>>, %arg3: memref<1600x128xi32, #tpu.memory_space<hbm>>, %arg4: memref<40960x128xf32, #tpu.memory_space<hbm>>) attributes {dimension_semantics = [#tpu.dimension_semantics<core_parallel>, #tpu.dimension_semantics<subcore_parallel>], iteration_bounds = array<i64: 2, 16>, scalar_prefetch = 0 : i64, scratch_operands = 0 : i64, tpu.core_type = #tpu.core_type<sc_vector_subcore>, window_params = [{transform_indices = #map}, {transform_indices = #map}, {transform_indices = #map}]} {
    %mul3A = arith.constant 1 : i32
    %mul3A_0 = arith.muli %arg1, %mul3A : i32
    %add3A = arith.constant 0 : i32
    %add3A_1 = arith.addi %add3A, %mul3A_0 : i32
    %mul3A_2 = arith.constant 16 : i32
    %mul3A_3 = arith.muli %arg0, %mul3A_2 : i32
    %add3A_4 = arith.addi %add3A_1, %mul3A_3 : i32
    %mul3A_5 = arith.constant 10 : i32
    %mul3A_6 = arith.muli %add3A_4, %mul3A_5 : i32
    "tpu.region"() ({
      %run_scoped3A = memref.alloca() : memref<2x1x128xi32, #tpu.memory_space<vmem>>
      %run_scoped3A_7 = tpu.sem_alloc : memref<2x!tpu.dma_semaphore, #tpu.memory_space<semaphore_mem>>
      %run_scoped3A_8 = memref.alloca() : memref<2x128x128xf32, #tpu.memory_space<vmem>>
      %run_scoped3A_9 = tpu.sem_alloc : memref<2x!tpu.dma_semaphore, #tpu.memory_space<semaphore_mem>>
      %add3A_10 = arith.constant 0 : i32
      %add3A_11 = arith.addi %add3A_10, %mul3A_6 : i32
      %select_n3A = arith.constant true
      %select_n3A_12 = arith.constant 0 : i32
      %select_n3A_13 = arith.constant -1 : i32
      %select_n3A_14 = arith.select %select_n3A, %select_n3A_13, %select_n3A_12 : i32
      %eq3A = arith.constant -1 : i32
      %eq3A_15 = arith.cmpi eq, %select_n3A_14, %eq3A : i32
      %select_n3A_16 = arith.constant 9 : i32
      %select_n3A_17 = arith.select %eq3A_15, %select_n3A_16, %select_n3A_14 : i32
      %add3A_18 = arith.addi %select_n3A_17, %mul3A_6 : i32
      %select_n3A_19 = arith.constant true
      %select_n3A_20 = arith.constant 0 : i32
      %select_n3A_21 = arith.constant 1 : i32
      %select_n3A_22 = arith.select %select_n3A_19, %select_n3A_21, %select_n3A_20 : i32
      %eq3A_23 = arith.constant 10 : i32
      %eq3A_24 = arith.cmpi eq, %select_n3A_22, %eq3A_23 : i32
      %select_n3A_25 = arith.constant 0 : i32
      %select_n3A_26 = arith.select %eq3A_24, %select_n3A_25, %select_n3A_22 : i32
      %add3A_27 = arith.addi %select_n3A_26, %mul3A_6 : i32
      %add3A_28 = arith.constant 1 : i32
      %add3A_29 = arith.addi %select_n3A_26, %add3A_28 : i32
      %select_n3A_30 = arith.constant true
      %select_n3A_31 = arith.select %select_n3A_30, %add3A_29, %select_n3A_26 : i32
      %eq3A_32 = arith.constant 10 : i32
      %eq3A_33 = arith.cmpi eq, %select_n3A_31, %eq3A_32 : i32
      %select_n3A_34 = arith.constant 0 : i32
      %select_n3A_35 = arith.select %eq3A_33, %select_n3A_34, %select_n3A_31 : i32
      %add3A_36 = arith.addi %select_n3A_35, %mul3A_6 : i32
      "tpu.trace_start"() <{level = 10 : i32, message = "ep_initialize_0"}> : () -> ()
      %rem3A = arith.constant 0 : i32
      %rem3A_37 = arith.constant 2 : i32
      %rem3A_38 = arith.remui %rem3A, %rem3A_37 : i32
      %add3A_39 = arith.constant 640 : i32
      %add3A_40 = arith.addi %add3A_11, %add3A_39 : i32
      %mul3A_41 = arith.constant 1 : i32
      %mul3A_42 = arith.muli %mul3A_41, %add3A_40 : i32
      %dma_start3A = arith.constant 0 : i32
      %dma_start3A_43 = arith.constant 0 : i32
      %dma_start3A_44 = tpu.memref_slice %run_scoped3A[%rem3A_38, %dma_start3A, %dma_start3A_43] : memref<2x1x128xi32, #tpu.memory_space<vmem>> -> memref<1x1x128xi32, #tpu.memory_space<vmem>>
      %dma_start3A_45 = tpu.memref_squeeze %dma_start3A_44 : memref<1x1x128xi32, #tpu.memory_space<vmem>> -> memref<1x128xi32, #tpu.memory_space<vmem>>
      %dma_start3A_46 = arith.constant 0 : i32
      %dma_start3A_47 = tpu.memref_slice %arg3[%mul3A_42, %dma_start3A_46] : memref<1600x128xi32, #tpu.memory_space<hbm>> -> memref<1x128xi32, #tpu.memory_space<hbm>>
      %dma_start3A_48 = tpu.memref_slice %run_scoped3A_7[%rem3A_38] : memref<2x!tpu.dma_semaphore, #tpu.memory_space<semaphore_mem>> -> memref<1x!tpu.dma_semaphore, #tpu.memory_space<semaphore_mem>>
      %dma_start3A_49 = tpu.memref_squeeze %dma_start3A_48 : memref<1x!tpu.dma_semaphore, #tpu.memory_space<semaphore_mem>> -> memref<!tpu.dma_semaphore, #tpu.memory_space<semaphore_mem>>
      %dma_start3A_50 = arith.constant 0 : i32
      %dma_start3A_51 = arith.constant 0 : i32
      %dma_start3A_52 = tpu.memref_slice %run_scoped3A[%rem3A_38, %dma_start3A_50, %dma_start3A_51] : memref<2x1x128xi32, #tpu.memory_space<vmem>> -> memref<1x1x128xi32, #tpu.memory_space<vmem>>
      %dma_start3A_53 = tpu.memref_squeeze %dma_start3A_52 : memref<1x1x128xi32, #tpu.memory_space<vmem>> -> memref<1x128xi32, #tpu.memory_space<vmem>>
      %dma_start3A_54 = arith.constant 0 : i32
      %dma_start3A_55 = tpu.memref_slice %arg3[%mul3A_42, %dma_start3A_54] : memref<1600x128xi32, #tpu.memory_space<hbm>> -> memref<1x128xi32, #tpu.memory_space<hbm>>
      tpu.enqueue_dma source(%dma_start3A_55 : memref<1x128xi32, #tpu.memory_space<hbm>>) target(%dma_start3A_53 : memref<1x128xi32, #tpu.memory_space<vmem>>) target_semaphore(%dma_start3A_49 : memref<!tpu.dma_semaphore, #tpu.memory_space<semaphore_mem>>)
      %add3A_56 = arith.constant 0 : i32
      %add3A_57 = arith.constant 1 : i32
      %add3A_58 = arith.addi %add3A_56, %add3A_57 : i32
      %select_n3A_59 = arith.constant true
      %select_n3A_60 = arith.constant 0 : i32
      %select_n3A_61 = arith.select %select_n3A_59, %add3A_58, %select_n3A_60 : i32
      "tpu.trace_stop"() : () -> ()
      %scan3A = arith.constant 0 : i32
      %scan3A_62 = arith.constant 0 : i32
      %scan3A_63 = arith.constant 0 : i32
      %scan3A_64 = arith.constant 0 : i32
      %scan3A_65 = arith.constant 0 : i32
      %scan3A_66 = arith.constant 10 : i32
      %scan3A_67 = arith.addi %scan3A_65, %scan3A_66 : i32
      %scan3A_68 = arith.constant 1 : i32
      %scan3A_69:5 = scf.for %scan3A_123 = %scan3A_65 to %scan3A_67 step %scan3A_68 iter_args(%scan3A_124 = %select_n3A_61, %scan3A_125 = %scan3A, %scan3A_126 = %scan3A_62, %scan3A_127 = %scan3A_63, %scan3A_128 = %scan3A_64) -> (i32, i32, i32, i32, i32)  : i32 {
        %eq3A_129 = arith.constant 0 : i32
        %eq3A_130 = arith.cmpi eq, %scan3A_123, %eq3A_129 : i32
        %eq3A_131 = arith.constant 9 : i32
        %eq3A_132 = arith.cmpi eq, %scan3A_123, %eq3A_131 : i32
        %add3A_133 = arith.addi %scan3A_128, %mul3A_6 : i32
        %sub3A_134 = arith.constant 1 : i32
        %sub3A_135 = arith.subi %scan3A_128, %sub3A_134 : i32
        %select_n3A_136 = arith.constant true
        %select_n3A_137 = arith.select %select_n3A_136, %sub3A_135, %scan3A_128 : i32
        %eq3A_138 = arith.constant -1 : i32
        %eq3A_139 = arith.cmpi eq, %select_n3A_137, %eq3A_138 : i32
        %select_n3A_140 = arith.constant 9 : i32
        %select_n3A_141 = arith.select %eq3A_139, %select_n3A_140, %select_n3A_137 : i32
        %add3A_142 = arith.addi %select_n3A_141, %mul3A_6 : i32
        %add3A_143 = arith.constant 1 : i32
        %add3A_144 = arith.addi %scan3A_128, %add3A_143 : i32
        %select_n3A_145 = arith.constant true
        %select_n3A_146 = arith.select %select_n3A_145, %add3A_144, %scan3A_128 : i32
        %eq3A_147 = arith.constant 10 : i32
        %eq3A_148 = arith.cmpi eq, %select_n3A_146, %eq3A_147 : i32
        %select_n3A_149 = arith.constant 0 : i32
        %select_n3A_150 = arith.select %eq3A_148, %select_n3A_149, %select_n3A_146 : i32
        %add3A_151 = arith.addi %select_n3A_150, %mul3A_6 : i32
        %add3A_152 = arith.constant 1 : i32
        %add3A_153 = arith.addi %select_n3A_150, %add3A_152 : i32
        %select_n3A_154 = arith.constant true
        %select_n3A_155 = arith.select %select_n3A_154, %add3A_153, %select_n3A_150 : i32
        %eq3A_156 = arith.constant 10 : i32
        %eq3A_157 = arith.cmpi eq, %select_n3A_155, %eq3A_156 : i32
        %select_n3A_158 = arith.constant 0 : i32
        %select_n3A_159 = arith.select %eq3A_157, %select_n3A_158, %select_n3A_155 : i32
        %add3A_160 = arith.addi %select_n3A_159, %mul3A_6 : i32
        %add3A_161 = arith.constant 640 : i32
        %add3A_162 = arith.addi %add3A_133, %add3A_161 : i32
        %add3A_163 = arith.constant 640 : i32
        %add3A_164 = arith.addi %add3A_151, %add3A_163 : i32
        %ne3A = arith.cmpi ne, %add3A_162, %add3A_164 : i32
        %or3A = arith.constant false
        %or3A_165 = arith.ori %or3A, %ne3A : i1
        %or3A_166 = arith.constant false
        %or3A_167 = arith.ori %or3A_165, %or3A_166 : i1
        %ge3A = arith.constant 9 : i32
        %ge3A_168 = arith.cmpi sge, %scan3A_123, %ge3A : i32
        %not3A = arith.constant true
        %not3A_169 = arith.xori %ge3A_168, %not3A : i1
        %and3A = arith.andi %or3A_167, %not3A_169 : i1
        %convert_element_type3A = arith.extui %and3A : i1 to i32
        %cond3A = arith.constant 0 : i32
        %cond3A_170 = arith.cmpi ne, %convert_element_type3A, %cond3A : i32
        scf.if %cond3A_170 {
          "tpu.trace_start"() <{level = 10 : i32, message = "ep_copy_in"}> : () -> ()
          %rem3A_296 = arith.constant 2 : i32
          %rem3A_297 = arith.remui %scan3A_124, %rem3A_296 : i32
          %add3A_298 = arith.constant 640 : i32
          %add3A_299 = arith.addi %add3A_151, %add3A_298 : i32
          %mul3A_300 = arith.constant 1 : i32
          %mul3A_301 = arith.muli %mul3A_300, %add3A_299 : i32
          %dma_start3A_302 = arith.constant 0 : i32
          %dma_start3A_303 = arith.constant 0 : i32
          %dma_start3A_304 = tpu.memref_slice %run_scoped3A[%rem3A_297, %dma_start3A_302, %dma_start3A_303] : memref<2x1x128xi32, #tpu.memory_space<vmem>> -> memref<1x1x128xi32, #tpu.memory_space<vmem>>
          %dma_start3A_305 = tpu.memref_squeeze %dma_start3A_304 : memref<1x1x128xi32, #tpu.memory_space<vmem>> -> memref<1x128xi32, #tpu.memory_space<vmem>>
          %dma_start3A_306 = arith.constant 0 : i32
          %dma_start3A_307 = tpu.memref_slice %arg3[%mul3A_301, %dma_start3A_306] : memref<1600x128xi32, #tpu.memory_space<hbm>> -> memref<1x128xi32, #tpu.memory_space<hbm>>
          %dma_start3A_308 = tpu.memref_slice %run_scoped3A_7[%rem3A_297] : memref<2x!tpu.dma_semaphore, #tpu.memory_space<semaphore_mem>> -> memref<1x!tpu.dma_semaphore, #tpu.memory_space<semaphore_mem>>
          %dma_start3A_309 = tpu.memref_squeeze %dma_start3A_308 : memref<1x!tpu.dma_semaphore, #tpu.memory_space<semaphore_mem>> -> memref<!tpu.dma_semaphore, #tpu.memory_space<semaphore_mem>>
          %dma_start3A_310 = arith.constant 0 : i32
          %dma_start3A_311 = arith.constant 0 : i32
          %dma_start3A_312 = tpu.memref_slice %run_scoped3A[%rem3A_297, %dma_start3A_310, %dma_start3A_311] : memref<2x1x128xi32, #tpu.memory_space<vmem>> -> memref<1x1x128xi32, #tpu.memory_space<vmem>>
          %dma_start3A_313 = tpu.memref_squeeze %dma_start3A_312 : memref<1x1x128xi32, #tpu.memory_space<vmem>> -> memref<1x128xi32, #tpu.memory_space<vmem>>
          %dma_start3A_314 = arith.constant 0 : i32
          %dma_start3A_315 = tpu.memref_slice %arg3[%mul3A_301, %dma_start3A_314] : memref<1600x128xi32, #tpu.memory_space<hbm>> -> memref<1x128xi32, #tpu.memory_space<hbm>>
          tpu.enqueue_dma source(%dma_start3A_315 : memref<1x128xi32, #tpu.memory_space<hbm>>) target(%dma_start3A_313 : memref<1x128xi32, #tpu.memory_space<vmem>>) target_semaphore(%dma_start3A_309 : memref<!tpu.dma_semaphore, #tpu.memory_space<semaphore_mem>>)
          "tpu.trace_stop"() : () -> ()
        } else {
        }
        %and3A_171 = arith.constant true
        %and3A_172 = arith.andi %and3A, %and3A_171 : i1
        %add3A_173 = arith.constant 1 : i32
        %add3A_174 = arith.addi %scan3A_124, %add3A_173 : i32
        %select_n3A_175 = arith.select %and3A_172, %add3A_174, %scan3A_124 : i32
        %ne3A_176 = arith.cmpi ne, %add3A_133, %add3A_151 : i32
        %or3A_177 = arith.constant false
        %or3A_178 = arith.ori %or3A_177, %ne3A_176 : i1
        %or3A_179 = arith.constant false
        %or3A_180 = arith.ori %or3A_178, %or3A_179 : i1
        %ge3A_181 = arith.constant 9 : i32
        %ge3A_182 = arith.cmpi sge, %scan3A_123, %ge3A_181 : i32
        %not3A_183 = arith.constant true
        %not3A_184 = arith.xori %ge3A_182, %not3A_183 : i1
        %and3A_185 = arith.andi %or3A_180, %not3A_184 : i1
        %add3A_186 = arith.constant 640 : i32
        %add3A_187 = arith.addi %add3A_133, %add3A_186 : i32
        %add3A_188 = arith.constant 640 : i32
        %add3A_189 = arith.addi %add3A_142, %add3A_188 : i32
        %ne3A_190 = arith.cmpi ne, %add3A_187, %add3A_189 : i32
        %or3A_191 = arith.constant false
        %or3A_192 = arith.ori %or3A_191, %ne3A_190 : i1
        %or3A_193 = arith.constant false
        %or3A_194 = arith.ori %or3A_192, %or3A_193 : i1
        %or3A_195 = arith.ori %or3A_194, %eq3A_130 : i1
        %convert_element_type3A_196 = arith.extui %or3A_195 : i1 to i32
        %cond3A_197 = arith.constant 0 : i32
        %cond3A_198 = arith.cmpi ne, %convert_element_type3A_196, %cond3A_197 : i32
        scf.if %cond3A_198 {
          "tpu.trace_start"() <{level = 10 : i32, message = "ep_wait_in"}> : () -> ()
          %add3A_296 = arith.constant 640 : i32
          %add3A_297 = arith.addi %add3A_133, %add3A_296 : i32
          %mul3A_298 = arith.constant 1 : i32
          %mul3A_299 = arith.muli %mul3A_298, %add3A_297 : i32
          %rem3A_300 = arith.constant 2 : i32
          %rem3A_301 = arith.remui %scan3A_125, %rem3A_300 : i32
          %dma_wait3A_302 = arith.constant 0 : i32
          %dma_wait3A_303 = arith.constant 0 : i32
          %dma_wait3A_304 = tpu.memref_slice %run_scoped3A[%rem3A_301, %dma_wait3A_302, %dma_wait3A_303] : memref<2x1x128xi32, #tpu.memory_space<vmem>> -> memref<1x1x128xi32, #tpu.memory_space<vmem>>
          %dma_wait3A_305 = tpu.memref_squeeze %dma_wait3A_304 : memref<1x1x128xi32, #tpu.memory_space<vmem>> -> memref<1x128xi32, #tpu.memory_space<vmem>>
          %dma_wait3A_306 = arith.constant 0 : i32
          %dma_wait3A_307 = tpu.memref_slice %arg3[%mul3A_299, %dma_wait3A_306] : memref<1600x128xi32, #tpu.memory_space<hbm>> -> memref<1x128xi32, #tpu.memory_space<hbm>>
          %dma_wait3A_308 = tpu.memref_slice %run_scoped3A_7[%rem3A_301] : memref<2x!tpu.dma_semaphore, #tpu.memory_space<semaphore_mem>> -> memref<1x!tpu.dma_semaphore, #tpu.memory_space<semaphore_mem>>
          %dma_wait3A_309 = tpu.memref_squeeze %dma_wait3A_308 : memref<1x!tpu.dma_semaphore, #tpu.memory_space<semaphore_mem>> -> memref<!tpu.dma_semaphore, #tpu.memory_space<semaphore_mem>>
          %dma_wait3A_310 = arith.constant 0 : i32
          %dma_wait3A_311 = arith.constant 0 : i32
          %dma_wait3A_312 = tpu.memref_slice %run_scoped3A[%rem3A_301, %dma_wait3A_310, %dma_wait3A_311] : memref<2x1x128xi32, #tpu.memory_space<vmem>> -> memref<1x1x128xi32, #tpu.memory_space<vmem>>
          %dma_wait3A_313 = tpu.memref_squeeze %dma_wait3A_312 : memref<1x1x128xi32, #tpu.memory_space<vmem>> -> memref<1x128xi32, #tpu.memory_space<vmem>>
          %dma_wait3A_314 = arith.constant 0 : i32
          %dma_wait3A_315 = tpu.memref_slice %arg3[%mul3A_299, %dma_wait3A_314] : memref<1600x128xi32, #tpu.memory_space<hbm>> -> memref<1x128xi32, #tpu.memory_space<hbm>>
          tpu.wait_dma2 semaphore(%dma_wait3A_309 : memref<!tpu.dma_semaphore, #tpu.memory_space<semaphore_mem>>) src(%dma_wait3A_315 : memref<1x128xi32, #tpu.memory_space<hbm>>) dst(%dma_wait3A_313 : memref<1x128xi32, #tpu.memory_space<vmem>>)
          "tpu.trace_stop"() : () -> ()
        } else {
        }
        %ne3A_199 = arith.cmpi ne, %add3A_133, %add3A_142 : i32
        %or3A_200 = arith.constant false
        %or3A_201 = arith.ori %or3A_200, %ne3A_199 : i1
        %or3A_202 = arith.constant false
        %or3A_203 = arith.ori %or3A_201, %or3A_202 : i1
        %or3A_204 = arith.ori %or3A_203, %eq3A_130 : i1
        %convert_element_type3A_205 = arith.extui %or3A_204 : i1 to i32
        %cond3A_206 = arith.constant 0 : i32
        %cond3A_207 = arith.cmpi ne, %convert_element_type3A_205, %cond3A_206 : i32
        scf.if %cond3A_207 {
        } else {
        }
        %rem3A_208 = arith.constant 2 : i32
        %rem3A_209 = arith.remui %scan3A_125, %rem3A_208 : i32
        %rem3A_210 = arith.constant 2 : i32
        %rem3A_211 = arith.remui %scan3A_126, %rem3A_210 : i32
        %run_scoped3A_212 = arith.constant 0 : i32
        "tpu.trace_start"() <{level = 10 : i32, message = "ep_run_kernel"}> : () -> ()
        "tpu.region"() ({
          %run_scoped3A_296 = tpu.sem_alloc : memref<!tpu.dma_semaphore, #tpu.memory_space<semaphore_mem>>
          %dma_start3A_297 = arith.constant 0 : i32
          %dma_start3A_298 = arith.constant 0 : i32
          %dma_start3A_299 = tpu.memref_slice %run_scoped3A_8[%rem3A_211, %dma_start3A_297, %dma_start3A_298] : memref<2x128x128xf32, #tpu.memory_space<vmem>> -> memref<1x128x128xf32, #tpu.memory_space<vmem>>
          %dma_start3A_300 = tpu.memref_squeeze %dma_start3A_299 : memref<1x128x128xf32, #tpu.memory_space<vmem>> -> memref<128x128xf32, #tpu.memory_space<vmem>>
          %dma_start3A_301 = arith.constant 0 : i32
          %dma_start3A_302 = arith.constant 0 : i32
          %dma_start3A_303 = tpu.memref_slice %run_scoped3A[%rem3A_209, %dma_start3A_301, %dma_start3A_302] : memref<2x1x128xi32, #tpu.memory_space<vmem>> -> memref<1x1x128xi32, #tpu.memory_space<vmem>>
          %dma_start3A_304 = tpu.memref_squeeze %dma_start3A_303 : memref<1x1x128xi32, #tpu.memory_space<vmem>> -> memref<1x128xi32, #tpu.memory_space<vmem>>
          %dma_start3A_305 = arith.constant 0 : i32
          %dma_start3A_306 = tpu.memref_slice %dma_start3A_304[%run_scoped3A_212, %dma_start3A_305] : memref<1x128xi32, #tpu.memory_space<vmem>> -> memref<1x128xi32, #tpu.memory_space<vmem>>
          %dma_start3A_307 = tpu.memref_squeeze %dma_start3A_306 : memref<1x128xi32, #tpu.memory_space<vmem>> -> memref<128xi32, #tpu.memory_space<vmem>>
          %dma_start3A_308 = arith.constant 0 : i32
          %dma_start3A_309 = arith.constant 0 : i32
          %dma_start3A_310 = tpu.memref_slice %arg2[%dma_start3A_308, %dma_start3A_309] : memref<100000x128xf32, #tpu.memory_space<hbm>> -> memref<100000x128xf32, #tpu.memory_space<hbm>>
          tpu.enqueue_indirect_dma source(%dma_start3A_310 : memref<100000x128xf32, #tpu.memory_space<hbm>>) target(%dma_start3A_300 : memref<128x128xf32, #tpu.memory_space<vmem>>) offsets(%dma_start3A_307 : memref<128xi32, #tpu.memory_space<vmem>>) semaphore(%run_scoped3A_296 : memref<!tpu.dma_semaphore, #tpu.memory_space<semaphore_mem>>)
          %dma_wait3A_311 = arith.constant 0 : i32
          %dma_wait3A_312 = arith.constant 0 : i32
          %dma_wait3A_313 = tpu.memref_slice %run_scoped3A_8[%rem3A_211, %dma_wait3A_311, %dma_wait3A_312] : memref<2x128x128xf32, #tpu.memory_space<vmem>> -> memref<1x128x128xf32, #tpu.memory_space<vmem>>
          %dma_wait3A_314 = tpu.memref_squeeze %dma_wait3A_313 : memref<1x128x128xf32, #tpu.memory_space<vmem>> -> memref<128x128xf32, #tpu.memory_space<vmem>>
          %dma_wait3A_315 = arith.constant 0 : i32
          %dma_wait3A_316 = arith.constant 0 : i32
          %dma_wait3A_317 = tpu.memref_slice %run_scoped3A[%rem3A_209, %dma_wait3A_315, %dma_wait3A_316] : memref<2x1x128xi32, #tpu.memory_space<vmem>> -> memref<1x1x128xi32, #tpu.memory_space<vmem>>
          %dma_wait3A_318 = tpu.memref_squeeze %dma_wait3A_317 : memref<1x1x128xi32, #tpu.memory_space<vmem>> -> memref<1x128xi32, #tpu.memory_space<vmem>>
          %dma_wait3A_319 = arith.constant 0 : i32
          %dma_wait3A_320 = tpu.memref_slice %dma_wait3A_318[%run_scoped3A_212, %dma_wait3A_319] : memref<1x128xi32, #tpu.memory_space<vmem>> -> memref<1x128xi32, #tpu.memory_space<vmem>>
          %dma_wait3A_321 = tpu.memref_squeeze %dma_wait3A_320 : memref<1x128xi32, #tpu.memory_space<vmem>> -> memref<128xi32, #tpu.memory_space<vmem>>
          %dma_wait3A_322 = arith.constant 0 : i32
          %dma_wait3A_323 = arith.constant 0 : i32
          %dma_wait3A_324 = tpu.memref_slice %arg2[%dma_wait3A_322, %dma_wait3A_323] : memref<100000x128xf32, #tpu.memory_space<hbm>> -> memref<100000x128xf32, #tpu.memory_space<hbm>>
          tpu.wait_indirect_dma semaphore(%run_scoped3A_296 : memref<!tpu.dma_semaphore, #tpu.memory_space<semaphore_mem>>) src(%dma_wait3A_324 : memref<100000x128xf32, #tpu.memory_space<hbm>>) dst(%dma_wait3A_314 : memref<128x128xf32, #tpu.memory_space<vmem>>)
          tpu.yield
        }) : () -> ()
        "tpu.trace_stop"() : () -> ()
        %add3A_213 = arith.constant 640 : i32
        %add3A_214 = arith.addi %add3A_133, %add3A_213 : i32
        %add3A_215 = arith.constant 640 : i32
        %add3A_216 = arith.addi %add3A_151, %add3A_215 : i32
        %ne3A_217 = arith.cmpi ne, %add3A_214, %add3A_216 : i32
        %or3A_218 = arith.constant false
        %or3A_219 = arith.ori %or3A_218, %ne3A_217 : i1
        %or3A_220 = arith.constant false
        %or3A_221 = arith.ori %or3A_219, %or3A_220 : i1
        %or3A_222 = arith.ori %or3A_221, %eq3A_132 : i1
        %convert_element_type3A_223 = arith.extui %or3A_222 : i1 to i32
        %cond3A_224 = arith.constant 0 : i32
        %cond3A_225 = arith.cmpi ne, %convert_element_type3A_223, %cond3A_224 : i32
        scf.if %cond3A_225 {
        } else {
        }
        %and3A_226 = arith.constant false
        %and3A_227 = arith.andi %or3A_222, %and3A_226 : i1
        %ne3A_228 = arith.cmpi ne, %add3A_133, %add3A_151 : i32
        %or3A_229 = arith.constant false
        %or3A_230 = arith.ori %or3A_229, %ne3A_228 : i1
        %or3A_231 = arith.constant false
        %or3A_232 = arith.ori %or3A_230, %or3A_231 : i1
        %or3A_233 = arith.ori %or3A_232, %eq3A_132 : i1
        %convert_element_type3A_234 = arith.extui %or3A_233 : i1 to i32
        %cond3A_235 = arith.constant 0 : i32
        %cond3A_236 = arith.cmpi ne, %convert_element_type3A_234, %cond3A_235 : i32
        scf.if %cond3A_236 {
          "tpu.trace_start"() <{level = 10 : i32, message = "ep_copy_out"}> : () -> ()
          %rem3A_296 = arith.constant 2 : i32
          %rem3A_297 = arith.remui %scan3A_126, %rem3A_296 : i32
          %mul3A_298 = arith.constant 128 : i32
          %mul3A_299 = arith.muli %mul3A_298, %add3A_133 : i32
          %dma_start3A_300 = arith.constant 0 : i32
          %dma_start3A_301 = arith.constant 0 : i32
          %dma_start3A_302 = tpu.memref_slice %run_scoped3A_8[%rem3A_297, %dma_start3A_300, %dma_start3A_301] : memref<2x128x128xf32, #tpu.memory_space<vmem>> -> memref<1x128x128xf32, #tpu.memory_space<vmem>>
          %dma_start3A_303 = tpu.memref_squeeze %dma_start3A_302 : memref<1x128x128xf32, #tpu.memory_space<vmem>> -> memref<128x128xf32, #tpu.memory_space<vmem>>
          %dma_start3A_304 = arith.constant 0 : i32
          %dma_start3A_305 = tpu.memref_slice %arg4[%mul3A_299, %dma_start3A_304] : memref<40960x128xf32, #tpu.memory_space<hbm>> -> memref<128x128xf32, #tpu.memory_space<hbm>>
          %dma_start3A_306 = tpu.memref_slice %run_scoped3A_9[%rem3A_297] : memref<2x!tpu.dma_semaphore, #tpu.memory_space<semaphore_mem>> -> memref<1x!tpu.dma_semaphore, #tpu.memory_space<semaphore_mem>>
          %dma_start3A_307 = tpu.memref_squeeze %dma_start3A_306 : memref<1x!tpu.dma_semaphore, #tpu.memory_space<semaphore_mem>> -> memref<!tpu.dma_semaphore, #tpu.memory_space<semaphore_mem>>
          %dma_start3A_308 = arith.constant 0 : i32
          %dma_start3A_309 = tpu.memref_slice %arg4[%mul3A_299, %dma_start3A_308] : memref<40960x128xf32, #tpu.memory_space<hbm>> -> memref<128x128xf32, #tpu.memory_space<hbm>>
          %dma_start3A_310 = arith.constant 0 : i32
          %dma_start3A_311 = arith.constant 0 : i32
          %dma_start3A_312 = tpu.memref_slice %run_scoped3A_8[%rem3A_297, %dma_start3A_310, %dma_start3A_311] : memref<2x128x128xf32, #tpu.memory_space<vmem>> -> memref<1x128x128xf32, #tpu.memory_space<vmem>>
          %dma_start3A_313 = tpu.memref_squeeze %dma_start3A_312 : memref<1x128x128xf32, #tpu.memory_space<vmem>> -> memref<128x128xf32, #tpu.memory_space<vmem>>
          tpu.enqueue_dma source(%dma_start3A_313 : memref<128x128xf32, #tpu.memory_space<vmem>>) target(%dma_start3A_309 : memref<128x128xf32, #tpu.memory_space<hbm>>) target_semaphore(%dma_start3A_307 : memref<!tpu.dma_semaphore, #tpu.memory_space<semaphore_mem>>)
          "tpu.trace_stop"() : () -> ()
        } else {
        }
        %and3A_237 = arith.constant true
        %and3A_238 = arith.andi %or3A_233, %and3A_237 : i1
        %add3A_239 = arith.constant 1 : i32
        %add3A_240 = arith.addi %scan3A_126, %add3A_239 : i32
        %select_n3A_241 = arith.select %and3A_238, %add3A_240, %scan3A_126 : i32
        %add3A_242 = arith.constant 640 : i32
        %add3A_243 = arith.addi %add3A_133, %add3A_242 : i32
        %add3A_244 = arith.constant 640 : i32
        %add3A_245 = arith.addi %add3A_142, %add3A_244 : i32
        %ne3A_246 = arith.cmpi ne, %add3A_243, %add3A_245 : i32
        %or3A_247 = arith.constant false
        %or3A_248 = arith.ori %or3A_247, %ne3A_246 : i1
        %or3A_249 = arith.constant false
        %or3A_250 = arith.ori %or3A_248, %or3A_249 : i1
        %not3A_251 = arith.constant true
        %not3A_252 = arith.xori %eq3A_130, %not3A_251 : i1
        %and3A_253 = arith.andi %or3A_250, %not3A_252 : i1
        %convert_element_type3A_254 = arith.extui %and3A_253 : i1 to i32
        %cond3A_255 = arith.constant 0 : i32
        %cond3A_256 = arith.cmpi ne, %convert_element_type3A_254, %cond3A_255 : i32
        scf.if %cond3A_256 {
        } else {
        }
        %and3A_257 = arith.constant false
        %and3A_258 = arith.andi %and3A_253, %and3A_257 : i1
        %ne3A_259 = arith.cmpi ne, %add3A_133, %add3A_142 : i32
        %or3A_260 = arith.constant false
        %or3A_261 = arith.ori %or3A_260, %ne3A_259 : i1
        %or3A_262 = arith.constant false
        %or3A_263 = arith.ori %or3A_261, %or3A_262 : i1
        %not3A_264 = arith.constant true
        %not3A_265 = arith.xori %eq3A_130, %not3A_264 : i1
        %and3A_266 = arith.andi %or3A_263, %not3A_265 : i1
        %convert_element_type3A_267 = arith.extui %and3A_266 : i1 to i32
        %cond3A_268 = arith.constant 0 : i32
        %cond3A_269 = arith.cmpi ne, %convert_element_type3A_267, %cond3A_268 : i32
        scf.if %cond3A_269 {
          "tpu.trace_start"() <{level = 10 : i32, message = "ep_wait_out"}> : () -> ()
          %rem3A_296 = arith.constant 2 : i32
          %rem3A_297 = arith.remui %scan3A_127, %rem3A_296 : i32
          %mul3A_298 = arith.constant 128 : i32
          %mul3A_299 = arith.muli %mul3A_298, %add3A_142 : i32
          %dma_wait3A_300 = arith.constant 0 : i32
          %dma_wait3A_301 = arith.constant 0 : i32
          %dma_wait3A_302 = tpu.memref_slice %run_scoped3A_8[%rem3A_297, %dma_wait3A_300, %dma_wait3A_301] : memref<2x128x128xf32, #tpu.memory_space<vmem>> -> memref<1x128x128xf32, #tpu.memory_space<vmem>>
          %dma_wait3A_303 = tpu.memref_squeeze %dma_wait3A_302 : memref<1x128x128xf32, #tpu.memory_space<vmem>> -> memref<128x128xf32, #tpu.memory_space<vmem>>
          %dma_wait3A_304 = arith.constant 0 : i32
          %dma_wait3A_305 = tpu.memref_slice %arg4[%mul3A_299, %dma_wait3A_304] : memref<40960x128xf32, #tpu.memory_space<hbm>> -> memref<128x128xf32, #tpu.memory_space<hbm>>
          %dma_wait3A_306 = tpu.memref_slice %run_scoped3A_9[%rem3A_297] : memref<2x!tpu.dma_semaphore, #tpu.memory_space<semaphore_mem>> -> memref<1x!tpu.dma_semaphore, #tpu.memory_space<semaphore_mem>>
          %dma_wait3A_307 = tpu.memref_squeeze %dma_wait3A_306 : memref<1x!tpu.dma_semaphore, #tpu.memory_space<semaphore_mem>> -> memref<!tpu.dma_semaphore, #tpu.memory_space<semaphore_mem>>
          %dma_wait3A_308 = arith.constant 0 : i32
          %dma_wait3A_309 = tpu.memref_slice %arg4[%mul3A_299, %dma_wait3A_308] : memref<40960x128xf32, #tpu.memory_space<hbm>> -> memref<128x128xf32, #tpu.memory_space<hbm>>
          %dma_wait3A_310 = arith.constant 0 : i32
          %dma_wait3A_311 = arith.constant 0 : i32
          %dma_wait3A_312 = tpu.memref_slice %run_scoped3A_8[%rem3A_297, %dma_wait3A_310, %dma_wait3A_311] : memref<2x128x128xf32, #tpu.memory_space<vmem>> -> memref<1x128x128xf32, #tpu.memory_space<vmem>>
          %dma_wait3A_313 = tpu.memref_squeeze %dma_wait3A_312 : memref<1x128x128xf32, #tpu.memory_space<vmem>> -> memref<128x128xf32, #tpu.memory_space<vmem>>
          tpu.wait_dma2 semaphore(%dma_wait3A_307 : memref<!tpu.dma_semaphore, #tpu.memory_space<semaphore_mem>>) src(%dma_wait3A_313 : memref<128x128xf32, #tpu.memory_space<vmem>>) dst(%dma_wait3A_309 : memref<128x128xf32, #tpu.memory_space<hbm>>)
          "tpu.trace_stop"() : () -> ()
        } else {
        }
        %and3A_270 = arith.constant true
        %and3A_271 = arith.andi %and3A_266, %and3A_270 : i1
        %add3A_272 = arith.constant 1 : i32
        %add3A_273 = arith.addi %scan3A_127, %add3A_272 : i32
        %select_n3A_274 = arith.select %and3A_271, %add3A_273, %scan3A_127 : i32
        %add3A_275 = arith.constant 640 : i32
        %add3A_276 = arith.addi %add3A_133, %add3A_275 : i32
        %add3A_277 = arith.constant 640 : i32
        %add3A_278 = arith.addi %add3A_151, %add3A_277 : i32
        %ne3A_279 = arith.cmpi ne, %add3A_276, %add3A_278 : i32
        %or3A_280 = arith.constant false
        %or3A_281 = arith.ori %or3A_280, %ne3A_279 : i1
        %or3A_282 = arith.constant false
        %or3A_283 = arith.ori %or3A_281, %or3A_282 : i1
        %or3A_284 = arith.ori %or3A_283, %eq3A_132 : i1
        %add3A_285 = arith.constant 1 : i32
        %add3A_286 = arith.addi %scan3A_125, %add3A_285 : i32
        %select_n3A_287 = arith.select %or3A_284, %add3A_286, %scan3A_125 : i32
        %add3A_288 = arith.constant 1 : i32
        %add3A_289 = arith.addi %scan3A_128, %add3A_288 : i32
        %select_n3A_290 = arith.constant true
        %select_n3A_291 = arith.select %select_n3A_290, %add3A_289, %scan3A_128 : i32
        %eq3A_292 = arith.constant 10 : i32
        %eq3A_293 = arith.cmpi eq, %select_n3A_291, %eq3A_292 : i32
        %select_n3A_294 = arith.constant 0 : i32
        %select_n3A_295 = arith.select %eq3A_293, %select_n3A_294, %select_n3A_291 : i32
        scf.yield %select_n3A_175, %select_n3A_287, %select_n3A_241, %select_n3A_274, %select_n3A_295 : i32, i32, i32, i32, i32
      }
      %scan3A_70 = arith.constant 10 : i32
      %sub3A = arith.constant 1 : i32
      %sub3A_71 = arith.subi %scan3A_69#4, %sub3A : i32
      %select_n3A_72 = arith.constant true
      %select_n3A_73 = arith.select %select_n3A_72, %sub3A_71, %scan3A_69#4 : i32
      %eq3A_74 = arith.constant -1 : i32
      %eq3A_75 = arith.cmpi eq, %select_n3A_73, %eq3A_74 : i32
      %select_n3A_76 = arith.constant 9 : i32
      %select_n3A_77 = arith.select %eq3A_75, %select_n3A_76, %select_n3A_73 : i32
      %add3A_78 = arith.addi %select_n3A_77, %mul3A_6 : i32
      %sub3A_79 = arith.constant 1 : i32
      %sub3A_80 = arith.subi %select_n3A_77, %sub3A_79 : i32
      %select_n3A_81 = arith.constant true
      %select_n3A_82 = arith.select %select_n3A_81, %sub3A_80, %select_n3A_77 : i32
      %eq3A_83 = arith.constant -1 : i32
      %eq3A_84 = arith.cmpi eq, %select_n3A_82, %eq3A_83 : i32
      %select_n3A_85 = arith.constant 9 : i32
      %select_n3A_86 = arith.select %eq3A_84, %select_n3A_85, %select_n3A_82 : i32
      %add3A_87 = arith.addi %select_n3A_86, %mul3A_6 : i32
      %add3A_88 = arith.constant 1 : i32
      %add3A_89 = arith.addi %select_n3A_77, %add3A_88 : i32
      %select_n3A_90 = arith.constant true
      %select_n3A_91 = arith.select %select_n3A_90, %add3A_89, %select_n3A_77 : i32
      %eq3A_92 = arith.constant 10 : i32
      %eq3A_93 = arith.cmpi eq, %select_n3A_91, %eq3A_92 : i32
      %select_n3A_94 = arith.constant 0 : i32
      %select_n3A_95 = arith.select %eq3A_93, %select_n3A_94, %select_n3A_91 : i32
      %add3A_96 = arith.addi %select_n3A_95, %mul3A_6 : i32
      %add3A_97 = arith.constant 1 : i32
      %add3A_98 = arith.addi %select_n3A_95, %add3A_97 : i32
      %select_n3A_99 = arith.constant true
      %select_n3A_100 = arith.select %select_n3A_99, %add3A_98, %select_n3A_95 : i32
      %eq3A_101 = arith.constant 10 : i32
      %eq3A_102 = arith.cmpi eq, %select_n3A_100, %eq3A_101 : i32
      %select_n3A_103 = arith.constant 0 : i32
      %select_n3A_104 = arith.select %eq3A_102, %select_n3A_103, %select_n3A_100 : i32
      %add3A_105 = arith.addi %select_n3A_104, %mul3A_6 : i32
      "tpu.trace_start"() <{level = 10 : i32, message = "ep_finalize"}> : () -> ()
      %rem3A_106 = arith.constant 2 : i32
      %rem3A_107 = arith.remui %scan3A_69#3, %rem3A_106 : i32
      %mul3A_108 = arith.constant 128 : i32
      %mul3A_109 = arith.muli %mul3A_108, %add3A_78 : i32
      %dma_wait3A = arith.constant 0 : i32
      %dma_wait3A_110 = arith.constant 0 : i32
      %dma_wait3A_111 = tpu.memref_slice %run_scoped3A_8[%rem3A_107, %dma_wait3A, %dma_wait3A_110] : memref<2x128x128xf32, #tpu.memory_space<vmem>> -> memref<1x128x128xf32, #tpu.memory_space<vmem>>
      %dma_wait3A_112 = tpu.memref_squeeze %dma_wait3A_111 : memref<1x128x128xf32, #tpu.memory_space<vmem>> -> memref<128x128xf32, #tpu.memory_space<vmem>>
      %dma_wait3A_113 = arith.constant 0 : i32
      %dma_wait3A_114 = tpu.memref_slice %arg4[%mul3A_109, %dma_wait3A_113] : memref<40960x128xf32, #tpu.memory_space<hbm>> -> memref<128x128xf32, #tpu.memory_space<hbm>>
      %dma_wait3A_115 = tpu.memref_slice %run_scoped3A_9[%rem3A_107] : memref<2x!tpu.dma_semaphore, #tpu.memory_space<semaphore_mem>> -> memref<1x!tpu.dma_semaphore, #tpu.memory_space<semaphore_mem>>
      %dma_wait3A_116 = tpu.memref_squeeze %dma_wait3A_115 : memref<1x!tpu.dma_semaphore, #tpu.memory_space<semaphore_mem>> -> memref<!tpu.dma_semaphore, #tpu.memory_space<semaphore_mem>>
      %dma_wait3A_117 = arith.constant 0 : i32
      %dma_wait3A_118 = tpu.memref_slice %arg4[%mul3A_109, %dma_wait3A_117] : memref<40960x128xf32, #tpu.memory_space<hbm>> -> memref<128x128xf32, #tpu.memory_space<hbm>>
      %dma_wait3A_119 = arith.constant 0 : i32
      %dma_wait3A_120 = arith.constant 0 : i32
      %dma_wait3A_121 = tpu.memref_slice %run_scoped3A_8[%rem3A_107, %dma_wait3A_119, %dma_wait3A_120] : memref<2x128x128xf32, #tpu.memory_space<vmem>> -> memref<1x128x128xf32, #tpu.memory_space<vmem>>
      %dma_wait3A_122 = tpu.memref_squeeze %dma_wait3A_121 : memref<1x128x128xf32, #tpu.memory_space<vmem>> -> memref<128x128xf32, #tpu.memory_space<vmem>>
      tpu.wait_dma2 semaphore(%dma_wait3A_116 : memref<!tpu.dma_semaphore, #tpu.memory_space<semaphore_mem>>) src(%dma_wait3A_122 : memref<128x128xf32, #tpu.memory_space<vmem>>) dst(%dma_wait3A_118 : memref<128x128xf32, #tpu.memory_space<hbm>>)
      "tpu.trace_stop"() : () -> ()
      tpu.yield
    }) : () -> ()
    return
  }
}

#map = affine_map<(d0, d1) -> (0, 0)>
module attributes {stable_mosaic.version = 14 : i64} {
  func.func @_sc_gather_body(%arg0: i32, %arg1: i32, %arg2: memref<100000x128xf32, #tpu.memory_space<hbm>>, %arg3: memref<1600x128xi32, #tpu.memory_space<hbm>>, %arg4: memref<40960x128xf32, #tpu.memory_space<hbm>>) attributes {dimension_semantics = [#tpu.dimension_semantics<core_parallel>, #tpu.dimension_semantics<subcore_parallel>], iteration_bounds = array<i64: 2, 16>, scalar_prefetch = 0 : i64, scratch_operands = 0 : i64, tpu.core_type = #tpu.core_type<sc_vector_subcore>, window_params = [{transform_indices = #map}, {transform_indices = #map}, {transform_indices = #map}]} {
    %mul3A = arith.constant 1 : i32
    %mul3A_0 = arith.muli %arg1, %mul3A : i32
    %add3A = arith.constant 0 : i32
    %add3A_1 = arith.addi %add3A, %mul3A_0 : i32
    %mul3A_2 = arith.constant 16 : i32
    %mul3A_3 = arith.muli %arg0, %mul3A_2 : i32
    %add3A_4 = arith.addi %add3A_1, %mul3A_3 : i32
    %mul3A_5 = arith.constant 10 : i32
    %mul3A_6 = arith.muli %add3A_4, %mul3A_5 : i32
    "tpu.region"() ({
      %run_scoped3A = memref.alloca() : memref<2x1x128xi32, #tpu.memory_space<vmem>>
      %run_scoped3A_7 = tpu.sem_alloc : memref<2x!tpu.dma_semaphore, #tpu.memory_space<semaphore_mem>>
      %run_scoped3A_8 = memref.alloca() : memref<2x128x128xf32, #tpu.memory_space<vmem>>
      %run_scoped3A_9 = tpu.sem_alloc : memref<2x!tpu.dma_semaphore, #tpu.memory_space<semaphore_mem>>
      %add3A_10 = arith.constant 0 : i32
      %add3A_11 = arith.addi %add3A_10, %mul3A_6 : i32
      %select_n3A = arith.constant true
      %select_n3A_12 = arith.constant 0 : i32
      %select_n3A_13 = arith.constant -1 : i32
      %select_n3A_14 = arith.select %select_n3A, %select_n3A_13, %select_n3A_12 : i32
      %eq3A = arith.constant -1 : i32
      %eq3A_15 = arith.cmpi eq, %select_n3A_14, %eq3A : i32
      %select_n3A_16 = arith.constant 9 : i32
      %select_n3A_17 = arith.select %eq3A_15, %select_n3A_16, %select_n3A_14 : i32
      %add3A_18 = arith.addi %select_n3A_17, %mul3A_6 : i32
      %select_n3A_19 = arith.constant true
      %select_n3A_20 = arith.constant 0 : i32
      %select_n3A_21 = arith.constant 1 : i32
      %select_n3A_22 = arith.select %select_n3A_19, %select_n3A_21, %select_n3A_20 : i32
      %eq3A_23 = arith.constant 10 : i32
      %eq3A_24 = arith.cmpi eq, %select_n3A_22, %eq3A_23 : i32
      %select_n3A_25 = arith.constant 0 : i32
      %select_n3A_26 = arith.select %eq3A_24, %select_n3A_25, %select_n3A_22 : i32
      %add3A_27 = arith.addi %select_n3A_26, %mul3A_6 : i32
      %add3A_28 = arith.constant 1 : i32
      %add3A_29 = arith.addi %select_n3A_26, %add3A_28 : i32
      %select_n3A_30 = arith.constant true
      %select_n3A_31 = arith.select %select_n3A_30, %add3A_29, %select_n3A_26 : i32
      %eq3A_32 = arith.constant 10 : i32
      %eq3A_33 = arith.cmpi eq, %select_n3A_31, %eq3A_32 : i32
      %select_n3A_34 = arith.constant 0 : i32
      %select_n3A_35 = arith.select %eq3A_33, %select_n3A_34, %select_n3A_31 : i32
      %add3A_36 = arith.addi %select_n3A_35, %mul3A_6 : i32
      "tpu.trace_start"() <{level = 10 : i32, message = "ep_initialize_0"}> : () -> ()
      %rem3A = arith.constant 0 : i32
      %rem3A_37 = arith.constant 2 : i32
      %rem3A_38 = arith.remui %rem3A, %rem3A_37 : i32
      %add3A_39 = arith.constant 320 : i32
      %add3A_40 = arith.addi %add3A_11, %add3A_39 : i32
      %mul3A_41 = arith.constant 1 : i32
      %mul3A_42 = arith.muli %mul3A_41, %add3A_40 : i32
      %dma_start3A = arith.constant 0 : i32
      %dma_start3A_43 = arith.constant 0 : i32
      %dma_start3A_44 = tpu.memref_slice %run_scoped3A[%rem3A_38, %dma_start3A, %dma_start3A_43] : memref<2x1x128xi32, #tpu.memory_space<vmem>> -> memref<1x1x128xi32, #tpu.memory_space<vmem>>
      %dma_start3A_45 = tpu.memref_squeeze %dma_start3A_44 : memref<1x1x128xi32, #tpu.memory_space<vmem>> -> memref<1x128xi32, #tpu.memory_space<vmem>>
      %dma_start3A_46 = arith.constant 0 : i32
      %dma_start3A_47 = tpu.memref_slice %arg3[%mul3A_42, %dma_start3A_46] : memref<1600x128xi32, #tpu.memory_space<hbm>> -> memref<1x128xi32, #tpu.memory_space<hbm>>
      %dma_start3A_48 = tpu.memref_slice %run_scoped3A_7[%rem3A_38] : memref<2x!tpu.dma_semaphore, #tpu.memory_space<semaphore_mem>> -> memref<1x!tpu.dma_semaphore, #tpu.memory_space<semaphore_mem>>
      %dma_start3A_49 = tpu.memref_squeeze %dma_start3A_48 : memref<1x!tpu.dma_semaphore, #tpu.memory_space<semaphore_mem>> -> memref<!tpu.dma_semaphore, #tpu.memory_space<semaphore_mem>>
      %dma_start3A_50 = arith.constant 0 : i32
      %dma_start3A_51 = arith.constant 0 : i32
      %dma_start3A_52 = tpu.memref_slice %run_scoped3A[%rem3A_38, %dma_start3A_50, %dma_start3A_51] : memref<2x1x128xi32, #tpu.memory_space<vmem>> -> memref<1x1x128xi32, #tpu.memory_space<vmem>>
      %dma_start3A_53 = tpu.memref_squeeze %dma_start3A_52 : memref<1x1x128xi32, #tpu.memory_space<vmem>> -> memref<1x128xi32, #tpu.memory_space<vmem>>
      %dma_start3A_54 = arith.constant 0 : i32
      %dma_start3A_55 = tpu.memref_slice %arg3[%mul3A_42, %dma_start3A_54] : memref<1600x128xi32, #tpu.memory_space<hbm>> -> memref<1x128xi32, #tpu.memory_space<hbm>>
      tpu.enqueue_dma source(%dma_start3A_55 : memref<1x128xi32, #tpu.memory_space<hbm>>) target(%dma_start3A_53 : memref<1x128xi32, #tpu.memory_space<vmem>>) target_semaphore(%dma_start3A_49 : memref<!tpu.dma_semaphore, #tpu.memory_space<semaphore_mem>>)
      %add3A_56 = arith.constant 0 : i32
      %add3A_57 = arith.constant 1 : i32
      %add3A_58 = arith.addi %add3A_56, %add3A_57 : i32
      %select_n3A_59 = arith.constant true
      %select_n3A_60 = arith.constant 0 : i32
      %select_n3A_61 = arith.select %select_n3A_59, %add3A_58, %select_n3A_60 : i32
      "tpu.trace_stop"() : () -> ()
      %scan3A = arith.constant 0 : i32
      %scan3A_62 = arith.constant 0 : i32
      %scan3A_63 = arith.constant 0 : i32
      %scan3A_64 = arith.constant 0 : i32
      %scan3A_65 = arith.constant 0 : i32
      %scan3A_66 = arith.constant 10 : i32
      %scan3A_67 = arith.addi %scan3A_65, %scan3A_66 : i32
      %scan3A_68 = arith.constant 1 : i32
      %scan3A_69:5 = scf.for %scan3A_123 = %scan3A_65 to %scan3A_67 step %scan3A_68 iter_args(%scan3A_124 = %select_n3A_61, %scan3A_125 = %scan3A, %scan3A_126 = %scan3A_62, %scan3A_127 = %scan3A_63, %scan3A_128 = %scan3A_64) -> (i32, i32, i32, i32, i32)  : i32 {
        %eq3A_129 = arith.constant 0 : i32
        %eq3A_130 = arith.cmpi eq, %scan3A_123, %eq3A_129 : i32
        %eq3A_131 = arith.constant 9 : i32
        %eq3A_132 = arith.cmpi eq, %scan3A_123, %eq3A_131 : i32
        %add3A_133 = arith.addi %scan3A_128, %mul3A_6 : i32
        %sub3A_134 = arith.constant 1 : i32
        %sub3A_135 = arith.subi %scan3A_128, %sub3A_134 : i32
        %select_n3A_136 = arith.constant true
        %select_n3A_137 = arith.select %select_n3A_136, %sub3A_135, %scan3A_128 : i32
        %eq3A_138 = arith.constant -1 : i32
        %eq3A_139 = arith.cmpi eq, %select_n3A_137, %eq3A_138 : i32
        %select_n3A_140 = arith.constant 9 : i32
        %select_n3A_141 = arith.select %eq3A_139, %select_n3A_140, %select_n3A_137 : i32
        %add3A_142 = arith.addi %select_n3A_141, %mul3A_6 : i32
        %add3A_143 = arith.constant 1 : i32
        %add3A_144 = arith.addi %scan3A_128, %add3A_143 : i32
        %select_n3A_145 = arith.constant true
        %select_n3A_146 = arith.select %select_n3A_145, %add3A_144, %scan3A_128 : i32
        %eq3A_147 = arith.constant 10 : i32
        %eq3A_148 = arith.cmpi eq, %select_n3A_146, %eq3A_147 : i32
        %select_n3A_149 = arith.constant 0 : i32
        %select_n3A_150 = arith.select %eq3A_148, %select_n3A_149, %select_n3A_146 : i32
        %add3A_151 = arith.addi %select_n3A_150, %mul3A_6 : i32
        %add3A_152 = arith.constant 1 : i32
        %add3A_153 = arith.addi %select_n3A_150, %add3A_152 : i32
        %select_n3A_154 = arith.constant true
        %select_n3A_155 = arith.select %select_n3A_154, %add3A_153, %select_n3A_150 : i32
        %eq3A_156 = arith.constant 10 : i32
        %eq3A_157 = arith.cmpi eq, %select_n3A_155, %eq3A_156 : i32
        %select_n3A_158 = arith.constant 0 : i32
        %select_n3A_159 = arith.select %eq3A_157, %select_n3A_158, %select_n3A_155 : i32
        %add3A_160 = arith.addi %select_n3A_159, %mul3A_6 : i32
        %add3A_161 = arith.constant 320 : i32
        %add3A_162 = arith.addi %add3A_133, %add3A_161 : i32
        %add3A_163 = arith.constant 320 : i32
        %add3A_164 = arith.addi %add3A_151, %add3A_163 : i32
        %ne3A = arith.cmpi ne, %add3A_162, %add3A_164 : i32
        %or3A = arith.constant false
        %or3A_165 = arith.ori %or3A, %ne3A : i1
        %or3A_166 = arith.constant false
        %or3A_167 = arith.ori %or3A_165, %or3A_166 : i1
        %ge3A = arith.constant 9 : i32
        %ge3A_168 = arith.cmpi sge, %scan3A_123, %ge3A : i32
        %not3A = arith.constant true
        %not3A_169 = arith.xori %ge3A_168, %not3A : i1
        %and3A = arith.andi %or3A_167, %not3A_169 : i1
        %convert_element_type3A = arith.extui %and3A : i1 to i32
        %cond3A = arith.constant 0 : i32
        %cond3A_170 = arith.cmpi ne, %convert_element_type3A, %cond3A : i32
        scf.if %cond3A_170 {
          "tpu.trace_start"() <{level = 10 : i32, message = "ep_copy_in"}> : () -> ()
          %rem3A_296 = arith.constant 2 : i32
          %rem3A_297 = arith.remui %scan3A_124, %rem3A_296 : i32
          %add3A_298 = arith.constant 320 : i32
          %add3A_299 = arith.addi %add3A_151, %add3A_298 : i32
          %mul3A_300 = arith.constant 1 : i32
          %mul3A_301 = arith.muli %mul3A_300, %add3A_299 : i32
          %dma_start3A_302 = arith.constant 0 : i32
          %dma_start3A_303 = arith.constant 0 : i32
          %dma_start3A_304 = tpu.memref_slice %run_scoped3A[%rem3A_297, %dma_start3A_302, %dma_start3A_303] : memref<2x1x128xi32, #tpu.memory_space<vmem>> -> memref<1x1x128xi32, #tpu.memory_space<vmem>>
          %dma_start3A_305 = tpu.memref_squeeze %dma_start3A_304 : memref<1x1x128xi32, #tpu.memory_space<vmem>> -> memref<1x128xi32, #tpu.memory_space<vmem>>
          %dma_start3A_306 = arith.constant 0 : i32
          %dma_start3A_307 = tpu.memref_slice %arg3[%mul3A_301, %dma_start3A_306] : memref<1600x128xi32, #tpu.memory_space<hbm>> -> memref<1x128xi32, #tpu.memory_space<hbm>>
          %dma_start3A_308 = tpu.memref_slice %run_scoped3A_7[%rem3A_297] : memref<2x!tpu.dma_semaphore, #tpu.memory_space<semaphore_mem>> -> memref<1x!tpu.dma_semaphore, #tpu.memory_space<semaphore_mem>>
          %dma_start3A_309 = tpu.memref_squeeze %dma_start3A_308 : memref<1x!tpu.dma_semaphore, #tpu.memory_space<semaphore_mem>> -> memref<!tpu.dma_semaphore, #tpu.memory_space<semaphore_mem>>
          %dma_start3A_310 = arith.constant 0 : i32
          %dma_start3A_311 = arith.constant 0 : i32
          %dma_start3A_312 = tpu.memref_slice %run_scoped3A[%rem3A_297, %dma_start3A_310, %dma_start3A_311] : memref<2x1x128xi32, #tpu.memory_space<vmem>> -> memref<1x1x128xi32, #tpu.memory_space<vmem>>
          %dma_start3A_313 = tpu.memref_squeeze %dma_start3A_312 : memref<1x1x128xi32, #tpu.memory_space<vmem>> -> memref<1x128xi32, #tpu.memory_space<vmem>>
          %dma_start3A_314 = arith.constant 0 : i32
          %dma_start3A_315 = tpu.memref_slice %arg3[%mul3A_301, %dma_start3A_314] : memref<1600x128xi32, #tpu.memory_space<hbm>> -> memref<1x128xi32, #tpu.memory_space<hbm>>
          tpu.enqueue_dma source(%dma_start3A_315 : memref<1x128xi32, #tpu.memory_space<hbm>>) target(%dma_start3A_313 : memref<1x128xi32, #tpu.memory_space<vmem>>) target_semaphore(%dma_start3A_309 : memref<!tpu.dma_semaphore, #tpu.memory_space<semaphore_mem>>)
          "tpu.trace_stop"() : () -> ()
        } else {
        }
        %and3A_171 = arith.constant true
        %and3A_172 = arith.andi %and3A, %and3A_171 : i1
        %add3A_173 = arith.constant 1 : i32
        %add3A_174 = arith.addi %scan3A_124, %add3A_173 : i32
        %select_n3A_175 = arith.select %and3A_172, %add3A_174, %scan3A_124 : i32
        %ne3A_176 = arith.cmpi ne, %add3A_133, %add3A_151 : i32
        %or3A_177 = arith.constant false
        %or3A_178 = arith.ori %or3A_177, %ne3A_176 : i1
        %or3A_179 = arith.constant false
        %or3A_180 = arith.ori %or3A_178, %or3A_179 : i1
        %ge3A_181 = arith.constant 9 : i32
        %ge3A_182 = arith.cmpi sge, %scan3A_123, %ge3A_181 : i32
        %not3A_183 = arith.constant true
        %not3A_184 = arith.xori %ge3A_182, %not3A_183 : i1
        %and3A_185 = arith.andi %or3A_180, %not3A_184 : i1
        %add3A_186 = arith.constant 320 : i32
        %add3A_187 = arith.addi %add3A_133, %add3A_186 : i32
        %add3A_188 = arith.constant 320 : i32
        %add3A_189 = arith.addi %add3A_142, %add3A_188 : i32
        %ne3A_190 = arith.cmpi ne, %add3A_187, %add3A_189 : i32
        %or3A_191 = arith.constant false
        %or3A_192 = arith.ori %or3A_191, %ne3A_190 : i1
        %or3A_193 = arith.constant false
        %or3A_194 = arith.ori %or3A_192, %or3A_193 : i1
        %or3A_195 = arith.ori %or3A_194, %eq3A_130 : i1
        %convert_element_type3A_196 = arith.extui %or3A_195 : i1 to i32
        %cond3A_197 = arith.constant 0 : i32
        %cond3A_198 = arith.cmpi ne, %convert_element_type3A_196, %cond3A_197 : i32
        scf.if %cond3A_198 {
          "tpu.trace_start"() <{level = 10 : i32, message = "ep_wait_in"}> : () -> ()
          %add3A_296 = arith.constant 320 : i32
          %add3A_297 = arith.addi %add3A_133, %add3A_296 : i32
          %mul3A_298 = arith.constant 1 : i32
          %mul3A_299 = arith.muli %mul3A_298, %add3A_297 : i32
          %rem3A_300 = arith.constant 2 : i32
          %rem3A_301 = arith.remui %scan3A_125, %rem3A_300 : i32
          %dma_wait3A_302 = arith.constant 0 : i32
          %dma_wait3A_303 = arith.constant 0 : i32
          %dma_wait3A_304 = tpu.memref_slice %run_scoped3A[%rem3A_301, %dma_wait3A_302, %dma_wait3A_303] : memref<2x1x128xi32, #tpu.memory_space<vmem>> -> memref<1x1x128xi32, #tpu.memory_space<vmem>>
          %dma_wait3A_305 = tpu.memref_squeeze %dma_wait3A_304 : memref<1x1x128xi32, #tpu.memory_space<vmem>> -> memref<1x128xi32, #tpu.memory_space<vmem>>
          %dma_wait3A_306 = arith.constant 0 : i32
          %dma_wait3A_307 = tpu.memref_slice %arg3[%mul3A_299, %dma_wait3A_306] : memref<1600x128xi32, #tpu.memory_space<hbm>> -> memref<1x128xi32, #tpu.memory_space<hbm>>
          %dma_wait3A_308 = tpu.memref_slice %run_scoped3A_7[%rem3A_301] : memref<2x!tpu.dma_semaphore, #tpu.memory_space<semaphore_mem>> -> memref<1x!tpu.dma_semaphore, #tpu.memory_space<semaphore_mem>>
          %dma_wait3A_309 = tpu.memref_squeeze %dma_wait3A_308 : memref<1x!tpu.dma_semaphore, #tpu.memory_space<semaphore_mem>> -> memref<!tpu.dma_semaphore, #tpu.memory_space<semaphore_mem>>
          %dma_wait3A_310 = arith.constant 0 : i32
          %dma_wait3A_311 = arith.constant 0 : i32
          %dma_wait3A_312 = tpu.memref_slice %run_scoped3A[%rem3A_301, %dma_wait3A_310, %dma_wait3A_311] : memref<2x1x128xi32, #tpu.memory_space<vmem>> -> memref<1x1x128xi32, #tpu.memory_space<vmem>>
          %dma_wait3A_313 = tpu.memref_squeeze %dma_wait3A_312 : memref<1x1x128xi32, #tpu.memory_space<vmem>> -> memref<1x128xi32, #tpu.memory_space<vmem>>
          %dma_wait3A_314 = arith.constant 0 : i32
          %dma_wait3A_315 = tpu.memref_slice %arg3[%mul3A_299, %dma_wait3A_314] : memref<1600x128xi32, #tpu.memory_space<hbm>> -> memref<1x128xi32, #tpu.memory_space<hbm>>
          tpu.wait_dma2 semaphore(%dma_wait3A_309 : memref<!tpu.dma_semaphore, #tpu.memory_space<semaphore_mem>>) src(%dma_wait3A_315 : memref<1x128xi32, #tpu.memory_space<hbm>>) dst(%dma_wait3A_313 : memref<1x128xi32, #tpu.memory_space<vmem>>)
          "tpu.trace_stop"() : () -> ()
        } else {
        }
        %ne3A_199 = arith.cmpi ne, %add3A_133, %add3A_142 : i32
        %or3A_200 = arith.constant false
        %or3A_201 = arith.ori %or3A_200, %ne3A_199 : i1
        %or3A_202 = arith.constant false
        %or3A_203 = arith.ori %or3A_201, %or3A_202 : i1
        %or3A_204 = arith.ori %or3A_203, %eq3A_130 : i1
        %convert_element_type3A_205 = arith.extui %or3A_204 : i1 to i32
        %cond3A_206 = arith.constant 0 : i32
        %cond3A_207 = arith.cmpi ne, %convert_element_type3A_205, %cond3A_206 : i32
        scf.if %cond3A_207 {
        } else {
        }
        %rem3A_208 = arith.constant 2 : i32
        %rem3A_209 = arith.remui %scan3A_125, %rem3A_208 : i32
        %rem3A_210 = arith.constant 2 : i32
        %rem3A_211 = arith.remui %scan3A_126, %rem3A_210 : i32
        %run_scoped3A_212 = arith.constant 0 : i32
        "tpu.trace_start"() <{level = 10 : i32, message = "ep_run_kernel"}> : () -> ()
        "tpu.region"() ({
          %run_scoped3A_296 = tpu.sem_alloc : memref<!tpu.dma_semaphore, #tpu.memory_space<semaphore_mem>>
          %dma_start3A_297 = arith.constant 0 : i32
          %dma_start3A_298 = arith.constant 0 : i32
          %dma_start3A_299 = tpu.memref_slice %run_scoped3A_8[%rem3A_211, %dma_start3A_297, %dma_start3A_298] : memref<2x128x128xf32, #tpu.memory_space<vmem>> -> memref<1x128x128xf32, #tpu.memory_space<vmem>>
          %dma_start3A_300 = tpu.memref_squeeze %dma_start3A_299 : memref<1x128x128xf32, #tpu.memory_space<vmem>> -> memref<128x128xf32, #tpu.memory_space<vmem>>
          %dma_start3A_301 = arith.constant 0 : i32
          %dma_start3A_302 = arith.constant 0 : i32
          %dma_start3A_303 = tpu.memref_slice %run_scoped3A[%rem3A_209, %dma_start3A_301, %dma_start3A_302] : memref<2x1x128xi32, #tpu.memory_space<vmem>> -> memref<1x1x128xi32, #tpu.memory_space<vmem>>
          %dma_start3A_304 = tpu.memref_squeeze %dma_start3A_303 : memref<1x1x128xi32, #tpu.memory_space<vmem>> -> memref<1x128xi32, #tpu.memory_space<vmem>>
          %dma_start3A_305 = arith.constant 0 : i32
          %dma_start3A_306 = tpu.memref_slice %dma_start3A_304[%run_scoped3A_212, %dma_start3A_305] : memref<1x128xi32, #tpu.memory_space<vmem>> -> memref<1x128xi32, #tpu.memory_space<vmem>>
          %dma_start3A_307 = tpu.memref_squeeze %dma_start3A_306 : memref<1x128xi32, #tpu.memory_space<vmem>> -> memref<128xi32, #tpu.memory_space<vmem>>
          %dma_start3A_308 = arith.constant 0 : i32
          %dma_start3A_309 = arith.constant 0 : i32
          %dma_start3A_310 = tpu.memref_slice %arg2[%dma_start3A_308, %dma_start3A_309] : memref<100000x128xf32, #tpu.memory_space<hbm>> -> memref<100000x128xf32, #tpu.memory_space<hbm>>
          tpu.enqueue_indirect_dma source(%dma_start3A_310 : memref<100000x128xf32, #tpu.memory_space<hbm>>) target(%dma_start3A_300 : memref<128x128xf32, #tpu.memory_space<vmem>>) offsets(%dma_start3A_307 : memref<128xi32, #tpu.memory_space<vmem>>) semaphore(%run_scoped3A_296 : memref<!tpu.dma_semaphore, #tpu.memory_space<semaphore_mem>>)
          %dma_wait3A_311 = arith.constant 0 : i32
          %dma_wait3A_312 = arith.constant 0 : i32
          %dma_wait3A_313 = tpu.memref_slice %run_scoped3A_8[%rem3A_211, %dma_wait3A_311, %dma_wait3A_312] : memref<2x128x128xf32, #tpu.memory_space<vmem>> -> memref<1x128x128xf32, #tpu.memory_space<vmem>>
          %dma_wait3A_314 = tpu.memref_squeeze %dma_wait3A_313 : memref<1x128x128xf32, #tpu.memory_space<vmem>> -> memref<128x128xf32, #tpu.memory_space<vmem>>
          %dma_wait3A_315 = arith.constant 0 : i32
          %dma_wait3A_316 = arith.constant 0 : i32
          %dma_wait3A_317 = tpu.memref_slice %run_scoped3A[%rem3A_209, %dma_wait3A_315, %dma_wait3A_316] : memref<2x1x128xi32, #tpu.memory_space<vmem>> -> memref<1x1x128xi32, #tpu.memory_space<vmem>>
          %dma_wait3A_318 = tpu.memref_squeeze %dma_wait3A_317 : memref<1x1x128xi32, #tpu.memory_space<vmem>> -> memref<1x128xi32, #tpu.memory_space<vmem>>
          %dma_wait3A_319 = arith.constant 0 : i32
          %dma_wait3A_320 = tpu.memref_slice %dma_wait3A_318[%run_scoped3A_212, %dma_wait3A_319] : memref<1x128xi32, #tpu.memory_space<vmem>> -> memref<1x128xi32, #tpu.memory_space<vmem>>
          %dma_wait3A_321 = tpu.memref_squeeze %dma_wait3A_320 : memref<1x128xi32, #tpu.memory_space<vmem>> -> memref<128xi32, #tpu.memory_space<vmem>>
          %dma_wait3A_322 = arith.constant 0 : i32
          %dma_wait3A_323 = arith.constant 0 : i32
          %dma_wait3A_324 = tpu.memref_slice %arg2[%dma_wait3A_322, %dma_wait3A_323] : memref<100000x128xf32, #tpu.memory_space<hbm>> -> memref<100000x128xf32, #tpu.memory_space<hbm>>
          tpu.wait_indirect_dma semaphore(%run_scoped3A_296 : memref<!tpu.dma_semaphore, #tpu.memory_space<semaphore_mem>>) src(%dma_wait3A_324 : memref<100000x128xf32, #tpu.memory_space<hbm>>) dst(%dma_wait3A_314 : memref<128x128xf32, #tpu.memory_space<vmem>>)
          tpu.yield
        }) : () -> ()
        "tpu.trace_stop"() : () -> ()
        %add3A_213 = arith.constant 320 : i32
        %add3A_214 = arith.addi %add3A_133, %add3A_213 : i32
        %add3A_215 = arith.constant 320 : i32
        %add3A_216 = arith.addi %add3A_151, %add3A_215 : i32
        %ne3A_217 = arith.cmpi ne, %add3A_214, %add3A_216 : i32
        %or3A_218 = arith.constant false
        %or3A_219 = arith.ori %or3A_218, %ne3A_217 : i1
        %or3A_220 = arith.constant false
        %or3A_221 = arith.ori %or3A_219, %or3A_220 : i1
        %or3A_222 = arith.ori %or3A_221, %eq3A_132 : i1
        %convert_element_type3A_223 = arith.extui %or3A_222 : i1 to i32
        %cond3A_224 = arith.constant 0 : i32
        %cond3A_225 = arith.cmpi ne, %convert_element_type3A_223, %cond3A_224 : i32
        scf.if %cond3A_225 {
        } else {
        }
        %and3A_226 = arith.constant false
        %and3A_227 = arith.andi %or3A_222, %and3A_226 : i1
        %ne3A_228 = arith.cmpi ne, %add3A_133, %add3A_151 : i32
        %or3A_229 = arith.constant false
        %or3A_230 = arith.ori %or3A_229, %ne3A_228 : i1
        %or3A_231 = arith.constant false
        %or3A_232 = arith.ori %or3A_230, %or3A_231 : i1
        %or3A_233 = arith.ori %or3A_232, %eq3A_132 : i1
        %convert_element_type3A_234 = arith.extui %or3A_233 : i1 to i32
        %cond3A_235 = arith.constant 0 : i32
        %cond3A_236 = arith.cmpi ne, %convert_element_type3A_234, %cond3A_235 : i32
        scf.if %cond3A_236 {
          "tpu.trace_start"() <{level = 10 : i32, message = "ep_copy_out"}> : () -> ()
          %rem3A_296 = arith.constant 2 : i32
          %rem3A_297 = arith.remui %scan3A_126, %rem3A_296 : i32
          %mul3A_298 = arith.constant 128 : i32
          %mul3A_299 = arith.muli %mul3A_298, %add3A_133 : i32
          %dma_start3A_300 = arith.constant 0 : i32
          %dma_start3A_301 = arith.constant 0 : i32
          %dma_start3A_302 = tpu.memref_slice %run_scoped3A_8[%rem3A_297, %dma_start3A_300, %dma_start3A_301] : memref<2x128x128xf32, #tpu.memory_space<vmem>> -> memref<1x128x128xf32, #tpu.memory_space<vmem>>
          %dma_start3A_303 = tpu.memref_squeeze %dma_start3A_302 : memref<1x128x128xf32, #tpu.memory_space<vmem>> -> memref<128x128xf32, #tpu.memory_space<vmem>>
          %dma_start3A_304 = arith.constant 0 : i32
          %dma_start3A_305 = tpu.memref_slice %arg4[%mul3A_299, %dma_start3A_304] : memref<40960x128xf32, #tpu.memory_space<hbm>> -> memref<128x128xf32, #tpu.memory_space<hbm>>
          %dma_start3A_306 = tpu.memref_slice %run_scoped3A_9[%rem3A_297] : memref<2x!tpu.dma_semaphore, #tpu.memory_space<semaphore_mem>> -> memref<1x!tpu.dma_semaphore, #tpu.memory_space<semaphore_mem>>
          %dma_start3A_307 = tpu.memref_squeeze %dma_start3A_306 : memref<1x!tpu.dma_semaphore, #tpu.memory_space<semaphore_mem>> -> memref<!tpu.dma_semaphore, #tpu.memory_space<semaphore_mem>>
          %dma_start3A_308 = arith.constant 0 : i32
          %dma_start3A_309 = tpu.memref_slice %arg4[%mul3A_299, %dma_start3A_308] : memref<40960x128xf32, #tpu.memory_space<hbm>> -> memref<128x128xf32, #tpu.memory_space<hbm>>
          %dma_start3A_310 = arith.constant 0 : i32
          %dma_start3A_311 = arith.constant 0 : i32
          %dma_start3A_312 = tpu.memref_slice %run_scoped3A_8[%rem3A_297, %dma_start3A_310, %dma_start3A_311] : memref<2x128x128xf32, #tpu.memory_space<vmem>> -> memref<1x128x128xf32, #tpu.memory_space<vmem>>
          %dma_start3A_313 = tpu.memref_squeeze %dma_start3A_312 : memref<1x128x128xf32, #tpu.memory_space<vmem>> -> memref<128x128xf32, #tpu.memory_space<vmem>>
          tpu.enqueue_dma source(%dma_start3A_313 : memref<128x128xf32, #tpu.memory_space<vmem>>) target(%dma_start3A_309 : memref<128x128xf32, #tpu.memory_space<hbm>>) target_semaphore(%dma_start3A_307 : memref<!tpu.dma_semaphore, #tpu.memory_space<semaphore_mem>>)
          "tpu.trace_stop"() : () -> ()
        } else {
        }
        %and3A_237 = arith.constant true
        %and3A_238 = arith.andi %or3A_233, %and3A_237 : i1
        %add3A_239 = arith.constant 1 : i32
        %add3A_240 = arith.addi %scan3A_126, %add3A_239 : i32
        %select_n3A_241 = arith.select %and3A_238, %add3A_240, %scan3A_126 : i32
        %add3A_242 = arith.constant 320 : i32
        %add3A_243 = arith.addi %add3A_133, %add3A_242 : i32
        %add3A_244 = arith.constant 320 : i32
        %add3A_245 = arith.addi %add3A_142, %add3A_244 : i32
        %ne3A_246 = arith.cmpi ne, %add3A_243, %add3A_245 : i32
        %or3A_247 = arith.constant false
        %or3A_248 = arith.ori %or3A_247, %ne3A_246 : i1
        %or3A_249 = arith.constant false
        %or3A_250 = arith.ori %or3A_248, %or3A_249 : i1
        %not3A_251 = arith.constant true
        %not3A_252 = arith.xori %eq3A_130, %not3A_251 : i1
        %and3A_253 = arith.andi %or3A_250, %not3A_252 : i1
        %convert_element_type3A_254 = arith.extui %and3A_253 : i1 to i32
        %cond3A_255 = arith.constant 0 : i32
        %cond3A_256 = arith.cmpi ne, %convert_element_type3A_254, %cond3A_255 : i32
        scf.if %cond3A_256 {
        } else {
        }
        %and3A_257 = arith.constant false
        %and3A_258 = arith.andi %and3A_253, %and3A_257 : i1
        %ne3A_259 = arith.cmpi ne, %add3A_133, %add3A_142 : i32
        %or3A_260 = arith.constant false
        %or3A_261 = arith.ori %or3A_260, %ne3A_259 : i1
        %or3A_262 = arith.constant false
        %or3A_263 = arith.ori %or3A_261, %or3A_262 : i1
        %not3A_264 = arith.constant true
        %not3A_265 = arith.xori %eq3A_130, %not3A_264 : i1
        %and3A_266 = arith.andi %or3A_263, %not3A_265 : i1
        %convert_element_type3A_267 = arith.extui %and3A_266 : i1 to i32
        %cond3A_268 = arith.constant 0 : i32
        %cond3A_269 = arith.cmpi ne, %convert_element_type3A_267, %cond3A_268 : i32
        scf.if %cond3A_269 {
          "tpu.trace_start"() <{level = 10 : i32, message = "ep_wait_out"}> : () -> ()
          %rem3A_296 = arith.constant 2 : i32
          %rem3A_297 = arith.remui %scan3A_127, %rem3A_296 : i32
          %mul3A_298 = arith.constant 128 : i32
          %mul3A_299 = arith.muli %mul3A_298, %add3A_142 : i32
          %dma_wait3A_300 = arith.constant 0 : i32
          %dma_wait3A_301 = arith.constant 0 : i32
          %dma_wait3A_302 = tpu.memref_slice %run_scoped3A_8[%rem3A_297, %dma_wait3A_300, %dma_wait3A_301] : memref<2x128x128xf32, #tpu.memory_space<vmem>> -> memref<1x128x128xf32, #tpu.memory_space<vmem>>
          %dma_wait3A_303 = tpu.memref_squeeze %dma_wait3A_302 : memref<1x128x128xf32, #tpu.memory_space<vmem>> -> memref<128x128xf32, #tpu.memory_space<vmem>>
          %dma_wait3A_304 = arith.constant 0 : i32
          %dma_wait3A_305 = tpu.memref_slice %arg4[%mul3A_299, %dma_wait3A_304] : memref<40960x128xf32, #tpu.memory_space<hbm>> -> memref<128x128xf32, #tpu.memory_space<hbm>>
          %dma_wait3A_306 = tpu.memref_slice %run_scoped3A_9[%rem3A_297] : memref<2x!tpu.dma_semaphore, #tpu.memory_space<semaphore_mem>> -> memref<1x!tpu.dma_semaphore, #tpu.memory_space<semaphore_mem>>
          %dma_wait3A_307 = tpu.memref_squeeze %dma_wait3A_306 : memref<1x!tpu.dma_semaphore, #tpu.memory_space<semaphore_mem>> -> memref<!tpu.dma_semaphore, #tpu.memory_space<semaphore_mem>>
          %dma_wait3A_308 = arith.constant 0 : i32
          %dma_wait3A_309 = tpu.memref_slice %arg4[%mul3A_299, %dma_wait3A_308] : memref<40960x128xf32, #tpu.memory_space<hbm>> -> memref<128x128xf32, #tpu.memory_space<hbm>>
          %dma_wait3A_310 = arith.constant 0 : i32
          %dma_wait3A_311 = arith.constant 0 : i32
          %dma_wait3A_312 = tpu.memref_slice %run_scoped3A_8[%rem3A_297, %dma_wait3A_310, %dma_wait3A_311] : memref<2x128x128xf32, #tpu.memory_space<vmem>> -> memref<1x128x128xf32, #tpu.memory_space<vmem>>
          %dma_wait3A_313 = tpu.memref_squeeze %dma_wait3A_312 : memref<1x128x128xf32, #tpu.memory_space<vmem>> -> memref<128x128xf32, #tpu.memory_space<vmem>>
          tpu.wait_dma2 semaphore(%dma_wait3A_307 : memref<!tpu.dma_semaphore, #tpu.memory_space<semaphore_mem>>) src(%dma_wait3A_313 : memref<128x128xf32, #tpu.memory_space<vmem>>) dst(%dma_wait3A_309 : memref<128x128xf32, #tpu.memory_space<hbm>>)
          "tpu.trace_stop"() : () -> ()
        } else {
        }
        %and3A_270 = arith.constant true
        %and3A_271 = arith.andi %and3A_266, %and3A_270 : i1
        %add3A_272 = arith.constant 1 : i32
        %add3A_273 = arith.addi %scan3A_127, %add3A_272 : i32
        %select_n3A_274 = arith.select %and3A_271, %add3A_273, %scan3A_127 : i32
        %add3A_275 = arith.constant 320 : i32
        %add3A_276 = arith.addi %add3A_133, %add3A_275 : i32
        %add3A_277 = arith.constant 320 : i32
        %add3A_278 = arith.addi %add3A_151, %add3A_277 : i32
        %ne3A_279 = arith.cmpi ne, %add3A_276, %add3A_278 : i32
        %or3A_280 = arith.constant false
        %or3A_281 = arith.ori %or3A_280, %ne3A_279 : i1
        %or3A_282 = arith.constant false
        %or3A_283 = arith.ori %or3A_281, %or3A_282 : i1
        %or3A_284 = arith.ori %or3A_283, %eq3A_132 : i1
        %add3A_285 = arith.constant 1 : i32
        %add3A_286 = arith.addi %scan3A_125, %add3A_285 : i32
        %select_n3A_287 = arith.select %or3A_284, %add3A_286, %scan3A_125 : i32
        %add3A_288 = arith.constant 1 : i32
        %add3A_289 = arith.addi %scan3A_128, %add3A_288 : i32
        %select_n3A_290 = arith.constant true
        %select_n3A_291 = arith.select %select_n3A_290, %add3A_289, %scan3A_128 : i32
        %eq3A_292 = arith.constant 10 : i32
        %eq3A_293 = arith.cmpi eq, %select_n3A_291, %eq3A_292 : i32
        %select_n3A_294 = arith.constant 0 : i32
        %select_n3A_295 = arith.select %eq3A_293, %select_n3A_294, %select_n3A_291 : i32
        scf.yield %select_n3A_175, %select_n3A_287, %select_n3A_241, %select_n3A_274, %select_n3A_295 : i32, i32, i32, i32, i32
      }
      %scan3A_70 = arith.constant 10 : i32
      %sub3A = arith.constant 1 : i32
      %sub3A_71 = arith.subi %scan3A_69#4, %sub3A : i32
      %select_n3A_72 = arith.constant true
      %select_n3A_73 = arith.select %select_n3A_72, %sub3A_71, %scan3A_69#4 : i32
      %eq3A_74 = arith.constant -1 : i32
      %eq3A_75 = arith.cmpi eq, %select_n3A_73, %eq3A_74 : i32
      %select_n3A_76 = arith.constant 9 : i32
      %select_n3A_77 = arith.select %eq3A_75, %select_n3A_76, %select_n3A_73 : i32
      %add3A_78 = arith.addi %select_n3A_77, %mul3A_6 : i32
      %sub3A_79 = arith.constant 1 : i32
      %sub3A_80 = arith.subi %select_n3A_77, %sub3A_79 : i32
      %select_n3A_81 = arith.constant true
      %select_n3A_82 = arith.select %select_n3A_81, %sub3A_80, %select_n3A_77 : i32
      %eq3A_83 = arith.constant -1 : i32
      %eq3A_84 = arith.cmpi eq, %select_n3A_82, %eq3A_83 : i32
      %select_n3A_85 = arith.constant 9 : i32
      %select_n3A_86 = arith.select %eq3A_84, %select_n3A_85, %select_n3A_82 : i32
      %add3A_87 = arith.addi %select_n3A_86, %mul3A_6 : i32
      %add3A_88 = arith.constant 1 : i32
      %add3A_89 = arith.addi %select_n3A_77, %add3A_88 : i32
      %select_n3A_90 = arith.constant true
      %select_n3A_91 = arith.select %select_n3A_90, %add3A_89, %select_n3A_77 : i32
      %eq3A_92 = arith.constant 10 : i32
      %eq3A_93 = arith.cmpi eq, %select_n3A_91, %eq3A_92 : i32
      %select_n3A_94 = arith.constant 0 : i32
      %select_n3A_95 = arith.select %eq3A_93, %select_n3A_94, %select_n3A_91 : i32
      %add3A_96 = arith.addi %select_n3A_95, %mul3A_6 : i32
      %add3A_97 = arith.constant 1 : i32
      %add3A_98 = arith.addi %select_n3A_95, %add3A_97 : i32
      %select_n3A_99 = arith.constant true
      %select_n3A_100 = arith.select %select_n3A_99, %add3A_98, %select_n3A_95 : i32
      %eq3A_101 = arith.constant 10 : i32
      %eq3A_102 = arith.cmpi eq, %select_n3A_100, %eq3A_101 : i32
      %select_n3A_103 = arith.constant 0 : i32
      %select_n3A_104 = arith.select %eq3A_102, %select_n3A_103, %select_n3A_100 : i32
      %add3A_105 = arith.addi %select_n3A_104, %mul3A_6 : i32
      "tpu.trace_start"() <{level = 10 : i32, message = "ep_finalize"}> : () -> ()
      %rem3A_106 = arith.constant 2 : i32
      %rem3A_107 = arith.remui %scan3A_69#3, %rem3A_106 : i32
      %mul3A_108 = arith.constant 128 : i32
      %mul3A_109 = arith.muli %mul3A_108, %add3A_78 : i32
      %dma_wait3A = arith.constant 0 : i32
      %dma_wait3A_110 = arith.constant 0 : i32
      %dma_wait3A_111 = tpu.memref_slice %run_scoped3A_8[%rem3A_107, %dma_wait3A, %dma_wait3A_110] : memref<2x128x128xf32, #tpu.memory_space<vmem>> -> memref<1x128x128xf32, #tpu.memory_space<vmem>>
      %dma_wait3A_112 = tpu.memref_squeeze %dma_wait3A_111 : memref<1x128x128xf32, #tpu.memory_space<vmem>> -> memref<128x128xf32, #tpu.memory_space<vmem>>
      %dma_wait3A_113 = arith.constant 0 : i32
      %dma_wait3A_114 = tpu.memref_slice %arg4[%mul3A_109, %dma_wait3A_113] : memref<40960x128xf32, #tpu.memory_space<hbm>> -> memref<128x128xf32, #tpu.memory_space<hbm>>
      %dma_wait3A_115 = tpu.memref_slice %run_scoped3A_9[%rem3A_107] : memref<2x!tpu.dma_semaphore, #tpu.memory_space<semaphore_mem>> -> memref<1x!tpu.dma_semaphore, #tpu.memory_space<semaphore_mem>>
      %dma_wait3A_116 = tpu.memref_squeeze %dma_wait3A_115 : memref<1x!tpu.dma_semaphore, #tpu.memory_space<semaphore_mem>> -> memref<!tpu.dma_semaphore, #tpu.memory_space<semaphore_mem>>
      %dma_wait3A_117 = arith.constant 0 : i32
      %dma_wait3A_118 = tpu.memref_slice %arg4[%mul3A_109, %dma_wait3A_117] : memref<40960x128xf32, #tpu.memory_space<hbm>> -> memref<128x128xf32, #tpu.memory_space<hbm>>
      %dma_wait3A_119 = arith.constant 0 : i32
      %dma_wait3A_120 = arith.constant 0 : i32
      %dma_wait3A_121 = tpu.memref_slice %run_scoped3A_8[%rem3A_107, %dma_wait3A_119, %dma_wait3A_120] : memref<2x128x128xf32, #tpu.memory_space<vmem>> -> memref<1x128x128xf32, #tpu.memory_space<vmem>>
      %dma_wait3A_122 = tpu.memref_squeeze %dma_wait3A_121 : memref<1x128x128xf32, #tpu.memory_space<vmem>> -> memref<128x128xf32, #tpu.memory_space<vmem>>
      tpu.wait_dma2 semaphore(%dma_wait3A_116 : memref<!tpu.dma_semaphore, #tpu.memory_space<semaphore_mem>>) src(%dma_wait3A_122 : memref<128x128xf32, #tpu.memory_space<vmem>>) dst(%dma_wait3A_118 : memref<128x128xf32, #tpu.memory_space<hbm>>)
      "tpu.trace_stop"() : () -> ()
      tpu.yield
    }) : () -> ()
    return
  }
}

#map = affine_map<(d0, d1) -> (0, 0)>
module attributes {stable_mosaic.version = 14 : i64} {
  func.func @_sc_gather_body(%arg0: i32, %arg1: i32, %arg2: memref<100000x128xf32, #tpu.memory_space<hbm>>, %arg3: memref<1600x128xi32, #tpu.memory_space<hbm>>, %arg4: memref<40960x128xf32, #tpu.memory_space<hbm>>) attributes {dimension_semantics = [#tpu.dimension_semantics<core_parallel>, #tpu.dimension_semantics<subcore_parallel>], iteration_bounds = array<i64: 2, 16>, scalar_prefetch = 0 : i64, scratch_operands = 0 : i64, tpu.core_type = #tpu.core_type<sc_vector_subcore>, window_params = [{transform_indices = #map}, {transform_indices = #map}, {transform_indices = #map}]} {
    %mul3A = arith.constant 1 : i32
    %mul3A_0 = arith.muli %arg1, %mul3A : i32
    %add3A = arith.constant 0 : i32
    %add3A_1 = arith.addi %add3A, %mul3A_0 : i32
    %mul3A_2 = arith.constant 16 : i32
    %mul3A_3 = arith.muli %arg0, %mul3A_2 : i32
    %add3A_4 = arith.addi %add3A_1, %mul3A_3 : i32
    %mul3A_5 = arith.constant 10 : i32
    %mul3A_6 = arith.muli %add3A_4, %mul3A_5 : i32
    "tpu.region"() ({
      %run_scoped3A = memref.alloca() : memref<2x1x128xi32, #tpu.memory_space<vmem>>
      %run_scoped3A_7 = tpu.sem_alloc : memref<2x!tpu.dma_semaphore, #tpu.memory_space<semaphore_mem>>
      %run_scoped3A_8 = memref.alloca() : memref<2x128x128xf32, #tpu.memory_space<vmem>>
      %run_scoped3A_9 = tpu.sem_alloc : memref<2x!tpu.dma_semaphore, #tpu.memory_space<semaphore_mem>>
      %add3A_10 = arith.constant 0 : i32
      %add3A_11 = arith.addi %add3A_10, %mul3A_6 : i32
      %select_n3A = arith.constant true
      %select_n3A_12 = arith.constant 0 : i32
      %select_n3A_13 = arith.constant -1 : i32
      %select_n3A_14 = arith.select %select_n3A, %select_n3A_13, %select_n3A_12 : i32
      %eq3A = arith.constant -1 : i32
      %eq3A_15 = arith.cmpi eq, %select_n3A_14, %eq3A : i32
      %select_n3A_16 = arith.constant 9 : i32
      %select_n3A_17 = arith.select %eq3A_15, %select_n3A_16, %select_n3A_14 : i32
      %add3A_18 = arith.addi %select_n3A_17, %mul3A_6 : i32
      %select_n3A_19 = arith.constant true
      %select_n3A_20 = arith.constant 0 : i32
      %select_n3A_21 = arith.constant 1 : i32
      %select_n3A_22 = arith.select %select_n3A_19, %select_n3A_21, %select_n3A_20 : i32
      %eq3A_23 = arith.constant 10 : i32
      %eq3A_24 = arith.cmpi eq, %select_n3A_22, %eq3A_23 : i32
      %select_n3A_25 = arith.constant 0 : i32
      %select_n3A_26 = arith.select %eq3A_24, %select_n3A_25, %select_n3A_22 : i32
      %add3A_27 = arith.addi %select_n3A_26, %mul3A_6 : i32
      %add3A_28 = arith.constant 1 : i32
      %add3A_29 = arith.addi %select_n3A_26, %add3A_28 : i32
      %select_n3A_30 = arith.constant true
      %select_n3A_31 = arith.select %select_n3A_30, %add3A_29, %select_n3A_26 : i32
      %eq3A_32 = arith.constant 10 : i32
      %eq3A_33 = arith.cmpi eq, %select_n3A_31, %eq3A_32 : i32
      %select_n3A_34 = arith.constant 0 : i32
      %select_n3A_35 = arith.select %eq3A_33, %select_n3A_34, %select_n3A_31 : i32
      %add3A_36 = arith.addi %select_n3A_35, %mul3A_6 : i32
      "tpu.trace_start"() <{level = 10 : i32, message = "ep_initialize_0"}> : () -> ()
      %rem3A = arith.constant 0 : i32
      %rem3A_37 = arith.constant 2 : i32
      %rem3A_38 = arith.remui %rem3A, %rem3A_37 : i32
      %add3A_39 = arith.constant 960 : i32
      %add3A_40 = arith.addi %add3A_11, %add3A_39 : i32
      %mul3A_41 = arith.constant 1 : i32
      %mul3A_42 = arith.muli %mul3A_41, %add3A_40 : i32
      %dma_start3A = arith.constant 0 : i32
      %dma_start3A_43 = arith.constant 0 : i32
      %dma_start3A_44 = tpu.memref_slice %run_scoped3A[%rem3A_38, %dma_start3A, %dma_start3A_43] : memref<2x1x128xi32, #tpu.memory_space<vmem>> -> memref<1x1x128xi32, #tpu.memory_space<vmem>>
      %dma_start3A_45 = tpu.memref_squeeze %dma_start3A_44 : memref<1x1x128xi32, #tpu.memory_space<vmem>> -> memref<1x128xi32, #tpu.memory_space<vmem>>
      %dma_start3A_46 = arith.constant 0 : i32
      %dma_start3A_47 = tpu.memref_slice %arg3[%mul3A_42, %dma_start3A_46] : memref<1600x128xi32, #tpu.memory_space<hbm>> -> memref<1x128xi32, #tpu.memory_space<hbm>>
      %dma_start3A_48 = tpu.memref_slice %run_scoped3A_7[%rem3A_38] : memref<2x!tpu.dma_semaphore, #tpu.memory_space<semaphore_mem>> -> memref<1x!tpu.dma_semaphore, #tpu.memory_space<semaphore_mem>>
      %dma_start3A_49 = tpu.memref_squeeze %dma_start3A_48 : memref<1x!tpu.dma_semaphore, #tpu.memory_space<semaphore_mem>> -> memref<!tpu.dma_semaphore, #tpu.memory_space<semaphore_mem>>
      %dma_start3A_50 = arith.constant 0 : i32
      %dma_start3A_51 = arith.constant 0 : i32
      %dma_start3A_52 = tpu.memref_slice %run_scoped3A[%rem3A_38, %dma_start3A_50, %dma_start3A_51] : memref<2x1x128xi32, #tpu.memory_space<vmem>> -> memref<1x1x128xi32, #tpu.memory_space<vmem>>
      %dma_start3A_53 = tpu.memref_squeeze %dma_start3A_52 : memref<1x1x128xi32, #tpu.memory_space<vmem>> -> memref<1x128xi32, #tpu.memory_space<vmem>>
      %dma_start3A_54 = arith.constant 0 : i32
      %dma_start3A_55 = tpu.memref_slice %arg3[%mul3A_42, %dma_start3A_54] : memref<1600x128xi32, #tpu.memory_space<hbm>> -> memref<1x128xi32, #tpu.memory_space<hbm>>
      tpu.enqueue_dma source(%dma_start3A_55 : memref<1x128xi32, #tpu.memory_space<hbm>>) target(%dma_start3A_53 : memref<1x128xi32, #tpu.memory_space<vmem>>) target_semaphore(%dma_start3A_49 : memref<!tpu.dma_semaphore, #tpu.memory_space<semaphore_mem>>)
      %add3A_56 = arith.constant 0 : i32
      %add3A_57 = arith.constant 1 : i32
      %add3A_58 = arith.addi %add3A_56, %add3A_57 : i32
      %select_n3A_59 = arith.constant true
      %select_n3A_60 = arith.constant 0 : i32
      %select_n3A_61 = arith.select %select_n3A_59, %add3A_58, %select_n3A_60 : i32
      "tpu.trace_stop"() : () -> ()
      %scan3A = arith.constant 0 : i32
      %scan3A_62 = arith.constant 0 : i32
      %scan3A_63 = arith.constant 0 : i32
      %scan3A_64 = arith.constant 0 : i32
      %scan3A_65 = arith.constant 0 : i32
      %scan3A_66 = arith.constant 10 : i32
      %scan3A_67 = arith.addi %scan3A_65, %scan3A_66 : i32
      %scan3A_68 = arith.constant 1 : i32
      %scan3A_69:5 = scf.for %scan3A_123 = %scan3A_65 to %scan3A_67 step %scan3A_68 iter_args(%scan3A_124 = %select_n3A_61, %scan3A_125 = %scan3A, %scan3A_126 = %scan3A_62, %scan3A_127 = %scan3A_63, %scan3A_128 = %scan3A_64) -> (i32, i32, i32, i32, i32)  : i32 {
        %eq3A_129 = arith.constant 0 : i32
        %eq3A_130 = arith.cmpi eq, %scan3A_123, %eq3A_129 : i32
        %eq3A_131 = arith.constant 9 : i32
        %eq3A_132 = arith.cmpi eq, %scan3A_123, %eq3A_131 : i32
        %add3A_133 = arith.addi %scan3A_128, %mul3A_6 : i32
        %sub3A_134 = arith.constant 1 : i32
        %sub3A_135 = arith.subi %scan3A_128, %sub3A_134 : i32
        %select_n3A_136 = arith.constant true
        %select_n3A_137 = arith.select %select_n3A_136, %sub3A_135, %scan3A_128 : i32
        %eq3A_138 = arith.constant -1 : i32
        %eq3A_139 = arith.cmpi eq, %select_n3A_137, %eq3A_138 : i32
        %select_n3A_140 = arith.constant 9 : i32
        %select_n3A_141 = arith.select %eq3A_139, %select_n3A_140, %select_n3A_137 : i32
        %add3A_142 = arith.addi %select_n3A_141, %mul3A_6 : i32
        %add3A_143 = arith.constant 1 : i32
        %add3A_144 = arith.addi %scan3A_128, %add3A_143 : i32
        %select_n3A_145 = arith.constant true
        %select_n3A_146 = arith.select %select_n3A_145, %add3A_144, %scan3A_128 : i32
        %eq3A_147 = arith.constant 10 : i32
        %eq3A_148 = arith.cmpi eq, %select_n3A_146, %eq3A_147 : i32
        %select_n3A_149 = arith.constant 0 : i32
        %select_n3A_150 = arith.select %eq3A_148, %select_n3A_149, %select_n3A_146 : i32
        %add3A_151 = arith.addi %select_n3A_150, %mul3A_6 : i32
        %add3A_152 = arith.constant 1 : i32
        %add3A_153 = arith.addi %select_n3A_150, %add3A_152 : i32
        %select_n3A_154 = arith.constant true
        %select_n3A_155 = arith.select %select_n3A_154, %add3A_153, %select_n3A_150 : i32
        %eq3A_156 = arith.constant 10 : i32
        %eq3A_157 = arith.cmpi eq, %select_n3A_155, %eq3A_156 : i32
        %select_n3A_158 = arith.constant 0 : i32
        %select_n3A_159 = arith.select %eq3A_157, %select_n3A_158, %select_n3A_155 : i32
        %add3A_160 = arith.addi %select_n3A_159, %mul3A_6 : i32
        %add3A_161 = arith.constant 960 : i32
        %add3A_162 = arith.addi %add3A_133, %add3A_161 : i32
        %add3A_163 = arith.constant 960 : i32
        %add3A_164 = arith.addi %add3A_151, %add3A_163 : i32
        %ne3A = arith.cmpi ne, %add3A_162, %add3A_164 : i32
        %or3A = arith.constant false
        %or3A_165 = arith.ori %or3A, %ne3A : i1
        %or3A_166 = arith.constant false
        %or3A_167 = arith.ori %or3A_165, %or3A_166 : i1
        %ge3A = arith.constant 9 : i32
        %ge3A_168 = arith.cmpi sge, %scan3A_123, %ge3A : i32
        %not3A = arith.constant true
        %not3A_169 = arith.xori %ge3A_168, %not3A : i1
        %and3A = arith.andi %or3A_167, %not3A_169 : i1
        %convert_element_type3A = arith.extui %and3A : i1 to i32
        %cond3A = arith.constant 0 : i32
        %cond3A_170 = arith.cmpi ne, %convert_element_type3A, %cond3A : i32
        scf.if %cond3A_170 {
          "tpu.trace_start"() <{level = 10 : i32, message = "ep_copy_in"}> : () -> ()
          %rem3A_296 = arith.constant 2 : i32
          %rem3A_297 = arith.remui %scan3A_124, %rem3A_296 : i32
          %add3A_298 = arith.constant 960 : i32
          %add3A_299 = arith.addi %add3A_151, %add3A_298 : i32
          %mul3A_300 = arith.constant 1 : i32
          %mul3A_301 = arith.muli %mul3A_300, %add3A_299 : i32
          %dma_start3A_302 = arith.constant 0 : i32
          %dma_start3A_303 = arith.constant 0 : i32
          %dma_start3A_304 = tpu.memref_slice %run_scoped3A[%rem3A_297, %dma_start3A_302, %dma_start3A_303] : memref<2x1x128xi32, #tpu.memory_space<vmem>> -> memref<1x1x128xi32, #tpu.memory_space<vmem>>
          %dma_start3A_305 = tpu.memref_squeeze %dma_start3A_304 : memref<1x1x128xi32, #tpu.memory_space<vmem>> -> memref<1x128xi32, #tpu.memory_space<vmem>>
          %dma_start3A_306 = arith.constant 0 : i32
          %dma_start3A_307 = tpu.memref_slice %arg3[%mul3A_301, %dma_start3A_306] : memref<1600x128xi32, #tpu.memory_space<hbm>> -> memref<1x128xi32, #tpu.memory_space<hbm>>
          %dma_start3A_308 = tpu.memref_slice %run_scoped3A_7[%rem3A_297] : memref<2x!tpu.dma_semaphore, #tpu.memory_space<semaphore_mem>> -> memref<1x!tpu.dma_semaphore, #tpu.memory_space<semaphore_mem>>
          %dma_start3A_309 = tpu.memref_squeeze %dma_start3A_308 : memref<1x!tpu.dma_semaphore, #tpu.memory_space<semaphore_mem>> -> memref<!tpu.dma_semaphore, #tpu.memory_space<semaphore_mem>>
          %dma_start3A_310 = arith.constant 0 : i32
          %dma_start3A_311 = arith.constant 0 : i32
          %dma_start3A_312 = tpu.memref_slice %run_scoped3A[%rem3A_297, %dma_start3A_310, %dma_start3A_311] : memref<2x1x128xi32, #tpu.memory_space<vmem>> -> memref<1x1x128xi32, #tpu.memory_space<vmem>>
          %dma_start3A_313 = tpu.memref_squeeze %dma_start3A_312 : memref<1x1x128xi32, #tpu.memory_space<vmem>> -> memref<1x128xi32, #tpu.memory_space<vmem>>
          %dma_start3A_314 = arith.constant 0 : i32
          %dma_start3A_315 = tpu.memref_slice %arg3[%mul3A_301, %dma_start3A_314] : memref<1600x128xi32, #tpu.memory_space<hbm>> -> memref<1x128xi32, #tpu.memory_space<hbm>>
          tpu.enqueue_dma source(%dma_start3A_315 : memref<1x128xi32, #tpu.memory_space<hbm>>) target(%dma_start3A_313 : memref<1x128xi32, #tpu.memory_space<vmem>>) target_semaphore(%dma_start3A_309 : memref<!tpu.dma_semaphore, #tpu.memory_space<semaphore_mem>>)
          "tpu.trace_stop"() : () -> ()
        } else {
        }
        %and3A_171 = arith.constant true
        %and3A_172 = arith.andi %and3A, %and3A_171 : i1
        %add3A_173 = arith.constant 1 : i32
        %add3A_174 = arith.addi %scan3A_124, %add3A_173 : i32
        %select_n3A_175 = arith.select %and3A_172, %add3A_174, %scan3A_124 : i32
        %ne3A_176 = arith.cmpi ne, %add3A_133, %add3A_151 : i32
        %or3A_177 = arith.constant false
        %or3A_178 = arith.ori %or3A_177, %ne3A_176 : i1
        %or3A_179 = arith.constant false
        %or3A_180 = arith.ori %or3A_178, %or3A_179 : i1
        %ge3A_181 = arith.constant 9 : i32
        %ge3A_182 = arith.cmpi sge, %scan3A_123, %ge3A_181 : i32
        %not3A_183 = arith.constant true
        %not3A_184 = arith.xori %ge3A_182, %not3A_183 : i1
        %and3A_185 = arith.andi %or3A_180, %not3A_184 : i1
        %add3A_186 = arith.constant 960 : i32
        %add3A_187 = arith.addi %add3A_133, %add3A_186 : i32
        %add3A_188 = arith.constant 960 : i32
        %add3A_189 = arith.addi %add3A_142, %add3A_188 : i32
        %ne3A_190 = arith.cmpi ne, %add3A_187, %add3A_189 : i32
        %or3A_191 = arith.constant false
        %or3A_192 = arith.ori %or3A_191, %ne3A_190 : i1
        %or3A_193 = arith.constant false
        %or3A_194 = arith.ori %or3A_192, %or3A_193 : i1
        %or3A_195 = arith.ori %or3A_194, %eq3A_130 : i1
        %convert_element_type3A_196 = arith.extui %or3A_195 : i1 to i32
        %cond3A_197 = arith.constant 0 : i32
        %cond3A_198 = arith.cmpi ne, %convert_element_type3A_196, %cond3A_197 : i32
        scf.if %cond3A_198 {
          "tpu.trace_start"() <{level = 10 : i32, message = "ep_wait_in"}> : () -> ()
          %add3A_296 = arith.constant 960 : i32
          %add3A_297 = arith.addi %add3A_133, %add3A_296 : i32
          %mul3A_298 = arith.constant 1 : i32
          %mul3A_299 = arith.muli %mul3A_298, %add3A_297 : i32
          %rem3A_300 = arith.constant 2 : i32
          %rem3A_301 = arith.remui %scan3A_125, %rem3A_300 : i32
          %dma_wait3A_302 = arith.constant 0 : i32
          %dma_wait3A_303 = arith.constant 0 : i32
          %dma_wait3A_304 = tpu.memref_slice %run_scoped3A[%rem3A_301, %dma_wait3A_302, %dma_wait3A_303] : memref<2x1x128xi32, #tpu.memory_space<vmem>> -> memref<1x1x128xi32, #tpu.memory_space<vmem>>
          %dma_wait3A_305 = tpu.memref_squeeze %dma_wait3A_304 : memref<1x1x128xi32, #tpu.memory_space<vmem>> -> memref<1x128xi32, #tpu.memory_space<vmem>>
          %dma_wait3A_306 = arith.constant 0 : i32
          %dma_wait3A_307 = tpu.memref_slice %arg3[%mul3A_299, %dma_wait3A_306] : memref<1600x128xi32, #tpu.memory_space<hbm>> -> memref<1x128xi32, #tpu.memory_space<hbm>>
          %dma_wait3A_308 = tpu.memref_slice %run_scoped3A_7[%rem3A_301] : memref<2x!tpu.dma_semaphore, #tpu.memory_space<semaphore_mem>> -> memref<1x!tpu.dma_semaphore, #tpu.memory_space<semaphore_mem>>
          %dma_wait3A_309 = tpu.memref_squeeze %dma_wait3A_308 : memref<1x!tpu.dma_semaphore, #tpu.memory_space<semaphore_mem>> -> memref<!tpu.dma_semaphore, #tpu.memory_space<semaphore_mem>>
          %dma_wait3A_310 = arith.constant 0 : i32
          %dma_wait3A_311 = arith.constant 0 : i32
          %dma_wait3A_312 = tpu.memref_slice %run_scoped3A[%rem3A_301, %dma_wait3A_310, %dma_wait3A_311] : memref<2x1x128xi32, #tpu.memory_space<vmem>> -> memref<1x1x128xi32, #tpu.memory_space<vmem>>
          %dma_wait3A_313 = tpu.memref_squeeze %dma_wait3A_312 : memref<1x1x128xi32, #tpu.memory_space<vmem>> -> memref<1x128xi32, #tpu.memory_space<vmem>>
          %dma_wait3A_314 = arith.constant 0 : i32
          %dma_wait3A_315 = tpu.memref_slice %arg3[%mul3A_299, %dma_wait3A_314] : memref<1600x128xi32, #tpu.memory_space<hbm>> -> memref<1x128xi32, #tpu.memory_space<hbm>>
          tpu.wait_dma2 semaphore(%dma_wait3A_309 : memref<!tpu.dma_semaphore, #tpu.memory_space<semaphore_mem>>) src(%dma_wait3A_315 : memref<1x128xi32, #tpu.memory_space<hbm>>) dst(%dma_wait3A_313 : memref<1x128xi32, #tpu.memory_space<vmem>>)
          "tpu.trace_stop"() : () -> ()
        } else {
        }
        %ne3A_199 = arith.cmpi ne, %add3A_133, %add3A_142 : i32
        %or3A_200 = arith.constant false
        %or3A_201 = arith.ori %or3A_200, %ne3A_199 : i1
        %or3A_202 = arith.constant false
        %or3A_203 = arith.ori %or3A_201, %or3A_202 : i1
        %or3A_204 = arith.ori %or3A_203, %eq3A_130 : i1
        %convert_element_type3A_205 = arith.extui %or3A_204 : i1 to i32
        %cond3A_206 = arith.constant 0 : i32
        %cond3A_207 = arith.cmpi ne, %convert_element_type3A_205, %cond3A_206 : i32
        scf.if %cond3A_207 {
        } else {
        }
        %rem3A_208 = arith.constant 2 : i32
        %rem3A_209 = arith.remui %scan3A_125, %rem3A_208 : i32
        %rem3A_210 = arith.constant 2 : i32
        %rem3A_211 = arith.remui %scan3A_126, %rem3A_210 : i32
        %run_scoped3A_212 = arith.constant 0 : i32
        "tpu.trace_start"() <{level = 10 : i32, message = "ep_run_kernel"}> : () -> ()
        "tpu.region"() ({
          %run_scoped3A_296 = tpu.sem_alloc : memref<!tpu.dma_semaphore, #tpu.memory_space<semaphore_mem>>
          %dma_start3A_297 = arith.constant 0 : i32
          %dma_start3A_298 = arith.constant 0 : i32
          %dma_start3A_299 = tpu.memref_slice %run_scoped3A_8[%rem3A_211, %dma_start3A_297, %dma_start3A_298] : memref<2x128x128xf32, #tpu.memory_space<vmem>> -> memref<1x128x128xf32, #tpu.memory_space<vmem>>
          %dma_start3A_300 = tpu.memref_squeeze %dma_start3A_299 : memref<1x128x128xf32, #tpu.memory_space<vmem>> -> memref<128x128xf32, #tpu.memory_space<vmem>>
          %dma_start3A_301 = arith.constant 0 : i32
          %dma_start3A_302 = arith.constant 0 : i32
          %dma_start3A_303 = tpu.memref_slice %run_scoped3A[%rem3A_209, %dma_start3A_301, %dma_start3A_302] : memref<2x1x128xi32, #tpu.memory_space<vmem>> -> memref<1x1x128xi32, #tpu.memory_space<vmem>>
          %dma_start3A_304 = tpu.memref_squeeze %dma_start3A_303 : memref<1x1x128xi32, #tpu.memory_space<vmem>> -> memref<1x128xi32, #tpu.memory_space<vmem>>
          %dma_start3A_305 = arith.constant 0 : i32
          %dma_start3A_306 = tpu.memref_slice %dma_start3A_304[%run_scoped3A_212, %dma_start3A_305] : memref<1x128xi32, #tpu.memory_space<vmem>> -> memref<1x128xi32, #tpu.memory_space<vmem>>
          %dma_start3A_307 = tpu.memref_squeeze %dma_start3A_306 : memref<1x128xi32, #tpu.memory_space<vmem>> -> memref<128xi32, #tpu.memory_space<vmem>>
          %dma_start3A_308 = arith.constant 0 : i32
          %dma_start3A_309 = arith.constant 0 : i32
          %dma_start3A_310 = tpu.memref_slice %arg2[%dma_start3A_308, %dma_start3A_309] : memref<100000x128xf32, #tpu.memory_space<hbm>> -> memref<100000x128xf32, #tpu.memory_space<hbm>>
          tpu.enqueue_indirect_dma source(%dma_start3A_310 : memref<100000x128xf32, #tpu.memory_space<hbm>>) target(%dma_start3A_300 : memref<128x128xf32, #tpu.memory_space<vmem>>) offsets(%dma_start3A_307 : memref<128xi32, #tpu.memory_space<vmem>>) semaphore(%run_scoped3A_296 : memref<!tpu.dma_semaphore, #tpu.memory_space<semaphore_mem>>)
          %dma_wait3A_311 = arith.constant 0 : i32
          %dma_wait3A_312 = arith.constant 0 : i32
          %dma_wait3A_313 = tpu.memref_slice %run_scoped3A_8[%rem3A_211, %dma_wait3A_311, %dma_wait3A_312] : memref<2x128x128xf32, #tpu.memory_space<vmem>> -> memref<1x128x128xf32, #tpu.memory_space<vmem>>
          %dma_wait3A_314 = tpu.memref_squeeze %dma_wait3A_313 : memref<1x128x128xf32, #tpu.memory_space<vmem>> -> memref<128x128xf32, #tpu.memory_space<vmem>>
          %dma_wait3A_315 = arith.constant 0 : i32
          %dma_wait3A_316 = arith.constant 0 : i32
          %dma_wait3A_317 = tpu.memref_slice %run_scoped3A[%rem3A_209, %dma_wait3A_315, %dma_wait3A_316] : memref<2x1x128xi32, #tpu.memory_space<vmem>> -> memref<1x1x128xi32, #tpu.memory_space<vmem>>
          %dma_wait3A_318 = tpu.memref_squeeze %dma_wait3A_317 : memref<1x1x128xi32, #tpu.memory_space<vmem>> -> memref<1x128xi32, #tpu.memory_space<vmem>>
          %dma_wait3A_319 = arith.constant 0 : i32
          %dma_wait3A_320 = tpu.memref_slice %dma_wait3A_318[%run_scoped3A_212, %dma_wait3A_319] : memref<1x128xi32, #tpu.memory_space<vmem>> -> memref<1x128xi32, #tpu.memory_space<vmem>>
          %dma_wait3A_321 = tpu.memref_squeeze %dma_wait3A_320 : memref<1x128xi32, #tpu.memory_space<vmem>> -> memref<128xi32, #tpu.memory_space<vmem>>
          %dma_wait3A_322 = arith.constant 0 : i32
          %dma_wait3A_323 = arith.constant 0 : i32
          %dma_wait3A_324 = tpu.memref_slice %arg2[%dma_wait3A_322, %dma_wait3A_323] : memref<100000x128xf32, #tpu.memory_space<hbm>> -> memref<100000x128xf32, #tpu.memory_space<hbm>>
          tpu.wait_indirect_dma semaphore(%run_scoped3A_296 : memref<!tpu.dma_semaphore, #tpu.memory_space<semaphore_mem>>) src(%dma_wait3A_324 : memref<100000x128xf32, #tpu.memory_space<hbm>>) dst(%dma_wait3A_314 : memref<128x128xf32, #tpu.memory_space<vmem>>)
          tpu.yield
        }) : () -> ()
        "tpu.trace_stop"() : () -> ()
        %add3A_213 = arith.constant 960 : i32
        %add3A_214 = arith.addi %add3A_133, %add3A_213 : i32
        %add3A_215 = arith.constant 960 : i32
        %add3A_216 = arith.addi %add3A_151, %add3A_215 : i32
        %ne3A_217 = arith.cmpi ne, %add3A_214, %add3A_216 : i32
        %or3A_218 = arith.constant false
        %or3A_219 = arith.ori %or3A_218, %ne3A_217 : i1
        %or3A_220 = arith.constant false
        %or3A_221 = arith.ori %or3A_219, %or3A_220 : i1
        %or3A_222 = arith.ori %or3A_221, %eq3A_132 : i1
        %convert_element_type3A_223 = arith.extui %or3A_222 : i1 to i32
        %cond3A_224 = arith.constant 0 : i32
        %cond3A_225 = arith.cmpi ne, %convert_element_type3A_223, %cond3A_224 : i32
        scf.if %cond3A_225 {
        } else {
        }
        %and3A_226 = arith.constant false
        %and3A_227 = arith.andi %or3A_222, %and3A_226 : i1
        %ne3A_228 = arith.cmpi ne, %add3A_133, %add3A_151 : i32
        %or3A_229 = arith.constant false
        %or3A_230 = arith.ori %or3A_229, %ne3A_228 : i1
        %or3A_231 = arith.constant false
        %or3A_232 = arith.ori %or3A_230, %or3A_231 : i1
        %or3A_233 = arith.ori %or3A_232, %eq3A_132 : i1
        %convert_element_type3A_234 = arith.extui %or3A_233 : i1 to i32
        %cond3A_235 = arith.constant 0 : i32
        %cond3A_236 = arith.cmpi ne, %convert_element_type3A_234, %cond3A_235 : i32
        scf.if %cond3A_236 {
          "tpu.trace_start"() <{level = 10 : i32, message = "ep_copy_out"}> : () -> ()
          %rem3A_296 = arith.constant 2 : i32
          %rem3A_297 = arith.remui %scan3A_126, %rem3A_296 : i32
          %mul3A_298 = arith.constant 128 : i32
          %mul3A_299 = arith.muli %mul3A_298, %add3A_133 : i32
          %dma_start3A_300 = arith.constant 0 : i32
          %dma_start3A_301 = arith.constant 0 : i32
          %dma_start3A_302 = tpu.memref_slice %run_scoped3A_8[%rem3A_297, %dma_start3A_300, %dma_start3A_301] : memref<2x128x128xf32, #tpu.memory_space<vmem>> -> memref<1x128x128xf32, #tpu.memory_space<vmem>>
          %dma_start3A_303 = tpu.memref_squeeze %dma_start3A_302 : memref<1x128x128xf32, #tpu.memory_space<vmem>> -> memref<128x128xf32, #tpu.memory_space<vmem>>
          %dma_start3A_304 = arith.constant 0 : i32
          %dma_start3A_305 = tpu.memref_slice %arg4[%mul3A_299, %dma_start3A_304] : memref<40960x128xf32, #tpu.memory_space<hbm>> -> memref<128x128xf32, #tpu.memory_space<hbm>>
          %dma_start3A_306 = tpu.memref_slice %run_scoped3A_9[%rem3A_297] : memref<2x!tpu.dma_semaphore, #tpu.memory_space<semaphore_mem>> -> memref<1x!tpu.dma_semaphore, #tpu.memory_space<semaphore_mem>>
          %dma_start3A_307 = tpu.memref_squeeze %dma_start3A_306 : memref<1x!tpu.dma_semaphore, #tpu.memory_space<semaphore_mem>> -> memref<!tpu.dma_semaphore, #tpu.memory_space<semaphore_mem>>
          %dma_start3A_308 = arith.constant 0 : i32
          %dma_start3A_309 = tpu.memref_slice %arg4[%mul3A_299, %dma_start3A_308] : memref<40960x128xf32, #tpu.memory_space<hbm>> -> memref<128x128xf32, #tpu.memory_space<hbm>>
          %dma_start3A_310 = arith.constant 0 : i32
          %dma_start3A_311 = arith.constant 0 : i32
          %dma_start3A_312 = tpu.memref_slice %run_scoped3A_8[%rem3A_297, %dma_start3A_310, %dma_start3A_311] : memref<2x128x128xf32, #tpu.memory_space<vmem>> -> memref<1x128x128xf32, #tpu.memory_space<vmem>>
          %dma_start3A_313 = tpu.memref_squeeze %dma_start3A_312 : memref<1x128x128xf32, #tpu.memory_space<vmem>> -> memref<128x128xf32, #tpu.memory_space<vmem>>
          tpu.enqueue_dma source(%dma_start3A_313 : memref<128x128xf32, #tpu.memory_space<vmem>>) target(%dma_start3A_309 : memref<128x128xf32, #tpu.memory_space<hbm>>) target_semaphore(%dma_start3A_307 : memref<!tpu.dma_semaphore, #tpu.memory_space<semaphore_mem>>)
          "tpu.trace_stop"() : () -> ()
        } else {
        }
        %and3A_237 = arith.constant true
        %and3A_238 = arith.andi %or3A_233, %and3A_237 : i1
        %add3A_239 = arith.constant 1 : i32
        %add3A_240 = arith.addi %scan3A_126, %add3A_239 : i32
        %select_n3A_241 = arith.select %and3A_238, %add3A_240, %scan3A_126 : i32
        %add3A_242 = arith.constant 960 : i32
        %add3A_243 = arith.addi %add3A_133, %add3A_242 : i32
        %add3A_244 = arith.constant 960 : i32
        %add3A_245 = arith.addi %add3A_142, %add3A_244 : i32
        %ne3A_246 = arith.cmpi ne, %add3A_243, %add3A_245 : i32
        %or3A_247 = arith.constant false
        %or3A_248 = arith.ori %or3A_247, %ne3A_246 : i1
        %or3A_249 = arith.constant false
        %or3A_250 = arith.ori %or3A_248, %or3A_249 : i1
        %not3A_251 = arith.constant true
        %not3A_252 = arith.xori %eq3A_130, %not3A_251 : i1
        %and3A_253 = arith.andi %or3A_250, %not3A_252 : i1
        %convert_element_type3A_254 = arith.extui %and3A_253 : i1 to i32
        %cond3A_255 = arith.constant 0 : i32
        %cond3A_256 = arith.cmpi ne, %convert_element_type3A_254, %cond3A_255 : i32
        scf.if %cond3A_256 {
        } else {
        }
        %and3A_257 = arith.constant false
        %and3A_258 = arith.andi %and3A_253, %and3A_257 : i1
        %ne3A_259 = arith.cmpi ne, %add3A_133, %add3A_142 : i32
        %or3A_260 = arith.constant false
        %or3A_261 = arith.ori %or3A_260, %ne3A_259 : i1
        %or3A_262 = arith.constant false
        %or3A_263 = arith.ori %or3A_261, %or3A_262 : i1
        %not3A_264 = arith.constant true
        %not3A_265 = arith.xori %eq3A_130, %not3A_264 : i1
        %and3A_266 = arith.andi %or3A_263, %not3A_265 : i1
        %convert_element_type3A_267 = arith.extui %and3A_266 : i1 to i32
        %cond3A_268 = arith.constant 0 : i32
        %cond3A_269 = arith.cmpi ne, %convert_element_type3A_267, %cond3A_268 : i32
        scf.if %cond3A_269 {
          "tpu.trace_start"() <{level = 10 : i32, message = "ep_wait_out"}> : () -> ()
          %rem3A_296 = arith.constant 2 : i32
          %rem3A_297 = arith.remui %scan3A_127, %rem3A_296 : i32
          %mul3A_298 = arith.constant 128 : i32
          %mul3A_299 = arith.muli %mul3A_298, %add3A_142 : i32
          %dma_wait3A_300 = arith.constant 0 : i32
          %dma_wait3A_301 = arith.constant 0 : i32
          %dma_wait3A_302 = tpu.memref_slice %run_scoped3A_8[%rem3A_297, %dma_wait3A_300, %dma_wait3A_301] : memref<2x128x128xf32, #tpu.memory_space<vmem>> -> memref<1x128x128xf32, #tpu.memory_space<vmem>>
          %dma_wait3A_303 = tpu.memref_squeeze %dma_wait3A_302 : memref<1x128x128xf32, #tpu.memory_space<vmem>> -> memref<128x128xf32, #tpu.memory_space<vmem>>
          %dma_wait3A_304 = arith.constant 0 : i32
          %dma_wait3A_305 = tpu.memref_slice %arg4[%mul3A_299, %dma_wait3A_304] : memref<40960x128xf32, #tpu.memory_space<hbm>> -> memref<128x128xf32, #tpu.memory_space<hbm>>
          %dma_wait3A_306 = tpu.memref_slice %run_scoped3A_9[%rem3A_297] : memref<2x!tpu.dma_semaphore, #tpu.memory_space<semaphore_mem>> -> memref<1x!tpu.dma_semaphore, #tpu.memory_space<semaphore_mem>>
          %dma_wait3A_307 = tpu.memref_squeeze %dma_wait3A_306 : memref<1x!tpu.dma_semaphore, #tpu.memory_space<semaphore_mem>> -> memref<!tpu.dma_semaphore, #tpu.memory_space<semaphore_mem>>
          %dma_wait3A_308 = arith.constant 0 : i32
          %dma_wait3A_309 = tpu.memref_slice %arg4[%mul3A_299, %dma_wait3A_308] : memref<40960x128xf32, #tpu.memory_space<hbm>> -> memref<128x128xf32, #tpu.memory_space<hbm>>
          %dma_wait3A_310 = arith.constant 0 : i32
          %dma_wait3A_311 = arith.constant 0 : i32
          %dma_wait3A_312 = tpu.memref_slice %run_scoped3A_8[%rem3A_297, %dma_wait3A_310, %dma_wait3A_311] : memref<2x128x128xf32, #tpu.memory_space<vmem>> -> memref<1x128x128xf32, #tpu.memory_space<vmem>>
          %dma_wait3A_313 = tpu.memref_squeeze %dma_wait3A_312 : memref<1x128x128xf32, #tpu.memory_space<vmem>> -> memref<128x128xf32, #tpu.memory_space<vmem>>
          tpu.wait_dma2 semaphore(%dma_wait3A_307 : memref<!tpu.dma_semaphore, #tpu.memory_space<semaphore_mem>>) src(%dma_wait3A_313 : memref<128x128xf32, #tpu.memory_space<vmem>>) dst(%dma_wait3A_309 : memref<128x128xf32, #tpu.memory_space<hbm>>)
          "tpu.trace_stop"() : () -> ()
        } else {
        }
        %and3A_270 = arith.constant true
        %and3A_271 = arith.andi %and3A_266, %and3A_270 : i1
        %add3A_272 = arith.constant 1 : i32
        %add3A_273 = arith.addi %scan3A_127, %add3A_272 : i32
        %select_n3A_274 = arith.select %and3A_271, %add3A_273, %scan3A_127 : i32
        %add3A_275 = arith.constant 960 : i32
        %add3A_276 = arith.addi %add3A_133, %add3A_275 : i32
        %add3A_277 = arith.constant 960 : i32
        %add3A_278 = arith.addi %add3A_151, %add3A_277 : i32
        %ne3A_279 = arith.cmpi ne, %add3A_276, %add3A_278 : i32
        %or3A_280 = arith.constant false
        %or3A_281 = arith.ori %or3A_280, %ne3A_279 : i1
        %or3A_282 = arith.constant false
        %or3A_283 = arith.ori %or3A_281, %or3A_282 : i1
        %or3A_284 = arith.ori %or3A_283, %eq3A_132 : i1
        %add3A_285 = arith.constant 1 : i32
        %add3A_286 = arith.addi %scan3A_125, %add3A_285 : i32
        %select_n3A_287 = arith.select %or3A_284, %add3A_286, %scan3A_125 : i32
        %add3A_288 = arith.constant 1 : i32
        %add3A_289 = arith.addi %scan3A_128, %add3A_288 : i32
        %select_n3A_290 = arith.constant true
        %select_n3A_291 = arith.select %select_n3A_290, %add3A_289, %scan3A_128 : i32
        %eq3A_292 = arith.constant 10 : i32
        %eq3A_293 = arith.cmpi eq, %select_n3A_291, %eq3A_292 : i32
        %select_n3A_294 = arith.constant 0 : i32
        %select_n3A_295 = arith.select %eq3A_293, %select_n3A_294, %select_n3A_291 : i32
        scf.yield %select_n3A_175, %select_n3A_287, %select_n3A_241, %select_n3A_274, %select_n3A_295 : i32, i32, i32, i32, i32
      }
      %scan3A_70 = arith.constant 10 : i32
      %sub3A = arith.constant 1 : i32
      %sub3A_71 = arith.subi %scan3A_69#4, %sub3A : i32
      %select_n3A_72 = arith.constant true
      %select_n3A_73 = arith.select %select_n3A_72, %sub3A_71, %scan3A_69#4 : i32
      %eq3A_74 = arith.constant -1 : i32
      %eq3A_75 = arith.cmpi eq, %select_n3A_73, %eq3A_74 : i32
      %select_n3A_76 = arith.constant 9 : i32
      %select_n3A_77 = arith.select %eq3A_75, %select_n3A_76, %select_n3A_73 : i32
      %add3A_78 = arith.addi %select_n3A_77, %mul3A_6 : i32
      %sub3A_79 = arith.constant 1 : i32
      %sub3A_80 = arith.subi %select_n3A_77, %sub3A_79 : i32
      %select_n3A_81 = arith.constant true
      %select_n3A_82 = arith.select %select_n3A_81, %sub3A_80, %select_n3A_77 : i32
      %eq3A_83 = arith.constant -1 : i32
      %eq3A_84 = arith.cmpi eq, %select_n3A_82, %eq3A_83 : i32
      %select_n3A_85 = arith.constant 9 : i32
      %select_n3A_86 = arith.select %eq3A_84, %select_n3A_85, %select_n3A_82 : i32
      %add3A_87 = arith.addi %select_n3A_86, %mul3A_6 : i32
      %add3A_88 = arith.constant 1 : i32
      %add3A_89 = arith.addi %select_n3A_77, %add3A_88 : i32
      %select_n3A_90 = arith.constant true
      %select_n3A_91 = arith.select %select_n3A_90, %add3A_89, %select_n3A_77 : i32
      %eq3A_92 = arith.constant 10 : i32
      %eq3A_93 = arith.cmpi eq, %select_n3A_91, %eq3A_92 : i32
      %select_n3A_94 = arith.constant 0 : i32
      %select_n3A_95 = arith.select %eq3A_93, %select_n3A_94, %select_n3A_91 : i32
      %add3A_96 = arith.addi %select_n3A_95, %mul3A_6 : i32
      %add3A_97 = arith.constant 1 : i32
      %add3A_98 = arith.addi %select_n3A_95, %add3A_97 : i32
      %select_n3A_99 = arith.constant true
      %select_n3A_100 = arith.select %select_n3A_99, %add3A_98, %select_n3A_95 : i32
      %eq3A_101 = arith.constant 10 : i32
      %eq3A_102 = arith.cmpi eq, %select_n3A_100, %eq3A_101 : i32
      %select_n3A_103 = arith.constant 0 : i32
      %select_n3A_104 = arith.select %eq3A_102, %select_n3A_103, %select_n3A_100 : i32
      %add3A_105 = arith.addi %select_n3A_104, %mul3A_6 : i32
      "tpu.trace_start"() <{level = 10 : i32, message = "ep_finalize"}> : () -> ()
      %rem3A_106 = arith.constant 2 : i32
      %rem3A_107 = arith.remui %scan3A_69#3, %rem3A_106 : i32
      %mul3A_108 = arith.constant 128 : i32
      %mul3A_109 = arith.muli %mul3A_108, %add3A_78 : i32
      %dma_wait3A = arith.constant 0 : i32
      %dma_wait3A_110 = arith.constant 0 : i32
      %dma_wait3A_111 = tpu.memref_slice %run_scoped3A_8[%rem3A_107, %dma_wait3A, %dma_wait3A_110] : memref<2x128x128xf32, #tpu.memory_space<vmem>> -> memref<1x128x128xf32, #tpu.memory_space<vmem>>
      %dma_wait3A_112 = tpu.memref_squeeze %dma_wait3A_111 : memref<1x128x128xf32, #tpu.memory_space<vmem>> -> memref<128x128xf32, #tpu.memory_space<vmem>>
      %dma_wait3A_113 = arith.constant 0 : i32
      %dma_wait3A_114 = tpu.memref_slice %arg4[%mul3A_109, %dma_wait3A_113] : memref<40960x128xf32, #tpu.memory_space<hbm>> -> memref<128x128xf32, #tpu.memory_space<hbm>>
      %dma_wait3A_115 = tpu.memref_slice %run_scoped3A_9[%rem3A_107] : memref<2x!tpu.dma_semaphore, #tpu.memory_space<semaphore_mem>> -> memref<1x!tpu.dma_semaphore, #tpu.memory_space<semaphore_mem>>
      %dma_wait3A_116 = tpu.memref_squeeze %dma_wait3A_115 : memref<1x!tpu.dma_semaphore, #tpu.memory_space<semaphore_mem>> -> memref<!tpu.dma_semaphore, #tpu.memory_space<semaphore_mem>>
      %dma_wait3A_117 = arith.constant 0 : i32
      %dma_wait3A_118 = tpu.memref_slice %arg4[%mul3A_109, %dma_wait3A_117] : memref<40960x128xf32, #tpu.memory_space<hbm>> -> memref<128x128xf32, #tpu.memory_space<hbm>>
      %dma_wait3A_119 = arith.constant 0 : i32
      %dma_wait3A_120 = arith.constant 0 : i32
      %dma_wait3A_121 = tpu.memref_slice %run_scoped3A_8[%rem3A_107, %dma_wait3A_119, %dma_wait3A_120] : memref<2x128x128xf32, #tpu.memory_space<vmem>> -> memref<1x128x128xf32, #tpu.memory_space<vmem>>
      %dma_wait3A_122 = tpu.memref_squeeze %dma_wait3A_121 : memref<1x128x128xf32, #tpu.memory_space<vmem>> -> memref<128x128xf32, #tpu.memory_space<vmem>>
      tpu.wait_dma2 semaphore(%dma_wait3A_116 : memref<!tpu.dma_semaphore, #tpu.memory_space<semaphore_mem>>) src(%dma_wait3A_122 : memref<128x128xf32, #tpu.memory_space<vmem>>) dst(%dma_wait3A_118 : memref<128x128xf32, #tpu.memory_space<hbm>>)
      "tpu.trace_stop"() : () -> ()
      tpu.yield
    }) : () -> ()
    return
  }
}

#map = affine_map<(d0, d1) -> (0, 0)>
module attributes {stable_mosaic.version = 14 : i64} {
  func.func @_sc_gather_body(%arg0: i32, %arg1: i32, %arg2: memref<100000x128xf32, #tpu.memory_space<hbm>>, %arg3: memref<1600x128xi32, #tpu.memory_space<hbm>>, %arg4: memref<40960x128xf32, #tpu.memory_space<hbm>>) attributes {dimension_semantics = [#tpu.dimension_semantics<core_parallel>, #tpu.dimension_semantics<subcore_parallel>], iteration_bounds = array<i64: 2, 16>, scalar_prefetch = 0 : i64, scratch_operands = 0 : i64, tpu.core_type = #tpu.core_type<sc_vector_subcore>, window_params = [{transform_indices = #map}, {transform_indices = #map}, {transform_indices = #map}]} {
    %mul3A = arith.constant 1 : i32
    %mul3A_0 = arith.muli %arg1, %mul3A : i32
    %add3A = arith.constant 0 : i32
    %add3A_1 = arith.addi %add3A, %mul3A_0 : i32
    %mul3A_2 = arith.constant 16 : i32
    %mul3A_3 = arith.muli %arg0, %mul3A_2 : i32
    %add3A_4 = arith.addi %add3A_1, %mul3A_3 : i32
    %mul3A_5 = arith.constant 10 : i32
    %mul3A_6 = arith.muli %add3A_4, %mul3A_5 : i32
    "tpu.region"() ({
      %run_scoped3A = memref.alloca() : memref<2x1x128xi32, #tpu.memory_space<vmem>>
      %run_scoped3A_7 = tpu.sem_alloc : memref<2x!tpu.dma_semaphore, #tpu.memory_space<semaphore_mem>>
      %run_scoped3A_8 = memref.alloca() : memref<2x128x128xf32, #tpu.memory_space<vmem>>
      %run_scoped3A_9 = tpu.sem_alloc : memref<2x!tpu.dma_semaphore, #tpu.memory_space<semaphore_mem>>
      %add3A_10 = arith.constant 0 : i32
      %add3A_11 = arith.addi %add3A_10, %mul3A_6 : i32
      %select_n3A = arith.constant true
      %select_n3A_12 = arith.constant 0 : i32
      %select_n3A_13 = arith.constant -1 : i32
      %select_n3A_14 = arith.select %select_n3A, %select_n3A_13, %select_n3A_12 : i32
      %eq3A = arith.constant -1 : i32
      %eq3A_15 = arith.cmpi eq, %select_n3A_14, %eq3A : i32
      %select_n3A_16 = arith.constant 9 : i32
      %select_n3A_17 = arith.select %eq3A_15, %select_n3A_16, %select_n3A_14 : i32
      %add3A_18 = arith.addi %select_n3A_17, %mul3A_6 : i32
      %select_n3A_19 = arith.constant true
      %select_n3A_20 = arith.constant 0 : i32
      %select_n3A_21 = arith.constant 1 : i32
      %select_n3A_22 = arith.select %select_n3A_19, %select_n3A_21, %select_n3A_20 : i32
      %eq3A_23 = arith.constant 10 : i32
      %eq3A_24 = arith.cmpi eq, %select_n3A_22, %eq3A_23 : i32
      %select_n3A_25 = arith.constant 0 : i32
      %select_n3A_26 = arith.select %eq3A_24, %select_n3A_25, %select_n3A_22 : i32
      %add3A_27 = arith.addi %select_n3A_26, %mul3A_6 : i32
      %add3A_28 = arith.constant 1 : i32
      %add3A_29 = arith.addi %select_n3A_26, %add3A_28 : i32
      %select_n3A_30 = arith.constant true
      %select_n3A_31 = arith.select %select_n3A_30, %add3A_29, %select_n3A_26 : i32
      %eq3A_32 = arith.constant 10 : i32
      %eq3A_33 = arith.cmpi eq, %select_n3A_31, %eq3A_32 : i32
      %select_n3A_34 = arith.constant 0 : i32
      %select_n3A_35 = arith.select %eq3A_33, %select_n3A_34, %select_n3A_31 : i32
      %add3A_36 = arith.addi %select_n3A_35, %mul3A_6 : i32
      "tpu.trace_start"() <{level = 10 : i32, message = "ep_initialize_0"}> : () -> ()
      %rem3A = arith.constant 0 : i32
      %rem3A_37 = arith.constant 2 : i32
      %rem3A_38 = arith.remui %rem3A, %rem3A_37 : i32
      %add3A_39 = arith.constant 0 : i32
      %add3A_40 = arith.addi %add3A_11, %add3A_39 : i32
      %mul3A_41 = arith.constant 1 : i32
      %mul3A_42 = arith.muli %mul3A_41, %add3A_40 : i32
      %dma_start3A = arith.constant 0 : i32
      %dma_start3A_43 = arith.constant 0 : i32
      %dma_start3A_44 = tpu.memref_slice %run_scoped3A[%rem3A_38, %dma_start3A, %dma_start3A_43] : memref<2x1x128xi32, #tpu.memory_space<vmem>> -> memref<1x1x128xi32, #tpu.memory_space<vmem>>
      %dma_start3A_45 = tpu.memref_squeeze %dma_start3A_44 : memref<1x1x128xi32, #tpu.memory_space<vmem>> -> memref<1x128xi32, #tpu.memory_space<vmem>>
      %dma_start3A_46 = arith.constant 0 : i32
      %dma_start3A_47 = tpu.memref_slice %arg3[%mul3A_42, %dma_start3A_46] : memref<1600x128xi32, #tpu.memory_space<hbm>> -> memref<1x128xi32, #tpu.memory_space<hbm>>
      %dma_start3A_48 = tpu.memref_slice %run_scoped3A_7[%rem3A_38] : memref<2x!tpu.dma_semaphore, #tpu.memory_space<semaphore_mem>> -> memref<1x!tpu.dma_semaphore, #tpu.memory_space<semaphore_mem>>
      %dma_start3A_49 = tpu.memref_squeeze %dma_start3A_48 : memref<1x!tpu.dma_semaphore, #tpu.memory_space<semaphore_mem>> -> memref<!tpu.dma_semaphore, #tpu.memory_space<semaphore_mem>>
      %dma_start3A_50 = arith.constant 0 : i32
      %dma_start3A_51 = arith.constant 0 : i32
      %dma_start3A_52 = tpu.memref_slice %run_scoped3A[%rem3A_38, %dma_start3A_50, %dma_start3A_51] : memref<2x1x128xi32, #tpu.memory_space<vmem>> -> memref<1x1x128xi32, #tpu.memory_space<vmem>>
      %dma_start3A_53 = tpu.memref_squeeze %dma_start3A_52 : memref<1x1x128xi32, #tpu.memory_space<vmem>> -> memref<1x128xi32, #tpu.memory_space<vmem>>
      %dma_start3A_54 = arith.constant 0 : i32
      %dma_start3A_55 = tpu.memref_slice %arg3[%mul3A_42, %dma_start3A_54] : memref<1600x128xi32, #tpu.memory_space<hbm>> -> memref<1x128xi32, #tpu.memory_space<hbm>>
      tpu.enqueue_dma source(%dma_start3A_55 : memref<1x128xi32, #tpu.memory_space<hbm>>) target(%dma_start3A_53 : memref<1x128xi32, #tpu.memory_space<vmem>>) target_semaphore(%dma_start3A_49 : memref<!tpu.dma_semaphore, #tpu.memory_space<semaphore_mem>>)
      %add3A_56 = arith.constant 0 : i32
      %add3A_57 = arith.constant 1 : i32
      %add3A_58 = arith.addi %add3A_56, %add3A_57 : i32
      %select_n3A_59 = arith.constant true
      %select_n3A_60 = arith.constant 0 : i32
      %select_n3A_61 = arith.select %select_n3A_59, %add3A_58, %select_n3A_60 : i32
      "tpu.trace_stop"() : () -> ()
      %scan3A = arith.constant 0 : i32
      %scan3A_62 = arith.constant 0 : i32
      %scan3A_63 = arith.constant 0 : i32
      %scan3A_64 = arith.constant 0 : i32
      %scan3A_65 = arith.constant 0 : i32
      %scan3A_66 = arith.constant 10 : i32
      %scan3A_67 = arith.addi %scan3A_65, %scan3A_66 : i32
      %scan3A_68 = arith.constant 1 : i32
      %scan3A_69:5 = scf.for %scan3A_123 = %scan3A_65 to %scan3A_67 step %scan3A_68 iter_args(%scan3A_124 = %select_n3A_61, %scan3A_125 = %scan3A, %scan3A_126 = %scan3A_62, %scan3A_127 = %scan3A_63, %scan3A_128 = %scan3A_64) -> (i32, i32, i32, i32, i32)  : i32 {
        %eq3A_129 = arith.constant 0 : i32
        %eq3A_130 = arith.cmpi eq, %scan3A_123, %eq3A_129 : i32
        %eq3A_131 = arith.constant 9 : i32
        %eq3A_132 = arith.cmpi eq, %scan3A_123, %eq3A_131 : i32
        %add3A_133 = arith.addi %scan3A_128, %mul3A_6 : i32
        %sub3A_134 = arith.constant 1 : i32
        %sub3A_135 = arith.subi %scan3A_128, %sub3A_134 : i32
        %select_n3A_136 = arith.constant true
        %select_n3A_137 = arith.select %select_n3A_136, %sub3A_135, %scan3A_128 : i32
        %eq3A_138 = arith.constant -1 : i32
        %eq3A_139 = arith.cmpi eq, %select_n3A_137, %eq3A_138 : i32
        %select_n3A_140 = arith.constant 9 : i32
        %select_n3A_141 = arith.select %eq3A_139, %select_n3A_140, %select_n3A_137 : i32
        %add3A_142 = arith.addi %select_n3A_141, %mul3A_6 : i32
        %add3A_143 = arith.constant 1 : i32
        %add3A_144 = arith.addi %scan3A_128, %add3A_143 : i32
        %select_n3A_145 = arith.constant true
        %select_n3A_146 = arith.select %select_n3A_145, %add3A_144, %scan3A_128 : i32
        %eq3A_147 = arith.constant 10 : i32
        %eq3A_148 = arith.cmpi eq, %select_n3A_146, %eq3A_147 : i32
        %select_n3A_149 = arith.constant 0 : i32
        %select_n3A_150 = arith.select %eq3A_148, %select_n3A_149, %select_n3A_146 : i32
        %add3A_151 = arith.addi %select_n3A_150, %mul3A_6 : i32
        %add3A_152 = arith.constant 1 : i32
        %add3A_153 = arith.addi %select_n3A_150, %add3A_152 : i32
        %select_n3A_154 = arith.constant true
        %select_n3A_155 = arith.select %select_n3A_154, %add3A_153, %select_n3A_150 : i32
        %eq3A_156 = arith.constant 10 : i32
        %eq3A_157 = arith.cmpi eq, %select_n3A_155, %eq3A_156 : i32
        %select_n3A_158 = arith.constant 0 : i32
        %select_n3A_159 = arith.select %eq3A_157, %select_n3A_158, %select_n3A_155 : i32
        %add3A_160 = arith.addi %select_n3A_159, %mul3A_6 : i32
        %add3A_161 = arith.constant 0 : i32
        %add3A_162 = arith.addi %add3A_133, %add3A_161 : i32
        %add3A_163 = arith.constant 0 : i32
        %add3A_164 = arith.addi %add3A_151, %add3A_163 : i32
        %ne3A = arith.cmpi ne, %add3A_162, %add3A_164 : i32
        %or3A = arith.constant false
        %or3A_165 = arith.ori %or3A, %ne3A : i1
        %or3A_166 = arith.constant false
        %or3A_167 = arith.ori %or3A_165, %or3A_166 : i1
        %ge3A = arith.constant 9 : i32
        %ge3A_168 = arith.cmpi sge, %scan3A_123, %ge3A : i32
        %not3A = arith.constant true
        %not3A_169 = arith.xori %ge3A_168, %not3A : i1
        %and3A = arith.andi %or3A_167, %not3A_169 : i1
        %convert_element_type3A = arith.extui %and3A : i1 to i32
        %cond3A = arith.constant 0 : i32
        %cond3A_170 = arith.cmpi ne, %convert_element_type3A, %cond3A : i32
        scf.if %cond3A_170 {
          "tpu.trace_start"() <{level = 10 : i32, message = "ep_copy_in"}> : () -> ()
          %rem3A_296 = arith.constant 2 : i32
          %rem3A_297 = arith.remui %scan3A_124, %rem3A_296 : i32
          %add3A_298 = arith.constant 0 : i32
          %add3A_299 = arith.addi %add3A_151, %add3A_298 : i32
          %mul3A_300 = arith.constant 1 : i32
          %mul3A_301 = arith.muli %mul3A_300, %add3A_299 : i32
          %dma_start3A_302 = arith.constant 0 : i32
          %dma_start3A_303 = arith.constant 0 : i32
          %dma_start3A_304 = tpu.memref_slice %run_scoped3A[%rem3A_297, %dma_start3A_302, %dma_start3A_303] : memref<2x1x128xi32, #tpu.memory_space<vmem>> -> memref<1x1x128xi32, #tpu.memory_space<vmem>>
          %dma_start3A_305 = tpu.memref_squeeze %dma_start3A_304 : memref<1x1x128xi32, #tpu.memory_space<vmem>> -> memref<1x128xi32, #tpu.memory_space<vmem>>
          %dma_start3A_306 = arith.constant 0 : i32
          %dma_start3A_307 = tpu.memref_slice %arg3[%mul3A_301, %dma_start3A_306] : memref<1600x128xi32, #tpu.memory_space<hbm>> -> memref<1x128xi32, #tpu.memory_space<hbm>>
          %dma_start3A_308 = tpu.memref_slice %run_scoped3A_7[%rem3A_297] : memref<2x!tpu.dma_semaphore, #tpu.memory_space<semaphore_mem>> -> memref<1x!tpu.dma_semaphore, #tpu.memory_space<semaphore_mem>>
          %dma_start3A_309 = tpu.memref_squeeze %dma_start3A_308 : memref<1x!tpu.dma_semaphore, #tpu.memory_space<semaphore_mem>> -> memref<!tpu.dma_semaphore, #tpu.memory_space<semaphore_mem>>
          %dma_start3A_310 = arith.constant 0 : i32
          %dma_start3A_311 = arith.constant 0 : i32
          %dma_start3A_312 = tpu.memref_slice %run_scoped3A[%rem3A_297, %dma_start3A_310, %dma_start3A_311] : memref<2x1x128xi32, #tpu.memory_space<vmem>> -> memref<1x1x128xi32, #tpu.memory_space<vmem>>
          %dma_start3A_313 = tpu.memref_squeeze %dma_start3A_312 : memref<1x1x128xi32, #tpu.memory_space<vmem>> -> memref<1x128xi32, #tpu.memory_space<vmem>>
          %dma_start3A_314 = arith.constant 0 : i32
          %dma_start3A_315 = tpu.memref_slice %arg3[%mul3A_301, %dma_start3A_314] : memref<1600x128xi32, #tpu.memory_space<hbm>> -> memref<1x128xi32, #tpu.memory_space<hbm>>
          tpu.enqueue_dma source(%dma_start3A_315 : memref<1x128xi32, #tpu.memory_space<hbm>>) target(%dma_start3A_313 : memref<1x128xi32, #tpu.memory_space<vmem>>) target_semaphore(%dma_start3A_309 : memref<!tpu.dma_semaphore, #tpu.memory_space<semaphore_mem>>)
          "tpu.trace_stop"() : () -> ()
        } else {
        }
        %and3A_171 = arith.constant true
        %and3A_172 = arith.andi %and3A, %and3A_171 : i1
        %add3A_173 = arith.constant 1 : i32
        %add3A_174 = arith.addi %scan3A_124, %add3A_173 : i32
        %select_n3A_175 = arith.select %and3A_172, %add3A_174, %scan3A_124 : i32
        %ne3A_176 = arith.cmpi ne, %add3A_133, %add3A_151 : i32
        %or3A_177 = arith.constant false
        %or3A_178 = arith.ori %or3A_177, %ne3A_176 : i1
        %or3A_179 = arith.constant false
        %or3A_180 = arith.ori %or3A_178, %or3A_179 : i1
        %ge3A_181 = arith.constant 9 : i32
        %ge3A_182 = arith.cmpi sge, %scan3A_123, %ge3A_181 : i32
        %not3A_183 = arith.constant true
        %not3A_184 = arith.xori %ge3A_182, %not3A_183 : i1
        %and3A_185 = arith.andi %or3A_180, %not3A_184 : i1
        %add3A_186 = arith.constant 0 : i32
        %add3A_187 = arith.addi %add3A_133, %add3A_186 : i32
        %add3A_188 = arith.constant 0 : i32
        %add3A_189 = arith.addi %add3A_142, %add3A_188 : i32
        %ne3A_190 = arith.cmpi ne, %add3A_187, %add3A_189 : i32
        %or3A_191 = arith.constant false
        %or3A_192 = arith.ori %or3A_191, %ne3A_190 : i1
        %or3A_193 = arith.constant false
        %or3A_194 = arith.ori %or3A_192, %or3A_193 : i1
        %or3A_195 = arith.ori %or3A_194, %eq3A_130 : i1
        %convert_element_type3A_196 = arith.extui %or3A_195 : i1 to i32
        %cond3A_197 = arith.constant 0 : i32
        %cond3A_198 = arith.cmpi ne, %convert_element_type3A_196, %cond3A_197 : i32
        scf.if %cond3A_198 {
          "tpu.trace_start"() <{level = 10 : i32, message = "ep_wait_in"}> : () -> ()
          %add3A_296 = arith.constant 0 : i32
          %add3A_297 = arith.addi %add3A_133, %add3A_296 : i32
          %mul3A_298 = arith.constant 1 : i32
          %mul3A_299 = arith.muli %mul3A_298, %add3A_297 : i32
          %rem3A_300 = arith.constant 2 : i32
          %rem3A_301 = arith.remui %scan3A_125, %rem3A_300 : i32
          %dma_wait3A_302 = arith.constant 0 : i32
          %dma_wait3A_303 = arith.constant 0 : i32
          %dma_wait3A_304 = tpu.memref_slice %run_scoped3A[%rem3A_301, %dma_wait3A_302, %dma_wait3A_303] : memref<2x1x128xi32, #tpu.memory_space<vmem>> -> memref<1x1x128xi32, #tpu.memory_space<vmem>>
          %dma_wait3A_305 = tpu.memref_squeeze %dma_wait3A_304 : memref<1x1x128xi32, #tpu.memory_space<vmem>> -> memref<1x128xi32, #tpu.memory_space<vmem>>
          %dma_wait3A_306 = arith.constant 0 : i32
          %dma_wait3A_307 = tpu.memref_slice %arg3[%mul3A_299, %dma_wait3A_306] : memref<1600x128xi32, #tpu.memory_space<hbm>> -> memref<1x128xi32, #tpu.memory_space<hbm>>
          %dma_wait3A_308 = tpu.memref_slice %run_scoped3A_7[%rem3A_301] : memref<2x!tpu.dma_semaphore, #tpu.memory_space<semaphore_mem>> -> memref<1x!tpu.dma_semaphore, #tpu.memory_space<semaphore_mem>>
          %dma_wait3A_309 = tpu.memref_squeeze %dma_wait3A_308 : memref<1x!tpu.dma_semaphore, #tpu.memory_space<semaphore_mem>> -> memref<!tpu.dma_semaphore, #tpu.memory_space<semaphore_mem>>
          %dma_wait3A_310 = arith.constant 0 : i32
          %dma_wait3A_311 = arith.constant 0 : i32
          %dma_wait3A_312 = tpu.memref_slice %run_scoped3A[%rem3A_301, %dma_wait3A_310, %dma_wait3A_311] : memref<2x1x128xi32, #tpu.memory_space<vmem>> -> memref<1x1x128xi32, #tpu.memory_space<vmem>>
          %dma_wait3A_313 = tpu.memref_squeeze %dma_wait3A_312 : memref<1x1x128xi32, #tpu.memory_space<vmem>> -> memref<1x128xi32, #tpu.memory_space<vmem>>
          %dma_wait3A_314 = arith.constant 0 : i32
          %dma_wait3A_315 = tpu.memref_slice %arg3[%mul3A_299, %dma_wait3A_314] : memref<1600x128xi32, #tpu.memory_space<hbm>> -> memref<1x128xi32, #tpu.memory_space<hbm>>
          tpu.wait_dma2 semaphore(%dma_wait3A_309 : memref<!tpu.dma_semaphore, #tpu.memory_space<semaphore_mem>>) src(%dma_wait3A_315 : memref<1x128xi32, #tpu.memory_space<hbm>>) dst(%dma_wait3A_313 : memref<1x128xi32, #tpu.memory_space<vmem>>)
          "tpu.trace_stop"() : () -> ()
        } else {
        }
        %ne3A_199 = arith.cmpi ne, %add3A_133, %add3A_142 : i32
        %or3A_200 = arith.constant false
        %or3A_201 = arith.ori %or3A_200, %ne3A_199 : i1
        %or3A_202 = arith.constant false
        %or3A_203 = arith.ori %or3A_201, %or3A_202 : i1
        %or3A_204 = arith.ori %or3A_203, %eq3A_130 : i1
        %convert_element_type3A_205 = arith.extui %or3A_204 : i1 to i32
        %cond3A_206 = arith.constant 0 : i32
        %cond3A_207 = arith.cmpi ne, %convert_element_type3A_205, %cond3A_206 : i32
        scf.if %cond3A_207 {
        } else {
        }
        %rem3A_208 = arith.constant 2 : i32
        %rem3A_209 = arith.remui %scan3A_125, %rem3A_208 : i32
        %rem3A_210 = arith.constant 2 : i32
        %rem3A_211 = arith.remui %scan3A_126, %rem3A_210 : i32
        %run_scoped3A_212 = arith.constant 0 : i32
        "tpu.trace_start"() <{level = 10 : i32, message = "ep_run_kernel"}> : () -> ()
        "tpu.region"() ({
          %run_scoped3A_296 = tpu.sem_alloc : memref<!tpu.dma_semaphore, #tpu.memory_space<semaphore_mem>>
          %dma_start3A_297 = arith.constant 0 : i32
          %dma_start3A_298 = arith.constant 0 : i32
          %dma_start3A_299 = tpu.memref_slice %run_scoped3A_8[%rem3A_211, %dma_start3A_297, %dma_start3A_298] : memref<2x128x128xf32, #tpu.memory_space<vmem>> -> memref<1x128x128xf32, #tpu.memory_space<vmem>>
          %dma_start3A_300 = tpu.memref_squeeze %dma_start3A_299 : memref<1x128x128xf32, #tpu.memory_space<vmem>> -> memref<128x128xf32, #tpu.memory_space<vmem>>
          %dma_start3A_301 = arith.constant 0 : i32
          %dma_start3A_302 = arith.constant 0 : i32
          %dma_start3A_303 = tpu.memref_slice %run_scoped3A[%rem3A_209, %dma_start3A_301, %dma_start3A_302] : memref<2x1x128xi32, #tpu.memory_space<vmem>> -> memref<1x1x128xi32, #tpu.memory_space<vmem>>
          %dma_start3A_304 = tpu.memref_squeeze %dma_start3A_303 : memref<1x1x128xi32, #tpu.memory_space<vmem>> -> memref<1x128xi32, #tpu.memory_space<vmem>>
          %dma_start3A_305 = arith.constant 0 : i32
          %dma_start3A_306 = tpu.memref_slice %dma_start3A_304[%run_scoped3A_212, %dma_start3A_305] : memref<1x128xi32, #tpu.memory_space<vmem>> -> memref<1x128xi32, #tpu.memory_space<vmem>>
          %dma_start3A_307 = tpu.memref_squeeze %dma_start3A_306 : memref<1x128xi32, #tpu.memory_space<vmem>> -> memref<128xi32, #tpu.memory_space<vmem>>
          %dma_start3A_308 = arith.constant 0 : i32
          %dma_start3A_309 = arith.constant 0 : i32
          %dma_start3A_310 = tpu.memref_slice %arg2[%dma_start3A_308, %dma_start3A_309] : memref<100000x128xf32, #tpu.memory_space<hbm>> -> memref<100000x128xf32, #tpu.memory_space<hbm>>
          tpu.enqueue_indirect_dma source(%dma_start3A_310 : memref<100000x128xf32, #tpu.memory_space<hbm>>) target(%dma_start3A_300 : memref<128x128xf32, #tpu.memory_space<vmem>>) offsets(%dma_start3A_307 : memref<128xi32, #tpu.memory_space<vmem>>) semaphore(%run_scoped3A_296 : memref<!tpu.dma_semaphore, #tpu.memory_space<semaphore_mem>>)
          %dma_wait3A_311 = arith.constant 0 : i32
          %dma_wait3A_312 = arith.constant 0 : i32
          %dma_wait3A_313 = tpu.memref_slice %run_scoped3A_8[%rem3A_211, %dma_wait3A_311, %dma_wait3A_312] : memref<2x128x128xf32, #tpu.memory_space<vmem>> -> memref<1x128x128xf32, #tpu.memory_space<vmem>>
          %dma_wait3A_314 = tpu.memref_squeeze %dma_wait3A_313 : memref<1x128x128xf32, #tpu.memory_space<vmem>> -> memref<128x128xf32, #tpu.memory_space<vmem>>
          %dma_wait3A_315 = arith.constant 0 : i32
          %dma_wait3A_316 = arith.constant 0 : i32
          %dma_wait3A_317 = tpu.memref_slice %run_scoped3A[%rem3A_209, %dma_wait3A_315, %dma_wait3A_316] : memref<2x1x128xi32, #tpu.memory_space<vmem>> -> memref<1x1x128xi32, #tpu.memory_space<vmem>>
          %dma_wait3A_318 = tpu.memref_squeeze %dma_wait3A_317 : memref<1x1x128xi32, #tpu.memory_space<vmem>> -> memref<1x128xi32, #tpu.memory_space<vmem>>
          %dma_wait3A_319 = arith.constant 0 : i32
          %dma_wait3A_320 = tpu.memref_slice %dma_wait3A_318[%run_scoped3A_212, %dma_wait3A_319] : memref<1x128xi32, #tpu.memory_space<vmem>> -> memref<1x128xi32, #tpu.memory_space<vmem>>
          %dma_wait3A_321 = tpu.memref_squeeze %dma_wait3A_320 : memref<1x128xi32, #tpu.memory_space<vmem>> -> memref<128xi32, #tpu.memory_space<vmem>>
          %dma_wait3A_322 = arith.constant 0 : i32
          %dma_wait3A_323 = arith.constant 0 : i32
          %dma_wait3A_324 = tpu.memref_slice %arg2[%dma_wait3A_322, %dma_wait3A_323] : memref<100000x128xf32, #tpu.memory_space<hbm>> -> memref<100000x128xf32, #tpu.memory_space<hbm>>
          tpu.wait_indirect_dma semaphore(%run_scoped3A_296 : memref<!tpu.dma_semaphore, #tpu.memory_space<semaphore_mem>>) src(%dma_wait3A_324 : memref<100000x128xf32, #tpu.memory_space<hbm>>) dst(%dma_wait3A_314 : memref<128x128xf32, #tpu.memory_space<vmem>>)
          tpu.yield
        }) : () -> ()
        "tpu.trace_stop"() : () -> ()
        %add3A_213 = arith.constant 0 : i32
        %add3A_214 = arith.addi %add3A_133, %add3A_213 : i32
        %add3A_215 = arith.constant 0 : i32
        %add3A_216 = arith.addi %add3A_151, %add3A_215 : i32
        %ne3A_217 = arith.cmpi ne, %add3A_214, %add3A_216 : i32
        %or3A_218 = arith.constant false
        %or3A_219 = arith.ori %or3A_218, %ne3A_217 : i1
        %or3A_220 = arith.constant false
        %or3A_221 = arith.ori %or3A_219, %or3A_220 : i1
        %or3A_222 = arith.ori %or3A_221, %eq3A_132 : i1
        %convert_element_type3A_223 = arith.extui %or3A_222 : i1 to i32
        %cond3A_224 = arith.constant 0 : i32
        %cond3A_225 = arith.cmpi ne, %convert_element_type3A_223, %cond3A_224 : i32
        scf.if %cond3A_225 {
        } else {
        }
        %and3A_226 = arith.constant false
        %and3A_227 = arith.andi %or3A_222, %and3A_226 : i1
        %ne3A_228 = arith.cmpi ne, %add3A_133, %add3A_151 : i32
        %or3A_229 = arith.constant false
        %or3A_230 = arith.ori %or3A_229, %ne3A_228 : i1
        %or3A_231 = arith.constant false
        %or3A_232 = arith.ori %or3A_230, %or3A_231 : i1
        %or3A_233 = arith.ori %or3A_232, %eq3A_132 : i1
        %convert_element_type3A_234 = arith.extui %or3A_233 : i1 to i32
        %cond3A_235 = arith.constant 0 : i32
        %cond3A_236 = arith.cmpi ne, %convert_element_type3A_234, %cond3A_235 : i32
        scf.if %cond3A_236 {
          "tpu.trace_start"() <{level = 10 : i32, message = "ep_copy_out"}> : () -> ()
          %rem3A_296 = arith.constant 2 : i32
          %rem3A_297 = arith.remui %scan3A_126, %rem3A_296 : i32
          %mul3A_298 = arith.constant 128 : i32
          %mul3A_299 = arith.muli %mul3A_298, %add3A_133 : i32
          %dma_start3A_300 = arith.constant 0 : i32
          %dma_start3A_301 = arith.constant 0 : i32
          %dma_start3A_302 = tpu.memref_slice %run_scoped3A_8[%rem3A_297, %dma_start3A_300, %dma_start3A_301] : memref<2x128x128xf32, #tpu.memory_space<vmem>> -> memref<1x128x128xf32, #tpu.memory_space<vmem>>
          %dma_start3A_303 = tpu.memref_squeeze %dma_start3A_302 : memref<1x128x128xf32, #tpu.memory_space<vmem>> -> memref<128x128xf32, #tpu.memory_space<vmem>>
          %dma_start3A_304 = arith.constant 0 : i32
          %dma_start3A_305 = tpu.memref_slice %arg4[%mul3A_299, %dma_start3A_304] : memref<40960x128xf32, #tpu.memory_space<hbm>> -> memref<128x128xf32, #tpu.memory_space<hbm>>
          %dma_start3A_306 = tpu.memref_slice %run_scoped3A_9[%rem3A_297] : memref<2x!tpu.dma_semaphore, #tpu.memory_space<semaphore_mem>> -> memref<1x!tpu.dma_semaphore, #tpu.memory_space<semaphore_mem>>
          %dma_start3A_307 = tpu.memref_squeeze %dma_start3A_306 : memref<1x!tpu.dma_semaphore, #tpu.memory_space<semaphore_mem>> -> memref<!tpu.dma_semaphore, #tpu.memory_space<semaphore_mem>>
          %dma_start3A_308 = arith.constant 0 : i32
          %dma_start3A_309 = tpu.memref_slice %arg4[%mul3A_299, %dma_start3A_308] : memref<40960x128xf32, #tpu.memory_space<hbm>> -> memref<128x128xf32, #tpu.memory_space<hbm>>
          %dma_start3A_310 = arith.constant 0 : i32
          %dma_start3A_311 = arith.constant 0 : i32
          %dma_start3A_312 = tpu.memref_slice %run_scoped3A_8[%rem3A_297, %dma_start3A_310, %dma_start3A_311] : memref<2x128x128xf32, #tpu.memory_space<vmem>> -> memref<1x128x128xf32, #tpu.memory_space<vmem>>
          %dma_start3A_313 = tpu.memref_squeeze %dma_start3A_312 : memref<1x128x128xf32, #tpu.memory_space<vmem>> -> memref<128x128xf32, #tpu.memory_space<vmem>>
          tpu.enqueue_dma source(%dma_start3A_313 : memref<128x128xf32, #tpu.memory_space<vmem>>) target(%dma_start3A_309 : memref<128x128xf32, #tpu.memory_space<hbm>>) target_semaphore(%dma_start3A_307 : memref<!tpu.dma_semaphore, #tpu.memory_space<semaphore_mem>>)
          "tpu.trace_stop"() : () -> ()
        } else {
        }
        %and3A_237 = arith.constant true
        %and3A_238 = arith.andi %or3A_233, %and3A_237 : i1
        %add3A_239 = arith.constant 1 : i32
        %add3A_240 = arith.addi %scan3A_126, %add3A_239 : i32
        %select_n3A_241 = arith.select %and3A_238, %add3A_240, %scan3A_126 : i32
        %add3A_242 = arith.constant 0 : i32
        %add3A_243 = arith.addi %add3A_133, %add3A_242 : i32
        %add3A_244 = arith.constant 0 : i32
        %add3A_245 = arith.addi %add3A_142, %add3A_244 : i32
        %ne3A_246 = arith.cmpi ne, %add3A_243, %add3A_245 : i32
        %or3A_247 = arith.constant false
        %or3A_248 = arith.ori %or3A_247, %ne3A_246 : i1
        %or3A_249 = arith.constant false
        %or3A_250 = arith.ori %or3A_248, %or3A_249 : i1
        %not3A_251 = arith.constant true
        %not3A_252 = arith.xori %eq3A_130, %not3A_251 : i1
        %and3A_253 = arith.andi %or3A_250, %not3A_252 : i1
        %convert_element_type3A_254 = arith.extui %and3A_253 : i1 to i32
        %cond3A_255 = arith.constant 0 : i32
        %cond3A_256 = arith.cmpi ne, %convert_element_type3A_254, %cond3A_255 : i32
        scf.if %cond3A_256 {
        } else {
        }
        %and3A_257 = arith.constant false
        %and3A_258 = arith.andi %and3A_253, %and3A_257 : i1
        %ne3A_259 = arith.cmpi ne, %add3A_133, %add3A_142 : i32
        %or3A_260 = arith.constant false
        %or3A_261 = arith.ori %or3A_260, %ne3A_259 : i1
        %or3A_262 = arith.constant false
        %or3A_263 = arith.ori %or3A_261, %or3A_262 : i1
        %not3A_264 = arith.constant true
        %not3A_265 = arith.xori %eq3A_130, %not3A_264 : i1
        %and3A_266 = arith.andi %or3A_263, %not3A_265 : i1
        %convert_element_type3A_267 = arith.extui %and3A_266 : i1 to i32
        %cond3A_268 = arith.constant 0 : i32
        %cond3A_269 = arith.cmpi ne, %convert_element_type3A_267, %cond3A_268 : i32
        scf.if %cond3A_269 {
          "tpu.trace_start"() <{level = 10 : i32, message = "ep_wait_out"}> : () -> ()
          %rem3A_296 = arith.constant 2 : i32
          %rem3A_297 = arith.remui %scan3A_127, %rem3A_296 : i32
          %mul3A_298 = arith.constant 128 : i32
          %mul3A_299 = arith.muli %mul3A_298, %add3A_142 : i32
          %dma_wait3A_300 = arith.constant 0 : i32
          %dma_wait3A_301 = arith.constant 0 : i32
          %dma_wait3A_302 = tpu.memref_slice %run_scoped3A_8[%rem3A_297, %dma_wait3A_300, %dma_wait3A_301] : memref<2x128x128xf32, #tpu.memory_space<vmem>> -> memref<1x128x128xf32, #tpu.memory_space<vmem>>
          %dma_wait3A_303 = tpu.memref_squeeze %dma_wait3A_302 : memref<1x128x128xf32, #tpu.memory_space<vmem>> -> memref<128x128xf32, #tpu.memory_space<vmem>>
          %dma_wait3A_304 = arith.constant 0 : i32
          %dma_wait3A_305 = tpu.memref_slice %arg4[%mul3A_299, %dma_wait3A_304] : memref<40960x128xf32, #tpu.memory_space<hbm>> -> memref<128x128xf32, #tpu.memory_space<hbm>>
          %dma_wait3A_306 = tpu.memref_slice %run_scoped3A_9[%rem3A_297] : memref<2x!tpu.dma_semaphore, #tpu.memory_space<semaphore_mem>> -> memref<1x!tpu.dma_semaphore, #tpu.memory_space<semaphore_mem>>
          %dma_wait3A_307 = tpu.memref_squeeze %dma_wait3A_306 : memref<1x!tpu.dma_semaphore, #tpu.memory_space<semaphore_mem>> -> memref<!tpu.dma_semaphore, #tpu.memory_space<semaphore_mem>>
          %dma_wait3A_308 = arith.constant 0 : i32
          %dma_wait3A_309 = tpu.memref_slice %arg4[%mul3A_299, %dma_wait3A_308] : memref<40960x128xf32, #tpu.memory_space<hbm>> -> memref<128x128xf32, #tpu.memory_space<hbm>>
          %dma_wait3A_310 = arith.constant 0 : i32
          %dma_wait3A_311 = arith.constant 0 : i32
          %dma_wait3A_312 = tpu.memref_slice %run_scoped3A_8[%rem3A_297, %dma_wait3A_310, %dma_wait3A_311] : memref<2x128x128xf32, #tpu.memory_space<vmem>> -> memref<1x128x128xf32, #tpu.memory_space<vmem>>
          %dma_wait3A_313 = tpu.memref_squeeze %dma_wait3A_312 : memref<1x128x128xf32, #tpu.memory_space<vmem>> -> memref<128x128xf32, #tpu.memory_space<vmem>>
          tpu.wait_dma2 semaphore(%dma_wait3A_307 : memref<!tpu.dma_semaphore, #tpu.memory_space<semaphore_mem>>) src(%dma_wait3A_313 : memref<128x128xf32, #tpu.memory_space<vmem>>) dst(%dma_wait3A_309 : memref<128x128xf32, #tpu.memory_space<hbm>>)
          "tpu.trace_stop"() : () -> ()
        } else {
        }
        %and3A_270 = arith.constant true
        %and3A_271 = arith.andi %and3A_266, %and3A_270 : i1
        %add3A_272 = arith.constant 1 : i32
        %add3A_273 = arith.addi %scan3A_127, %add3A_272 : i32
        %select_n3A_274 = arith.select %and3A_271, %add3A_273, %scan3A_127 : i32
        %add3A_275 = arith.constant 0 : i32
        %add3A_276 = arith.addi %add3A_133, %add3A_275 : i32
        %add3A_277 = arith.constant 0 : i32
        %add3A_278 = arith.addi %add3A_151, %add3A_277 : i32
        %ne3A_279 = arith.cmpi ne, %add3A_276, %add3A_278 : i32
        %or3A_280 = arith.constant false
        %or3A_281 = arith.ori %or3A_280, %ne3A_279 : i1
        %or3A_282 = arith.constant false
        %or3A_283 = arith.ori %or3A_281, %or3A_282 : i1
        %or3A_284 = arith.ori %or3A_283, %eq3A_132 : i1
        %add3A_285 = arith.constant 1 : i32
        %add3A_286 = arith.addi %scan3A_125, %add3A_285 : i32
        %select_n3A_287 = arith.select %or3A_284, %add3A_286, %scan3A_125 : i32
        %add3A_288 = arith.constant 1 : i32
        %add3A_289 = arith.addi %scan3A_128, %add3A_288 : i32
        %select_n3A_290 = arith.constant true
        %select_n3A_291 = arith.select %select_n3A_290, %add3A_289, %scan3A_128 : i32
        %eq3A_292 = arith.constant 10 : i32
        %eq3A_293 = arith.cmpi eq, %select_n3A_291, %eq3A_292 : i32
        %select_n3A_294 = arith.constant 0 : i32
        %select_n3A_295 = arith.select %eq3A_293, %select_n3A_294, %select_n3A_291 : i32
        scf.yield %select_n3A_175, %select_n3A_287, %select_n3A_241, %select_n3A_274, %select_n3A_295 : i32, i32, i32, i32, i32
      }
      %scan3A_70 = arith.constant 10 : i32
      %sub3A = arith.constant 1 : i32
      %sub3A_71 = arith.subi %scan3A_69#4, %sub3A : i32
      %select_n3A_72 = arith.constant true
      %select_n3A_73 = arith.select %select_n3A_72, %sub3A_71, %scan3A_69#4 : i32
      %eq3A_74 = arith.constant -1 : i32
      %eq3A_75 = arith.cmpi eq, %select_n3A_73, %eq3A_74 : i32
      %select_n3A_76 = arith.constant 9 : i32
      %select_n3A_77 = arith.select %eq3A_75, %select_n3A_76, %select_n3A_73 : i32
      %add3A_78 = arith.addi %select_n3A_77, %mul3A_6 : i32
      %sub3A_79 = arith.constant 1 : i32
      %sub3A_80 = arith.subi %select_n3A_77, %sub3A_79 : i32
      %select_n3A_81 = arith.constant true
      %select_n3A_82 = arith.select %select_n3A_81, %sub3A_80, %select_n3A_77 : i32
      %eq3A_83 = arith.constant -1 : i32
      %eq3A_84 = arith.cmpi eq, %select_n3A_82, %eq3A_83 : i32
      %select_n3A_85 = arith.constant 9 : i32
      %select_n3A_86 = arith.select %eq3A_84, %select_n3A_85, %select_n3A_82 : i32
      %add3A_87 = arith.addi %select_n3A_86, %mul3A_6 : i32
      %add3A_88 = arith.constant 1 : i32
      %add3A_89 = arith.addi %select_n3A_77, %add3A_88 : i32
      %select_n3A_90 = arith.constant true
      %select_n3A_91 = arith.select %select_n3A_90, %add3A_89, %select_n3A_77 : i32
      %eq3A_92 = arith.constant 10 : i32
      %eq3A_93 = arith.cmpi eq, %select_n3A_91, %eq3A_92 : i32
      %select_n3A_94 = arith.constant 0 : i32
      %select_n3A_95 = arith.select %eq3A_93, %select_n3A_94, %select_n3A_91 : i32
      %add3A_96 = arith.addi %select_n3A_95, %mul3A_6 : i32
      %add3A_97 = arith.constant 1 : i32
      %add3A_98 = arith.addi %select_n3A_95, %add3A_97 : i32
      %select_n3A_99 = arith.constant true
      %select_n3A_100 = arith.select %select_n3A_99, %add3A_98, %select_n3A_95 : i32
      %eq3A_101 = arith.constant 10 : i32
      %eq3A_102 = arith.cmpi eq, %select_n3A_100, %eq3A_101 : i32
      %select_n3A_103 = arith.constant 0 : i32
      %select_n3A_104 = arith.select %eq3A_102, %select_n3A_103, %select_n3A_100 : i32
      %add3A_105 = arith.addi %select_n3A_104, %mul3A_6 : i32
      "tpu.trace_start"() <{level = 10 : i32, message = "ep_finalize"}> : () -> ()
      %rem3A_106 = arith.constant 2 : i32
      %rem3A_107 = arith.remui %scan3A_69#3, %rem3A_106 : i32
      %mul3A_108 = arith.constant 128 : i32
      %mul3A_109 = arith.muli %mul3A_108, %add3A_78 : i32
      %dma_wait3A = arith.constant 0 : i32
      %dma_wait3A_110 = arith.constant 0 : i32
      %dma_wait3A_111 = tpu.memref_slice %run_scoped3A_8[%rem3A_107, %dma_wait3A, %dma_wait3A_110] : memref<2x128x128xf32, #tpu.memory_space<vmem>> -> memref<1x128x128xf32, #tpu.memory_space<vmem>>
      %dma_wait3A_112 = tpu.memref_squeeze %dma_wait3A_111 : memref<1x128x128xf32, #tpu.memory_space<vmem>> -> memref<128x128xf32, #tpu.memory_space<vmem>>
      %dma_wait3A_113 = arith.constant 0 : i32
      %dma_wait3A_114 = tpu.memref_slice %arg4[%mul3A_109, %dma_wait3A_113] : memref<40960x128xf32, #tpu.memory_space<hbm>> -> memref<128x128xf32, #tpu.memory_space<hbm>>
      %dma_wait3A_115 = tpu.memref_slice %run_scoped3A_9[%rem3A_107] : memref<2x!tpu.dma_semaphore, #tpu.memory_space<semaphore_mem>> -> memref<1x!tpu.dma_semaphore, #tpu.memory_space<semaphore_mem>>
      %dma_wait3A_116 = tpu.memref_squeeze %dma_wait3A_115 : memref<1x!tpu.dma_semaphore, #tpu.memory_space<semaphore_mem>> -> memref<!tpu.dma_semaphore, #tpu.memory_space<semaphore_mem>>
      %dma_wait3A_117 = arith.constant 0 : i32
      %dma_wait3A_118 = tpu.memref_slice %arg4[%mul3A_109, %dma_wait3A_117] : memref<40960x128xf32, #tpu.memory_space<hbm>> -> memref<128x128xf32, #tpu.memory_space<hbm>>
      %dma_wait3A_119 = arith.constant 0 : i32
      %dma_wait3A_120 = arith.constant 0 : i32
      %dma_wait3A_121 = tpu.memref_slice %run_scoped3A_8[%rem3A_107, %dma_wait3A_119, %dma_wait3A_120] : memref<2x128x128xf32, #tpu.memory_space<vmem>> -> memref<1x128x128xf32, #tpu.memory_space<vmem>>
      %dma_wait3A_122 = tpu.memref_squeeze %dma_wait3A_121 : memref<1x128x128xf32, #tpu.memory_space<vmem>> -> memref<128x128xf32, #tpu.memory_space<vmem>>
      tpu.wait_dma2 semaphore(%dma_wait3A_116 : memref<!tpu.dma_semaphore, #tpu.memory_space<semaphore_mem>>) src(%dma_wait3A_122 : memref<128x128xf32, #tpu.memory_space<vmem>>) dst(%dma_wait3A_118 : memref<128x128xf32, #tpu.memory_space<hbm>>)
      "tpu.trace_stop"() : () -> ()
      tpu.yield
    }) : () -> ()
    return
  }
}

#map = affine_map<(d0, d1) -> (0, 0)>
module attributes {stable_mosaic.version = 14 : i64} {
  func.func @_sc_gather_body(%arg0: i32, %arg1: i32, %arg2: memref<100000x128xf32, #tpu.memory_space<hbm>>, %arg3: memref<1600x128xi32, #tpu.memory_space<hbm>>, %arg4: memref<40960x128xf32, #tpu.memory_space<hbm>>) attributes {dimension_semantics = [#tpu.dimension_semantics<core_parallel>, #tpu.dimension_semantics<subcore_parallel>], iteration_bounds = array<i64: 2, 16>, scalar_prefetch = 0 : i64, scratch_operands = 0 : i64, tpu.core_type = #tpu.core_type<sc_vector_subcore>, window_params = [{transform_indices = #map}, {transform_indices = #map}, {transform_indices = #map}]} {
    %mul3A = arith.constant 1 : i32
    %mul3A_0 = arith.muli %arg1, %mul3A : i32
    %add3A = arith.constant 0 : i32
    %add3A_1 = arith.addi %add3A, %mul3A_0 : i32
    %mul3A_2 = arith.constant 16 : i32
    %mul3A_3 = arith.muli %arg0, %mul3A_2 : i32
    %add3A_4 = arith.addi %add3A_1, %mul3A_3 : i32
    %mul3A_5 = arith.constant 10 : i32
    %mul3A_6 = arith.muli %add3A_4, %mul3A_5 : i32
    "tpu.region"() ({
      %run_scoped3A = memref.alloca() : memref<2x1x128xi32, #tpu.memory_space<vmem>>
      %run_scoped3A_7 = tpu.sem_alloc : memref<2x!tpu.dma_semaphore, #tpu.memory_space<semaphore_mem>>
      %run_scoped3A_8 = memref.alloca() : memref<2x128x128xf32, #tpu.memory_space<vmem>>
      %run_scoped3A_9 = tpu.sem_alloc : memref<2x!tpu.dma_semaphore, #tpu.memory_space<semaphore_mem>>
      %add3A_10 = arith.constant 0 : i32
      %add3A_11 = arith.addi %add3A_10, %mul3A_6 : i32
      %select_n3A = arith.constant true
      %select_n3A_12 = arith.constant 0 : i32
      %select_n3A_13 = arith.constant -1 : i32
      %select_n3A_14 = arith.select %select_n3A, %select_n3A_13, %select_n3A_12 : i32
      %eq3A = arith.constant -1 : i32
      %eq3A_15 = arith.cmpi eq, %select_n3A_14, %eq3A : i32
      %select_n3A_16 = arith.constant 9 : i32
      %select_n3A_17 = arith.select %eq3A_15, %select_n3A_16, %select_n3A_14 : i32
      %add3A_18 = arith.addi %select_n3A_17, %mul3A_6 : i32
      %select_n3A_19 = arith.constant true
      %select_n3A_20 = arith.constant 0 : i32
      %select_n3A_21 = arith.constant 1 : i32
      %select_n3A_22 = arith.select %select_n3A_19, %select_n3A_21, %select_n3A_20 : i32
      %eq3A_23 = arith.constant 10 : i32
      %eq3A_24 = arith.cmpi eq, %select_n3A_22, %eq3A_23 : i32
      %select_n3A_25 = arith.constant 0 : i32
      %select_n3A_26 = arith.select %eq3A_24, %select_n3A_25, %select_n3A_22 : i32
      %add3A_27 = arith.addi %select_n3A_26, %mul3A_6 : i32
      %add3A_28 = arith.constant 1 : i32
      %add3A_29 = arith.addi %select_n3A_26, %add3A_28 : i32
      %select_n3A_30 = arith.constant true
      %select_n3A_31 = arith.select %select_n3A_30, %add3A_29, %select_n3A_26 : i32
      %eq3A_32 = arith.constant 10 : i32
      %eq3A_33 = arith.cmpi eq, %select_n3A_31, %eq3A_32 : i32
      %select_n3A_34 = arith.constant 0 : i32
      %select_n3A_35 = arith.select %eq3A_33, %select_n3A_34, %select_n3A_31 : i32
      %add3A_36 = arith.addi %select_n3A_35, %mul3A_6 : i32
      "tpu.trace_start"() <{level = 10 : i32, message = "ep_initialize_0"}> : () -> ()
      %rem3A = arith.constant 0 : i32
      %rem3A_37 = arith.constant 2 : i32
      %rem3A_38 = arith.remui %rem3A, %rem3A_37 : i32
      %add3A_39 = arith.constant 1280 : i32
      %add3A_40 = arith.addi %add3A_11, %add3A_39 : i32
      %mul3A_41 = arith.constant 1 : i32
      %mul3A_42 = arith.muli %mul3A_41, %add3A_40 : i32
      %dma_start3A = arith.constant 0 : i32
      %dma_start3A_43 = arith.constant 0 : i32
      %dma_start3A_44 = tpu.memref_slice %run_scoped3A[%rem3A_38, %dma_start3A, %dma_start3A_43] : memref<2x1x128xi32, #tpu.memory_space<vmem>> -> memref<1x1x128xi32, #tpu.memory_space<vmem>>
      %dma_start3A_45 = tpu.memref_squeeze %dma_start3A_44 : memref<1x1x128xi32, #tpu.memory_space<vmem>> -> memref<1x128xi32, #tpu.memory_space<vmem>>
      %dma_start3A_46 = arith.constant 0 : i32
      %dma_start3A_47 = tpu.memref_slice %arg3[%mul3A_42, %dma_start3A_46] : memref<1600x128xi32, #tpu.memory_space<hbm>> -> memref<1x128xi32, #tpu.memory_space<hbm>>
      %dma_start3A_48 = tpu.memref_slice %run_scoped3A_7[%rem3A_38] : memref<2x!tpu.dma_semaphore, #tpu.memory_space<semaphore_mem>> -> memref<1x!tpu.dma_semaphore, #tpu.memory_space<semaphore_mem>>
      %dma_start3A_49 = tpu.memref_squeeze %dma_start3A_48 : memref<1x!tpu.dma_semaphore, #tpu.memory_space<semaphore_mem>> -> memref<!tpu.dma_semaphore, #tpu.memory_space<semaphore_mem>>
      %dma_start3A_50 = arith.constant 0 : i32
      %dma_start3A_51 = arith.constant 0 : i32
      %dma_start3A_52 = tpu.memref_slice %run_scoped3A[%rem3A_38, %dma_start3A_50, %dma_start3A_51] : memref<2x1x128xi32, #tpu.memory_space<vmem>> -> memref<1x1x128xi32, #tpu.memory_space<vmem>>
      %dma_start3A_53 = tpu.memref_squeeze %dma_start3A_52 : memref<1x1x128xi32, #tpu.memory_space<vmem>> -> memref<1x128xi32, #tpu.memory_space<vmem>>
      %dma_start3A_54 = arith.constant 0 : i32
      %dma_start3A_55 = tpu.memref_slice %arg3[%mul3A_42, %dma_start3A_54] : memref<1600x128xi32, #tpu.memory_space<hbm>> -> memref<1x128xi32, #tpu.memory_space<hbm>>
      tpu.enqueue_dma source(%dma_start3A_55 : memref<1x128xi32, #tpu.memory_space<hbm>>) target(%dma_start3A_53 : memref<1x128xi32, #tpu.memory_space<vmem>>) target_semaphore(%dma_start3A_49 : memref<!tpu.dma_semaphore, #tpu.memory_space<semaphore_mem>>)
      %add3A_56 = arith.constant 0 : i32
      %add3A_57 = arith.constant 1 : i32
      %add3A_58 = arith.addi %add3A_56, %add3A_57 : i32
      %select_n3A_59 = arith.constant true
      %select_n3A_60 = arith.constant 0 : i32
      %select_n3A_61 = arith.select %select_n3A_59, %add3A_58, %select_n3A_60 : i32
      "tpu.trace_stop"() : () -> ()
      %scan3A = arith.constant 0 : i32
      %scan3A_62 = arith.constant 0 : i32
      %scan3A_63 = arith.constant 0 : i32
      %scan3A_64 = arith.constant 0 : i32
      %scan3A_65 = arith.constant 0 : i32
      %scan3A_66 = arith.constant 10 : i32
      %scan3A_67 = arith.addi %scan3A_65, %scan3A_66 : i32
      %scan3A_68 = arith.constant 1 : i32
      %scan3A_69:5 = scf.for %scan3A_123 = %scan3A_65 to %scan3A_67 step %scan3A_68 iter_args(%scan3A_124 = %select_n3A_61, %scan3A_125 = %scan3A, %scan3A_126 = %scan3A_62, %scan3A_127 = %scan3A_63, %scan3A_128 = %scan3A_64) -> (i32, i32, i32, i32, i32)  : i32 {
        %eq3A_129 = arith.constant 0 : i32
        %eq3A_130 = arith.cmpi eq, %scan3A_123, %eq3A_129 : i32
        %eq3A_131 = arith.constant 9 : i32
        %eq3A_132 = arith.cmpi eq, %scan3A_123, %eq3A_131 : i32
        %add3A_133 = arith.addi %scan3A_128, %mul3A_6 : i32
        %sub3A_134 = arith.constant 1 : i32
        %sub3A_135 = arith.subi %scan3A_128, %sub3A_134 : i32
        %select_n3A_136 = arith.constant true
        %select_n3A_137 = arith.select %select_n3A_136, %sub3A_135, %scan3A_128 : i32
        %eq3A_138 = arith.constant -1 : i32
        %eq3A_139 = arith.cmpi eq, %select_n3A_137, %eq3A_138 : i32
        %select_n3A_140 = arith.constant 9 : i32
        %select_n3A_141 = arith.select %eq3A_139, %select_n3A_140, %select_n3A_137 : i32
        %add3A_142 = arith.addi %select_n3A_141, %mul3A_6 : i32
        %add3A_143 = arith.constant 1 : i32
        %add3A_144 = arith.addi %scan3A_128, %add3A_143 : i32
        %select_n3A_145 = arith.constant true
        %select_n3A_146 = arith.select %select_n3A_145, %add3A_144, %scan3A_128 : i32
        %eq3A_147 = arith.constant 10 : i32
        %eq3A_148 = arith.cmpi eq, %select_n3A_146, %eq3A_147 : i32
        %select_n3A_149 = arith.constant 0 : i32
        %select_n3A_150 = arith.select %eq3A_148, %select_n3A_149, %select_n3A_146 : i32
        %add3A_151 = arith.addi %select_n3A_150, %mul3A_6 : i32
        %add3A_152 = arith.constant 1 : i32
        %add3A_153 = arith.addi %select_n3A_150, %add3A_152 : i32
        %select_n3A_154 = arith.constant true
        %select_n3A_155 = arith.select %select_n3A_154, %add3A_153, %select_n3A_150 : i32
        %eq3A_156 = arith.constant 10 : i32
        %eq3A_157 = arith.cmpi eq, %select_n3A_155, %eq3A_156 : i32
        %select_n3A_158 = arith.constant 0 : i32
        %select_n3A_159 = arith.select %eq3A_157, %select_n3A_158, %select_n3A_155 : i32
        %add3A_160 = arith.addi %select_n3A_159, %mul3A_6 : i32
        %add3A_161 = arith.constant 1280 : i32
        %add3A_162 = arith.addi %add3A_133, %add3A_161 : i32
        %add3A_163 = arith.constant 1280 : i32
        %add3A_164 = arith.addi %add3A_151, %add3A_163 : i32
        %ne3A = arith.cmpi ne, %add3A_162, %add3A_164 : i32
        %or3A = arith.constant false
        %or3A_165 = arith.ori %or3A, %ne3A : i1
        %or3A_166 = arith.constant false
        %or3A_167 = arith.ori %or3A_165, %or3A_166 : i1
        %ge3A = arith.constant 9 : i32
        %ge3A_168 = arith.cmpi sge, %scan3A_123, %ge3A : i32
        %not3A = arith.constant true
        %not3A_169 = arith.xori %ge3A_168, %not3A : i1
        %and3A = arith.andi %or3A_167, %not3A_169 : i1
        %convert_element_type3A = arith.extui %and3A : i1 to i32
        %cond3A = arith.constant 0 : i32
        %cond3A_170 = arith.cmpi ne, %convert_element_type3A, %cond3A : i32
        scf.if %cond3A_170 {
          "tpu.trace_start"() <{level = 10 : i32, message = "ep_copy_in"}> : () -> ()
          %rem3A_296 = arith.constant 2 : i32
          %rem3A_297 = arith.remui %scan3A_124, %rem3A_296 : i32
          %add3A_298 = arith.constant 1280 : i32
          %add3A_299 = arith.addi %add3A_151, %add3A_298 : i32
          %mul3A_300 = arith.constant 1 : i32
          %mul3A_301 = arith.muli %mul3A_300, %add3A_299 : i32
          %dma_start3A_302 = arith.constant 0 : i32
          %dma_start3A_303 = arith.constant 0 : i32
          %dma_start3A_304 = tpu.memref_slice %run_scoped3A[%rem3A_297, %dma_start3A_302, %dma_start3A_303] : memref<2x1x128xi32, #tpu.memory_space<vmem>> -> memref<1x1x128xi32, #tpu.memory_space<vmem>>
          %dma_start3A_305 = tpu.memref_squeeze %dma_start3A_304 : memref<1x1x128xi32, #tpu.memory_space<vmem>> -> memref<1x128xi32, #tpu.memory_space<vmem>>
          %dma_start3A_306 = arith.constant 0 : i32
          %dma_start3A_307 = tpu.memref_slice %arg3[%mul3A_301, %dma_start3A_306] : memref<1600x128xi32, #tpu.memory_space<hbm>> -> memref<1x128xi32, #tpu.memory_space<hbm>>
          %dma_start3A_308 = tpu.memref_slice %run_scoped3A_7[%rem3A_297] : memref<2x!tpu.dma_semaphore, #tpu.memory_space<semaphore_mem>> -> memref<1x!tpu.dma_semaphore, #tpu.memory_space<semaphore_mem>>
          %dma_start3A_309 = tpu.memref_squeeze %dma_start3A_308 : memref<1x!tpu.dma_semaphore, #tpu.memory_space<semaphore_mem>> -> memref<!tpu.dma_semaphore, #tpu.memory_space<semaphore_mem>>
          %dma_start3A_310 = arith.constant 0 : i32
          %dma_start3A_311 = arith.constant 0 : i32
          %dma_start3A_312 = tpu.memref_slice %run_scoped3A[%rem3A_297, %dma_start3A_310, %dma_start3A_311] : memref<2x1x128xi32, #tpu.memory_space<vmem>> -> memref<1x1x128xi32, #tpu.memory_space<vmem>>
          %dma_start3A_313 = tpu.memref_squeeze %dma_start3A_312 : memref<1x1x128xi32, #tpu.memory_space<vmem>> -> memref<1x128xi32, #tpu.memory_space<vmem>>
          %dma_start3A_314 = arith.constant 0 : i32
          %dma_start3A_315 = tpu.memref_slice %arg3[%mul3A_301, %dma_start3A_314] : memref<1600x128xi32, #tpu.memory_space<hbm>> -> memref<1x128xi32, #tpu.memory_space<hbm>>
          tpu.enqueue_dma source(%dma_start3A_315 : memref<1x128xi32, #tpu.memory_space<hbm>>) target(%dma_start3A_313 : memref<1x128xi32, #tpu.memory_space<vmem>>) target_semaphore(%dma_start3A_309 : memref<!tpu.dma_semaphore, #tpu.memory_space<semaphore_mem>>)
          "tpu.trace_stop"() : () -> ()
        } else {
        }
        %and3A_171 = arith.constant true
        %and3A_172 = arith.andi %and3A, %and3A_171 : i1
        %add3A_173 = arith.constant 1 : i32
        %add3A_174 = arith.addi %scan3A_124, %add3A_173 : i32
        %select_n3A_175 = arith.select %and3A_172, %add3A_174, %scan3A_124 : i32
        %ne3A_176 = arith.cmpi ne, %add3A_133, %add3A_151 : i32
        %or3A_177 = arith.constant false
        %or3A_178 = arith.ori %or3A_177, %ne3A_176 : i1
        %or3A_179 = arith.constant false
        %or3A_180 = arith.ori %or3A_178, %or3A_179 : i1
        %ge3A_181 = arith.constant 9 : i32
        %ge3A_182 = arith.cmpi sge, %scan3A_123, %ge3A_181 : i32
        %not3A_183 = arith.constant true
        %not3A_184 = arith.xori %ge3A_182, %not3A_183 : i1
        %and3A_185 = arith.andi %or3A_180, %not3A_184 : i1
        %add3A_186 = arith.constant 1280 : i32
        %add3A_187 = arith.addi %add3A_133, %add3A_186 : i32
        %add3A_188 = arith.constant 1280 : i32
        %add3A_189 = arith.addi %add3A_142, %add3A_188 : i32
        %ne3A_190 = arith.cmpi ne, %add3A_187, %add3A_189 : i32
        %or3A_191 = arith.constant false
        %or3A_192 = arith.ori %or3A_191, %ne3A_190 : i1
        %or3A_193 = arith.constant false
        %or3A_194 = arith.ori %or3A_192, %or3A_193 : i1
        %or3A_195 = arith.ori %or3A_194, %eq3A_130 : i1
        %convert_element_type3A_196 = arith.extui %or3A_195 : i1 to i32
        %cond3A_197 = arith.constant 0 : i32
        %cond3A_198 = arith.cmpi ne, %convert_element_type3A_196, %cond3A_197 : i32
        scf.if %cond3A_198 {
          "tpu.trace_start"() <{level = 10 : i32, message = "ep_wait_in"}> : () -> ()
          %add3A_296 = arith.constant 1280 : i32
          %add3A_297 = arith.addi %add3A_133, %add3A_296 : i32
          %mul3A_298 = arith.constant 1 : i32
          %mul3A_299 = arith.muli %mul3A_298, %add3A_297 : i32
          %rem3A_300 = arith.constant 2 : i32
          %rem3A_301 = arith.remui %scan3A_125, %rem3A_300 : i32
          %dma_wait3A_302 = arith.constant 0 : i32
          %dma_wait3A_303 = arith.constant 0 : i32
          %dma_wait3A_304 = tpu.memref_slice %run_scoped3A[%rem3A_301, %dma_wait3A_302, %dma_wait3A_303] : memref<2x1x128xi32, #tpu.memory_space<vmem>> -> memref<1x1x128xi32, #tpu.memory_space<vmem>>
          %dma_wait3A_305 = tpu.memref_squeeze %dma_wait3A_304 : memref<1x1x128xi32, #tpu.memory_space<vmem>> -> memref<1x128xi32, #tpu.memory_space<vmem>>
          %dma_wait3A_306 = arith.constant 0 : i32
          %dma_wait3A_307 = tpu.memref_slice %arg3[%mul3A_299, %dma_wait3A_306] : memref<1600x128xi32, #tpu.memory_space<hbm>> -> memref<1x128xi32, #tpu.memory_space<hbm>>
          %dma_wait3A_308 = tpu.memref_slice %run_scoped3A_7[%rem3A_301] : memref<2x!tpu.dma_semaphore, #tpu.memory_space<semaphore_mem>> -> memref<1x!tpu.dma_semaphore, #tpu.memory_space<semaphore_mem>>
          %dma_wait3A_309 = tpu.memref_squeeze %dma_wait3A_308 : memref<1x!tpu.dma_semaphore, #tpu.memory_space<semaphore_mem>> -> memref<!tpu.dma_semaphore, #tpu.memory_space<semaphore_mem>>
          %dma_wait3A_310 = arith.constant 0 : i32
          %dma_wait3A_311 = arith.constant 0 : i32
          %dma_wait3A_312 = tpu.memref_slice %run_scoped3A[%rem3A_301, %dma_wait3A_310, %dma_wait3A_311] : memref<2x1x128xi32, #tpu.memory_space<vmem>> -> memref<1x1x128xi32, #tpu.memory_space<vmem>>
          %dma_wait3A_313 = tpu.memref_squeeze %dma_wait3A_312 : memref<1x1x128xi32, #tpu.memory_space<vmem>> -> memref<1x128xi32, #tpu.memory_space<vmem>>
          %dma_wait3A_314 = arith.constant 0 : i32
          %dma_wait3A_315 = tpu.memref_slice %arg3[%mul3A_299, %dma_wait3A_314] : memref<1600x128xi32, #tpu.memory_space<hbm>> -> memref<1x128xi32, #tpu.memory_space<hbm>>
          tpu.wait_dma2 semaphore(%dma_wait3A_309 : memref<!tpu.dma_semaphore, #tpu.memory_space<semaphore_mem>>) src(%dma_wait3A_315 : memref<1x128xi32, #tpu.memory_space<hbm>>) dst(%dma_wait3A_313 : memref<1x128xi32, #tpu.memory_space<vmem>>)
          "tpu.trace_stop"() : () -> ()
        } else {
        }
        %ne3A_199 = arith.cmpi ne, %add3A_133, %add3A_142 : i32
        %or3A_200 = arith.constant false
        %or3A_201 = arith.ori %or3A_200, %ne3A_199 : i1
        %or3A_202 = arith.constant false
        %or3A_203 = arith.ori %or3A_201, %or3A_202 : i1
        %or3A_204 = arith.ori %or3A_203, %eq3A_130 : i1
        %convert_element_type3A_205 = arith.extui %or3A_204 : i1 to i32
        %cond3A_206 = arith.constant 0 : i32
        %cond3A_207 = arith.cmpi ne, %convert_element_type3A_205, %cond3A_206 : i32
        scf.if %cond3A_207 {
        } else {
        }
        %rem3A_208 = arith.constant 2 : i32
        %rem3A_209 = arith.remui %scan3A_125, %rem3A_208 : i32
        %rem3A_210 = arith.constant 2 : i32
        %rem3A_211 = arith.remui %scan3A_126, %rem3A_210 : i32
        %run_scoped3A_212 = arith.constant 0 : i32
        "tpu.trace_start"() <{level = 10 : i32, message = "ep_run_kernel"}> : () -> ()
        "tpu.region"() ({
          %run_scoped3A_296 = tpu.sem_alloc : memref<!tpu.dma_semaphore, #tpu.memory_space<semaphore_mem>>
          %dma_start3A_297 = arith.constant 0 : i32
          %dma_start3A_298 = arith.constant 0 : i32
          %dma_start3A_299 = tpu.memref_slice %run_scoped3A_8[%rem3A_211, %dma_start3A_297, %dma_start3A_298] : memref<2x128x128xf32, #tpu.memory_space<vmem>> -> memref<1x128x128xf32, #tpu.memory_space<vmem>>
          %dma_start3A_300 = tpu.memref_squeeze %dma_start3A_299 : memref<1x128x128xf32, #tpu.memory_space<vmem>> -> memref<128x128xf32, #tpu.memory_space<vmem>>
          %dma_start3A_301 = arith.constant 0 : i32
          %dma_start3A_302 = arith.constant 0 : i32
          %dma_start3A_303 = tpu.memref_slice %run_scoped3A[%rem3A_209, %dma_start3A_301, %dma_start3A_302] : memref<2x1x128xi32, #tpu.memory_space<vmem>> -> memref<1x1x128xi32, #tpu.memory_space<vmem>>
          %dma_start3A_304 = tpu.memref_squeeze %dma_start3A_303 : memref<1x1x128xi32, #tpu.memory_space<vmem>> -> memref<1x128xi32, #tpu.memory_space<vmem>>
          %dma_start3A_305 = arith.constant 0 : i32
          %dma_start3A_306 = tpu.memref_slice %dma_start3A_304[%run_scoped3A_212, %dma_start3A_305] : memref<1x128xi32, #tpu.memory_space<vmem>> -> memref<1x128xi32, #tpu.memory_space<vmem>>
          %dma_start3A_307 = tpu.memref_squeeze %dma_start3A_306 : memref<1x128xi32, #tpu.memory_space<vmem>> -> memref<128xi32, #tpu.memory_space<vmem>>
          %dma_start3A_308 = arith.constant 0 : i32
          %dma_start3A_309 = arith.constant 0 : i32
          %dma_start3A_310 = tpu.memref_slice %arg2[%dma_start3A_308, %dma_start3A_309] : memref<100000x128xf32, #tpu.memory_space<hbm>> -> memref<100000x128xf32, #tpu.memory_space<hbm>>
          tpu.enqueue_indirect_dma source(%dma_start3A_310 : memref<100000x128xf32, #tpu.memory_space<hbm>>) target(%dma_start3A_300 : memref<128x128xf32, #tpu.memory_space<vmem>>) offsets(%dma_start3A_307 : memref<128xi32, #tpu.memory_space<vmem>>) semaphore(%run_scoped3A_296 : memref<!tpu.dma_semaphore, #tpu.memory_space<semaphore_mem>>)
          %dma_wait3A_311 = arith.constant 0 : i32
          %dma_wait3A_312 = arith.constant 0 : i32
          %dma_wait3A_313 = tpu.memref_slice %run_scoped3A_8[%rem3A_211, %dma_wait3A_311, %dma_wait3A_312] : memref<2x128x128xf32, #tpu.memory_space<vmem>> -> memref<1x128x128xf32, #tpu.memory_space<vmem>>
          %dma_wait3A_314 = tpu.memref_squeeze %dma_wait3A_313 : memref<1x128x128xf32, #tpu.memory_space<vmem>> -> memref<128x128xf32, #tpu.memory_space<vmem>>
          %dma_wait3A_315 = arith.constant 0 : i32
          %dma_wait3A_316 = arith.constant 0 : i32
          %dma_wait3A_317 = tpu.memref_slice %run_scoped3A[%rem3A_209, %dma_wait3A_315, %dma_wait3A_316] : memref<2x1x128xi32, #tpu.memory_space<vmem>> -> memref<1x1x128xi32, #tpu.memory_space<vmem>>
          %dma_wait3A_318 = tpu.memref_squeeze %dma_wait3A_317 : memref<1x1x128xi32, #tpu.memory_space<vmem>> -> memref<1x128xi32, #tpu.memory_space<vmem>>
          %dma_wait3A_319 = arith.constant 0 : i32
          %dma_wait3A_320 = tpu.memref_slice %dma_wait3A_318[%run_scoped3A_212, %dma_wait3A_319] : memref<1x128xi32, #tpu.memory_space<vmem>> -> memref<1x128xi32, #tpu.memory_space<vmem>>
          %dma_wait3A_321 = tpu.memref_squeeze %dma_wait3A_320 : memref<1x128xi32, #tpu.memory_space<vmem>> -> memref<128xi32, #tpu.memory_space<vmem>>
          %dma_wait3A_322 = arith.constant 0 : i32
          %dma_wait3A_323 = arith.constant 0 : i32
          %dma_wait3A_324 = tpu.memref_slice %arg2[%dma_wait3A_322, %dma_wait3A_323] : memref<100000x128xf32, #tpu.memory_space<hbm>> -> memref<100000x128xf32, #tpu.memory_space<hbm>>
          tpu.wait_indirect_dma semaphore(%run_scoped3A_296 : memref<!tpu.dma_semaphore, #tpu.memory_space<semaphore_mem>>) src(%dma_wait3A_324 : memref<100000x128xf32, #tpu.memory_space<hbm>>) dst(%dma_wait3A_314 : memref<128x128xf32, #tpu.memory_space<vmem>>)
          tpu.yield
        }) : () -> ()
        "tpu.trace_stop"() : () -> ()
        %add3A_213 = arith.constant 1280 : i32
        %add3A_214 = arith.addi %add3A_133, %add3A_213 : i32
        %add3A_215 = arith.constant 1280 : i32
        %add3A_216 = arith.addi %add3A_151, %add3A_215 : i32
        %ne3A_217 = arith.cmpi ne, %add3A_214, %add3A_216 : i32
        %or3A_218 = arith.constant false
        %or3A_219 = arith.ori %or3A_218, %ne3A_217 : i1
        %or3A_220 = arith.constant false
        %or3A_221 = arith.ori %or3A_219, %or3A_220 : i1
        %or3A_222 = arith.ori %or3A_221, %eq3A_132 : i1
        %convert_element_type3A_223 = arith.extui %or3A_222 : i1 to i32
        %cond3A_224 = arith.constant 0 : i32
        %cond3A_225 = arith.cmpi ne, %convert_element_type3A_223, %cond3A_224 : i32
        scf.if %cond3A_225 {
        } else {
        }
        %and3A_226 = arith.constant false
        %and3A_227 = arith.andi %or3A_222, %and3A_226 : i1
        %ne3A_228 = arith.cmpi ne, %add3A_133, %add3A_151 : i32
        %or3A_229 = arith.constant false
        %or3A_230 = arith.ori %or3A_229, %ne3A_228 : i1
        %or3A_231 = arith.constant false
        %or3A_232 = arith.ori %or3A_230, %or3A_231 : i1
        %or3A_233 = arith.ori %or3A_232, %eq3A_132 : i1
        %convert_element_type3A_234 = arith.extui %or3A_233 : i1 to i32
        %cond3A_235 = arith.constant 0 : i32
        %cond3A_236 = arith.cmpi ne, %convert_element_type3A_234, %cond3A_235 : i32
        scf.if %cond3A_236 {
          "tpu.trace_start"() <{level = 10 : i32, message = "ep_copy_out"}> : () -> ()
          %rem3A_296 = arith.constant 2 : i32
          %rem3A_297 = arith.remui %scan3A_126, %rem3A_296 : i32
          %mul3A_298 = arith.constant 128 : i32
          %mul3A_299 = arith.muli %mul3A_298, %add3A_133 : i32
          %dma_start3A_300 = arith.constant 0 : i32
          %dma_start3A_301 = arith.constant 0 : i32
          %dma_start3A_302 = tpu.memref_slice %run_scoped3A_8[%rem3A_297, %dma_start3A_300, %dma_start3A_301] : memref<2x128x128xf32, #tpu.memory_space<vmem>> -> memref<1x128x128xf32, #tpu.memory_space<vmem>>
          %dma_start3A_303 = tpu.memref_squeeze %dma_start3A_302 : memref<1x128x128xf32, #tpu.memory_space<vmem>> -> memref<128x128xf32, #tpu.memory_space<vmem>>
          %dma_start3A_304 = arith.constant 0 : i32
          %dma_start3A_305 = tpu.memref_slice %arg4[%mul3A_299, %dma_start3A_304] : memref<40960x128xf32, #tpu.memory_space<hbm>> -> memref<128x128xf32, #tpu.memory_space<hbm>>
          %dma_start3A_306 = tpu.memref_slice %run_scoped3A_9[%rem3A_297] : memref<2x!tpu.dma_semaphore, #tpu.memory_space<semaphore_mem>> -> memref<1x!tpu.dma_semaphore, #tpu.memory_space<semaphore_mem>>
          %dma_start3A_307 = tpu.memref_squeeze %dma_start3A_306 : memref<1x!tpu.dma_semaphore, #tpu.memory_space<semaphore_mem>> -> memref<!tpu.dma_semaphore, #tpu.memory_space<semaphore_mem>>
          %dma_start3A_308 = arith.constant 0 : i32
          %dma_start3A_309 = tpu.memref_slice %arg4[%mul3A_299, %dma_start3A_308] : memref<40960x128xf32, #tpu.memory_space<hbm>> -> memref<128x128xf32, #tpu.memory_space<hbm>>
          %dma_start3A_310 = arith.constant 0 : i32
          %dma_start3A_311 = arith.constant 0 : i32
          %dma_start3A_312 = tpu.memref_slice %run_scoped3A_8[%rem3A_297, %dma_start3A_310, %dma_start3A_311] : memref<2x128x128xf32, #tpu.memory_space<vmem>> -> memref<1x128x128xf32, #tpu.memory_space<vmem>>
          %dma_start3A_313 = tpu.memref_squeeze %dma_start3A_312 : memref<1x128x128xf32, #tpu.memory_space<vmem>> -> memref<128x128xf32, #tpu.memory_space<vmem>>
          tpu.enqueue_dma source(%dma_start3A_313 : memref<128x128xf32, #tpu.memory_space<vmem>>) target(%dma_start3A_309 : memref<128x128xf32, #tpu.memory_space<hbm>>) target_semaphore(%dma_start3A_307 : memref<!tpu.dma_semaphore, #tpu.memory_space<semaphore_mem>>)
          "tpu.trace_stop"() : () -> ()
        } else {
        }
        %and3A_237 = arith.constant true
        %and3A_238 = arith.andi %or3A_233, %and3A_237 : i1
        %add3A_239 = arith.constant 1 : i32
        %add3A_240 = arith.addi %scan3A_126, %add3A_239 : i32
        %select_n3A_241 = arith.select %and3A_238, %add3A_240, %scan3A_126 : i32
        %add3A_242 = arith.constant 1280 : i32
        %add3A_243 = arith.addi %add3A_133, %add3A_242 : i32
        %add3A_244 = arith.constant 1280 : i32
        %add3A_245 = arith.addi %add3A_142, %add3A_244 : i32
        %ne3A_246 = arith.cmpi ne, %add3A_243, %add3A_245 : i32
        %or3A_247 = arith.constant false
        %or3A_248 = arith.ori %or3A_247, %ne3A_246 : i1
        %or3A_249 = arith.constant false
        %or3A_250 = arith.ori %or3A_248, %or3A_249 : i1
        %not3A_251 = arith.constant true
        %not3A_252 = arith.xori %eq3A_130, %not3A_251 : i1
        %and3A_253 = arith.andi %or3A_250, %not3A_252 : i1
        %convert_element_type3A_254 = arith.extui %and3A_253 : i1 to i32
        %cond3A_255 = arith.constant 0 : i32
        %cond3A_256 = arith.cmpi ne, %convert_element_type3A_254, %cond3A_255 : i32
        scf.if %cond3A_256 {
        } else {
        }
        %and3A_257 = arith.constant false
        %and3A_258 = arith.andi %and3A_253, %and3A_257 : i1
        %ne3A_259 = arith.cmpi ne, %add3A_133, %add3A_142 : i32
        %or3A_260 = arith.constant false
        %or3A_261 = arith.ori %or3A_260, %ne3A_259 : i1
        %or3A_262 = arith.constant false
        %or3A_263 = arith.ori %or3A_261, %or3A_262 : i1
        %not3A_264 = arith.constant true
        %not3A_265 = arith.xori %eq3A_130, %not3A_264 : i1
        %and3A_266 = arith.andi %or3A_263, %not3A_265 : i1
        %convert_element_type3A_267 = arith.extui %and3A_266 : i1 to i32
        %cond3A_268 = arith.constant 0 : i32
        %cond3A_269 = arith.cmpi ne, %convert_element_type3A_267, %cond3A_268 : i32
        scf.if %cond3A_269 {
          "tpu.trace_start"() <{level = 10 : i32, message = "ep_wait_out"}> : () -> ()
          %rem3A_296 = arith.constant 2 : i32
          %rem3A_297 = arith.remui %scan3A_127, %rem3A_296 : i32
          %mul3A_298 = arith.constant 128 : i32
          %mul3A_299 = arith.muli %mul3A_298, %add3A_142 : i32
          %dma_wait3A_300 = arith.constant 0 : i32
          %dma_wait3A_301 = arith.constant 0 : i32
          %dma_wait3A_302 = tpu.memref_slice %run_scoped3A_8[%rem3A_297, %dma_wait3A_300, %dma_wait3A_301] : memref<2x128x128xf32, #tpu.memory_space<vmem>> -> memref<1x128x128xf32, #tpu.memory_space<vmem>>
          %dma_wait3A_303 = tpu.memref_squeeze %dma_wait3A_302 : memref<1x128x128xf32, #tpu.memory_space<vmem>> -> memref<128x128xf32, #tpu.memory_space<vmem>>
          %dma_wait3A_304 = arith.constant 0 : i32
          %dma_wait3A_305 = tpu.memref_slice %arg4[%mul3A_299, %dma_wait3A_304] : memref<40960x128xf32, #tpu.memory_space<hbm>> -> memref<128x128xf32, #tpu.memory_space<hbm>>
          %dma_wait3A_306 = tpu.memref_slice %run_scoped3A_9[%rem3A_297] : memref<2x!tpu.dma_semaphore, #tpu.memory_space<semaphore_mem>> -> memref<1x!tpu.dma_semaphore, #tpu.memory_space<semaphore_mem>>
          %dma_wait3A_307 = tpu.memref_squeeze %dma_wait3A_306 : memref<1x!tpu.dma_semaphore, #tpu.memory_space<semaphore_mem>> -> memref<!tpu.dma_semaphore, #tpu.memory_space<semaphore_mem>>
          %dma_wait3A_308 = arith.constant 0 : i32
          %dma_wait3A_309 = tpu.memref_slice %arg4[%mul3A_299, %dma_wait3A_308] : memref<40960x128xf32, #tpu.memory_space<hbm>> -> memref<128x128xf32, #tpu.memory_space<hbm>>
          %dma_wait3A_310 = arith.constant 0 : i32
          %dma_wait3A_311 = arith.constant 0 : i32
          %dma_wait3A_312 = tpu.memref_slice %run_scoped3A_8[%rem3A_297, %dma_wait3A_310, %dma_wait3A_311] : memref<2x128x128xf32, #tpu.memory_space<vmem>> -> memref<1x128x128xf32, #tpu.memory_space<vmem>>
          %dma_wait3A_313 = tpu.memref_squeeze %dma_wait3A_312 : memref<1x128x128xf32, #tpu.memory_space<vmem>> -> memref<128x128xf32, #tpu.memory_space<vmem>>
          tpu.wait_dma2 semaphore(%dma_wait3A_307 : memref<!tpu.dma_semaphore, #tpu.memory_space<semaphore_mem>>) src(%dma_wait3A_313 : memref<128x128xf32, #tpu.memory_space<vmem>>) dst(%dma_wait3A_309 : memref<128x128xf32, #tpu.memory_space<hbm>>)
          "tpu.trace_stop"() : () -> ()
        } else {
        }
        %and3A_270 = arith.constant true
        %and3A_271 = arith.andi %and3A_266, %and3A_270 : i1
        %add3A_272 = arith.constant 1 : i32
        %add3A_273 = arith.addi %scan3A_127, %add3A_272 : i32
        %select_n3A_274 = arith.select %and3A_271, %add3A_273, %scan3A_127 : i32
        %add3A_275 = arith.constant 1280 : i32
        %add3A_276 = arith.addi %add3A_133, %add3A_275 : i32
        %add3A_277 = arith.constant 1280 : i32
        %add3A_278 = arith.addi %add3A_151, %add3A_277 : i32
        %ne3A_279 = arith.cmpi ne, %add3A_276, %add3A_278 : i32
        %or3A_280 = arith.constant false
        %or3A_281 = arith.ori %or3A_280, %ne3A_279 : i1
        %or3A_282 = arith.constant false
        %or3A_283 = arith.ori %or3A_281, %or3A_282 : i1
        %or3A_284 = arith.ori %or3A_283, %eq3A_132 : i1
        %add3A_285 = arith.constant 1 : i32
        %add3A_286 = arith.addi %scan3A_125, %add3A_285 : i32
        %select_n3A_287 = arith.select %or3A_284, %add3A_286, %scan3A_125 : i32
        %add3A_288 = arith.constant 1 : i32
        %add3A_289 = arith.addi %scan3A_128, %add3A_288 : i32
        %select_n3A_290 = arith.constant true
        %select_n3A_291 = arith.select %select_n3A_290, %add3A_289, %scan3A_128 : i32
        %eq3A_292 = arith.constant 10 : i32
        %eq3A_293 = arith.cmpi eq, %select_n3A_291, %eq3A_292 : i32
        %select_n3A_294 = arith.constant 0 : i32
        %select_n3A_295 = arith.select %eq3A_293, %select_n3A_294, %select_n3A_291 : i32
        scf.yield %select_n3A_175, %select_n3A_287, %select_n3A_241, %select_n3A_274, %select_n3A_295 : i32, i32, i32, i32, i32
      }
      %scan3A_70 = arith.constant 10 : i32
      %sub3A = arith.constant 1 : i32
      %sub3A_71 = arith.subi %scan3A_69#4, %sub3A : i32
      %select_n3A_72 = arith.constant true
      %select_n3A_73 = arith.select %select_n3A_72, %sub3A_71, %scan3A_69#4 : i32
      %eq3A_74 = arith.constant -1 : i32
      %eq3A_75 = arith.cmpi eq, %select_n3A_73, %eq3A_74 : i32
      %select_n3A_76 = arith.constant 9 : i32
      %select_n3A_77 = arith.select %eq3A_75, %select_n3A_76, %select_n3A_73 : i32
      %add3A_78 = arith.addi %select_n3A_77, %mul3A_6 : i32
      %sub3A_79 = arith.constant 1 : i32
      %sub3A_80 = arith.subi %select_n3A_77, %sub3A_79 : i32
      %select_n3A_81 = arith.constant true
      %select_n3A_82 = arith.select %select_n3A_81, %sub3A_80, %select_n3A_77 : i32
      %eq3A_83 = arith.constant -1 : i32
      %eq3A_84 = arith.cmpi eq, %select_n3A_82, %eq3A_83 : i32
      %select_n3A_85 = arith.constant 9 : i32
      %select_n3A_86 = arith.select %eq3A_84, %select_n3A_85, %select_n3A_82 : i32
      %add3A_87 = arith.addi %select_n3A_86, %mul3A_6 : i32
      %add3A_88 = arith.constant 1 : i32
      %add3A_89 = arith.addi %select_n3A_77, %add3A_88 : i32
      %select_n3A_90 = arith.constant true
      %select_n3A_91 = arith.select %select_n3A_90, %add3A_89, %select_n3A_77 : i32
      %eq3A_92 = arith.constant 10 : i32
      %eq3A_93 = arith.cmpi eq, %select_n3A_91, %eq3A_92 : i32
      %select_n3A_94 = arith.constant 0 : i32
      %select_n3A_95 = arith.select %eq3A_93, %select_n3A_94, %select_n3A_91 : i32
      %add3A_96 = arith.addi %select_n3A_95, %mul3A_6 : i32
      %add3A_97 = arith.constant 1 : i32
      %add3A_98 = arith.addi %select_n3A_95, %add3A_97 : i32
      %select_n3A_99 = arith.constant true
      %select_n3A_100 = arith.select %select_n3A_99, %add3A_98, %select_n3A_95 : i32
      %eq3A_101 = arith.constant 10 : i32
      %eq3A_102 = arith.cmpi eq, %select_n3A_100, %eq3A_101 : i32
      %select_n3A_103 = arith.constant 0 : i32
      %select_n3A_104 = arith.select %eq3A_102, %select_n3A_103, %select_n3A_100 : i32
      %add3A_105 = arith.addi %select_n3A_104, %mul3A_6 : i32
      "tpu.trace_start"() <{level = 10 : i32, message = "ep_finalize"}> : () -> ()
      %rem3A_106 = arith.constant 2 : i32
      %rem3A_107 = arith.remui %scan3A_69#3, %rem3A_106 : i32
      %mul3A_108 = arith.constant 128 : i32
      %mul3A_109 = arith.muli %mul3A_108, %add3A_78 : i32
      %dma_wait3A = arith.constant 0 : i32
      %dma_wait3A_110 = arith.constant 0 : i32
      %dma_wait3A_111 = tpu.memref_slice %run_scoped3A_8[%rem3A_107, %dma_wait3A, %dma_wait3A_110] : memref<2x128x128xf32, #tpu.memory_space<vmem>> -> memref<1x128x128xf32, #tpu.memory_space<vmem>>
      %dma_wait3A_112 = tpu.memref_squeeze %dma_wait3A_111 : memref<1x128x128xf32, #tpu.memory_space<vmem>> -> memref<128x128xf32, #tpu.memory_space<vmem>>
      %dma_wait3A_113 = arith.constant 0 : i32
      %dma_wait3A_114 = tpu.memref_slice %arg4[%mul3A_109, %dma_wait3A_113] : memref<40960x128xf32, #tpu.memory_space<hbm>> -> memref<128x128xf32, #tpu.memory_space<hbm>>
      %dma_wait3A_115 = tpu.memref_slice %run_scoped3A_9[%rem3A_107] : memref<2x!tpu.dma_semaphore, #tpu.memory_space<semaphore_mem>> -> memref<1x!tpu.dma_semaphore, #tpu.memory_space<semaphore_mem>>
      %dma_wait3A_116 = tpu.memref_squeeze %dma_wait3A_115 : memref<1x!tpu.dma_semaphore, #tpu.memory_space<semaphore_mem>> -> memref<!tpu.dma_semaphore, #tpu.memory_space<semaphore_mem>>
      %dma_wait3A_117 = arith.constant 0 : i32
      %dma_wait3A_118 = tpu.memref_slice %arg4[%mul3A_109, %dma_wait3A_117] : memref<40960x128xf32, #tpu.memory_space<hbm>> -> memref<128x128xf32, #tpu.memory_space<hbm>>
      %dma_wait3A_119 = arith.constant 0 : i32
      %dma_wait3A_120 = arith.constant 0 : i32
      %dma_wait3A_121 = tpu.memref_slice %run_scoped3A_8[%rem3A_107, %dma_wait3A_119, %dma_wait3A_120] : memref<2x128x128xf32, #tpu.memory_space<vmem>> -> memref<1x128x128xf32, #tpu.memory_space<vmem>>
      %dma_wait3A_122 = tpu.memref_squeeze %dma_wait3A_121 : memref<1x128x128xf32, #tpu.memory_space<vmem>> -> memref<128x128xf32, #tpu.memory_space<vmem>>
      tpu.wait_dma2 semaphore(%dma_wait3A_116 : memref<!tpu.dma_semaphore, #tpu.memory_space<semaphore_mem>>) src(%dma_wait3A_122 : memref<128x128xf32, #tpu.memory_space<vmem>>) dst(%dma_wait3A_118 : memref<128x128xf32, #tpu.memory_space<hbm>>)
      "tpu.trace_stop"() : () -> ()
      tpu.yield
    }) : () -> ()
    return
  }
}

module attributes {stable_mosaic.version = 14 : i64} {
  func.func @_tc_ln_body(%arg0: i32, %arg1: memref<8192x128xf32, #tpu.memory_space<vmem>>, %arg2: memref<1x1x8192xi32, #tpu.memory_space<vmem>>, %arg3: memref<1x1x8192xi32, #tpu.memory_space<vmem>>, %arg4: memref<514x128xbf16, #tpu.memory_space<vmem>>, %arg5: memref<1x128xf32, #tpu.memory_space<vmem>>, %arg6: memref<1x128xf32, #tpu.memory_space<vmem>>, %arg7: memref<8192x128xf32, #tpu.memory_space<vmem>>) attributes {dimension_semantics = [#tpu.dimension_semantics<arbitrary>], iteration_bounds = array<i64: 5>, scalar_prefetch = 0 : i64, scratch_operands = 0 : i64, tpu.core_type = #tpu.core_type<tc>, window_params = [{transform_indices = @transform_0, window_bounds = array<i64: 8192, 128>}, {transform_indices = @transform_1, window_bounds = array<i64: 1, 1, 8192>}, {transform_indices = @transform_2, window_bounds = array<i64: 1, 1, 8192>}, {pipeline_mode = #tpu.pipeline_mode<synchronous>, transform_indices = @transform_3, window_bounds = array<i64: 514, 128>}, {pipeline_mode = #tpu.pipeline_mode<synchronous>, transform_indices = @transform_4, window_bounds = array<i64: 1, 128>}, {pipeline_mode = #tpu.pipeline_mode<synchronous>, transform_indices = @transform_5, window_bounds = array<i64: 1, 128>}, {transform_indices = @transform_6, window_bounds = array<i64: 8192, 128>}]} {
    %get3A = arith.constant 0 : index
    %get3A_0 = arith.constant 0 : index
    %get3A_1 = vector.load %arg4[%get3A, %get3A_0] : memref<514x128xbf16, #tpu.memory_space<vmem>>, vector<514x128xbf16>
    %get3A_2 = arith.constant 0 : index
    %get3A_3 = arith.constant 0 : index
    %get3A_4 = vector.load %arg1[%get3A_2, %get3A_3] : memref<8192x128xf32, #tpu.memory_space<vmem>>, vector<2048x128xf32>
    %get3A_5 = arith.constant 0 : index
    %get3A_6 = arith.constant 0 : index
    %get3A_7 = arith.constant 0 : index
    %get3A_8 = vector.load %arg2[%get3A_5, %get3A_6, %get3A_7] : memref<1x1x8192xi32, #tpu.memory_space<vmem>>, vector<1x1x2048xi32>
    %get3A_9 = vector.shape_cast %get3A_8 : vector<1x1x2048xi32> to vector<1x2048xi32>
    %get3A_10 = arith.constant 0 : index
    %get3A_11 = arith.constant 0 : index
    %get3A_12 = arith.constant 0 : index
    %get3A_13 = vector.load %arg3[%get3A_10, %get3A_11, %get3A_12] : memref<1x1x8192xi32, #tpu.memory_space<vmem>>, vector<1x1x2048xi32>
    %get3A_14 = vector.shape_cast %get3A_13 : vector<1x1x2048xi32> to vector<1x2048xi32>
    %iota3A = tpu.iota {dimensions = array<i32: 0>} : vector<512x2048xi32>
    %iota3A_15 = tpu.iota {dimensions = array<i32: 0>} : vector<2x2048xi32>
    %eq3A = vector.broadcast %get3A_9 : vector<1x2048xi32> to vector<512x2048xi32>
    %eq3A_16 = arith.cmpi eq, %iota3A, %eq3A : vector<512x2048xi32>
    %convert_element_type3A = arith.extui %eq3A_16 : vector<512x2048xi1> to vector<512x2048xi32>
    %convert_element_type3A_17 = arith.sitofp %convert_element_type3A : vector<512x2048xi32> to vector<512x2048xf32>
    %convert_element_type3A_18 = arith.truncf %convert_element_type3A_17 : vector<512x2048xf32> to vector<512x2048xbf16>
    %eq3A_19 = vector.broadcast %get3A_14 : vector<1x2048xi32> to vector<2x2048xi32>
    %eq3A_20 = arith.cmpi eq, %iota3A_15, %eq3A_19 : vector<2x2048xi32>
    %convert_element_type3A_21 = arith.extui %eq3A_20 : vector<2x2048xi1> to vector<2x2048xi32>
    %convert_element_type3A_22 = arith.sitofp %convert_element_type3A_21 : vector<2x2048xi32> to vector<2x2048xf32>
    %convert_element_type3A_23 = arith.truncf %convert_element_type3A_22 : vector<2x2048xf32> to vector<2x2048xbf16>
    %concatenate3A = tpu.concatenate %convert_element_type3A_18, %convert_element_type3A_23 in 0 : vector<512x2048xbf16>, vector<2x2048xbf16> -> vector<514x2048xbf16>
    %dot_general3A = arith.constant dense<0.000000e+00> : vector<2048x128xf32>
    %dot_general3A_24 = tpu.matmul %concatenate3A, %get3A_1, %dot_general3A {dimension_numbers = #tpu.dot_dimension_numbers<[0], [0], [1], [1], [0, 1, 1, 1], [], []>, transpose_lhs_hint = false} : vector<514x2048xbf16>, vector<514x128xbf16>, vector<2048x128xf32> -> vector<2048x128xf32>
    %add3A = arith.addf %get3A_4, %dot_general3A_24 : vector<2048x128xf32>
    %reduce_sum3A = arith.constant dense<0.000000e+00> : vector<2048xf32>
    %reduce_sum3A_25 = vector.multi_reduction <add>, %add3A, %reduce_sum3A [1] : vector<2048x128xf32> to vector<2048xf32>
    %broadcast_in_dim3A = vector.shape_cast %reduce_sum3A_25 : vector<2048xf32> to vector<2048x1xf32>
    %div3A = arith.constant 1.280000e+02 : f32
    %div3A_26 = vector.broadcast %div3A : f32 to vector<2048x1xf32>
    %div3A_27 = arith.divf %broadcast_in_dim3A, %div3A_26 : vector<2048x1xf32>
    %sub3A = vector.broadcast %div3A_27 : vector<2048x1xf32> to vector<2048x128xf32>
    %sub3A_28 = arith.subf %add3A, %sub3A : vector<2048x128xf32>
    %mul3A = arith.mulf %sub3A_28, %sub3A_28 : vector<2048x128xf32>
    %reduce_sum3A_29 = arith.constant dense<0.000000e+00> : vector<2048xf32>
    %reduce_sum3A_30 = vector.multi_reduction <add>, %mul3A, %reduce_sum3A_29 [1] : vector<2048x128xf32> to vector<2048xf32>
    %broadcast_in_dim3A_31 = vector.shape_cast %reduce_sum3A_30 : vector<2048xf32> to vector<2048x1xf32>
    %div3A_32 = arith.constant 1.280000e+02 : f32
    %div3A_33 = vector.broadcast %div3A_32 : f32 to vector<2048x1xf32>
    %div3A_34 = arith.divf %broadcast_in_dim3A_31, %div3A_33 : vector<2048x1xf32>
    %add3A_35 = arith.constant 9.99999996E-13 : f32
    %add3A_36 = vector.broadcast %add3A_35 : f32 to vector<2048x1xf32>
    %add3A_37 = arith.addf %div3A_34, %add3A_36 : vector<2048x1xf32>
    %rsqrt3A = math.rsqrt %add3A_37 : vector<2048x1xf32>
    %mul3A_38 = vector.broadcast %rsqrt3A : vector<2048x1xf32> to vector<2048x128xf32>
    %mul3A_39 = arith.mulf %sub3A_28, %mul3A_38 : vector<2048x128xf32>
    %get3A_40 = arith.constant 0 : index
    %get3A_41 = arith.constant 0 : index
    %get3A_42 = vector.load %arg5[%get3A_40, %get3A_41] : memref<1x128xf32, #tpu.memory_space<vmem>>, vector<1x128xf32>
    %mul3A_43 = vector.broadcast %get3A_42 : vector<1x128xf32> to vector<2048x128xf32>
    %mul3A_44 = arith.mulf %mul3A_39, %mul3A_43 : vector<2048x128xf32>
    %get3A_45 = arith.constant 0 : index
    %get3A_46 = arith.constant 0 : index
    %get3A_47 = vector.load %arg6[%get3A_45, %get3A_46] : memref<1x128xf32, #tpu.memory_space<vmem>>, vector<1x128xf32>
    %add3A_48 = vector.broadcast %get3A_47 : vector<1x128xf32> to vector<2048x128xf32>
    %add3A_49 = arith.addf %mul3A_44, %add3A_48 : vector<2048x128xf32>
    %swap3A = arith.constant 0 : index
    %swap3A_50 = arith.constant 0 : index
    %swap3A_51 = vector.load %arg7[%swap3A, %swap3A_50] : memref<8192x128xf32, #tpu.memory_space<vmem>>, vector<2048x128xf32>
    tpu.vector_store %arg7[%swap3A, %swap3A_50], %add3A_49 {strides = array<i32>} : memref<8192x128xf32, #tpu.memory_space<vmem>>, vector<2048x128xf32>,
    %get3A_52 = arith.constant 2048 : index
    %get3A_53 = arith.constant 0 : index
    %get3A_54 = vector.load %arg1[%get3A_52, %get3A_53] : memref<8192x128xf32, #tpu.memory_space<vmem>>, vector<2048x128xf32>
    %get3A_55 = arith.constant 0 : index
    %get3A_56 = arith.constant 0 : index
    %get3A_57 = arith.constant 2048 : index
    %get3A_58 = vector.load %arg2[%get3A_55, %get3A_56, %get3A_57] : memref<1x1x8192xi32, #tpu.memory_space<vmem>>, vector<1x1x2048xi32>
    %get3A_59 = vector.shape_cast %get3A_58 : vector<1x1x2048xi32> to vector<1x2048xi32>
    %get3A_60 = arith.constant 0 : index
    %get3A_61 = arith.constant 0 : index
    %get3A_62 = arith.constant 2048 : index
    %get3A_63 = vector.load %arg3[%get3A_60, %get3A_61, %get3A_62] : memref<1x1x8192xi32, #tpu.memory_space<vmem>>, vector<1x1x2048xi32>
    %get3A_64 = vector.shape_cast %get3A_63 : vector<1x1x2048xi32> to vector<1x2048xi32>
    %iota3A_65 = tpu.iota {dimensions = array<i32: 0>} : vector<512x2048xi32>
    %iota3A_66 = tpu.iota {dimensions = array<i32: 0>} : vector<2x2048xi32>
    %eq3A_67 = vector.broadcast %get3A_59 : vector<1x2048xi32> to vector<512x2048xi32>
    %eq3A_68 = arith.cmpi eq, %iota3A_65, %eq3A_67 : vector<512x2048xi32>
    %convert_element_type3A_69 = arith.extui %eq3A_68 : vector<512x2048xi1> to vector<512x2048xi32>
    %convert_element_type3A_70 = arith.sitofp %convert_element_type3A_69 : vector<512x2048xi32> to vector<512x2048xf32>
    %convert_element_type3A_71 = arith.truncf %convert_element_type3A_70 : vector<512x2048xf32> to vector<512x2048xbf16>
    %eq3A_72 = vector.broadcast %get3A_64 : vector<1x2048xi32> to vector<2x2048xi32>
    %eq3A_73 = arith.cmpi eq, %iota3A_66, %eq3A_72 : vector<2x2048xi32>
    %convert_element_type3A_74 = arith.extui %eq3A_73 : vector<2x2048xi1> to vector<2x2048xi32>
    %convert_element_type3A_75 = arith.sitofp %convert_element_type3A_74 : vector<2x2048xi32> to vector<2x2048xf32>
    %convert_element_type3A_76 = arith.truncf %convert_element_type3A_75 : vector<2x2048xf32> to vector<2x2048xbf16>
    %concatenate3A_77 = tpu.concatenate %convert_element_type3A_71, %convert_element_type3A_76 in 0 : vector<512x2048xbf16>, vector<2x2048xbf16> -> vector<514x2048xbf16>
    %dot_general3A_78 = arith.constant dense<0.000000e+00> : vector<2048x128xf32>
    %dot_general3A_79 = tpu.matmul %concatenate3A_77, %get3A_1, %dot_general3A_78 {dimension_numbers = #tpu.dot_dimension_numbers<[0], [0], [1], [1], [0, 1, 1, 1], [], []>, transpose_lhs_hint = false} : vector<514x2048xbf16>, vector<514x128xbf16>, vector<2048x128xf32> -> vector<2048x128xf32>
    %add3A_80 = arith.addf %get3A_54, %dot_general3A_79 : vector<2048x128xf32>
    %reduce_sum3A_81 = arith.constant dense<0.000000e+00> : vector<2048xf32>
    %reduce_sum3A_82 = vector.multi_reduction <add>, %add3A_80, %reduce_sum3A_81 [1] : vector<2048x128xf32> to vector<2048xf32>
    %broadcast_in_dim3A_83 = vector.shape_cast %reduce_sum3A_82 : vector<2048xf32> to vector<2048x1xf32>
    %div3A_84 = arith.constant 1.280000e+02 : f32
    %div3A_85 = vector.broadcast %div3A_84 : f32 to vector<2048x1xf32>
    %div3A_86 = arith.divf %broadcast_in_dim3A_83, %div3A_85 : vector<2048x1xf32>
    %sub3A_87 = vector.broadcast %div3A_86 : vector<2048x1xf32> to vector<2048x128xf32>
    %sub3A_88 = arith.subf %add3A_80, %sub3A_87 : vector<2048x128xf32>
    %mul3A_89 = arith.mulf %sub3A_88, %sub3A_88 : vector<2048x128xf32>
    %reduce_sum3A_90 = arith.constant dense<0.000000e+00> : vector<2048xf32>
    %reduce_sum3A_91 = vector.multi_reduction <add>, %mul3A_89, %reduce_sum3A_90 [1] : vector<2048x128xf32> to vector<2048xf32>
    %broadcast_in_dim3A_92 = vector.shape_cast %reduce_sum3A_91 : vector<2048xf32> to vector<2048x1xf32>
    %div3A_93 = arith.constant 1.280000e+02 : f32
    %div3A_94 = vector.broadcast %div3A_93 : f32 to vector<2048x1xf32>
    %div3A_95 = arith.divf %broadcast_in_dim3A_92, %div3A_94 : vector<2048x1xf32>
    %add3A_96 = arith.constant 9.99999996E-13 : f32
    %add3A_97 = vector.broadcast %add3A_96 : f32 to vector<2048x1xf32>
    %add3A_98 = arith.addf %div3A_95, %add3A_97 : vector<2048x1xf32>
    %rsqrt3A_99 = math.rsqrt %add3A_98 : vector<2048x1xf32>
    %mul3A_100 = vector.broadcast %rsqrt3A_99 : vector<2048x1xf32> to vector<2048x128xf32>
    %mul3A_101 = arith.mulf %sub3A_88, %mul3A_100 : vector<2048x128xf32>
    %get3A_102 = arith.constant 0 : index
    %get3A_103 = arith.constant 0 : index
    %get3A_104 = vector.load %arg5[%get3A_102, %get3A_103] : memref<1x128xf32, #tpu.memory_space<vmem>>, vector<1x128xf32>
    %mul3A_105 = vector.broadcast %get3A_104 : vector<1x128xf32> to vector<2048x128xf32>
    %mul3A_106 = arith.mulf %mul3A_101, %mul3A_105 : vector<2048x128xf32>
    %get3A_107 = arith.constant 0 : index
    %get3A_108 = arith.constant 0 : index
    %get3A_109 = vector.load %arg6[%get3A_107, %get3A_108] : memref<1x128xf32, #tpu.memory_space<vmem>>, vector<1x128xf32>
    %add3A_110 = vector.broadcast %get3A_109 : vector<1x128xf32> to vector<2048x128xf32>
    %add3A_111 = arith.addf %mul3A_106, %add3A_110 : vector<2048x128xf32>
    %swap3A_112 = arith.constant 2048 : index
    %swap3A_113 = arith.constant 0 : index
    %swap3A_114 = vector.load %arg7[%swap3A_112, %swap3A_113] : memref<8192x128xf32, #tpu.memory_space<vmem>>, vector<2048x128xf32>
    tpu.vector_store %arg7[%swap3A_112, %swap3A_113], %add3A_111 {strides = array<i32>} : memref<8192x128xf32, #tpu.memory_space<vmem>>, vector<2048x128xf32>,
    %get3A_115 = arith.constant 4096 : index
    %get3A_116 = arith.constant 0 : index
    %get3A_117 = vector.load %arg1[%get3A_115, %get3A_116] : memref<8192x128xf32, #tpu.memory_space<vmem>>, vector<2048x128xf32>
    %get3A_118 = arith.constant 0 : index
    %get3A_119 = arith.constant 0 : index
    %get3A_120 = arith.constant 4096 : index
    %get3A_121 = vector.load %arg2[%get3A_118, %get3A_119, %get3A_120] : memref<1x1x8192xi32, #tpu.memory_space<vmem>>, vector<1x1x2048xi32>
    %get3A_122 = vector.shape_cast %get3A_121 : vector<1x1x2048xi32> to vector<1x2048xi32>
    %get3A_123 = arith.constant 0 : index
    %get3A_124 = arith.constant 0 : index
    %get3A_125 = arith.constant 4096 : index
    %get3A_126 = vector.load %arg3[%get3A_123, %get3A_124, %get3A_125] : memref<1x1x8192xi32, #tpu.memory_space<vmem>>, vector<1x1x2048xi32>
    %get3A_127 = vector.shape_cast %get3A_126 : vector<1x1x2048xi32> to vector<1x2048xi32>
    %iota3A_128 = tpu.iota {dimensions = array<i32: 0>} : vector<512x2048xi32>
    %iota3A_129 = tpu.iota {dimensions = array<i32: 0>} : vector<2x2048xi32>
    %eq3A_130 = vector.broadcast %get3A_122 : vector<1x2048xi32> to vector<512x2048xi32>
    %eq3A_131 = arith.cmpi eq, %iota3A_128, %eq3A_130 : vector<512x2048xi32>
    %convert_element_type3A_132 = arith.extui %eq3A_131 : vector<512x2048xi1> to vector<512x2048xi32>
    %convert_element_type3A_133 = arith.sitofp %convert_element_type3A_132 : vector<512x2048xi32> to vector<512x2048xf32>
    %convert_element_type3A_134 = arith.truncf %convert_element_type3A_133 : vector<512x2048xf32> to vector<512x2048xbf16>
    %eq3A_135 = vector.broadcast %get3A_127 : vector<1x2048xi32> to vector<2x2048xi32>
    %eq3A_136 = arith.cmpi eq, %iota3A_129, %eq3A_135 : vector<2x2048xi32>
    %convert_element_type3A_137 = arith.extui %eq3A_136 : vector<2x2048xi1> to vector<2x2048xi32>
    %convert_element_type3A_138 = arith.sitofp %convert_element_type3A_137 : vector<2x2048xi32> to vector<2x2048xf32>
    %convert_element_type3A_139 = arith.truncf %convert_element_type3A_138 : vector<2x2048xf32> to vector<2x2048xbf16>
    %concatenate3A_140 = tpu.concatenate %convert_element_type3A_134, %convert_element_type3A_139 in 0 : vector<512x2048xbf16>, vector<2x2048xbf16> -> vector<514x2048xbf16>
    %dot_general3A_141 = arith.constant dense<0.000000e+00> : vector<2048x128xf32>
    %dot_general3A_142 = tpu.matmul %concatenate3A_140, %get3A_1, %dot_general3A_141 {dimension_numbers = #tpu.dot_dimension_numbers<[0], [0], [1], [1], [0, 1, 1, 1], [], []>, transpose_lhs_hint = false} : vector<514x2048xbf16>, vector<514x128xbf16>, vector<2048x128xf32> -> vector<2048x128xf32>
    %add3A_143 = arith.addf %get3A_117, %dot_general3A_142 : vector<2048x128xf32>
    %reduce_sum3A_144 = arith.constant dense<0.000000e+00> : vector<2048xf32>
    %reduce_sum3A_145 = vector.multi_reduction <add>, %add3A_143, %reduce_sum3A_144 [1] : vector<2048x128xf32> to vector<2048xf32>
    %broadcast_in_dim3A_146 = vector.shape_cast %reduce_sum3A_145 : vector<2048xf32> to vector<2048x1xf32>
    %div3A_147 = arith.constant 1.280000e+02 : f32
    %div3A_148 = vector.broadcast %div3A_147 : f32 to vector<2048x1xf32>
    %div3A_149 = arith.divf %broadcast_in_dim3A_146, %div3A_148 : vector<2048x1xf32>
    %sub3A_150 = vector.broadcast %div3A_149 : vector<2048x1xf32> to vector<2048x128xf32>
    %sub3A_151 = arith.subf %add3A_143, %sub3A_150 : vector<2048x128xf32>
    %mul3A_152 = arith.mulf %sub3A_151, %sub3A_151 : vector<2048x128xf32>
    %reduce_sum3A_153 = arith.constant dense<0.000000e+00> : vector<2048xf32>
    %reduce_sum3A_154 = vector.multi_reduction <add>, %mul3A_152, %reduce_sum3A_153 [1] : vector<2048x128xf32> to vector<2048xf32>
    %broadcast_in_dim3A_155 = vector.shape_cast %reduce_sum3A_154 : vector<2048xf32> to vector<2048x1xf32>
    %div3A_156 = arith.constant 1.280000e+02 : f32
    %div3A_157 = vector.broadcast %div3A_156 : f32 to vector<2048x1xf32>
    %div3A_158 = arith.divf %broadcast_in_dim3A_155, %div3A_157 : vector<2048x1xf32>
    %add3A_159 = arith.constant 9.99999996E-13 : f32
    %add3A_160 = vector.broadcast %add3A_159 : f32 to vector<2048x1xf32>
    %add3A_161 = arith.addf %div3A_158, %add3A_160 : vector<2048x1xf32>
    %rsqrt3A_162 = math.rsqrt %add3A_161 : vector<2048x1xf32>
    %mul3A_163 = vector.broadcast %rsqrt3A_162 : vector<2048x1xf32> to vector<2048x128xf32>
    %mul3A_164 = arith.mulf %sub3A_151, %mul3A_163 : vector<2048x128xf32>
    %get3A_165 = arith.constant 0 : index
    %get3A_166 = arith.constant 0 : index
    %get3A_167 = vector.load %arg5[%get3A_165, %get3A_166] : memref<1x128xf32, #tpu.memory_space<vmem>>, vector<1x128xf32>
    %mul3A_168 = vector.broadcast %get3A_167 : vector<1x128xf32> to vector<2048x128xf32>
    %mul3A_169 = arith.mulf %mul3A_164, %mul3A_168 : vector<2048x128xf32>
    %get3A_170 = arith.constant 0 : index
    %get3A_171 = arith.constant 0 : index
    %get3A_172 = vector.load %arg6[%get3A_170, %get3A_171] : memref<1x128xf32, #tpu.memory_space<vmem>>, vector<1x128xf32>
    %add3A_173 = vector.broadcast %get3A_172 : vector<1x128xf32> to vector<2048x128xf32>
    %add3A_174 = arith.addf %mul3A_169, %add3A_173 : vector<2048x128xf32>
    %swap3A_175 = arith.constant 4096 : index
    %swap3A_176 = arith.constant 0 : index
    %swap3A_177 = vector.load %arg7[%swap3A_175, %swap3A_176] : memref<8192x128xf32, #tpu.memory_space<vmem>>, vector<2048x128xf32>
    tpu.vector_store %arg7[%swap3A_175, %swap3A_176], %add3A_174 {strides = array<i32>} : memref<8192x128xf32, #tpu.memory_space<vmem>>, vector<2048x128xf32>,
    %get3A_178 = arith.constant 6144 : index
    %get3A_179 = arith.constant 0 : index
    %get3A_180 = vector.load %arg1[%get3A_178, %get3A_179] : memref<8192x128xf32, #tpu.memory_space<vmem>>, vector<2048x128xf32>
    %get3A_181 = arith.constant 0 : index
    %get3A_182 = arith.constant 0 : index
    %get3A_183 = arith.constant 6144 : index
    %get3A_184 = vector.load %arg2[%get3A_181, %get3A_182, %get3A_183] : memref<1x1x8192xi32, #tpu.memory_space<vmem>>, vector<1x1x2048xi32>
    %get3A_185 = vector.shape_cast %get3A_184 : vector<1x1x2048xi32> to vector<1x2048xi32>
    %get3A_186 = arith.constant 0 : index
    %get3A_187 = arith.constant 0 : index
    %get3A_188 = arith.constant 6144 : index
    %get3A_189 = vector.load %arg3[%get3A_186, %get3A_187, %get3A_188] : memref<1x1x8192xi32, #tpu.memory_space<vmem>>, vector<1x1x2048xi32>
    %get3A_190 = vector.shape_cast %get3A_189 : vector<1x1x2048xi32> to vector<1x2048xi32>
    %iota3A_191 = tpu.iota {dimensions = array<i32: 0>} : vector<512x2048xi32>
    %iota3A_192 = tpu.iota {dimensions = array<i32: 0>} : vector<2x2048xi32>
    %eq3A_193 = vector.broadcast %get3A_185 : vector<1x2048xi32> to vector<512x2048xi32>
    %eq3A_194 = arith.cmpi eq, %iota3A_191, %eq3A_193 : vector<512x2048xi32>
    %convert_element_type3A_195 = arith.extui %eq3A_194 : vector<512x2048xi1> to vector<512x2048xi32>
    %convert_element_type3A_196 = arith.sitofp %convert_element_type3A_195 : vector<512x2048xi32> to vector<512x2048xf32>
    %convert_element_type3A_197 = arith.truncf %convert_element_type3A_196 : vector<512x2048xf32> to vector<512x2048xbf16>
    %eq3A_198 = vector.broadcast %get3A_190 : vector<1x2048xi32> to vector<2x2048xi32>
    %eq3A_199 = arith.cmpi eq, %iota3A_192, %eq3A_198 : vector<2x2048xi32>
    %convert_element_type3A_200 = arith.extui %eq3A_199 : vector<2x2048xi1> to vector<2x2048xi32>
    %convert_element_type3A_201 = arith.sitofp %convert_element_type3A_200 : vector<2x2048xi32> to vector<2x2048xf32>
    %convert_element_type3A_202 = arith.truncf %convert_element_type3A_201 : vector<2x2048xf32> to vector<2x2048xbf16>
    %concatenate3A_203 = tpu.concatenate %convert_element_type3A_197, %convert_element_type3A_202 in 0 : vector<512x2048xbf16>, vector<2x2048xbf16> -> vector<514x2048xbf16>
    %dot_general3A_204 = arith.constant dense<0.000000e+00> : vector<2048x128xf32>
    %dot_general3A_205 = tpu.matmul %concatenate3A_203, %get3A_1, %dot_general3A_204 {dimension_numbers = #tpu.dot_dimension_numbers<[0], [0], [1], [1], [0, 1, 1, 1], [], []>, transpose_lhs_hint = false} : vector<514x2048xbf16>, vector<514x128xbf16>, vector<2048x128xf32> -> vector<2048x128xf32>
    %add3A_206 = arith.addf %get3A_180, %dot_general3A_205 : vector<2048x128xf32>
    %reduce_sum3A_207 = arith.constant dense<0.000000e+00> : vector<2048xf32>
    %reduce_sum3A_208 = vector.multi_reduction <add>, %add3A_206, %reduce_sum3A_207 [1] : vector<2048x128xf32> to vector<2048xf32>
    %broadcast_in_dim3A_209 = vector.shape_cast %reduce_sum3A_208 : vector<2048xf32> to vector<2048x1xf32>
    %div3A_210 = arith.constant 1.280000e+02 : f32
    %div3A_211 = vector.broadcast %div3A_210 : f32 to vector<2048x1xf32>
    %div3A_212 = arith.divf %broadcast_in_dim3A_209, %div3A_211 : vector<2048x1xf32>
    %sub3A_213 = vector.broadcast %div3A_212 : vector<2048x1xf32> to vector<2048x128xf32>
    %sub3A_214 = arith.subf %add3A_206, %sub3A_213 : vector<2048x128xf32>
    %mul3A_215 = arith.mulf %sub3A_214, %sub3A_214 : vector<2048x128xf32>
    %reduce_sum3A_216 = arith.constant dense<0.000000e+00> : vector<2048xf32>
    %reduce_sum3A_217 = vector.multi_reduction <add>, %mul3A_215, %reduce_sum3A_216 [1] : vector<2048x128xf32> to vector<2048xf32>
    %broadcast_in_dim3A_218 = vector.shape_cast %reduce_sum3A_217 : vector<2048xf32> to vector<2048x1xf32>
    %div3A_219 = arith.constant 1.280000e+02 : f32
    %div3A_220 = vector.broadcast %div3A_219 : f32 to vector<2048x1xf32>
    %div3A_221 = arith.divf %broadcast_in_dim3A_218, %div3A_220 : vector<2048x1xf32>
    %add3A_222 = arith.constant 9.99999996E-13 : f32
    %add3A_223 = vector.broadcast %add3A_222 : f32 to vector<2048x1xf32>
    %add3A_224 = arith.addf %div3A_221, %add3A_223 : vector<2048x1xf32>
    %rsqrt3A_225 = math.rsqrt %add3A_224 : vector<2048x1xf32>
    %mul3A_226 = vector.broadcast %rsqrt3A_225 : vector<2048x1xf32> to vector<2048x128xf32>
    %mul3A_227 = arith.mulf %sub3A_214, %mul3A_226 : vector<2048x128xf32>
    %get3A_228 = arith.constant 0 : index
    %get3A_229 = arith.constant 0 : index
    %get3A_230 = vector.load %arg5[%get3A_228, %get3A_229] : memref<1x128xf32, #tpu.memory_space<vmem>>, vector<1x128xf32>
    %mul3A_231 = vector.broadcast %get3A_230 : vector<1x128xf32> to vector<2048x128xf32>
    %mul3A_232 = arith.mulf %mul3A_227, %mul3A_231 : vector<2048x128xf32>
    %get3A_233 = arith.constant 0 : index
    %get3A_234 = arith.constant 0 : index
    %get3A_235 = vector.load %arg6[%get3A_233, %get3A_234] : memref<1x128xf32, #tpu.memory_space<vmem>>, vector<1x128xf32>
    %add3A_236 = vector.broadcast %get3A_235 : vector<1x128xf32> to vector<2048x128xf32>
    %add3A_237 = arith.addf %mul3A_232, %add3A_236 : vector<2048x128xf32>
    %swap3A_238 = arith.constant 6144 : index
    %swap3A_239 = arith.constant 0 : index
    %swap3A_240 = vector.load %arg7[%swap3A_238, %swap3A_239] : memref<8192x128xf32, #tpu.memory_space<vmem>>, vector<2048x128xf32>
    tpu.vector_store %arg7[%swap3A_238, %swap3A_239], %add3A_237 {strides = array<i32>} : memref<8192x128xf32, #tpu.memory_space<vmem>>, vector<2048x128xf32>,
    return
  }
  func.func @transform_0(%arg0: i32) -> (i32, i32) {
    %c0_i32 = arith.constant 0 : i32
    %c0_i32_0 = arith.constant 0 : i32
    return %arg0, %c0_i32 : i32, i32
  }
  func.func @transform_1(%arg0: i32) -> (i32, i32, i32) {
    %add3A = arith.constant 0 : i32
    %add3A_0 = arith.addi %arg0, %add3A : i32
    %c0_i32 = arith.constant 0 : i32
    %c0_i32_1 = arith.constant 0 : i32
    %c0_i32_2 = arith.constant 0 : i32
    return %add3A_0, %c0_i32, %c0_i32_1 : i32, i32, i32
  }
  func.func @transform_2(%arg0: i32) -> (i32, i32, i32) {
    %add3A = arith.constant 0 : i32
    %add3A_0 = arith.addi %arg0, %add3A : i32
    %c0_i32 = arith.constant 0 : i32
    %c0_i32_1 = arith.constant 0 : i32
    %c0_i32_2 = arith.constant 0 : i32
    return %add3A_0, %c0_i32, %c0_i32_1 : i32, i32, i32
  }
  func.func @transform_3(%arg0: i32) -> (i32, i32) {
    %c0_i32 = arith.constant 0 : i32
    %c0_i32_0 = arith.constant 0 : i32
    %c0_i32_1 = arith.constant 0 : i32
    return %c0_i32, %c0_i32_0 : i32, i32
  }
  func.func @transform_4(%arg0: i32) -> (i32, i32) {
    %c0_i32 = arith.constant 0 : i32
    %c0_i32_0 = arith.constant 0 : i32
    %c0_i32_1 = arith.constant 0 : i32
    return %c0_i32, %c0_i32_0 : i32, i32
  }
  func.func @transform_5(%arg0: i32) -> (i32, i32) {
    %c0_i32 = arith.constant 0 : i32
    %c0_i32_0 = arith.constant 0 : i32
    %c0_i32_1 = arith.constant 0 : i32
    return %c0_i32, %c0_i32_0 : i32, i32
  }
  func.func @transform_6(%arg0: i32) -> (i32, i32) {
    %add3A = arith.constant 0 : i32
    %add3A_0 = arith.addi %arg0, %add3A : i32
    %c0_i32 = arith.constant 0 : i32
    %c0_i32_1 = arith.constant 0 : i32
    return %add3A_0, %c0_i32 : i32, i32
  }
}

module attributes {stable_mosaic.version = 14 : i64} {
  func.func @_tc_ln_chunk_body(%arg0: i32, %arg1: memref<8192x128xf32, #tpu.memory_space<vmem>>, %arg2: memref<1x1x8192xi32, #tpu.memory_space<vmem>>, %arg3: memref<1x1x8192xi32, #tpu.memory_space<vmem>>, %arg4: memref<514x128xbf16, #tpu.memory_space<vmem>>, %arg5: memref<1x128xf32, #tpu.memory_space<vmem>>, %arg6: memref<1x128xf32, #tpu.memory_space<vmem>>, %arg7: memref<204800x128xf32, #tpu.memory_space<hbm>>, %arg8: memref<8192x128xf32, #tpu.memory_space<vmem>>) attributes {dimension_semantics = [#tpu.dimension_semantics<arbitrary>], iteration_bounds = array<i64: 5>, scalar_prefetch = 0 : i64, scratch_operands = 0 : i64, tpu.core_type = #tpu.core_type<tc>, window_params = [{transform_indices = @transform_0, window_bounds = array<i64: 8192, 128>}, {transform_indices = @transform_1, window_bounds = array<i64: 1, 1, 8192>}, {transform_indices = @transform_2, window_bounds = array<i64: 1, 1, 8192>}, {pipeline_mode = #tpu.pipeline_mode<synchronous>, transform_indices = @transform_3, window_bounds = array<i64: 514, 128>}, {pipeline_mode = #tpu.pipeline_mode<synchronous>, transform_indices = @transform_4, window_bounds = array<i64: 1, 128>}, {pipeline_mode = #tpu.pipeline_mode<synchronous>, transform_indices = @transform_5, window_bounds = array<i64: 1, 128>}, {}, {transform_indices = @transform_7, window_bounds = array<i64: 8192, 128>}]} {
    %get3A = arith.constant 0 : index
    %get3A_0 = arith.constant 0 : index
    %get3A_1 = vector.load %arg4[%get3A, %get3A_0] : memref<514x128xbf16, #tpu.memory_space<vmem>>, vector<514x128xbf16>
    %get3A_2 = arith.constant 0 : index
    %get3A_3 = arith.constant 0 : index
    %get3A_4 = vector.load %arg1[%get3A_2, %get3A_3] : memref<8192x128xf32, #tpu.memory_space<vmem>>, vector<2048x128xf32>
    %get3A_5 = arith.constant 0 : index
    %get3A_6 = arith.constant 0 : index
    %get3A_7 = arith.constant 0 : index
    %get3A_8 = vector.load %arg2[%get3A_5, %get3A_6, %get3A_7] : memref<1x1x8192xi32, #tpu.memory_space<vmem>>, vector<1x1x2048xi32>
    %get3A_9 = vector.shape_cast %get3A_8 : vector<1x1x2048xi32> to vector<1x2048xi32>
    %get3A_10 = arith.constant 0 : index
    %get3A_11 = arith.constant 0 : index
    %get3A_12 = arith.constant 0 : index
    %get3A_13 = vector.load %arg3[%get3A_10, %get3A_11, %get3A_12] : memref<1x1x8192xi32, #tpu.memory_space<vmem>>, vector<1x1x2048xi32>
    %get3A_14 = vector.shape_cast %get3A_13 : vector<1x1x2048xi32> to vector<1x2048xi32>
    %iota3A = tpu.iota {dimensions = array<i32: 0>} : vector<512x2048xi32>
    %iota3A_15 = tpu.iota {dimensions = array<i32: 0>} : vector<2x2048xi32>
    %eq3A = vector.broadcast %get3A_9 : vector<1x2048xi32> to vector<512x2048xi32>
    %eq3A_16 = arith.cmpi eq, %iota3A, %eq3A : vector<512x2048xi32>
    %convert_element_type3A = arith.extui %eq3A_16 : vector<512x2048xi1> to vector<512x2048xi32>
    %convert_element_type3A_17 = arith.sitofp %convert_element_type3A : vector<512x2048xi32> to vector<512x2048xf32>
    %convert_element_type3A_18 = arith.truncf %convert_element_type3A_17 : vector<512x2048xf32> to vector<512x2048xbf16>
    %eq3A_19 = vector.broadcast %get3A_14 : vector<1x2048xi32> to vector<2x2048xi32>
    %eq3A_20 = arith.cmpi eq, %iota3A_15, %eq3A_19 : vector<2x2048xi32>
    %convert_element_type3A_21 = arith.extui %eq3A_20 : vector<2x2048xi1> to vector<2x2048xi32>
    %convert_element_type3A_22 = arith.sitofp %convert_element_type3A_21 : vector<2x2048xi32> to vector<2x2048xf32>
    %convert_element_type3A_23 = arith.truncf %convert_element_type3A_22 : vector<2x2048xf32> to vector<2x2048xbf16>
    %concatenate3A = tpu.concatenate %convert_element_type3A_18, %convert_element_type3A_23 in 0 : vector<512x2048xbf16>, vector<2x2048xbf16> -> vector<514x2048xbf16>
    %dot_general3A = arith.constant dense<0.000000e+00> : vector<2048x128xf32>
    %dot_general3A_24 = tpu.matmul %concatenate3A, %get3A_1, %dot_general3A {dimension_numbers = #tpu.dot_dimension_numbers<[0], [0], [1], [1], [0, 1, 1, 1], [], []>, transpose_lhs_hint = false} : vector<514x2048xbf16>, vector<514x128xbf16>, vector<2048x128xf32> -> vector<2048x128xf32>
    %add3A = arith.addf %get3A_4, %dot_general3A_24 : vector<2048x128xf32>
    %reduce_sum3A = arith.constant dense<0.000000e+00> : vector<2048xf32>
    %reduce_sum3A_25 = vector.multi_reduction <add>, %add3A, %reduce_sum3A [1] : vector<2048x128xf32> to vector<2048xf32>
    %broadcast_in_dim3A = vector.shape_cast %reduce_sum3A_25 : vector<2048xf32> to vector<2048x1xf32>
    %div3A = arith.constant 1.280000e+02 : f32
    %div3A_26 = vector.broadcast %div3A : f32 to vector<2048x1xf32>
    %div3A_27 = arith.divf %broadcast_in_dim3A, %div3A_26 : vector<2048x1xf32>
    %sub3A = vector.broadcast %div3A_27 : vector<2048x1xf32> to vector<2048x128xf32>
    %sub3A_28 = arith.subf %add3A, %sub3A : vector<2048x128xf32>
    %mul3A = arith.mulf %sub3A_28, %sub3A_28 : vector<2048x128xf32>
    %reduce_sum3A_29 = arith.constant dense<0.000000e+00> : vector<2048xf32>
    %reduce_sum3A_30 = vector.multi_reduction <add>, %mul3A, %reduce_sum3A_29 [1] : vector<2048x128xf32> to vector<2048xf32>
    %broadcast_in_dim3A_31 = vector.shape_cast %reduce_sum3A_30 : vector<2048xf32> to vector<2048x1xf32>
    %div3A_32 = arith.constant 1.280000e+02 : f32
    %div3A_33 = vector.broadcast %div3A_32 : f32 to vector<2048x1xf32>
    %div3A_34 = arith.divf %broadcast_in_dim3A_31, %div3A_33 : vector<2048x1xf32>
    %add3A_35 = arith.constant 9.99999996E-13 : f32
    %add3A_36 = vector.broadcast %add3A_35 : f32 to vector<2048x1xf32>
    %add3A_37 = arith.addf %div3A_34, %add3A_36 : vector<2048x1xf32>
    %rsqrt3A = math.rsqrt %add3A_37 : vector<2048x1xf32>
    %mul3A_38 = vector.broadcast %rsqrt3A : vector<2048x1xf32> to vector<2048x128xf32>
    %mul3A_39 = arith.mulf %sub3A_28, %mul3A_38 : vector<2048x128xf32>
    %get3A_40 = arith.constant 0 : index
    %get3A_41 = arith.constant 0 : index
    %get3A_42 = vector.load %arg5[%get3A_40, %get3A_41] : memref<1x128xf32, #tpu.memory_space<vmem>>, vector<1x128xf32>
    %mul3A_43 = vector.broadcast %get3A_42 : vector<1x128xf32> to vector<2048x128xf32>
    %mul3A_44 = arith.mulf %mul3A_39, %mul3A_43 : vector<2048x128xf32>
    %get3A_45 = arith.constant 0 : index
    %get3A_46 = arith.constant 0 : index
    %get3A_47 = vector.load %arg6[%get3A_45, %get3A_46] : memref<1x128xf32, #tpu.memory_space<vmem>>, vector<1x128xf32>
    %add3A_48 = vector.broadcast %get3A_47 : vector<1x128xf32> to vector<2048x128xf32>
    %add3A_49 = arith.addf %mul3A_44, %add3A_48 : vector<2048x128xf32>
    %swap3A = arith.constant 0 : index
    %swap3A_50 = arith.constant 0 : index
    %swap3A_51 = vector.load %arg8[%swap3A, %swap3A_50] : memref<8192x128xf32, #tpu.memory_space<vmem>>, vector<2048x128xf32>
    tpu.vector_store %arg8[%swap3A, %swap3A_50], %add3A_49 {strides = array<i32>} : memref<8192x128xf32, #tpu.memory_space<vmem>>, vector<2048x128xf32>,
    %get3A_52 = arith.constant 2048 : index
    %get3A_53 = arith.constant 0 : index
    %get3A_54 = vector.load %arg1[%get3A_52, %get3A_53] : memref<8192x128xf32, #tpu.memory_space<vmem>>, vector<2048x128xf32>
    %get3A_55 = arith.constant 0 : index
    %get3A_56 = arith.constant 0 : index
    %get3A_57 = arith.constant 2048 : index
    %get3A_58 = vector.load %arg2[%get3A_55, %get3A_56, %get3A_57] : memref<1x1x8192xi32, #tpu.memory_space<vmem>>, vector<1x1x2048xi32>
    %get3A_59 = vector.shape_cast %get3A_58 : vector<1x1x2048xi32> to vector<1x2048xi32>
    %get3A_60 = arith.constant 0 : index
    %get3A_61 = arith.constant 0 : index
    %get3A_62 = arith.constant 2048 : index
    %get3A_63 = vector.load %arg3[%get3A_60, %get3A_61, %get3A_62] : memref<1x1x8192xi32, #tpu.memory_space<vmem>>, vector<1x1x2048xi32>
    %get3A_64 = vector.shape_cast %get3A_63 : vector<1x1x2048xi32> to vector<1x2048xi32>
    %iota3A_65 = tpu.iota {dimensions = array<i32: 0>} : vector<512x2048xi32>
    %iota3A_66 = tpu.iota {dimensions = array<i32: 0>} : vector<2x2048xi32>
    %eq3A_67 = vector.broadcast %get3A_59 : vector<1x2048xi32> to vector<512x2048xi32>
    %eq3A_68 = arith.cmpi eq, %iota3A_65, %eq3A_67 : vector<512x2048xi32>
    %convert_element_type3A_69 = arith.extui %eq3A_68 : vector<512x2048xi1> to vector<512x2048xi32>
    %convert_element_type3A_70 = arith.sitofp %convert_element_type3A_69 : vector<512x2048xi32> to vector<512x2048xf32>
    %convert_element_type3A_71 = arith.truncf %convert_element_type3A_70 : vector<512x2048xf32> to vector<512x2048xbf16>
    %eq3A_72 = vector.broadcast %get3A_64 : vector<1x2048xi32> to vector<2x2048xi32>
    %eq3A_73 = arith.cmpi eq, %iota3A_66, %eq3A_72 : vector<2x2048xi32>
    %convert_element_type3A_74 = arith.extui %eq3A_73 : vector<2x2048xi1> to vector<2x2048xi32>
    %convert_element_type3A_75 = arith.sitofp %convert_element_type3A_74 : vector<2x2048xi32> to vector<2x2048xf32>
    %convert_element_type3A_76 = arith.truncf %convert_element_type3A_75 : vector<2x2048xf32> to vector<2x2048xbf16>
    %concatenate3A_77 = tpu.concatenate %convert_element_type3A_71, %convert_element_type3A_76 in 0 : vector<512x2048xbf16>, vector<2x2048xbf16> -> vector<514x2048xbf16>
    %dot_general3A_78 = arith.constant dense<0.000000e+00> : vector<2048x128xf32>
    %dot_general3A_79 = tpu.matmul %concatenate3A_77, %get3A_1, %dot_general3A_78 {dimension_numbers = #tpu.dot_dimension_numbers<[0], [0], [1], [1], [0, 1, 1, 1], [], []>, transpose_lhs_hint = false} : vector<514x2048xbf16>, vector<514x128xbf16>, vector<2048x128xf32> -> vector<2048x128xf32>
    %add3A_80 = arith.addf %get3A_54, %dot_general3A_79 : vector<2048x128xf32>
    %reduce_sum3A_81 = arith.constant dense<0.000000e+00> : vector<2048xf32>
    %reduce_sum3A_82 = vector.multi_reduction <add>, %add3A_80, %reduce_sum3A_81 [1] : vector<2048x128xf32> to vector<2048xf32>
    %broadcast_in_dim3A_83 = vector.shape_cast %reduce_sum3A_82 : vector<2048xf32> to vector<2048x1xf32>
    %div3A_84 = arith.constant 1.280000e+02 : f32
    %div3A_85 = vector.broadcast %div3A_84 : f32 to vector<2048x1xf32>
    %div3A_86 = arith.divf %broadcast_in_dim3A_83, %div3A_85 : vector<2048x1xf32>
    %sub3A_87 = vector.broadcast %div3A_86 : vector<2048x1xf32> to vector<2048x128xf32>
    %sub3A_88 = arith.subf %add3A_80, %sub3A_87 : vector<2048x128xf32>
    %mul3A_89 = arith.mulf %sub3A_88, %sub3A_88 : vector<2048x128xf32>
    %reduce_sum3A_90 = arith.constant dense<0.000000e+00> : vector<2048xf32>
    %reduce_sum3A_91 = vector.multi_reduction <add>, %mul3A_89, %reduce_sum3A_90 [1] : vector<2048x128xf32> to vector<2048xf32>
    %broadcast_in_dim3A_92 = vector.shape_cast %reduce_sum3A_91 : vector<2048xf32> to vector<2048x1xf32>
    %div3A_93 = arith.constant 1.280000e+02 : f32
    %div3A_94 = vector.broadcast %div3A_93 : f32 to vector<2048x1xf32>
    %div3A_95 = arith.divf %broadcast_in_dim3A_92, %div3A_94 : vector<2048x1xf32>
    %add3A_96 = arith.constant 9.99999996E-13 : f32
    %add3A_97 = vector.broadcast %add3A_96 : f32 to vector<2048x1xf32>
    %add3A_98 = arith.addf %div3A_95, %add3A_97 : vector<2048x1xf32>
    %rsqrt3A_99 = math.rsqrt %add3A_98 : vector<2048x1xf32>
    %mul3A_100 = vector.broadcast %rsqrt3A_99 : vector<2048x1xf32> to vector<2048x128xf32>
    %mul3A_101 = arith.mulf %sub3A_88, %mul3A_100 : vector<2048x128xf32>
    %get3A_102 = arith.constant 0 : index
    %get3A_103 = arith.constant 0 : index
    %get3A_104 = vector.load %arg5[%get3A_102, %get3A_103] : memref<1x128xf32, #tpu.memory_space<vmem>>, vector<1x128xf32>
    %mul3A_105 = vector.broadcast %get3A_104 : vector<1x128xf32> to vector<2048x128xf32>
    %mul3A_106 = arith.mulf %mul3A_101, %mul3A_105 : vector<2048x128xf32>
    %get3A_107 = arith.constant 0 : index
    %get3A_108 = arith.constant 0 : index
    %get3A_109 = vector.load %arg6[%get3A_107, %get3A_108] : memref<1x128xf32, #tpu.memory_space<vmem>>, vector<1x128xf32>
    %add3A_110 = vector.broadcast %get3A_109 : vector<1x128xf32> to vector<2048x128xf32>
    %add3A_111 = arith.addf %mul3A_106, %add3A_110 : vector<2048x128xf32>
    %swap3A_112 = arith.constant 2048 : index
    %swap3A_113 = arith.constant 0 : index
    %swap3A_114 = vector.load %arg8[%swap3A_112, %swap3A_113] : memref<8192x128xf32, #tpu.memory_space<vmem>>, vector<2048x128xf32>
    tpu.vector_store %arg8[%swap3A_112, %swap3A_113], %add3A_111 {strides = array<i32>} : memref<8192x128xf32, #tpu.memory_space<vmem>>, vector<2048x128xf32>,
    %get3A_115 = arith.constant 4096 : index
    %get3A_116 = arith.constant 0 : index
    %get3A_117 = vector.load %arg1[%get3A_115, %get3A_116] : memref<8192x128xf32, #tpu.memory_space<vmem>>, vector<2048x128xf32>
    %get3A_118 = arith.constant 0 : index
    %get3A_119 = arith.constant 0 : index
    %get3A_120 = arith.constant 4096 : index
    %get3A_121 = vector.load %arg2[%get3A_118, %get3A_119, %get3A_120] : memref<1x1x8192xi32, #tpu.memory_space<vmem>>, vector<1x1x2048xi32>
    %get3A_122 = vector.shape_cast %get3A_121 : vector<1x1x2048xi32> to vector<1x2048xi32>
    %get3A_123 = arith.constant 0 : index
    %get3A_124 = arith.constant 0 : index
    %get3A_125 = arith.constant 4096 : index
    %get3A_126 = vector.load %arg3[%get3A_123, %get3A_124, %get3A_125] : memref<1x1x8192xi32, #tpu.memory_space<vmem>>, vector<1x1x2048xi32>
    %get3A_127 = vector.shape_cast %get3A_126 : vector<1x1x2048xi32> to vector<1x2048xi32>
    %iota3A_128 = tpu.iota {dimensions = array<i32: 0>} : vector<512x2048xi32>
    %iota3A_129 = tpu.iota {dimensions = array<i32: 0>} : vector<2x2048xi32>
    %eq3A_130 = vector.broadcast %get3A_122 : vector<1x2048xi32> to vector<512x2048xi32>
    %eq3A_131 = arith.cmpi eq, %iota3A_128, %eq3A_130 : vector<512x2048xi32>
    %convert_element_type3A_132 = arith.extui %eq3A_131 : vector<512x2048xi1> to vector<512x2048xi32>
    %convert_element_type3A_133 = arith.sitofp %convert_element_type3A_132 : vector<512x2048xi32> to vector<512x2048xf32>
    %convert_element_type3A_134 = arith.truncf %convert_element_type3A_133 : vector<512x2048xf32> to vector<512x2048xbf16>
    %eq3A_135 = vector.broadcast %get3A_127 : vector<1x2048xi32> to vector<2x2048xi32>
    %eq3A_136 = arith.cmpi eq, %iota3A_129, %eq3A_135 : vector<2x2048xi32>
    %convert_element_type3A_137 = arith.extui %eq3A_136 : vector<2x2048xi1> to vector<2x2048xi32>
    %convert_element_type3A_138 = arith.sitofp %convert_element_type3A_137 : vector<2x2048xi32> to vector<2x2048xf32>
    %convert_element_type3A_139 = arith.truncf %convert_element_type3A_138 : vector<2x2048xf32> to vector<2x2048xbf16>
    %concatenate3A_140 = tpu.concatenate %convert_element_type3A_134, %convert_element_type3A_139 in 0 : vector<512x2048xbf16>, vector<2x2048xbf16> -> vector<514x2048xbf16>
    %dot_general3A_141 = arith.constant dense<0.000000e+00> : vector<2048x128xf32>
    %dot_general3A_142 = tpu.matmul %concatenate3A_140, %get3A_1, %dot_general3A_141 {dimension_numbers = #tpu.dot_dimension_numbers<[0], [0], [1], [1], [0, 1, 1, 1], [], []>, transpose_lhs_hint = false} : vector<514x2048xbf16>, vector<514x128xbf16>, vector<2048x128xf32> -> vector<2048x128xf32>
    %add3A_143 = arith.addf %get3A_117, %dot_general3A_142 : vector<2048x128xf32>
    %reduce_sum3A_144 = arith.constant dense<0.000000e+00> : vector<2048xf32>
    %reduce_sum3A_145 = vector.multi_reduction <add>, %add3A_143, %reduce_sum3A_144 [1] : vector<2048x128xf32> to vector<2048xf32>
    %broadcast_in_dim3A_146 = vector.shape_cast %reduce_sum3A_145 : vector<2048xf32> to vector<2048x1xf32>
    %div3A_147 = arith.constant 1.280000e+02 : f32
    %div3A_148 = vector.broadcast %div3A_147 : f32 to vector<2048x1xf32>
    %div3A_149 = arith.divf %broadcast_in_dim3A_146, %div3A_148 : vector<2048x1xf32>
    %sub3A_150 = vector.broadcast %div3A_149 : vector<2048x1xf32> to vector<2048x128xf32>
    %sub3A_151 = arith.subf %add3A_143, %sub3A_150 : vector<2048x128xf32>
    %mul3A_152 = arith.mulf %sub3A_151, %sub3A_151 : vector<2048x128xf32>
    %reduce_sum3A_153 = arith.constant dense<0.000000e+00> : vector<2048xf32>
    %reduce_sum3A_154 = vector.multi_reduction <add>, %mul3A_152, %reduce_sum3A_153 [1] : vector<2048x128xf32> to vector<2048xf32>
    %broadcast_in_dim3A_155 = vector.shape_cast %reduce_sum3A_154 : vector<2048xf32> to vector<2048x1xf32>
    %div3A_156 = arith.constant 1.280000e+02 : f32
    %div3A_157 = vector.broadcast %div3A_156 : f32 to vector<2048x1xf32>
    %div3A_158 = arith.divf %broadcast_in_dim3A_155, %div3A_157 : vector<2048x1xf32>
    %add3A_159 = arith.constant 9.99999996E-13 : f32
    %add3A_160 = vector.broadcast %add3A_159 : f32 to vector<2048x1xf32>
    %add3A_161 = arith.addf %div3A_158, %add3A_160 : vector<2048x1xf32>
    %rsqrt3A_162 = math.rsqrt %add3A_161 : vector<2048x1xf32>
    %mul3A_163 = vector.broadcast %rsqrt3A_162 : vector<2048x1xf32> to vector<2048x128xf32>
    %mul3A_164 = arith.mulf %sub3A_151, %mul3A_163 : vector<2048x128xf32>
    %get3A_165 = arith.constant 0 : index
    %get3A_166 = arith.constant 0 : index
    %get3A_167 = vector.load %arg5[%get3A_165, %get3A_166] : memref<1x128xf32, #tpu.memory_space<vmem>>, vector<1x128xf32>
    %mul3A_168 = vector.broadcast %get3A_167 : vector<1x128xf32> to vector<2048x128xf32>
    %mul3A_169 = arith.mulf %mul3A_164, %mul3A_168 : vector<2048x128xf32>
    %get3A_170 = arith.constant 0 : index
    %get3A_171 = arith.constant 0 : index
    %get3A_172 = vector.load %arg6[%get3A_170, %get3A_171] : memref<1x128xf32, #tpu.memory_space<vmem>>, vector<1x128xf32>
    %add3A_173 = vector.broadcast %get3A_172 : vector<1x128xf32> to vector<2048x128xf32>
    %add3A_174 = arith.addf %mul3A_169, %add3A_173 : vector<2048x128xf32>
    %swap3A_175 = arith.constant 4096 : index
    %swap3A_176 = arith.constant 0 : index
    %swap3A_177 = vector.load %arg8[%swap3A_175, %swap3A_176] : memref<8192x128xf32, #tpu.memory_space<vmem>>, vector<2048x128xf32>
    tpu.vector_store %arg8[%swap3A_175, %swap3A_176], %add3A_174 {strides = array<i32>} : memref<8192x128xf32, #tpu.memory_space<vmem>>, vector<2048x128xf32>,
    %get3A_178 = arith.constant 6144 : index
    %get3A_179 = arith.constant 0 : index
    %get3A_180 = vector.load %arg1[%get3A_178, %get3A_179] : memref<8192x128xf32, #tpu.memory_space<vmem>>, vector<2048x128xf32>
    %get3A_181 = arith.constant 0 : index
    %get3A_182 = arith.constant 0 : index
    %get3A_183 = arith.constant 6144 : index
    %get3A_184 = vector.load %arg2[%get3A_181, %get3A_182, %get3A_183] : memref<1x1x8192xi32, #tpu.memory_space<vmem>>, vector<1x1x2048xi32>
    %get3A_185 = vector.shape_cast %get3A_184 : vector<1x1x2048xi32> to vector<1x2048xi32>
    %get3A_186 = arith.constant 0 : index
    %get3A_187 = arith.constant 0 : index
    %get3A_188 = arith.constant 6144 : index
    %get3A_189 = vector.load %arg3[%get3A_186, %get3A_187, %get3A_188] : memref<1x1x8192xi32, #tpu.memory_space<vmem>>, vector<1x1x2048xi32>
    %get3A_190 = vector.shape_cast %get3A_189 : vector<1x1x2048xi32> to vector<1x2048xi32>
    %iota3A_191 = tpu.iota {dimensions = array<i32: 0>} : vector<512x2048xi32>
    %iota3A_192 = tpu.iota {dimensions = array<i32: 0>} : vector<2x2048xi32>
    %eq3A_193 = vector.broadcast %get3A_185 : vector<1x2048xi32> to vector<512x2048xi32>
    %eq3A_194 = arith.cmpi eq, %iota3A_191, %eq3A_193 : vector<512x2048xi32>
    %convert_element_type3A_195 = arith.extui %eq3A_194 : vector<512x2048xi1> to vector<512x2048xi32>
    %convert_element_type3A_196 = arith.sitofp %convert_element_type3A_195 : vector<512x2048xi32> to vector<512x2048xf32>
    %convert_element_type3A_197 = arith.truncf %convert_element_type3A_196 : vector<512x2048xf32> to vector<512x2048xbf16>
    %eq3A_198 = vector.broadcast %get3A_190 : vector<1x2048xi32> to vector<2x2048xi32>
    %eq3A_199 = arith.cmpi eq, %iota3A_192, %eq3A_198 : vector<2x2048xi32>
    %convert_element_type3A_200 = arith.extui %eq3A_199 : vector<2x2048xi1> to vector<2x2048xi32>
    %convert_element_type3A_201 = arith.sitofp %convert_element_type3A_200 : vector<2x2048xi32> to vector<2x2048xf32>
    %convert_element_type3A_202 = arith.truncf %convert_element_type3A_201 : vector<2x2048xf32> to vector<2x2048xbf16>
    %concatenate3A_203 = tpu.concatenate %convert_element_type3A_197, %convert_element_type3A_202 in 0 : vector<512x2048xbf16>, vector<2x2048xbf16> -> vector<514x2048xbf16>
    %dot_general3A_204 = arith.constant dense<0.000000e+00> : vector<2048x128xf32>
    %dot_general3A_205 = tpu.matmul %concatenate3A_203, %get3A_1, %dot_general3A_204 {dimension_numbers = #tpu.dot_dimension_numbers<[0], [0], [1], [1], [0, 1, 1, 1], [], []>, transpose_lhs_hint = false} : vector<514x2048xbf16>, vector<514x128xbf16>, vector<2048x128xf32> -> vector<2048x128xf32>
    %add3A_206 = arith.addf %get3A_180, %dot_general3A_205 : vector<2048x128xf32>
    %reduce_sum3A_207 = arith.constant dense<0.000000e+00> : vector<2048xf32>
    %reduce_sum3A_208 = vector.multi_reduction <add>, %add3A_206, %reduce_sum3A_207 [1] : vector<2048x128xf32> to vector<2048xf32>
    %broadcast_in_dim3A_209 = vector.shape_cast %reduce_sum3A_208 : vector<2048xf32> to vector<2048x1xf32>
    %div3A_210 = arith.constant 1.280000e+02 : f32
    %div3A_211 = vector.broadcast %div3A_210 : f32 to vector<2048x1xf32>
    %div3A_212 = arith.divf %broadcast_in_dim3A_209, %div3A_211 : vector<2048x1xf32>
    %sub3A_213 = vector.broadcast %div3A_212 : vector<2048x1xf32> to vector<2048x128xf32>
    %sub3A_214 = arith.subf %add3A_206, %sub3A_213 : vector<2048x128xf32>
    %mul3A_215 = arith.mulf %sub3A_214, %sub3A_214 : vector<2048x128xf32>
    %reduce_sum3A_216 = arith.constant dense<0.000000e+00> : vector<2048xf32>
    %reduce_sum3A_217 = vector.multi_reduction <add>, %mul3A_215, %reduce_sum3A_216 [1] : vector<2048x128xf32> to vector<2048xf32>
    %broadcast_in_dim3A_218 = vector.shape_cast %reduce_sum3A_217 : vector<2048xf32> to vector<2048x1xf32>
    %div3A_219 = arith.constant 1.280000e+02 : f32
    %div3A_220 = vector.broadcast %div3A_219 : f32 to vector<2048x1xf32>
    %div3A_221 = arith.divf %broadcast_in_dim3A_218, %div3A_220 : vector<2048x1xf32>
    %add3A_222 = arith.constant 9.99999996E-13 : f32
    %add3A_223 = vector.broadcast %add3A_222 : f32 to vector<2048x1xf32>
    %add3A_224 = arith.addf %div3A_221, %add3A_223 : vector<2048x1xf32>
    %rsqrt3A_225 = math.rsqrt %add3A_224 : vector<2048x1xf32>
    %mul3A_226 = vector.broadcast %rsqrt3A_225 : vector<2048x1xf32> to vector<2048x128xf32>
    %mul3A_227 = arith.mulf %sub3A_214, %mul3A_226 : vector<2048x128xf32>
    %get3A_228 = arith.constant 0 : index
    %get3A_229 = arith.constant 0 : index
    %get3A_230 = vector.load %arg5[%get3A_228, %get3A_229] : memref<1x128xf32, #tpu.memory_space<vmem>>, vector<1x128xf32>
    %mul3A_231 = vector.broadcast %get3A_230 : vector<1x128xf32> to vector<2048x128xf32>
    %mul3A_232 = arith.mulf %mul3A_227, %mul3A_231 : vector<2048x128xf32>
    %get3A_233 = arith.constant 0 : index
    %get3A_234 = arith.constant 0 : index
    %get3A_235 = vector.load %arg6[%get3A_233, %get3A_234] : memref<1x128xf32, #tpu.memory_space<vmem>>, vector<1x128xf32>
    %add3A_236 = vector.broadcast %get3A_235 : vector<1x128xf32> to vector<2048x128xf32>
    %add3A_237 = arith.addf %mul3A_232, %add3A_236 : vector<2048x128xf32>
    %swap3A_238 = arith.constant 6144 : index
    %swap3A_239 = arith.constant 0 : index
    %swap3A_240 = vector.load %arg8[%swap3A_238, %swap3A_239] : memref<8192x128xf32, #tpu.memory_space<vmem>>, vector<2048x128xf32>
    tpu.vector_store %arg8[%swap3A_238, %swap3A_239], %add3A_237 {strides = array<i32>} : memref<8192x128xf32, #tpu.memory_space<vmem>>, vector<2048x128xf32>,
    return
  }
  func.func @transform_0(%arg0: i32) -> (i32, i32) {
    %c0_i32 = arith.constant 0 : i32
    %c0_i32_0 = arith.constant 0 : i32
    return %arg0, %c0_i32 : i32, i32
  }
  func.func @transform_1(%arg0: i32) -> (i32, i32, i32) {
    %add3A = arith.constant 5 : i32
    %add3A_0 = arith.addi %arg0, %add3A : i32
    %c0_i32 = arith.constant 0 : i32
    %c0_i32_1 = arith.constant 0 : i32
    %c0_i32_2 = arith.constant 0 : i32
    return %add3A_0, %c0_i32, %c0_i32_1 : i32, i32, i32
  }
  func.func @transform_2(%arg0: i32) -> (i32, i32, i32) {
    %add3A = arith.constant 5 : i32
    %add3A_0 = arith.addi %arg0, %add3A : i32
    %c0_i32 = arith.constant 0 : i32
    %c0_i32_1 = arith.constant 0 : i32
    %c0_i32_2 = arith.constant 0 : i32
    return %add3A_0, %c0_i32, %c0_i32_1 : i32, i32, i32
  }
  func.func @transform_3(%arg0: i32) -> (i32, i32) {
    %c0_i32 = arith.constant 0 : i32
    %c0_i32_0 = arith.constant 0 : i32
    %c0_i32_1 = arith.constant 0 : i32
    return %c0_i32, %c0_i32_0 : i32, i32
  }
  func.func @transform_4(%arg0: i32) -> (i32, i32) {
    %c0_i32 = arith.constant 0 : i32
    %c0_i32_0 = arith.constant 0 : i32
    %c0_i32_1 = arith.constant 0 : i32
    return %c0_i32, %c0_i32_0 : i32, i32
  }
  func.func @transform_5(%arg0: i32) -> (i32, i32) {
    %c0_i32 = arith.constant 0 : i32
    %c0_i32_0 = arith.constant 0 : i32
    %c0_i32_1 = arith.constant 0 : i32
    return %c0_i32, %c0_i32_0 : i32, i32
  }
  func.func @transform_7(%arg0: i32) -> (i32, i32) {
    %add3A = arith.constant 5 : i32
    %add3A_0 = arith.addi %arg0, %add3A : i32
    %c0_i32 = arith.constant 0 : i32
    %c0_i32_1 = arith.constant 0 : i32
    return %add3A_0, %c0_i32 : i32, i32
  }
}

module attributes {stable_mosaic.version = 14 : i64} {
  func.func @_tc_ln_chunk_body(%arg0: i32, %arg1: memref<8192x128xf32, #tpu.memory_space<vmem>>, %arg2: memref<1x1x8192xi32, #tpu.memory_space<vmem>>, %arg3: memref<1x1x8192xi32, #tpu.memory_space<vmem>>, %arg4: memref<514x128xbf16, #tpu.memory_space<vmem>>, %arg5: memref<1x128xf32, #tpu.memory_space<vmem>>, %arg6: memref<1x128xf32, #tpu.memory_space<vmem>>, %arg7: memref<204800x128xf32, #tpu.memory_space<hbm>>, %arg8: memref<8192x128xf32, #tpu.memory_space<vmem>>) attributes {dimension_semantics = [#tpu.dimension_semantics<arbitrary>], iteration_bounds = array<i64: 5>, scalar_prefetch = 0 : i64, scratch_operands = 0 : i64, tpu.core_type = #tpu.core_type<tc>, window_params = [{transform_indices = @transform_0, window_bounds = array<i64: 8192, 128>}, {transform_indices = @transform_1, window_bounds = array<i64: 1, 1, 8192>}, {transform_indices = @transform_2, window_bounds = array<i64: 1, 1, 8192>}, {pipeline_mode = #tpu.pipeline_mode<synchronous>, transform_indices = @transform_3, window_bounds = array<i64: 514, 128>}, {pipeline_mode = #tpu.pipeline_mode<synchronous>, transform_indices = @transform_4, window_bounds = array<i64: 1, 128>}, {pipeline_mode = #tpu.pipeline_mode<synchronous>, transform_indices = @transform_5, window_bounds = array<i64: 1, 128>}, {}, {transform_indices = @transform_7, window_bounds = array<i64: 8192, 128>}]} {
    %get3A = arith.constant 0 : index
    %get3A_0 = arith.constant 0 : index
    %get3A_1 = vector.load %arg4[%get3A, %get3A_0] : memref<514x128xbf16, #tpu.memory_space<vmem>>, vector<514x128xbf16>
    %get3A_2 = arith.constant 0 : index
    %get3A_3 = arith.constant 0 : index
    %get3A_4 = vector.load %arg1[%get3A_2, %get3A_3] : memref<8192x128xf32, #tpu.memory_space<vmem>>, vector<2048x128xf32>
    %get3A_5 = arith.constant 0 : index
    %get3A_6 = arith.constant 0 : index
    %get3A_7 = arith.constant 0 : index
    %get3A_8 = vector.load %arg2[%get3A_5, %get3A_6, %get3A_7] : memref<1x1x8192xi32, #tpu.memory_space<vmem>>, vector<1x1x2048xi32>
    %get3A_9 = vector.shape_cast %get3A_8 : vector<1x1x2048xi32> to vector<1x2048xi32>
    %get3A_10 = arith.constant 0 : index
    %get3A_11 = arith.constant 0 : index
    %get3A_12 = arith.constant 0 : index
    %get3A_13 = vector.load %arg3[%get3A_10, %get3A_11, %get3A_12] : memref<1x1x8192xi32, #tpu.memory_space<vmem>>, vector<1x1x2048xi32>
    %get3A_14 = vector.shape_cast %get3A_13 : vector<1x1x2048xi32> to vector<1x2048xi32>
    %iota3A = tpu.iota {dimensions = array<i32: 0>} : vector<512x2048xi32>
    %iota3A_15 = tpu.iota {dimensions = array<i32: 0>} : vector<2x2048xi32>
    %eq3A = vector.broadcast %get3A_9 : vector<1x2048xi32> to vector<512x2048xi32>
    %eq3A_16 = arith.cmpi eq, %iota3A, %eq3A : vector<512x2048xi32>
    %convert_element_type3A = arith.extui %eq3A_16 : vector<512x2048xi1> to vector<512x2048xi32>
    %convert_element_type3A_17 = arith.sitofp %convert_element_type3A : vector<512x2048xi32> to vector<512x2048xf32>
    %convert_element_type3A_18 = arith.truncf %convert_element_type3A_17 : vector<512x2048xf32> to vector<512x2048xbf16>
    %eq3A_19 = vector.broadcast %get3A_14 : vector<1x2048xi32> to vector<2x2048xi32>
    %eq3A_20 = arith.cmpi eq, %iota3A_15, %eq3A_19 : vector<2x2048xi32>
    %convert_element_type3A_21 = arith.extui %eq3A_20 : vector<2x2048xi1> to vector<2x2048xi32>
    %convert_element_type3A_22 = arith.sitofp %convert_element_type3A_21 : vector<2x2048xi32> to vector<2x2048xf32>
    %convert_element_type3A_23 = arith.truncf %convert_element_type3A_22 : vector<2x2048xf32> to vector<2x2048xbf16>
    %concatenate3A = tpu.concatenate %convert_element_type3A_18, %convert_element_type3A_23 in 0 : vector<512x2048xbf16>, vector<2x2048xbf16> -> vector<514x2048xbf16>
    %dot_general3A = arith.constant dense<0.000000e+00> : vector<2048x128xf32>
    %dot_general3A_24 = tpu.matmul %concatenate3A, %get3A_1, %dot_general3A {dimension_numbers = #tpu.dot_dimension_numbers<[0], [0], [1], [1], [0, 1, 1, 1], [], []>, transpose_lhs_hint = false} : vector<514x2048xbf16>, vector<514x128xbf16>, vector<2048x128xf32> -> vector<2048x128xf32>
    %add3A = arith.addf %get3A_4, %dot_general3A_24 : vector<2048x128xf32>
    %reduce_sum3A = arith.constant dense<0.000000e+00> : vector<2048xf32>
    %reduce_sum3A_25 = vector.multi_reduction <add>, %add3A, %reduce_sum3A [1] : vector<2048x128xf32> to vector<2048xf32>
    %broadcast_in_dim3A = vector.shape_cast %reduce_sum3A_25 : vector<2048xf32> to vector<2048x1xf32>
    %div3A = arith.constant 1.280000e+02 : f32
    %div3A_26 = vector.broadcast %div3A : f32 to vector<2048x1xf32>
    %div3A_27 = arith.divf %broadcast_in_dim3A, %div3A_26 : vector<2048x1xf32>
    %sub3A = vector.broadcast %div3A_27 : vector<2048x1xf32> to vector<2048x128xf32>
    %sub3A_28 = arith.subf %add3A, %sub3A : vector<2048x128xf32>
    %mul3A = arith.mulf %sub3A_28, %sub3A_28 : vector<2048x128xf32>
    %reduce_sum3A_29 = arith.constant dense<0.000000e+00> : vector<2048xf32>
    %reduce_sum3A_30 = vector.multi_reduction <add>, %mul3A, %reduce_sum3A_29 [1] : vector<2048x128xf32> to vector<2048xf32>
    %broadcast_in_dim3A_31 = vector.shape_cast %reduce_sum3A_30 : vector<2048xf32> to vector<2048x1xf32>
    %div3A_32 = arith.constant 1.280000e+02 : f32
    %div3A_33 = vector.broadcast %div3A_32 : f32 to vector<2048x1xf32>
    %div3A_34 = arith.divf %broadcast_in_dim3A_31, %div3A_33 : vector<2048x1xf32>
    %add3A_35 = arith.constant 9.99999996E-13 : f32
    %add3A_36 = vector.broadcast %add3A_35 : f32 to vector<2048x1xf32>
    %add3A_37 = arith.addf %div3A_34, %add3A_36 : vector<2048x1xf32>
    %rsqrt3A = math.rsqrt %add3A_37 : vector<2048x1xf32>
    %mul3A_38 = vector.broadcast %rsqrt3A : vector<2048x1xf32> to vector<2048x128xf32>
    %mul3A_39 = arith.mulf %sub3A_28, %mul3A_38 : vector<2048x128xf32>
    %get3A_40 = arith.constant 0 : index
    %get3A_41 = arith.constant 0 : index
    %get3A_42 = vector.load %arg5[%get3A_40, %get3A_41] : memref<1x128xf32, #tpu.memory_space<vmem>>, vector<1x128xf32>
    %mul3A_43 = vector.broadcast %get3A_42 : vector<1x128xf32> to vector<2048x128xf32>
    %mul3A_44 = arith.mulf %mul3A_39, %mul3A_43 : vector<2048x128xf32>
    %get3A_45 = arith.constant 0 : index
    %get3A_46 = arith.constant 0 : index
    %get3A_47 = vector.load %arg6[%get3A_45, %get3A_46] : memref<1x128xf32, #tpu.memory_space<vmem>>, vector<1x128xf32>
    %add3A_48 = vector.broadcast %get3A_47 : vector<1x128xf32> to vector<2048x128xf32>
    %add3A_49 = arith.addf %mul3A_44, %add3A_48 : vector<2048x128xf32>
    %swap3A = arith.constant 0 : index
    %swap3A_50 = arith.constant 0 : index
    %swap3A_51 = vector.load %arg8[%swap3A, %swap3A_50] : memref<8192x128xf32, #tpu.memory_space<vmem>>, vector<2048x128xf32>
    tpu.vector_store %arg8[%swap3A, %swap3A_50], %add3A_49 {strides = array<i32>} : memref<8192x128xf32, #tpu.memory_space<vmem>>, vector<2048x128xf32>,
    %get3A_52 = arith.constant 2048 : index
    %get3A_53 = arith.constant 0 : index
    %get3A_54 = vector.load %arg1[%get3A_52, %get3A_53] : memref<8192x128xf32, #tpu.memory_space<vmem>>, vector<2048x128xf32>
    %get3A_55 = arith.constant 0 : index
    %get3A_56 = arith.constant 0 : index
    %get3A_57 = arith.constant 2048 : index
    %get3A_58 = vector.load %arg2[%get3A_55, %get3A_56, %get3A_57] : memref<1x1x8192xi32, #tpu.memory_space<vmem>>, vector<1x1x2048xi32>
    %get3A_59 = vector.shape_cast %get3A_58 : vector<1x1x2048xi32> to vector<1x2048xi32>
    %get3A_60 = arith.constant 0 : index
    %get3A_61 = arith.constant 0 : index
    %get3A_62 = arith.constant 2048 : index
    %get3A_63 = vector.load %arg3[%get3A_60, %get3A_61, %get3A_62] : memref<1x1x8192xi32, #tpu.memory_space<vmem>>, vector<1x1x2048xi32>
    %get3A_64 = vector.shape_cast %get3A_63 : vector<1x1x2048xi32> to vector<1x2048xi32>
    %iota3A_65 = tpu.iota {dimensions = array<i32: 0>} : vector<512x2048xi32>
    %iota3A_66 = tpu.iota {dimensions = array<i32: 0>} : vector<2x2048xi32>
    %eq3A_67 = vector.broadcast %get3A_59 : vector<1x2048xi32> to vector<512x2048xi32>
    %eq3A_68 = arith.cmpi eq, %iota3A_65, %eq3A_67 : vector<512x2048xi32>
    %convert_element_type3A_69 = arith.extui %eq3A_68 : vector<512x2048xi1> to vector<512x2048xi32>
    %convert_element_type3A_70 = arith.sitofp %convert_element_type3A_69 : vector<512x2048xi32> to vector<512x2048xf32>
    %convert_element_type3A_71 = arith.truncf %convert_element_type3A_70 : vector<512x2048xf32> to vector<512x2048xbf16>
    %eq3A_72 = vector.broadcast %get3A_64 : vector<1x2048xi32> to vector<2x2048xi32>
    %eq3A_73 = arith.cmpi eq, %iota3A_66, %eq3A_72 : vector<2x2048xi32>
    %convert_element_type3A_74 = arith.extui %eq3A_73 : vector<2x2048xi1> to vector<2x2048xi32>
    %convert_element_type3A_75 = arith.sitofp %convert_element_type3A_74 : vector<2x2048xi32> to vector<2x2048xf32>
    %convert_element_type3A_76 = arith.truncf %convert_element_type3A_75 : vector<2x2048xf32> to vector<2x2048xbf16>
    %concatenate3A_77 = tpu.concatenate %convert_element_type3A_71, %convert_element_type3A_76 in 0 : vector<512x2048xbf16>, vector<2x2048xbf16> -> vector<514x2048xbf16>
    %dot_general3A_78 = arith.constant dense<0.000000e+00> : vector<2048x128xf32>
    %dot_general3A_79 = tpu.matmul %concatenate3A_77, %get3A_1, %dot_general3A_78 {dimension_numbers = #tpu.dot_dimension_numbers<[0], [0], [1], [1], [0, 1, 1, 1], [], []>, transpose_lhs_hint = false} : vector<514x2048xbf16>, vector<514x128xbf16>, vector<2048x128xf32> -> vector<2048x128xf32>
    %add3A_80 = arith.addf %get3A_54, %dot_general3A_79 : vector<2048x128xf32>
    %reduce_sum3A_81 = arith.constant dense<0.000000e+00> : vector<2048xf32>
    %reduce_sum3A_82 = vector.multi_reduction <add>, %add3A_80, %reduce_sum3A_81 [1] : vector<2048x128xf32> to vector<2048xf32>
    %broadcast_in_dim3A_83 = vector.shape_cast %reduce_sum3A_82 : vector<2048xf32> to vector<2048x1xf32>
    %div3A_84 = arith.constant 1.280000e+02 : f32
    %div3A_85 = vector.broadcast %div3A_84 : f32 to vector<2048x1xf32>
    %div3A_86 = arith.divf %broadcast_in_dim3A_83, %div3A_85 : vector<2048x1xf32>
    %sub3A_87 = vector.broadcast %div3A_86 : vector<2048x1xf32> to vector<2048x128xf32>
    %sub3A_88 = arith.subf %add3A_80, %sub3A_87 : vector<2048x128xf32>
    %mul3A_89 = arith.mulf %sub3A_88, %sub3A_88 : vector<2048x128xf32>
    %reduce_sum3A_90 = arith.constant dense<0.000000e+00> : vector<2048xf32>
    %reduce_sum3A_91 = vector.multi_reduction <add>, %mul3A_89, %reduce_sum3A_90 [1] : vector<2048x128xf32> to vector<2048xf32>
    %broadcast_in_dim3A_92 = vector.shape_cast %reduce_sum3A_91 : vector<2048xf32> to vector<2048x1xf32>
    %div3A_93 = arith.constant 1.280000e+02 : f32
    %div3A_94 = vector.broadcast %div3A_93 : f32 to vector<2048x1xf32>
    %div3A_95 = arith.divf %broadcast_in_dim3A_92, %div3A_94 : vector<2048x1xf32>
    %add3A_96 = arith.constant 9.99999996E-13 : f32
    %add3A_97 = vector.broadcast %add3A_96 : f32 to vector<2048x1xf32>
    %add3A_98 = arith.addf %div3A_95, %add3A_97 : vector<2048x1xf32>
    %rsqrt3A_99 = math.rsqrt %add3A_98 : vector<2048x1xf32>
    %mul3A_100 = vector.broadcast %rsqrt3A_99 : vector<2048x1xf32> to vector<2048x128xf32>
    %mul3A_101 = arith.mulf %sub3A_88, %mul3A_100 : vector<2048x128xf32>
    %get3A_102 = arith.constant 0 : index
    %get3A_103 = arith.constant 0 : index
    %get3A_104 = vector.load %arg5[%get3A_102, %get3A_103] : memref<1x128xf32, #tpu.memory_space<vmem>>, vector<1x128xf32>
    %mul3A_105 = vector.broadcast %get3A_104 : vector<1x128xf32> to vector<2048x128xf32>
    %mul3A_106 = arith.mulf %mul3A_101, %mul3A_105 : vector<2048x128xf32>
    %get3A_107 = arith.constant 0 : index
    %get3A_108 = arith.constant 0 : index
    %get3A_109 = vector.load %arg6[%get3A_107, %get3A_108] : memref<1x128xf32, #tpu.memory_space<vmem>>, vector<1x128xf32>
    %add3A_110 = vector.broadcast %get3A_109 : vector<1x128xf32> to vector<2048x128xf32>
    %add3A_111 = arith.addf %mul3A_106, %add3A_110 : vector<2048x128xf32>
    %swap3A_112 = arith.constant 2048 : index
    %swap3A_113 = arith.constant 0 : index
    %swap3A_114 = vector.load %arg8[%swap3A_112, %swap3A_113] : memref<8192x128xf32, #tpu.memory_space<vmem>>, vector<2048x128xf32>
    tpu.vector_store %arg8[%swap3A_112, %swap3A_113], %add3A_111 {strides = array<i32>} : memref<8192x128xf32, #tpu.memory_space<vmem>>, vector<2048x128xf32>,
    %get3A_115 = arith.constant 4096 : index
    %get3A_116 = arith.constant 0 : index
    %get3A_117 = vector.load %arg1[%get3A_115, %get3A_116] : memref<8192x128xf32, #tpu.memory_space<vmem>>, vector<2048x128xf32>
    %get3A_118 = arith.constant 0 : index
    %get3A_119 = arith.constant 0 : index
    %get3A_120 = arith.constant 4096 : index
    %get3A_121 = vector.load %arg2[%get3A_118, %get3A_119, %get3A_120] : memref<1x1x8192xi32, #tpu.memory_space<vmem>>, vector<1x1x2048xi32>
    %get3A_122 = vector.shape_cast %get3A_121 : vector<1x1x2048xi32> to vector<1x2048xi32>
    %get3A_123 = arith.constant 0 : index
    %get3A_124 = arith.constant 0 : index
    %get3A_125 = arith.constant 4096 : index
    %get3A_126 = vector.load %arg3[%get3A_123, %get3A_124, %get3A_125] : memref<1x1x8192xi32, #tpu.memory_space<vmem>>, vector<1x1x2048xi32>
    %get3A_127 = vector.shape_cast %get3A_126 : vector<1x1x2048xi32> to vector<1x2048xi32>
    %iota3A_128 = tpu.iota {dimensions = array<i32: 0>} : vector<512x2048xi32>
    %iota3A_129 = tpu.iota {dimensions = array<i32: 0>} : vector<2x2048xi32>
    %eq3A_130 = vector.broadcast %get3A_122 : vector<1x2048xi32> to vector<512x2048xi32>
    %eq3A_131 = arith.cmpi eq, %iota3A_128, %eq3A_130 : vector<512x2048xi32>
    %convert_element_type3A_132 = arith.extui %eq3A_131 : vector<512x2048xi1> to vector<512x2048xi32>
    %convert_element_type3A_133 = arith.sitofp %convert_element_type3A_132 : vector<512x2048xi32> to vector<512x2048xf32>
    %convert_element_type3A_134 = arith.truncf %convert_element_type3A_133 : vector<512x2048xf32> to vector<512x2048xbf16>
    %eq3A_135 = vector.broadcast %get3A_127 : vector<1x2048xi32> to vector<2x2048xi32>
    %eq3A_136 = arith.cmpi eq, %iota3A_129, %eq3A_135 : vector<2x2048xi32>
    %convert_element_type3A_137 = arith.extui %eq3A_136 : vector<2x2048xi1> to vector<2x2048xi32>
    %convert_element_type3A_138 = arith.sitofp %convert_element_type3A_137 : vector<2x2048xi32> to vector<2x2048xf32>
    %convert_element_type3A_139 = arith.truncf %convert_element_type3A_138 : vector<2x2048xf32> to vector<2x2048xbf16>
    %concatenate3A_140 = tpu.concatenate %convert_element_type3A_134, %convert_element_type3A_139 in 0 : vector<512x2048xbf16>, vector<2x2048xbf16> -> vector<514x2048xbf16>
    %dot_general3A_141 = arith.constant dense<0.000000e+00> : vector<2048x128xf32>
    %dot_general3A_142 = tpu.matmul %concatenate3A_140, %get3A_1, %dot_general3A_141 {dimension_numbers = #tpu.dot_dimension_numbers<[0], [0], [1], [1], [0, 1, 1, 1], [], []>, transpose_lhs_hint = false} : vector<514x2048xbf16>, vector<514x128xbf16>, vector<2048x128xf32> -> vector<2048x128xf32>
    %add3A_143 = arith.addf %get3A_117, %dot_general3A_142 : vector<2048x128xf32>
    %reduce_sum3A_144 = arith.constant dense<0.000000e+00> : vector<2048xf32>
    %reduce_sum3A_145 = vector.multi_reduction <add>, %add3A_143, %reduce_sum3A_144 [1] : vector<2048x128xf32> to vector<2048xf32>
    %broadcast_in_dim3A_146 = vector.shape_cast %reduce_sum3A_145 : vector<2048xf32> to vector<2048x1xf32>
    %div3A_147 = arith.constant 1.280000e+02 : f32
    %div3A_148 = vector.broadcast %div3A_147 : f32 to vector<2048x1xf32>
    %div3A_149 = arith.divf %broadcast_in_dim3A_146, %div3A_148 : vector<2048x1xf32>
    %sub3A_150 = vector.broadcast %div3A_149 : vector<2048x1xf32> to vector<2048x128xf32>
    %sub3A_151 = arith.subf %add3A_143, %sub3A_150 : vector<2048x128xf32>
    %mul3A_152 = arith.mulf %sub3A_151, %sub3A_151 : vector<2048x128xf32>
    %reduce_sum3A_153 = arith.constant dense<0.000000e+00> : vector<2048xf32>
    %reduce_sum3A_154 = vector.multi_reduction <add>, %mul3A_152, %reduce_sum3A_153 [1] : vector<2048x128xf32> to vector<2048xf32>
    %broadcast_in_dim3A_155 = vector.shape_cast %reduce_sum3A_154 : vector<2048xf32> to vector<2048x1xf32>
    %div3A_156 = arith.constant 1.280000e+02 : f32
    %div3A_157 = vector.broadcast %div3A_156 : f32 to vector<2048x1xf32>
    %div3A_158 = arith.divf %broadcast_in_dim3A_155, %div3A_157 : vector<2048x1xf32>
    %add3A_159 = arith.constant 9.99999996E-13 : f32
    %add3A_160 = vector.broadcast %add3A_159 : f32 to vector<2048x1xf32>
    %add3A_161 = arith.addf %div3A_158, %add3A_160 : vector<2048x1xf32>
    %rsqrt3A_162 = math.rsqrt %add3A_161 : vector<2048x1xf32>
    %mul3A_163 = vector.broadcast %rsqrt3A_162 : vector<2048x1xf32> to vector<2048x128xf32>
    %mul3A_164 = arith.mulf %sub3A_151, %mul3A_163 : vector<2048x128xf32>
    %get3A_165 = arith.constant 0 : index
    %get3A_166 = arith.constant 0 : index
    %get3A_167 = vector.load %arg5[%get3A_165, %get3A_166] : memref<1x128xf32, #tpu.memory_space<vmem>>, vector<1x128xf32>
    %mul3A_168 = vector.broadcast %get3A_167 : vector<1x128xf32> to vector<2048x128xf32>
    %mul3A_169 = arith.mulf %mul3A_164, %mul3A_168 : vector<2048x128xf32>
    %get3A_170 = arith.constant 0 : index
    %get3A_171 = arith.constant 0 : index
    %get3A_172 = vector.load %arg6[%get3A_170, %get3A_171] : memref<1x128xf32, #tpu.memory_space<vmem>>, vector<1x128xf32>
    %add3A_173 = vector.broadcast %get3A_172 : vector<1x128xf32> to vector<2048x128xf32>
    %add3A_174 = arith.addf %mul3A_169, %add3A_173 : vector<2048x128xf32>
    %swap3A_175 = arith.constant 4096 : index
    %swap3A_176 = arith.constant 0 : index
    %swap3A_177 = vector.load %arg8[%swap3A_175, %swap3A_176] : memref<8192x128xf32, #tpu.memory_space<vmem>>, vector<2048x128xf32>
    tpu.vector_store %arg8[%swap3A_175, %swap3A_176], %add3A_174 {strides = array<i32>} : memref<8192x128xf32, #tpu.memory_space<vmem>>, vector<2048x128xf32>,
    %get3A_178 = arith.constant 6144 : index
    %get3A_179 = arith.constant 0 : index
    %get3A_180 = vector.load %arg1[%get3A_178, %get3A_179] : memref<8192x128xf32, #tpu.memory_space<vmem>>, vector<2048x128xf32>
    %get3A_181 = arith.constant 0 : index
    %get3A_182 = arith.constant 0 : index
    %get3A_183 = arith.constant 6144 : index
    %get3A_184 = vector.load %arg2[%get3A_181, %get3A_182, %get3A_183] : memref<1x1x8192xi32, #tpu.memory_space<vmem>>, vector<1x1x2048xi32>
    %get3A_185 = vector.shape_cast %get3A_184 : vector<1x1x2048xi32> to vector<1x2048xi32>
    %get3A_186 = arith.constant 0 : index
    %get3A_187 = arith.constant 0 : index
    %get3A_188 = arith.constant 6144 : index
    %get3A_189 = vector.load %arg3[%get3A_186, %get3A_187, %get3A_188] : memref<1x1x8192xi32, #tpu.memory_space<vmem>>, vector<1x1x2048xi32>
    %get3A_190 = vector.shape_cast %get3A_189 : vector<1x1x2048xi32> to vector<1x2048xi32>
    %iota3A_191 = tpu.iota {dimensions = array<i32: 0>} : vector<512x2048xi32>
    %iota3A_192 = tpu.iota {dimensions = array<i32: 0>} : vector<2x2048xi32>
    %eq3A_193 = vector.broadcast %get3A_185 : vector<1x2048xi32> to vector<512x2048xi32>
    %eq3A_194 = arith.cmpi eq, %iota3A_191, %eq3A_193 : vector<512x2048xi32>
    %convert_element_type3A_195 = arith.extui %eq3A_194 : vector<512x2048xi1> to vector<512x2048xi32>
    %convert_element_type3A_196 = arith.sitofp %convert_element_type3A_195 : vector<512x2048xi32> to vector<512x2048xf32>
    %convert_element_type3A_197 = arith.truncf %convert_element_type3A_196 : vector<512x2048xf32> to vector<512x2048xbf16>
    %eq3A_198 = vector.broadcast %get3A_190 : vector<1x2048xi32> to vector<2x2048xi32>
    %eq3A_199 = arith.cmpi eq, %iota3A_192, %eq3A_198 : vector<2x2048xi32>
    %convert_element_type3A_200 = arith.extui %eq3A_199 : vector<2x2048xi1> to vector<2x2048xi32>
    %convert_element_type3A_201 = arith.sitofp %convert_element_type3A_200 : vector<2x2048xi32> to vector<2x2048xf32>
    %convert_element_type3A_202 = arith.truncf %convert_element_type3A_201 : vector<2x2048xf32> to vector<2x2048xbf16>
    %concatenate3A_203 = tpu.concatenate %convert_element_type3A_197, %convert_element_type3A_202 in 0 : vector<512x2048xbf16>, vector<2x2048xbf16> -> vector<514x2048xbf16>
    %dot_general3A_204 = arith.constant dense<0.000000e+00> : vector<2048x128xf32>
    %dot_general3A_205 = tpu.matmul %concatenate3A_203, %get3A_1, %dot_general3A_204 {dimension_numbers = #tpu.dot_dimension_numbers<[0], [0], [1], [1], [0, 1, 1, 1], [], []>, transpose_lhs_hint = false} : vector<514x2048xbf16>, vector<514x128xbf16>, vector<2048x128xf32> -> vector<2048x128xf32>
    %add3A_206 = arith.addf %get3A_180, %dot_general3A_205 : vector<2048x128xf32>
    %reduce_sum3A_207 = arith.constant dense<0.000000e+00> : vector<2048xf32>
    %reduce_sum3A_208 = vector.multi_reduction <add>, %add3A_206, %reduce_sum3A_207 [1] : vector<2048x128xf32> to vector<2048xf32>
    %broadcast_in_dim3A_209 = vector.shape_cast %reduce_sum3A_208 : vector<2048xf32> to vector<2048x1xf32>
    %div3A_210 = arith.constant 1.280000e+02 : f32
    %div3A_211 = vector.broadcast %div3A_210 : f32 to vector<2048x1xf32>
    %div3A_212 = arith.divf %broadcast_in_dim3A_209, %div3A_211 : vector<2048x1xf32>
    %sub3A_213 = vector.broadcast %div3A_212 : vector<2048x1xf32> to vector<2048x128xf32>
    %sub3A_214 = arith.subf %add3A_206, %sub3A_213 : vector<2048x128xf32>
    %mul3A_215 = arith.mulf %sub3A_214, %sub3A_214 : vector<2048x128xf32>
    %reduce_sum3A_216 = arith.constant dense<0.000000e+00> : vector<2048xf32>
    %reduce_sum3A_217 = vector.multi_reduction <add>, %mul3A_215, %reduce_sum3A_216 [1] : vector<2048x128xf32> to vector<2048xf32>
    %broadcast_in_dim3A_218 = vector.shape_cast %reduce_sum3A_217 : vector<2048xf32> to vector<2048x1xf32>
    %div3A_219 = arith.constant 1.280000e+02 : f32
    %div3A_220 = vector.broadcast %div3A_219 : f32 to vector<2048x1xf32>
    %div3A_221 = arith.divf %broadcast_in_dim3A_218, %div3A_220 : vector<2048x1xf32>
    %add3A_222 = arith.constant 9.99999996E-13 : f32
    %add3A_223 = vector.broadcast %add3A_222 : f32 to vector<2048x1xf32>
    %add3A_224 = arith.addf %div3A_221, %add3A_223 : vector<2048x1xf32>
    %rsqrt3A_225 = math.rsqrt %add3A_224 : vector<2048x1xf32>
    %mul3A_226 = vector.broadcast %rsqrt3A_225 : vector<2048x1xf32> to vector<2048x128xf32>
    %mul3A_227 = arith.mulf %sub3A_214, %mul3A_226 : vector<2048x128xf32>
    %get3A_228 = arith.constant 0 : index
    %get3A_229 = arith.constant 0 : index
    %get3A_230 = vector.load %arg5[%get3A_228, %get3A_229] : memref<1x128xf32, #tpu.memory_space<vmem>>, vector<1x128xf32>
    %mul3A_231 = vector.broadcast %get3A_230 : vector<1x128xf32> to vector<2048x128xf32>
    %mul3A_232 = arith.mulf %mul3A_227, %mul3A_231 : vector<2048x128xf32>
    %get3A_233 = arith.constant 0 : index
    %get3A_234 = arith.constant 0 : index
    %get3A_235 = vector.load %arg6[%get3A_233, %get3A_234] : memref<1x128xf32, #tpu.memory_space<vmem>>, vector<1x128xf32>
    %add3A_236 = vector.broadcast %get3A_235 : vector<1x128xf32> to vector<2048x128xf32>
    %add3A_237 = arith.addf %mul3A_232, %add3A_236 : vector<2048x128xf32>
    %swap3A_238 = arith.constant 6144 : index
    %swap3A_239 = arith.constant 0 : index
    %swap3A_240 = vector.load %arg8[%swap3A_238, %swap3A_239] : memref<8192x128xf32, #tpu.memory_space<vmem>>, vector<2048x128xf32>
    tpu.vector_store %arg8[%swap3A_238, %swap3A_239], %add3A_237 {strides = array<i32>} : memref<8192x128xf32, #tpu.memory_space<vmem>>, vector<2048x128xf32>,
    return
  }
  func.func @transform_0(%arg0: i32) -> (i32, i32) {
    %c0_i32 = arith.constant 0 : i32
    %c0_i32_0 = arith.constant 0 : i32
    return %arg0, %c0_i32 : i32, i32
  }
  func.func @transform_1(%arg0: i32) -> (i32, i32, i32) {
    %add3A = arith.constant 10 : i32
    %add3A_0 = arith.addi %arg0, %add3A : i32
    %c0_i32 = arith.constant 0 : i32
    %c0_i32_1 = arith.constant 0 : i32
    %c0_i32_2 = arith.constant 0 : i32
    return %add3A_0, %c0_i32, %c0_i32_1 : i32, i32, i32
  }
  func.func @transform_2(%arg0: i32) -> (i32, i32, i32) {
    %add3A = arith.constant 10 : i32
    %add3A_0 = arith.addi %arg0, %add3A : i32
    %c0_i32 = arith.constant 0 : i32
    %c0_i32_1 = arith.constant 0 : i32
    %c0_i32_2 = arith.constant 0 : i32
    return %add3A_0, %c0_i32, %c0_i32_1 : i32, i32, i32
  }
  func.func @transform_3(%arg0: i32) -> (i32, i32) {
    %c0_i32 = arith.constant 0 : i32
    %c0_i32_0 = arith.constant 0 : i32
    %c0_i32_1 = arith.constant 0 : i32
    return %c0_i32, %c0_i32_0 : i32, i32
  }
  func.func @transform_4(%arg0: i32) -> (i32, i32) {
    %c0_i32 = arith.constant 0 : i32
    %c0_i32_0 = arith.constant 0 : i32
    %c0_i32_1 = arith.constant 0 : i32
    return %c0_i32, %c0_i32_0 : i32, i32
  }
  func.func @transform_5(%arg0: i32) -> (i32, i32) {
    %c0_i32 = arith.constant 0 : i32
    %c0_i32_0 = arith.constant 0 : i32
    %c0_i32_1 = arith.constant 0 : i32
    return %c0_i32, %c0_i32_0 : i32, i32
  }
  func.func @transform_7(%arg0: i32) -> (i32, i32) {
    %add3A = arith.constant 10 : i32
    %add3A_0 = arith.addi %arg0, %add3A : i32
    %c0_i32 = arith.constant 0 : i32
    %c0_i32_1 = arith.constant 0 : i32
    return %add3A_0, %c0_i32 : i32, i32
  }
}

module attributes {stable_mosaic.version = 14 : i64} {
  func.func @_tc_ln_chunk_body(%arg0: i32, %arg1: memref<8192x128xf32, #tpu.memory_space<vmem>>, %arg2: memref<1x1x8192xi32, #tpu.memory_space<vmem>>, %arg3: memref<1x1x8192xi32, #tpu.memory_space<vmem>>, %arg4: memref<514x128xbf16, #tpu.memory_space<vmem>>, %arg5: memref<1x128xf32, #tpu.memory_space<vmem>>, %arg6: memref<1x128xf32, #tpu.memory_space<vmem>>, %arg7: memref<204800x128xf32, #tpu.memory_space<hbm>>, %arg8: memref<8192x128xf32, #tpu.memory_space<vmem>>) attributes {dimension_semantics = [#tpu.dimension_semantics<arbitrary>], iteration_bounds = array<i64: 5>, scalar_prefetch = 0 : i64, scratch_operands = 0 : i64, tpu.core_type = #tpu.core_type<tc>, window_params = [{transform_indices = @transform_0, window_bounds = array<i64: 8192, 128>}, {transform_indices = @transform_1, window_bounds = array<i64: 1, 1, 8192>}, {transform_indices = @transform_2, window_bounds = array<i64: 1, 1, 8192>}, {pipeline_mode = #tpu.pipeline_mode<synchronous>, transform_indices = @transform_3, window_bounds = array<i64: 514, 128>}, {pipeline_mode = #tpu.pipeline_mode<synchronous>, transform_indices = @transform_4, window_bounds = array<i64: 1, 128>}, {pipeline_mode = #tpu.pipeline_mode<synchronous>, transform_indices = @transform_5, window_bounds = array<i64: 1, 128>}, {}, {transform_indices = @transform_7, window_bounds = array<i64: 8192, 128>}]} {
    %get3A = arith.constant 0 : index
    %get3A_0 = arith.constant 0 : index
    %get3A_1 = vector.load %arg4[%get3A, %get3A_0] : memref<514x128xbf16, #tpu.memory_space<vmem>>, vector<514x128xbf16>
    %get3A_2 = arith.constant 0 : index
    %get3A_3 = arith.constant 0 : index
    %get3A_4 = vector.load %arg1[%get3A_2, %get3A_3] : memref<8192x128xf32, #tpu.memory_space<vmem>>, vector<2048x128xf32>
    %get3A_5 = arith.constant 0 : index
    %get3A_6 = arith.constant 0 : index
    %get3A_7 = arith.constant 0 : index
    %get3A_8 = vector.load %arg2[%get3A_5, %get3A_6, %get3A_7] : memref<1x1x8192xi32, #tpu.memory_space<vmem>>, vector<1x1x2048xi32>
    %get3A_9 = vector.shape_cast %get3A_8 : vector<1x1x2048xi32> to vector<1x2048xi32>
    %get3A_10 = arith.constant 0 : index
    %get3A_11 = arith.constant 0 : index
    %get3A_12 = arith.constant 0 : index
    %get3A_13 = vector.load %arg3[%get3A_10, %get3A_11, %get3A_12] : memref<1x1x8192xi32, #tpu.memory_space<vmem>>, vector<1x1x2048xi32>
    %get3A_14 = vector.shape_cast %get3A_13 : vector<1x1x2048xi32> to vector<1x2048xi32>
    %iota3A = tpu.iota {dimensions = array<i32: 0>} : vector<512x2048xi32>
    %iota3A_15 = tpu.iota {dimensions = array<i32: 0>} : vector<2x2048xi32>
    %eq3A = vector.broadcast %get3A_9 : vector<1x2048xi32> to vector<512x2048xi32>
    %eq3A_16 = arith.cmpi eq, %iota3A, %eq3A : vector<512x2048xi32>
    %convert_element_type3A = arith.extui %eq3A_16 : vector<512x2048xi1> to vector<512x2048xi32>
    %convert_element_type3A_17 = arith.sitofp %convert_element_type3A : vector<512x2048xi32> to vector<512x2048xf32>
    %convert_element_type3A_18 = arith.truncf %convert_element_type3A_17 : vector<512x2048xf32> to vector<512x2048xbf16>
    %eq3A_19 = vector.broadcast %get3A_14 : vector<1x2048xi32> to vector<2x2048xi32>
    %eq3A_20 = arith.cmpi eq, %iota3A_15, %eq3A_19 : vector<2x2048xi32>
    %convert_element_type3A_21 = arith.extui %eq3A_20 : vector<2x2048xi1> to vector<2x2048xi32>
    %convert_element_type3A_22 = arith.sitofp %convert_element_type3A_21 : vector<2x2048xi32> to vector<2x2048xf32>
    %convert_element_type3A_23 = arith.truncf %convert_element_type3A_22 : vector<2x2048xf32> to vector<2x2048xbf16>
    %concatenate3A = tpu.concatenate %convert_element_type3A_18, %convert_element_type3A_23 in 0 : vector<512x2048xbf16>, vector<2x2048xbf16> -> vector<514x2048xbf16>
    %dot_general3A = arith.constant dense<0.000000e+00> : vector<2048x128xf32>
    %dot_general3A_24 = tpu.matmul %concatenate3A, %get3A_1, %dot_general3A {dimension_numbers = #tpu.dot_dimension_numbers<[0], [0], [1], [1], [0, 1, 1, 1], [], []>, transpose_lhs_hint = false} : vector<514x2048xbf16>, vector<514x128xbf16>, vector<2048x128xf32> -> vector<2048x128xf32>
    %add3A = arith.addf %get3A_4, %dot_general3A_24 : vector<2048x128xf32>
    %reduce_sum3A = arith.constant dense<0.000000e+00> : vector<2048xf32>
    %reduce_sum3A_25 = vector.multi_reduction <add>, %add3A, %reduce_sum3A [1] : vector<2048x128xf32> to vector<2048xf32>
    %broadcast_in_dim3A = vector.shape_cast %reduce_sum3A_25 : vector<2048xf32> to vector<2048x1xf32>
    %div3A = arith.constant 1.280000e+02 : f32
    %div3A_26 = vector.broadcast %div3A : f32 to vector<2048x1xf32>
    %div3A_27 = arith.divf %broadcast_in_dim3A, %div3A_26 : vector<2048x1xf32>
    %sub3A = vector.broadcast %div3A_27 : vector<2048x1xf32> to vector<2048x128xf32>
    %sub3A_28 = arith.subf %add3A, %sub3A : vector<2048x128xf32>
    %mul3A = arith.mulf %sub3A_28, %sub3A_28 : vector<2048x128xf32>
    %reduce_sum3A_29 = arith.constant dense<0.000000e+00> : vector<2048xf32>
    %reduce_sum3A_30 = vector.multi_reduction <add>, %mul3A, %reduce_sum3A_29 [1] : vector<2048x128xf32> to vector<2048xf32>
    %broadcast_in_dim3A_31 = vector.shape_cast %reduce_sum3A_30 : vector<2048xf32> to vector<2048x1xf32>
    %div3A_32 = arith.constant 1.280000e+02 : f32
    %div3A_33 = vector.broadcast %div3A_32 : f32 to vector<2048x1xf32>
    %div3A_34 = arith.divf %broadcast_in_dim3A_31, %div3A_33 : vector<2048x1xf32>
    %add3A_35 = arith.constant 9.99999996E-13 : f32
    %add3A_36 = vector.broadcast %add3A_35 : f32 to vector<2048x1xf32>
    %add3A_37 = arith.addf %div3A_34, %add3A_36 : vector<2048x1xf32>
    %rsqrt3A = math.rsqrt %add3A_37 : vector<2048x1xf32>
    %mul3A_38 = vector.broadcast %rsqrt3A : vector<2048x1xf32> to vector<2048x128xf32>
    %mul3A_39 = arith.mulf %sub3A_28, %mul3A_38 : vector<2048x128xf32>
    %get3A_40 = arith.constant 0 : index
    %get3A_41 = arith.constant 0 : index
    %get3A_42 = vector.load %arg5[%get3A_40, %get3A_41] : memref<1x128xf32, #tpu.memory_space<vmem>>, vector<1x128xf32>
    %mul3A_43 = vector.broadcast %get3A_42 : vector<1x128xf32> to vector<2048x128xf32>
    %mul3A_44 = arith.mulf %mul3A_39, %mul3A_43 : vector<2048x128xf32>
    %get3A_45 = arith.constant 0 : index
    %get3A_46 = arith.constant 0 : index
    %get3A_47 = vector.load %arg6[%get3A_45, %get3A_46] : memref<1x128xf32, #tpu.memory_space<vmem>>, vector<1x128xf32>
    %add3A_48 = vector.broadcast %get3A_47 : vector<1x128xf32> to vector<2048x128xf32>
    %add3A_49 = arith.addf %mul3A_44, %add3A_48 : vector<2048x128xf32>
    %swap3A = arith.constant 0 : index
    %swap3A_50 = arith.constant 0 : index
    %swap3A_51 = vector.load %arg8[%swap3A, %swap3A_50] : memref<8192x128xf32, #tpu.memory_space<vmem>>, vector<2048x128xf32>
    tpu.vector_store %arg8[%swap3A, %swap3A_50], %add3A_49 {strides = array<i32>} : memref<8192x128xf32, #tpu.memory_space<vmem>>, vector<2048x128xf32>,
    %get3A_52 = arith.constant 2048 : index
    %get3A_53 = arith.constant 0 : index
    %get3A_54 = vector.load %arg1[%get3A_52, %get3A_53] : memref<8192x128xf32, #tpu.memory_space<vmem>>, vector<2048x128xf32>
    %get3A_55 = arith.constant 0 : index
    %get3A_56 = arith.constant 0 : index
    %get3A_57 = arith.constant 2048 : index
    %get3A_58 = vector.load %arg2[%get3A_55, %get3A_56, %get3A_57] : memref<1x1x8192xi32, #tpu.memory_space<vmem>>, vector<1x1x2048xi32>
    %get3A_59 = vector.shape_cast %get3A_58 : vector<1x1x2048xi32> to vector<1x2048xi32>
    %get3A_60 = arith.constant 0 : index
    %get3A_61 = arith.constant 0 : index
    %get3A_62 = arith.constant 2048 : index
    %get3A_63 = vector.load %arg3[%get3A_60, %get3A_61, %get3A_62] : memref<1x1x8192xi32, #tpu.memory_space<vmem>>, vector<1x1x2048xi32>
    %get3A_64 = vector.shape_cast %get3A_63 : vector<1x1x2048xi32> to vector<1x2048xi32>
    %iota3A_65 = tpu.iota {dimensions = array<i32: 0>} : vector<512x2048xi32>
    %iota3A_66 = tpu.iota {dimensions = array<i32: 0>} : vector<2x2048xi32>
    %eq3A_67 = vector.broadcast %get3A_59 : vector<1x2048xi32> to vector<512x2048xi32>
    %eq3A_68 = arith.cmpi eq, %iota3A_65, %eq3A_67 : vector<512x2048xi32>
    %convert_element_type3A_69 = arith.extui %eq3A_68 : vector<512x2048xi1> to vector<512x2048xi32>
    %convert_element_type3A_70 = arith.sitofp %convert_element_type3A_69 : vector<512x2048xi32> to vector<512x2048xf32>
    %convert_element_type3A_71 = arith.truncf %convert_element_type3A_70 : vector<512x2048xf32> to vector<512x2048xbf16>
    %eq3A_72 = vector.broadcast %get3A_64 : vector<1x2048xi32> to vector<2x2048xi32>
    %eq3A_73 = arith.cmpi eq, %iota3A_66, %eq3A_72 : vector<2x2048xi32>
    %convert_element_type3A_74 = arith.extui %eq3A_73 : vector<2x2048xi1> to vector<2x2048xi32>
    %convert_element_type3A_75 = arith.sitofp %convert_element_type3A_74 : vector<2x2048xi32> to vector<2x2048xf32>
    %convert_element_type3A_76 = arith.truncf %convert_element_type3A_75 : vector<2x2048xf32> to vector<2x2048xbf16>
    %concatenate3A_77 = tpu.concatenate %convert_element_type3A_71, %convert_element_type3A_76 in 0 : vector<512x2048xbf16>, vector<2x2048xbf16> -> vector<514x2048xbf16>
    %dot_general3A_78 = arith.constant dense<0.000000e+00> : vector<2048x128xf32>
    %dot_general3A_79 = tpu.matmul %concatenate3A_77, %get3A_1, %dot_general3A_78 {dimension_numbers = #tpu.dot_dimension_numbers<[0], [0], [1], [1], [0, 1, 1, 1], [], []>, transpose_lhs_hint = false} : vector<514x2048xbf16>, vector<514x128xbf16>, vector<2048x128xf32> -> vector<2048x128xf32>
    %add3A_80 = arith.addf %get3A_54, %dot_general3A_79 : vector<2048x128xf32>
    %reduce_sum3A_81 = arith.constant dense<0.000000e+00> : vector<2048xf32>
    %reduce_sum3A_82 = vector.multi_reduction <add>, %add3A_80, %reduce_sum3A_81 [1] : vector<2048x128xf32> to vector<2048xf32>
    %broadcast_in_dim3A_83 = vector.shape_cast %reduce_sum3A_82 : vector<2048xf32> to vector<2048x1xf32>
    %div3A_84 = arith.constant 1.280000e+02 : f32
    %div3A_85 = vector.broadcast %div3A_84 : f32 to vector<2048x1xf32>
    %div3A_86 = arith.divf %broadcast_in_dim3A_83, %div3A_85 : vector<2048x1xf32>
    %sub3A_87 = vector.broadcast %div3A_86 : vector<2048x1xf32> to vector<2048x128xf32>
    %sub3A_88 = arith.subf %add3A_80, %sub3A_87 : vector<2048x128xf32>
    %mul3A_89 = arith.mulf %sub3A_88, %sub3A_88 : vector<2048x128xf32>
    %reduce_sum3A_90 = arith.constant dense<0.000000e+00> : vector<2048xf32>
    %reduce_sum3A_91 = vector.multi_reduction <add>, %mul3A_89, %reduce_sum3A_90 [1] : vector<2048x128xf32> to vector<2048xf32>
    %broadcast_in_dim3A_92 = vector.shape_cast %reduce_sum3A_91 : vector<2048xf32> to vector<2048x1xf32>
    %div3A_93 = arith.constant 1.280000e+02 : f32
    %div3A_94 = vector.broadcast %div3A_93 : f32 to vector<2048x1xf32>
    %div3A_95 = arith.divf %broadcast_in_dim3A_92, %div3A_94 : vector<2048x1xf32>
    %add3A_96 = arith.constant 9.99999996E-13 : f32
    %add3A_97 = vector.broadcast %add3A_96 : f32 to vector<2048x1xf32>
    %add3A_98 = arith.addf %div3A_95, %add3A_97 : vector<2048x1xf32>
    %rsqrt3A_99 = math.rsqrt %add3A_98 : vector<2048x1xf32>
    %mul3A_100 = vector.broadcast %rsqrt3A_99 : vector<2048x1xf32> to vector<2048x128xf32>
    %mul3A_101 = arith.mulf %sub3A_88, %mul3A_100 : vector<2048x128xf32>
    %get3A_102 = arith.constant 0 : index
    %get3A_103 = arith.constant 0 : index
    %get3A_104 = vector.load %arg5[%get3A_102, %get3A_103] : memref<1x128xf32, #tpu.memory_space<vmem>>, vector<1x128xf32>
    %mul3A_105 = vector.broadcast %get3A_104 : vector<1x128xf32> to vector<2048x128xf32>
    %mul3A_106 = arith.mulf %mul3A_101, %mul3A_105 : vector<2048x128xf32>
    %get3A_107 = arith.constant 0 : index
    %get3A_108 = arith.constant 0 : index
    %get3A_109 = vector.load %arg6[%get3A_107, %get3A_108] : memref<1x128xf32, #tpu.memory_space<vmem>>, vector<1x128xf32>
    %add3A_110 = vector.broadcast %get3A_109 : vector<1x128xf32> to vector<2048x128xf32>
    %add3A_111 = arith.addf %mul3A_106, %add3A_110 : vector<2048x128xf32>
    %swap3A_112 = arith.constant 2048 : index
    %swap3A_113 = arith.constant 0 : index
    %swap3A_114 = vector.load %arg8[%swap3A_112, %swap3A_113] : memref<8192x128xf32, #tpu.memory_space<vmem>>, vector<2048x128xf32>
    tpu.vector_store %arg8[%swap3A_112, %swap3A_113], %add3A_111 {strides = array<i32>} : memref<8192x128xf32, #tpu.memory_space<vmem>>, vector<2048x128xf32>,
    %get3A_115 = arith.constant 4096 : index
    %get3A_116 = arith.constant 0 : index
    %get3A_117 = vector.load %arg1[%get3A_115, %get3A_116] : memref<8192x128xf32, #tpu.memory_space<vmem>>, vector<2048x128xf32>
    %get3A_118 = arith.constant 0 : index
    %get3A_119 = arith.constant 0 : index
    %get3A_120 = arith.constant 4096 : index
    %get3A_121 = vector.load %arg2[%get3A_118, %get3A_119, %get3A_120] : memref<1x1x8192xi32, #tpu.memory_space<vmem>>, vector<1x1x2048xi32>
    %get3A_122 = vector.shape_cast %get3A_121 : vector<1x1x2048xi32> to vector<1x2048xi32>
    %get3A_123 = arith.constant 0 : index
    %get3A_124 = arith.constant 0 : index
    %get3A_125 = arith.constant 4096 : index
    %get3A_126 = vector.load %arg3[%get3A_123, %get3A_124, %get3A_125] : memref<1x1x8192xi32, #tpu.memory_space<vmem>>, vector<1x1x2048xi32>
    %get3A_127 = vector.shape_cast %get3A_126 : vector<1x1x2048xi32> to vector<1x2048xi32>
    %iota3A_128 = tpu.iota {dimensions = array<i32: 0>} : vector<512x2048xi32>
    %iota3A_129 = tpu.iota {dimensions = array<i32: 0>} : vector<2x2048xi32>
    %eq3A_130 = vector.broadcast %get3A_122 : vector<1x2048xi32> to vector<512x2048xi32>
    %eq3A_131 = arith.cmpi eq, %iota3A_128, %eq3A_130 : vector<512x2048xi32>
    %convert_element_type3A_132 = arith.extui %eq3A_131 : vector<512x2048xi1> to vector<512x2048xi32>
    %convert_element_type3A_133 = arith.sitofp %convert_element_type3A_132 : vector<512x2048xi32> to vector<512x2048xf32>
    %convert_element_type3A_134 = arith.truncf %convert_element_type3A_133 : vector<512x2048xf32> to vector<512x2048xbf16>
    %eq3A_135 = vector.broadcast %get3A_127 : vector<1x2048xi32> to vector<2x2048xi32>
    %eq3A_136 = arith.cmpi eq, %iota3A_129, %eq3A_135 : vector<2x2048xi32>
    %convert_element_type3A_137 = arith.extui %eq3A_136 : vector<2x2048xi1> to vector<2x2048xi32>
    %convert_element_type3A_138 = arith.sitofp %convert_element_type3A_137 : vector<2x2048xi32> to vector<2x2048xf32>
    %convert_element_type3A_139 = arith.truncf %convert_element_type3A_138 : vector<2x2048xf32> to vector<2x2048xbf16>
    %concatenate3A_140 = tpu.concatenate %convert_element_type3A_134, %convert_element_type3A_139 in 0 : vector<512x2048xbf16>, vector<2x2048xbf16> -> vector<514x2048xbf16>
    %dot_general3A_141 = arith.constant dense<0.000000e+00> : vector<2048x128xf32>
    %dot_general3A_142 = tpu.matmul %concatenate3A_140, %get3A_1, %dot_general3A_141 {dimension_numbers = #tpu.dot_dimension_numbers<[0], [0], [1], [1], [0, 1, 1, 1], [], []>, transpose_lhs_hint = false} : vector<514x2048xbf16>, vector<514x128xbf16>, vector<2048x128xf32> -> vector<2048x128xf32>
    %add3A_143 = arith.addf %get3A_117, %dot_general3A_142 : vector<2048x128xf32>
    %reduce_sum3A_144 = arith.constant dense<0.000000e+00> : vector<2048xf32>
    %reduce_sum3A_145 = vector.multi_reduction <add>, %add3A_143, %reduce_sum3A_144 [1] : vector<2048x128xf32> to vector<2048xf32>
    %broadcast_in_dim3A_146 = vector.shape_cast %reduce_sum3A_145 : vector<2048xf32> to vector<2048x1xf32>
    %div3A_147 = arith.constant 1.280000e+02 : f32
    %div3A_148 = vector.broadcast %div3A_147 : f32 to vector<2048x1xf32>
    %div3A_149 = arith.divf %broadcast_in_dim3A_146, %div3A_148 : vector<2048x1xf32>
    %sub3A_150 = vector.broadcast %div3A_149 : vector<2048x1xf32> to vector<2048x128xf32>
    %sub3A_151 = arith.subf %add3A_143, %sub3A_150 : vector<2048x128xf32>
    %mul3A_152 = arith.mulf %sub3A_151, %sub3A_151 : vector<2048x128xf32>
    %reduce_sum3A_153 = arith.constant dense<0.000000e+00> : vector<2048xf32>
    %reduce_sum3A_154 = vector.multi_reduction <add>, %mul3A_152, %reduce_sum3A_153 [1] : vector<2048x128xf32> to vector<2048xf32>
    %broadcast_in_dim3A_155 = vector.shape_cast %reduce_sum3A_154 : vector<2048xf32> to vector<2048x1xf32>
    %div3A_156 = arith.constant 1.280000e+02 : f32
    %div3A_157 = vector.broadcast %div3A_156 : f32 to vector<2048x1xf32>
    %div3A_158 = arith.divf %broadcast_in_dim3A_155, %div3A_157 : vector<2048x1xf32>
    %add3A_159 = arith.constant 9.99999996E-13 : f32
    %add3A_160 = vector.broadcast %add3A_159 : f32 to vector<2048x1xf32>
    %add3A_161 = arith.addf %div3A_158, %add3A_160 : vector<2048x1xf32>
    %rsqrt3A_162 = math.rsqrt %add3A_161 : vector<2048x1xf32>
    %mul3A_163 = vector.broadcast %rsqrt3A_162 : vector<2048x1xf32> to vector<2048x128xf32>
    %mul3A_164 = arith.mulf %sub3A_151, %mul3A_163 : vector<2048x128xf32>
    %get3A_165 = arith.constant 0 : index
    %get3A_166 = arith.constant 0 : index
    %get3A_167 = vector.load %arg5[%get3A_165, %get3A_166] : memref<1x128xf32, #tpu.memory_space<vmem>>, vector<1x128xf32>
    %mul3A_168 = vector.broadcast %get3A_167 : vector<1x128xf32> to vector<2048x128xf32>
    %mul3A_169 = arith.mulf %mul3A_164, %mul3A_168 : vector<2048x128xf32>
    %get3A_170 = arith.constant 0 : index
    %get3A_171 = arith.constant 0 : index
    %get3A_172 = vector.load %arg6[%get3A_170, %get3A_171] : memref<1x128xf32, #tpu.memory_space<vmem>>, vector<1x128xf32>
    %add3A_173 = vector.broadcast %get3A_172 : vector<1x128xf32> to vector<2048x128xf32>
    %add3A_174 = arith.addf %mul3A_169, %add3A_173 : vector<2048x128xf32>
    %swap3A_175 = arith.constant 4096 : index
    %swap3A_176 = arith.constant 0 : index
    %swap3A_177 = vector.load %arg8[%swap3A_175, %swap3A_176] : memref<8192x128xf32, #tpu.memory_space<vmem>>, vector<2048x128xf32>
    tpu.vector_store %arg8[%swap3A_175, %swap3A_176], %add3A_174 {strides = array<i32>} : memref<8192x128xf32, #tpu.memory_space<vmem>>, vector<2048x128xf32>,
    %get3A_178 = arith.constant 6144 : index
    %get3A_179 = arith.constant 0 : index
    %get3A_180 = vector.load %arg1[%get3A_178, %get3A_179] : memref<8192x128xf32, #tpu.memory_space<vmem>>, vector<2048x128xf32>
    %get3A_181 = arith.constant 0 : index
    %get3A_182 = arith.constant 0 : index
    %get3A_183 = arith.constant 6144 : index
    %get3A_184 = vector.load %arg2[%get3A_181, %get3A_182, %get3A_183] : memref<1x1x8192xi32, #tpu.memory_space<vmem>>, vector<1x1x2048xi32>
    %get3A_185 = vector.shape_cast %get3A_184 : vector<1x1x2048xi32> to vector<1x2048xi32>
    %get3A_186 = arith.constant 0 : index
    %get3A_187 = arith.constant 0 : index
    %get3A_188 = arith.constant 6144 : index
    %get3A_189 = vector.load %arg3[%get3A_186, %get3A_187, %get3A_188] : memref<1x1x8192xi32, #tpu.memory_space<vmem>>, vector<1x1x2048xi32>
    %get3A_190 = vector.shape_cast %get3A_189 : vector<1x1x2048xi32> to vector<1x2048xi32>
    %iota3A_191 = tpu.iota {dimensions = array<i32: 0>} : vector<512x2048xi32>
    %iota3A_192 = tpu.iota {dimensions = array<i32: 0>} : vector<2x2048xi32>
    %eq3A_193 = vector.broadcast %get3A_185 : vector<1x2048xi32> to vector<512x2048xi32>
    %eq3A_194 = arith.cmpi eq, %iota3A_191, %eq3A_193 : vector<512x2048xi32>
    %convert_element_type3A_195 = arith.extui %eq3A_194 : vector<512x2048xi1> to vector<512x2048xi32>
    %convert_element_type3A_196 = arith.sitofp %convert_element_type3A_195 : vector<512x2048xi32> to vector<512x2048xf32>
    %convert_element_type3A_197 = arith.truncf %convert_element_type3A_196 : vector<512x2048xf32> to vector<512x2048xbf16>
    %eq3A_198 = vector.broadcast %get3A_190 : vector<1x2048xi32> to vector<2x2048xi32>
    %eq3A_199 = arith.cmpi eq, %iota3A_192, %eq3A_198 : vector<2x2048xi32>
    %convert_element_type3A_200 = arith.extui %eq3A_199 : vector<2x2048xi1> to vector<2x2048xi32>
    %convert_element_type3A_201 = arith.sitofp %convert_element_type3A_200 : vector<2x2048xi32> to vector<2x2048xf32>
    %convert_element_type3A_202 = arith.truncf %convert_element_type3A_201 : vector<2x2048xf32> to vector<2x2048xbf16>
    %concatenate3A_203 = tpu.concatenate %convert_element_type3A_197, %convert_element_type3A_202 in 0 : vector<512x2048xbf16>, vector<2x2048xbf16> -> vector<514x2048xbf16>
    %dot_general3A_204 = arith.constant dense<0.000000e+00> : vector<2048x128xf32>
    %dot_general3A_205 = tpu.matmul %concatenate3A_203, %get3A_1, %dot_general3A_204 {dimension_numbers = #tpu.dot_dimension_numbers<[0], [0], [1], [1], [0, 1, 1, 1], [], []>, transpose_lhs_hint = false} : vector<514x2048xbf16>, vector<514x128xbf16>, vector<2048x128xf32> -> vector<2048x128xf32>
    %add3A_206 = arith.addf %get3A_180, %dot_general3A_205 : vector<2048x128xf32>
    %reduce_sum3A_207 = arith.constant dense<0.000000e+00> : vector<2048xf32>
    %reduce_sum3A_208 = vector.multi_reduction <add>, %add3A_206, %reduce_sum3A_207 [1] : vector<2048x128xf32> to vector<2048xf32>
    %broadcast_in_dim3A_209 = vector.shape_cast %reduce_sum3A_208 : vector<2048xf32> to vector<2048x1xf32>
    %div3A_210 = arith.constant 1.280000e+02 : f32
    %div3A_211 = vector.broadcast %div3A_210 : f32 to vector<2048x1xf32>
    %div3A_212 = arith.divf %broadcast_in_dim3A_209, %div3A_211 : vector<2048x1xf32>
    %sub3A_213 = vector.broadcast %div3A_212 : vector<2048x1xf32> to vector<2048x128xf32>
    %sub3A_214 = arith.subf %add3A_206, %sub3A_213 : vector<2048x128xf32>
    %mul3A_215 = arith.mulf %sub3A_214, %sub3A_214 : vector<2048x128xf32>
    %reduce_sum3A_216 = arith.constant dense<0.000000e+00> : vector<2048xf32>
    %reduce_sum3A_217 = vector.multi_reduction <add>, %mul3A_215, %reduce_sum3A_216 [1] : vector<2048x128xf32> to vector<2048xf32>
    %broadcast_in_dim3A_218 = vector.shape_cast %reduce_sum3A_217 : vector<2048xf32> to vector<2048x1xf32>
    %div3A_219 = arith.constant 1.280000e+02 : f32
    %div3A_220 = vector.broadcast %div3A_219 : f32 to vector<2048x1xf32>
    %div3A_221 = arith.divf %broadcast_in_dim3A_218, %div3A_220 : vector<2048x1xf32>
    %add3A_222 = arith.constant 9.99999996E-13 : f32
    %add3A_223 = vector.broadcast %add3A_222 : f32 to vector<2048x1xf32>
    %add3A_224 = arith.addf %div3A_221, %add3A_223 : vector<2048x1xf32>
    %rsqrt3A_225 = math.rsqrt %add3A_224 : vector<2048x1xf32>
    %mul3A_226 = vector.broadcast %rsqrt3A_225 : vector<2048x1xf32> to vector<2048x128xf32>
    %mul3A_227 = arith.mulf %sub3A_214, %mul3A_226 : vector<2048x128xf32>
    %get3A_228 = arith.constant 0 : index
    %get3A_229 = arith.constant 0 : index
    %get3A_230 = vector.load %arg5[%get3A_228, %get3A_229] : memref<1x128xf32, #tpu.memory_space<vmem>>, vector<1x128xf32>
    %mul3A_231 = vector.broadcast %get3A_230 : vector<1x128xf32> to vector<2048x128xf32>
    %mul3A_232 = arith.mulf %mul3A_227, %mul3A_231 : vector<2048x128xf32>
    %get3A_233 = arith.constant 0 : index
    %get3A_234 = arith.constant 0 : index
    %get3A_235 = vector.load %arg6[%get3A_233, %get3A_234] : memref<1x128xf32, #tpu.memory_space<vmem>>, vector<1x128xf32>
    %add3A_236 = vector.broadcast %get3A_235 : vector<1x128xf32> to vector<2048x128xf32>
    %add3A_237 = arith.addf %mul3A_232, %add3A_236 : vector<2048x128xf32>
    %swap3A_238 = arith.constant 6144 : index
    %swap3A_239 = arith.constant 0 : index
    %swap3A_240 = vector.load %arg8[%swap3A_238, %swap3A_239] : memref<8192x128xf32, #tpu.memory_space<vmem>>, vector<2048x128xf32>
    tpu.vector_store %arg8[%swap3A_238, %swap3A_239], %add3A_237 {strides = array<i32>} : memref<8192x128xf32, #tpu.memory_space<vmem>>, vector<2048x128xf32>,
    return
  }
  func.func @transform_0(%arg0: i32) -> (i32, i32) {
    %c0_i32 = arith.constant 0 : i32
    %c0_i32_0 = arith.constant 0 : i32
    return %arg0, %c0_i32 : i32, i32
  }
  func.func @transform_1(%arg0: i32) -> (i32, i32, i32) {
    %add3A = arith.constant 15 : i32
    %add3A_0 = arith.addi %arg0, %add3A : i32
    %c0_i32 = arith.constant 0 : i32
    %c0_i32_1 = arith.constant 0 : i32
    %c0_i32_2 = arith.constant 0 : i32
    return %add3A_0, %c0_i32, %c0_i32_1 : i32, i32, i32
  }
  func.func @transform_2(%arg0: i32) -> (i32, i32, i32) {
    %add3A = arith.constant 15 : i32
    %add3A_0 = arith.addi %arg0, %add3A : i32
    %c0_i32 = arith.constant 0 : i32
    %c0_i32_1 = arith.constant 0 : i32
    %c0_i32_2 = arith.constant 0 : i32
    return %add3A_0, %c0_i32, %c0_i32_1 : i32, i32, i32
  }
  func.func @transform_3(%arg0: i32) -> (i32, i32) {
    %c0_i32 = arith.constant 0 : i32
    %c0_i32_0 = arith.constant 0 : i32
    %c0_i32_1 = arith.constant 0 : i32
    return %c0_i32, %c0_i32_0 : i32, i32
  }
  func.func @transform_4(%arg0: i32) -> (i32, i32) {
    %c0_i32 = arith.constant 0 : i32
    %c0_i32_0 = arith.constant 0 : i32
    %c0_i32_1 = arith.constant 0 : i32
    return %c0_i32, %c0_i32_0 : i32, i32
  }
  func.func @transform_5(%arg0: i32) -> (i32, i32) {
    %c0_i32 = arith.constant 0 : i32
    %c0_i32_0 = arith.constant 0 : i32
    %c0_i32_1 = arith.constant 0 : i32
    return %c0_i32, %c0_i32_0 : i32, i32
  }
  func.func @transform_7(%arg0: i32) -> (i32, i32) {
    %add3A = arith.constant 15 : i32
    %add3A_0 = arith.addi %arg0, %add3A : i32
    %c0_i32 = arith.constant 0 : i32
    %c0_i32_1 = arith.constant 0 : i32
    return %add3A_0, %c0_i32 : i32, i32
  }
}

module attributes {stable_mosaic.version = 14 : i64} {
  func.func @_tc_ln_chunk_body(%arg0: i32, %arg1: memref<8192x128xf32, #tpu.memory_space<vmem>>, %arg2: memref<1x1x8192xi32, #tpu.memory_space<vmem>>, %arg3: memref<1x1x8192xi32, #tpu.memory_space<vmem>>, %arg4: memref<514x128xbf16, #tpu.memory_space<vmem>>, %arg5: memref<1x128xf32, #tpu.memory_space<vmem>>, %arg6: memref<1x128xf32, #tpu.memory_space<vmem>>, %arg7: memref<204800x128xf32, #tpu.memory_space<hbm>>, %arg8: memref<8192x128xf32, #tpu.memory_space<vmem>>) attributes {dimension_semantics = [#tpu.dimension_semantics<arbitrary>], iteration_bounds = array<i64: 5>, scalar_prefetch = 0 : i64, scratch_operands = 0 : i64, tpu.core_type = #tpu.core_type<tc>, window_params = [{transform_indices = @transform_0, window_bounds = array<i64: 8192, 128>}, {transform_indices = @transform_1, window_bounds = array<i64: 1, 1, 8192>}, {transform_indices = @transform_2, window_bounds = array<i64: 1, 1, 8192>}, {pipeline_mode = #tpu.pipeline_mode<synchronous>, transform_indices = @transform_3, window_bounds = array<i64: 514, 128>}, {pipeline_mode = #tpu.pipeline_mode<synchronous>, transform_indices = @transform_4, window_bounds = array<i64: 1, 128>}, {pipeline_mode = #tpu.pipeline_mode<synchronous>, transform_indices = @transform_5, window_bounds = array<i64: 1, 128>}, {}, {transform_indices = @transform_7, window_bounds = array<i64: 8192, 128>}]} {
    %get3A = arith.constant 0 : index
    %get3A_0 = arith.constant 0 : index
    %get3A_1 = vector.load %arg4[%get3A, %get3A_0] : memref<514x128xbf16, #tpu.memory_space<vmem>>, vector<514x128xbf16>
    %get3A_2 = arith.constant 0 : index
    %get3A_3 = arith.constant 0 : index
    %get3A_4 = vector.load %arg1[%get3A_2, %get3A_3] : memref<8192x128xf32, #tpu.memory_space<vmem>>, vector<2048x128xf32>
    %get3A_5 = arith.constant 0 : index
    %get3A_6 = arith.constant 0 : index
    %get3A_7 = arith.constant 0 : index
    %get3A_8 = vector.load %arg2[%get3A_5, %get3A_6, %get3A_7] : memref<1x1x8192xi32, #tpu.memory_space<vmem>>, vector<1x1x2048xi32>
    %get3A_9 = vector.shape_cast %get3A_8 : vector<1x1x2048xi32> to vector<1x2048xi32>
    %get3A_10 = arith.constant 0 : index
    %get3A_11 = arith.constant 0 : index
    %get3A_12 = arith.constant 0 : index
    %get3A_13 = vector.load %arg3[%get3A_10, %get3A_11, %get3A_12] : memref<1x1x8192xi32, #tpu.memory_space<vmem>>, vector<1x1x2048xi32>
    %get3A_14 = vector.shape_cast %get3A_13 : vector<1x1x2048xi32> to vector<1x2048xi32>
    %iota3A = tpu.iota {dimensions = array<i32: 0>} : vector<512x2048xi32>
    %iota3A_15 = tpu.iota {dimensions = array<i32: 0>} : vector<2x2048xi32>
    %eq3A = vector.broadcast %get3A_9 : vector<1x2048xi32> to vector<512x2048xi32>
    %eq3A_16 = arith.cmpi eq, %iota3A, %eq3A : vector<512x2048xi32>
    %convert_element_type3A = arith.extui %eq3A_16 : vector<512x2048xi1> to vector<512x2048xi32>
    %convert_element_type3A_17 = arith.sitofp %convert_element_type3A : vector<512x2048xi32> to vector<512x2048xf32>
    %convert_element_type3A_18 = arith.truncf %convert_element_type3A_17 : vector<512x2048xf32> to vector<512x2048xbf16>
    %eq3A_19 = vector.broadcast %get3A_14 : vector<1x2048xi32> to vector<2x2048xi32>
    %eq3A_20 = arith.cmpi eq, %iota3A_15, %eq3A_19 : vector<2x2048xi32>
    %convert_element_type3A_21 = arith.extui %eq3A_20 : vector<2x2048xi1> to vector<2x2048xi32>
    %convert_element_type3A_22 = arith.sitofp %convert_element_type3A_21 : vector<2x2048xi32> to vector<2x2048xf32>
    %convert_element_type3A_23 = arith.truncf %convert_element_type3A_22 : vector<2x2048xf32> to vector<2x2048xbf16>
    %concatenate3A = tpu.concatenate %convert_element_type3A_18, %convert_element_type3A_23 in 0 : vector<512x2048xbf16>, vector<2x2048xbf16> -> vector<514x2048xbf16>
    %dot_general3A = arith.constant dense<0.000000e+00> : vector<2048x128xf32>
    %dot_general3A_24 = tpu.matmul %concatenate3A, %get3A_1, %dot_general3A {dimension_numbers = #tpu.dot_dimension_numbers<[0], [0], [1], [1], [0, 1, 1, 1], [], []>, transpose_lhs_hint = false} : vector<514x2048xbf16>, vector<514x128xbf16>, vector<2048x128xf32> -> vector<2048x128xf32>
    %add3A = arith.addf %get3A_4, %dot_general3A_24 : vector<2048x128xf32>
    %reduce_sum3A = arith.constant dense<0.000000e+00> : vector<2048xf32>
    %reduce_sum3A_25 = vector.multi_reduction <add>, %add3A, %reduce_sum3A [1] : vector<2048x128xf32> to vector<2048xf32>
    %broadcast_in_dim3A = vector.shape_cast %reduce_sum3A_25 : vector<2048xf32> to vector<2048x1xf32>
    %div3A = arith.constant 1.280000e+02 : f32
    %div3A_26 = vector.broadcast %div3A : f32 to vector<2048x1xf32>
    %div3A_27 = arith.divf %broadcast_in_dim3A, %div3A_26 : vector<2048x1xf32>
    %sub3A = vector.broadcast %div3A_27 : vector<2048x1xf32> to vector<2048x128xf32>
    %sub3A_28 = arith.subf %add3A, %sub3A : vector<2048x128xf32>
    %mul3A = arith.mulf %sub3A_28, %sub3A_28 : vector<2048x128xf32>
    %reduce_sum3A_29 = arith.constant dense<0.000000e+00> : vector<2048xf32>
    %reduce_sum3A_30 = vector.multi_reduction <add>, %mul3A, %reduce_sum3A_29 [1] : vector<2048x128xf32> to vector<2048xf32>
    %broadcast_in_dim3A_31 = vector.shape_cast %reduce_sum3A_30 : vector<2048xf32> to vector<2048x1xf32>
    %div3A_32 = arith.constant 1.280000e+02 : f32
    %div3A_33 = vector.broadcast %div3A_32 : f32 to vector<2048x1xf32>
    %div3A_34 = arith.divf %broadcast_in_dim3A_31, %div3A_33 : vector<2048x1xf32>
    %add3A_35 = arith.constant 9.99999996E-13 : f32
    %add3A_36 = vector.broadcast %add3A_35 : f32 to vector<2048x1xf32>
    %add3A_37 = arith.addf %div3A_34, %add3A_36 : vector<2048x1xf32>
    %rsqrt3A = math.rsqrt %add3A_37 : vector<2048x1xf32>
    %mul3A_38 = vector.broadcast %rsqrt3A : vector<2048x1xf32> to vector<2048x128xf32>
    %mul3A_39 = arith.mulf %sub3A_28, %mul3A_38 : vector<2048x128xf32>
    %get3A_40 = arith.constant 0 : index
    %get3A_41 = arith.constant 0 : index
    %get3A_42 = vector.load %arg5[%get3A_40, %get3A_41] : memref<1x128xf32, #tpu.memory_space<vmem>>, vector<1x128xf32>
    %mul3A_43 = vector.broadcast %get3A_42 : vector<1x128xf32> to vector<2048x128xf32>
    %mul3A_44 = arith.mulf %mul3A_39, %mul3A_43 : vector<2048x128xf32>
    %get3A_45 = arith.constant 0 : index
    %get3A_46 = arith.constant 0 : index
    %get3A_47 = vector.load %arg6[%get3A_45, %get3A_46] : memref<1x128xf32, #tpu.memory_space<vmem>>, vector<1x128xf32>
    %add3A_48 = vector.broadcast %get3A_47 : vector<1x128xf32> to vector<2048x128xf32>
    %add3A_49 = arith.addf %mul3A_44, %add3A_48 : vector<2048x128xf32>
    %swap3A = arith.constant 0 : index
    %swap3A_50 = arith.constant 0 : index
    %swap3A_51 = vector.load %arg8[%swap3A, %swap3A_50] : memref<8192x128xf32, #tpu.memory_space<vmem>>, vector<2048x128xf32>
    tpu.vector_store %arg8[%swap3A, %swap3A_50], %add3A_49 {strides = array<i32>} : memref<8192x128xf32, #tpu.memory_space<vmem>>, vector<2048x128xf32>,
    %get3A_52 = arith.constant 2048 : index
    %get3A_53 = arith.constant 0 : index
    %get3A_54 = vector.load %arg1[%get3A_52, %get3A_53] : memref<8192x128xf32, #tpu.memory_space<vmem>>, vector<2048x128xf32>
    %get3A_55 = arith.constant 0 : index
    %get3A_56 = arith.constant 0 : index
    %get3A_57 = arith.constant 2048 : index
    %get3A_58 = vector.load %arg2[%get3A_55, %get3A_56, %get3A_57] : memref<1x1x8192xi32, #tpu.memory_space<vmem>>, vector<1x1x2048xi32>
    %get3A_59 = vector.shape_cast %get3A_58 : vector<1x1x2048xi32> to vector<1x2048xi32>
    %get3A_60 = arith.constant 0 : index
    %get3A_61 = arith.constant 0 : index
    %get3A_62 = arith.constant 2048 : index
    %get3A_63 = vector.load %arg3[%get3A_60, %get3A_61, %get3A_62] : memref<1x1x8192xi32, #tpu.memory_space<vmem>>, vector<1x1x2048xi32>
    %get3A_64 = vector.shape_cast %get3A_63 : vector<1x1x2048xi32> to vector<1x2048xi32>
    %iota3A_65 = tpu.iota {dimensions = array<i32: 0>} : vector<512x2048xi32>
    %iota3A_66 = tpu.iota {dimensions = array<i32: 0>} : vector<2x2048xi32>
    %eq3A_67 = vector.broadcast %get3A_59 : vector<1x2048xi32> to vector<512x2048xi32>
    %eq3A_68 = arith.cmpi eq, %iota3A_65, %eq3A_67 : vector<512x2048xi32>
    %convert_element_type3A_69 = arith.extui %eq3A_68 : vector<512x2048xi1> to vector<512x2048xi32>
    %convert_element_type3A_70 = arith.sitofp %convert_element_type3A_69 : vector<512x2048xi32> to vector<512x2048xf32>
    %convert_element_type3A_71 = arith.truncf %convert_element_type3A_70 : vector<512x2048xf32> to vector<512x2048xbf16>
    %eq3A_72 = vector.broadcast %get3A_64 : vector<1x2048xi32> to vector<2x2048xi32>
    %eq3A_73 = arith.cmpi eq, %iota3A_66, %eq3A_72 : vector<2x2048xi32>
    %convert_element_type3A_74 = arith.extui %eq3A_73 : vector<2x2048xi1> to vector<2x2048xi32>
    %convert_element_type3A_75 = arith.sitofp %convert_element_type3A_74 : vector<2x2048xi32> to vector<2x2048xf32>
    %convert_element_type3A_76 = arith.truncf %convert_element_type3A_75 : vector<2x2048xf32> to vector<2x2048xbf16>
    %concatenate3A_77 = tpu.concatenate %convert_element_type3A_71, %convert_element_type3A_76 in 0 : vector<512x2048xbf16>, vector<2x2048xbf16> -> vector<514x2048xbf16>
    %dot_general3A_78 = arith.constant dense<0.000000e+00> : vector<2048x128xf32>
    %dot_general3A_79 = tpu.matmul %concatenate3A_77, %get3A_1, %dot_general3A_78 {dimension_numbers = #tpu.dot_dimension_numbers<[0], [0], [1], [1], [0, 1, 1, 1], [], []>, transpose_lhs_hint = false} : vector<514x2048xbf16>, vector<514x128xbf16>, vector<2048x128xf32> -> vector<2048x128xf32>
    %add3A_80 = arith.addf %get3A_54, %dot_general3A_79 : vector<2048x128xf32>
    %reduce_sum3A_81 = arith.constant dense<0.000000e+00> : vector<2048xf32>
    %reduce_sum3A_82 = vector.multi_reduction <add>, %add3A_80, %reduce_sum3A_81 [1] : vector<2048x128xf32> to vector<2048xf32>
    %broadcast_in_dim3A_83 = vector.shape_cast %reduce_sum3A_82 : vector<2048xf32> to vector<2048x1xf32>
    %div3A_84 = arith.constant 1.280000e+02 : f32
    %div3A_85 = vector.broadcast %div3A_84 : f32 to vector<2048x1xf32>
    %div3A_86 = arith.divf %broadcast_in_dim3A_83, %div3A_85 : vector<2048x1xf32>
    %sub3A_87 = vector.broadcast %div3A_86 : vector<2048x1xf32> to vector<2048x128xf32>
    %sub3A_88 = arith.subf %add3A_80, %sub3A_87 : vector<2048x128xf32>
    %mul3A_89 = arith.mulf %sub3A_88, %sub3A_88 : vector<2048x128xf32>
    %reduce_sum3A_90 = arith.constant dense<0.000000e+00> : vector<2048xf32>
    %reduce_sum3A_91 = vector.multi_reduction <add>, %mul3A_89, %reduce_sum3A_90 [1] : vector<2048x128xf32> to vector<2048xf32>
    %broadcast_in_dim3A_92 = vector.shape_cast %reduce_sum3A_91 : vector<2048xf32> to vector<2048x1xf32>
    %div3A_93 = arith.constant 1.280000e+02 : f32
    %div3A_94 = vector.broadcast %div3A_93 : f32 to vector<2048x1xf32>
    %div3A_95 = arith.divf %broadcast_in_dim3A_92, %div3A_94 : vector<2048x1xf32>
    %add3A_96 = arith.constant 9.99999996E-13 : f32
    %add3A_97 = vector.broadcast %add3A_96 : f32 to vector<2048x1xf32>
    %add3A_98 = arith.addf %div3A_95, %add3A_97 : vector<2048x1xf32>
    %rsqrt3A_99 = math.rsqrt %add3A_98 : vector<2048x1xf32>
    %mul3A_100 = vector.broadcast %rsqrt3A_99 : vector<2048x1xf32> to vector<2048x128xf32>
    %mul3A_101 = arith.mulf %sub3A_88, %mul3A_100 : vector<2048x128xf32>
    %get3A_102 = arith.constant 0 : index
    %get3A_103 = arith.constant 0 : index
    %get3A_104 = vector.load %arg5[%get3A_102, %get3A_103] : memref<1x128xf32, #tpu.memory_space<vmem>>, vector<1x128xf32>
    %mul3A_105 = vector.broadcast %get3A_104 : vector<1x128xf32> to vector<2048x128xf32>
    %mul3A_106 = arith.mulf %mul3A_101, %mul3A_105 : vector<2048x128xf32>
    %get3A_107 = arith.constant 0 : index
    %get3A_108 = arith.constant 0 : index
    %get3A_109 = vector.load %arg6[%get3A_107, %get3A_108] : memref<1x128xf32, #tpu.memory_space<vmem>>, vector<1x128xf32>
    %add3A_110 = vector.broadcast %get3A_109 : vector<1x128xf32> to vector<2048x128xf32>
    %add3A_111 = arith.addf %mul3A_106, %add3A_110 : vector<2048x128xf32>
    %swap3A_112 = arith.constant 2048 : index
    %swap3A_113 = arith.constant 0 : index
    %swap3A_114 = vector.load %arg8[%swap3A_112, %swap3A_113] : memref<8192x128xf32, #tpu.memory_space<vmem>>, vector<2048x128xf32>
    tpu.vector_store %arg8[%swap3A_112, %swap3A_113], %add3A_111 {strides = array<i32>} : memref<8192x128xf32, #tpu.memory_space<vmem>>, vector<2048x128xf32>,
    %get3A_115 = arith.constant 4096 : index
    %get3A_116 = arith.constant 0 : index
    %get3A_117 = vector.load %arg1[%get3A_115, %get3A_116] : memref<8192x128xf32, #tpu.memory_space<vmem>>, vector<2048x128xf32>
    %get3A_118 = arith.constant 0 : index
    %get3A_119 = arith.constant 0 : index
    %get3A_120 = arith.constant 4096 : index
    %get3A_121 = vector.load %arg2[%get3A_118, %get3A_119, %get3A_120] : memref<1x1x8192xi32, #tpu.memory_space<vmem>>, vector<1x1x2048xi32>
    %get3A_122 = vector.shape_cast %get3A_121 : vector<1x1x2048xi32> to vector<1x2048xi32>
    %get3A_123 = arith.constant 0 : index
    %get3A_124 = arith.constant 0 : index
    %get3A_125 = arith.constant 4096 : index
    %get3A_126 = vector.load %arg3[%get3A_123, %get3A_124, %get3A_125] : memref<1x1x8192xi32, #tpu.memory_space<vmem>>, vector<1x1x2048xi32>
    %get3A_127 = vector.shape_cast %get3A_126 : vector<1x1x2048xi32> to vector<1x2048xi32>
    %iota3A_128 = tpu.iota {dimensions = array<i32: 0>} : vector<512x2048xi32>
    %iota3A_129 = tpu.iota {dimensions = array<i32: 0>} : vector<2x2048xi32>
    %eq3A_130 = vector.broadcast %get3A_122 : vector<1x2048xi32> to vector<512x2048xi32>
    %eq3A_131 = arith.cmpi eq, %iota3A_128, %eq3A_130 : vector<512x2048xi32>
    %convert_element_type3A_132 = arith.extui %eq3A_131 : vector<512x2048xi1> to vector<512x2048xi32>
    %convert_element_type3A_133 = arith.sitofp %convert_element_type3A_132 : vector<512x2048xi32> to vector<512x2048xf32>
    %convert_element_type3A_134 = arith.truncf %convert_element_type3A_133 : vector<512x2048xf32> to vector<512x2048xbf16>
    %eq3A_135 = vector.broadcast %get3A_127 : vector<1x2048xi32> to vector<2x2048xi32>
    %eq3A_136 = arith.cmpi eq, %iota3A_129, %eq3A_135 : vector<2x2048xi32>
    %convert_element_type3A_137 = arith.extui %eq3A_136 : vector<2x2048xi1> to vector<2x2048xi32>
    %convert_element_type3A_138 = arith.sitofp %convert_element_type3A_137 : vector<2x2048xi32> to vector<2x2048xf32>
    %convert_element_type3A_139 = arith.truncf %convert_element_type3A_138 : vector<2x2048xf32> to vector<2x2048xbf16>
    %concatenate3A_140 = tpu.concatenate %convert_element_type3A_134, %convert_element_type3A_139 in 0 : vector<512x2048xbf16>, vector<2x2048xbf16> -> vector<514x2048xbf16>
    %dot_general3A_141 = arith.constant dense<0.000000e+00> : vector<2048x128xf32>
    %dot_general3A_142 = tpu.matmul %concatenate3A_140, %get3A_1, %dot_general3A_141 {dimension_numbers = #tpu.dot_dimension_numbers<[0], [0], [1], [1], [0, 1, 1, 1], [], []>, transpose_lhs_hint = false} : vector<514x2048xbf16>, vector<514x128xbf16>, vector<2048x128xf32> -> vector<2048x128xf32>
    %add3A_143 = arith.addf %get3A_117, %dot_general3A_142 : vector<2048x128xf32>
    %reduce_sum3A_144 = arith.constant dense<0.000000e+00> : vector<2048xf32>
    %reduce_sum3A_145 = vector.multi_reduction <add>, %add3A_143, %reduce_sum3A_144 [1] : vector<2048x128xf32> to vector<2048xf32>
    %broadcast_in_dim3A_146 = vector.shape_cast %reduce_sum3A_145 : vector<2048xf32> to vector<2048x1xf32>
    %div3A_147 = arith.constant 1.280000e+02 : f32
    %div3A_148 = vector.broadcast %div3A_147 : f32 to vector<2048x1xf32>
    %div3A_149 = arith.divf %broadcast_in_dim3A_146, %div3A_148 : vector<2048x1xf32>
    %sub3A_150 = vector.broadcast %div3A_149 : vector<2048x1xf32> to vector<2048x128xf32>
    %sub3A_151 = arith.subf %add3A_143, %sub3A_150 : vector<2048x128xf32>
    %mul3A_152 = arith.mulf %sub3A_151, %sub3A_151 : vector<2048x128xf32>
    %reduce_sum3A_153 = arith.constant dense<0.000000e+00> : vector<2048xf32>
    %reduce_sum3A_154 = vector.multi_reduction <add>, %mul3A_152, %reduce_sum3A_153 [1] : vector<2048x128xf32> to vector<2048xf32>
    %broadcast_in_dim3A_155 = vector.shape_cast %reduce_sum3A_154 : vector<2048xf32> to vector<2048x1xf32>
    %div3A_156 = arith.constant 1.280000e+02 : f32
    %div3A_157 = vector.broadcast %div3A_156 : f32 to vector<2048x1xf32>
    %div3A_158 = arith.divf %broadcast_in_dim3A_155, %div3A_157 : vector<2048x1xf32>
    %add3A_159 = arith.constant 9.99999996E-13 : f32
    %add3A_160 = vector.broadcast %add3A_159 : f32 to vector<2048x1xf32>
    %add3A_161 = arith.addf %div3A_158, %add3A_160 : vector<2048x1xf32>
    %rsqrt3A_162 = math.rsqrt %add3A_161 : vector<2048x1xf32>
    %mul3A_163 = vector.broadcast %rsqrt3A_162 : vector<2048x1xf32> to vector<2048x128xf32>
    %mul3A_164 = arith.mulf %sub3A_151, %mul3A_163 : vector<2048x128xf32>
    %get3A_165 = arith.constant 0 : index
    %get3A_166 = arith.constant 0 : index
    %get3A_167 = vector.load %arg5[%get3A_165, %get3A_166] : memref<1x128xf32, #tpu.memory_space<vmem>>, vector<1x128xf32>
    %mul3A_168 = vector.broadcast %get3A_167 : vector<1x128xf32> to vector<2048x128xf32>
    %mul3A_169 = arith.mulf %mul3A_164, %mul3A_168 : vector<2048x128xf32>
    %get3A_170 = arith.constant 0 : index
    %get3A_171 = arith.constant 0 : index
    %get3A_172 = vector.load %arg6[%get3A_170, %get3A_171] : memref<1x128xf32, #tpu.memory_space<vmem>>, vector<1x128xf32>
    %add3A_173 = vector.broadcast %get3A_172 : vector<1x128xf32> to vector<2048x128xf32>
    %add3A_174 = arith.addf %mul3A_169, %add3A_173 : vector<2048x128xf32>
    %swap3A_175 = arith.constant 4096 : index
    %swap3A_176 = arith.constant 0 : index
    %swap3A_177 = vector.load %arg8[%swap3A_175, %swap3A_176] : memref<8192x128xf32, #tpu.memory_space<vmem>>, vector<2048x128xf32>
    tpu.vector_store %arg8[%swap3A_175, %swap3A_176], %add3A_174 {strides = array<i32>} : memref<8192x128xf32, #tpu.memory_space<vmem>>, vector<2048x128xf32>,
    %get3A_178 = arith.constant 6144 : index
    %get3A_179 = arith.constant 0 : index
    %get3A_180 = vector.load %arg1[%get3A_178, %get3A_179] : memref<8192x128xf32, #tpu.memory_space<vmem>>, vector<2048x128xf32>
    %get3A_181 = arith.constant 0 : index
    %get3A_182 = arith.constant 0 : index
    %get3A_183 = arith.constant 6144 : index
    %get3A_184 = vector.load %arg2[%get3A_181, %get3A_182, %get3A_183] : memref<1x1x8192xi32, #tpu.memory_space<vmem>>, vector<1x1x2048xi32>
    %get3A_185 = vector.shape_cast %get3A_184 : vector<1x1x2048xi32> to vector<1x2048xi32>
    %get3A_186 = arith.constant 0 : index
    %get3A_187 = arith.constant 0 : index
    %get3A_188 = arith.constant 6144 : index
    %get3A_189 = vector.load %arg3[%get3A_186, %get3A_187, %get3A_188] : memref<1x1x8192xi32, #tpu.memory_space<vmem>>, vector<1x1x2048xi32>
    %get3A_190 = vector.shape_cast %get3A_189 : vector<1x1x2048xi32> to vector<1x2048xi32>
    %iota3A_191 = tpu.iota {dimensions = array<i32: 0>} : vector<512x2048xi32>
    %iota3A_192 = tpu.iota {dimensions = array<i32: 0>} : vector<2x2048xi32>
    %eq3A_193 = vector.broadcast %get3A_185 : vector<1x2048xi32> to vector<512x2048xi32>
    %eq3A_194 = arith.cmpi eq, %iota3A_191, %eq3A_193 : vector<512x2048xi32>
    %convert_element_type3A_195 = arith.extui %eq3A_194 : vector<512x2048xi1> to vector<512x2048xi32>
    %convert_element_type3A_196 = arith.sitofp %convert_element_type3A_195 : vector<512x2048xi32> to vector<512x2048xf32>
    %convert_element_type3A_197 = arith.truncf %convert_element_type3A_196 : vector<512x2048xf32> to vector<512x2048xbf16>
    %eq3A_198 = vector.broadcast %get3A_190 : vector<1x2048xi32> to vector<2x2048xi32>
    %eq3A_199 = arith.cmpi eq, %iota3A_192, %eq3A_198 : vector<2x2048xi32>
    %convert_element_type3A_200 = arith.extui %eq3A_199 : vector<2x2048xi1> to vector<2x2048xi32>
    %convert_element_type3A_201 = arith.sitofp %convert_element_type3A_200 : vector<2x2048xi32> to vector<2x2048xf32>
    %convert_element_type3A_202 = arith.truncf %convert_element_type3A_201 : vector<2x2048xf32> to vector<2x2048xbf16>
    %concatenate3A_203 = tpu.concatenate %convert_element_type3A_197, %convert_element_type3A_202 in 0 : vector<512x2048xbf16>, vector<2x2048xbf16> -> vector<514x2048xbf16>
    %dot_general3A_204 = arith.constant dense<0.000000e+00> : vector<2048x128xf32>
    %dot_general3A_205 = tpu.matmul %concatenate3A_203, %get3A_1, %dot_general3A_204 {dimension_numbers = #tpu.dot_dimension_numbers<[0], [0], [1], [1], [0, 1, 1, 1], [], []>, transpose_lhs_hint = false} : vector<514x2048xbf16>, vector<514x128xbf16>, vector<2048x128xf32> -> vector<2048x128xf32>
    %add3A_206 = arith.addf %get3A_180, %dot_general3A_205 : vector<2048x128xf32>
    %reduce_sum3A_207 = arith.constant dense<0.000000e+00> : vector<2048xf32>
    %reduce_sum3A_208 = vector.multi_reduction <add>, %add3A_206, %reduce_sum3A_207 [1] : vector<2048x128xf32> to vector<2048xf32>
    %broadcast_in_dim3A_209 = vector.shape_cast %reduce_sum3A_208 : vector<2048xf32> to vector<2048x1xf32>
    %div3A_210 = arith.constant 1.280000e+02 : f32
    %div3A_211 = vector.broadcast %div3A_210 : f32 to vector<2048x1xf32>
    %div3A_212 = arith.divf %broadcast_in_dim3A_209, %div3A_211 : vector<2048x1xf32>
    %sub3A_213 = vector.broadcast %div3A_212 : vector<2048x1xf32> to vector<2048x128xf32>
    %sub3A_214 = arith.subf %add3A_206, %sub3A_213 : vector<2048x128xf32>
    %mul3A_215 = arith.mulf %sub3A_214, %sub3A_214 : vector<2048x128xf32>
    %reduce_sum3A_216 = arith.constant dense<0.000000e+00> : vector<2048xf32>
    %reduce_sum3A_217 = vector.multi_reduction <add>, %mul3A_215, %reduce_sum3A_216 [1] : vector<2048x128xf32> to vector<2048xf32>
    %broadcast_in_dim3A_218 = vector.shape_cast %reduce_sum3A_217 : vector<2048xf32> to vector<2048x1xf32>
    %div3A_219 = arith.constant 1.280000e+02 : f32
    %div3A_220 = vector.broadcast %div3A_219 : f32 to vector<2048x1xf32>
    %div3A_221 = arith.divf %broadcast_in_dim3A_218, %div3A_220 : vector<2048x1xf32>
    %add3A_222 = arith.constant 9.99999996E-13 : f32
    %add3A_223 = vector.broadcast %add3A_222 : f32 to vector<2048x1xf32>
    %add3A_224 = arith.addf %div3A_221, %add3A_223 : vector<2048x1xf32>
    %rsqrt3A_225 = math.rsqrt %add3A_224 : vector<2048x1xf32>
    %mul3A_226 = vector.broadcast %rsqrt3A_225 : vector<2048x1xf32> to vector<2048x128xf32>
    %mul3A_227 = arith.mulf %sub3A_214, %mul3A_226 : vector<2048x128xf32>
    %get3A_228 = arith.constant 0 : index
    %get3A_229 = arith.constant 0 : index
    %get3A_230 = vector.load %arg5[%get3A_228, %get3A_229] : memref<1x128xf32, #tpu.memory_space<vmem>>, vector<1x128xf32>
    %mul3A_231 = vector.broadcast %get3A_230 : vector<1x128xf32> to vector<2048x128xf32>
    %mul3A_232 = arith.mulf %mul3A_227, %mul3A_231 : vector<2048x128xf32>
    %get3A_233 = arith.constant 0 : index
    %get3A_234 = arith.constant 0 : index
    %get3A_235 = vector.load %arg6[%get3A_233, %get3A_234] : memref<1x128xf32, #tpu.memory_space<vmem>>, vector<1x128xf32>
    %add3A_236 = vector.broadcast %get3A_235 : vector<1x128xf32> to vector<2048x128xf32>
    %add3A_237 = arith.addf %mul3A_232, %add3A_236 : vector<2048x128xf32>
    %swap3A_238 = arith.constant 6144 : index
    %swap3A_239 = arith.constant 0 : index
    %swap3A_240 = vector.load %arg8[%swap3A_238, %swap3A_239] : memref<8192x128xf32, #tpu.memory_space<vmem>>, vector<2048x128xf32>
    tpu.vector_store %arg8[%swap3A_238, %swap3A_239], %add3A_237 {strides = array<i32>} : memref<8192x128xf32, #tpu.memory_space<vmem>>, vector<2048x128xf32>,
    return
  }
  func.func @transform_0(%arg0: i32) -> (i32, i32) {
    %c0_i32 = arith.constant 0 : i32
    %c0_i32_0 = arith.constant 0 : i32
    return %arg0, %c0_i32 : i32, i32
  }
  func.func @transform_1(%arg0: i32) -> (i32, i32, i32) {
    %add3A = arith.constant 20 : i32
    %add3A_0 = arith.addi %arg0, %add3A : i32
    %c0_i32 = arith.constant 0 : i32
    %c0_i32_1 = arith.constant 0 : i32
    %c0_i32_2 = arith.constant 0 : i32
    return %add3A_0, %c0_i32, %c0_i32_1 : i32, i32, i32
  }
  func.func @transform_2(%arg0: i32) -> (i32, i32, i32) {
    %add3A = arith.constant 20 : i32
    %add3A_0 = arith.addi %arg0, %add3A : i32
    %c0_i32 = arith.constant 0 : i32
    %c0_i32_1 = arith.constant 0 : i32
    %c0_i32_2 = arith.constant 0 : i32
    return %add3A_0, %c0_i32, %c0_i32_1 : i32, i32, i32
  }
  func.func @transform_3(%arg0: i32) -> (i32, i32) {
    %c0_i32 = arith.constant 0 : i32
    %c0_i32_0 = arith.constant 0 : i32
    %c0_i32_1 = arith.constant 0 : i32
    return %c0_i32, %c0_i32_0 : i32, i32
  }
  func.func @transform_4(%arg0: i32) -> (i32, i32) {
    %c0_i32 = arith.constant 0 : i32
    %c0_i32_0 = arith.constant 0 : i32
    %c0_i32_1 = arith.constant 0 : i32
    return %c0_i32, %c0_i32_0 : i32, i32
  }
  func.func @transform_5(%arg0: i32) -> (i32, i32) {
    %c0_i32 = arith.constant 0 : i32
    %c0_i32_0 = arith.constant 0 : i32
    %c0_i32_1 = arith.constant 0 : i32
    return %c0_i32, %c0_i32_0 : i32, i32
  }
  func.func @transform_7(%arg0: i32) -> (i32, i32) {
    %add3A = arith.constant 20 : i32
    %add3A_0 = arith.addi %arg0, %add3A : i32
    %c0_i32 = arith.constant 0 : i32
    %c0_i32_1 = arith.constant 0 : i32
    return %add3A_0, %c0_i32 : i32, i32
  }
}

</mosaic_0001>

<sc_bundles>
// kernel: kernel.12.cloned.1.call-start
scs
__scs_entry_jumppad:
0x0: {  	(pc) =	sbr.rel $0x88, $3  }
0x1: {  	(tag) =	ssettag $0x0;
	lr =	simm.s32 $0x1  }
0x2: {  	[smem:$0x3F99] =	sst lr;
	_ =	strace $0xD0000000  }
0x3: {  	_ = 	snop  }
0x4: {  	_ = 	snop  }
0x5: {  	_ = 	snop  }
0x6: {  	_ = 	snop  }
0x7: {  	_ = 	snop  }
__scs_overlays_trampoline_lowered:
0x8: {  	[smem:$0x3FA8] =	sst s0  }
0x9: {  	[smem:$0x3FA9] =	sst s1  }
0xa: {  	[smem:$0x3FAA] =	sst s2  }
0xb: {  	[smem:$0x3FAB] =	sst s3  }
0xc: {  	[smem:$0x3FAC] =	sst s4  }
0xd: {  	[smem:$0x3FAD] =	sst s5  }
0xe: {  	[smem:$0x3FAE] =	sst s6  }
0xf: {  	[smem:$0x3FAF] =	sst s7  }
0x10: {  	[smem:$0x3FB0] =	sst s8  }
0x11: {  	[smem:$0x3FB1] =	sst s9;
	s0 =	simm.s32 @!p0 $0x0  }
0x12: {  	s1 =	sld [smem:$0x3F97];
	s0 =	simm.s32 @p0 $0x1  }
0x13: {  	[smem:$0x3FB2] =	sst s0;
	s0 =	simm.s32 @!p1 $0x0  }
0x14: {  	s2 =	sld [smem:$0x3F96];
	s0 =	simm.s32 @p1 $0x1  }
0x15: {  	[smem:$0x3FB3] =	sst s0;
	s0 =	simm.s32 @!p2 $0x0  }
0x16: {  	s3 =	sld [smem:$0x3FDB];
	s0 =	simm.s32 @p2 $0x1  }
0x17: {  	s4 =	simm.s32 $0x1BF5;
	[smem:$0x3FB5] =	sst s0  }
0x18: {  	s0 =	sld [smem:$0x3F98];
	_ =	swait.ge [sflag:s4], $0x0  }
0x19: {  	s7 =	sld [smem:$0x3F99]  }
0x1a: {  	s8 =	sadd.s32 $0xFFFFE003, lr  }
0x1b: {  	s9 =	sadd.s32 $0xFFFFFEF7, lr;
	s5 =	simm.s32 $0xFFFFFFFF;
	p2 =	slt.u32 s8, $0xFFFFF086  }
0x1c: {  	p1 =	slt.u32 s9, $0xF7A;
	s5 =	simm.s32 @!p2 $0x0  }
0x1d: {  	s5 =	simm.s32 @p1 $0x1;
	p0 =	seq.s32 s7, s2  }
0x1e: {  	s7 =	smul.u32 @!p0 $0xF7A, s2;
	p2 =	seq.s32 @!p0 s5, $0x0  }
0x1f: {  	s9 =	smul.u32 $0xF7A, s1;
	s8 =	simm.s32 @!p0 $0x1BF5;
	p2 =	por !p2, p0  }
0x20: {  	[sflag:s8] =	ssyncset.s32 @!p0 $0xFFFFF086;
	s6 =	sadd.s32 @!p0 s3, s7;
	s7 =	simm.s32 @!p0 $0x108  }
0x21: {  	s3 =	sadd.s32 s3, s9;
	s6 =	sadd.s32 @!p0 $0x88, s6;
	s7 =	simm.s32 @p2 $0x1082  }
0x22: {  	[simem:s7], [sflag:s8] =	dma.local @!p0 [hbm:s6], $0xF7A  }
0x23: {  	s9 =	sor.u32 $0xD0000000, s2;
	s6 =	simm.s32 $0x108;
	_ =	swait.ge @!p0 [sflag:s8], $0x0  }
0x24: {  	s3 =	sadd.s32 $0x88, s3;
	s6 =	simm.s32 @!p1 $0x1082;
	[sflag:s4] =	ssyncset.s32 $0xFFFFF086  }
0x25: {  	[simem:s6], [sflag:s4] =	dma.local [hbm:s3], $0xF7A  }
0x26: {  	[smem:$0x3F99] =	sst s1;
	(tag) =	ssettag s2;
	_ =	strace s9  }
0x27: {  	s1 =	sld [smem:$0x3FA9]  }
0x28: {  	s2 =	sld [smem:$0x3FAA]  }
0x29: {  	s4 =	sld [smem:$0x3FAC]  }
0x2a: {  	p0 =	seq.s32 s5, $0x0;
	s5 =	sld [smem:$0x3FAD]  }
0x2b: {  	s6 =	sld [smem:$0x3FAE]  }
0x2c: {  	s7 =	sld [smem:$0x3FAF]  }
0x2d: {  	s3 =	simm.s32 $0x108;
	s8 =	sld [smem:$0x3FB0]  }
0x2e: {  	s3 =	simm.s32 @!p0 $0x1082;
	s9 =	sld [smem:$0x3FB1]  }
0x2f: {  	lr =	sadd.s32 s0, s3;
	s0 =	sld [smem:$0x3FA8]  }
0x30: {  	s3 =	sld [smem:$0x3FAB]  }
0x31: {  	[smem:$0x3FB4] =	sst s10  }
0x32: {  	s10 =	sld [smem:$0x3FB2];
	_ =	sdelay $0x3  }
0x33: {  	p0 =	seq.s32 s10, $0x1;
	s10 =	sld [smem:$0x3FB4];
	_ =	sdelay $0x3  }
0x34: {  	[smem:$0x3FB4] =	sst s10  }
0x35: {  	s10 =	sld [smem:$0x3FB3];
	_ =	sdelay $0x3  }
0x36: {  	p1 =	seq.s32 s10, $0x1;
	s10 =	sld [smem:$0x3FB4];
	_ =	sdelay $0x3  }
0x37: {  	[smem:$0x3FB4] =	sst s10  }
0x38: {  	s10 =	sld [smem:$0x3FB5]  }
0x39: {  	_ = 	snop;
	(pc) =	sbr.ind lr, $3  }
0x3a: {  	_ = 	snop  }
0x3b: {  	_ = 	snop  }
0x3c: {  	p2 =	seq.s32 s10, $0x1;
	s10 =	sld [smem:$0x3FB4]  }
0x3d: {  	_ =	shalt  }
0x3e: {  	_ =	shalt  }
0x3f: {  	_ =	shalt  }
0x40: {  	_ =	shalt  }
0x41: {  	_ =	shalt  }
0x42: {  	_ =	shalt  }
0x43: {  	_ =	shalt  }
0x44: {  	_ =	shalt  }
0x45: {  	_ =	shalt  }
0x46: {  	_ =	shalt  }
0x47: {  	_ =	shalt  }
0x48: {  	_ =	shalt  }
0x49: {  	_ =	shalt  }
0x4a: {  	_ =	shalt  }
0x4b: {  	_ =	shalt  }
0x4c: {  	_ =	shalt  }
0x4d: {  	_ =	shalt  }
0x4e: {  	_ =	shalt  }
0x4f: {  	_ =	shalt  }
0x50: {  	_ =	shalt  }
0x51: {  	_ =	shalt  }
0x52: {  	_ =	shalt  }
0x53: {  	_ =	shalt  }
0x54: {  	_ =	shalt  }
0x55: {  	_ =	shalt  }
0x56: {  	_ =	shalt  }
0x57: {  	_ =	shalt  }
0x58: {  	_ =	shalt  }
0x59: {  	_ =	shalt  }
0x5a: {  	_ =	shalt  }
0x5b: {  	_ =	shalt  }
0x5c: {  	_ =	shalt  }
0x5d: {  	_ =	shalt  }
0x5e: {  	_ =	shalt  }
0x5f: {  	_ =	shalt  }
0x60: {  	_ =	shalt  }
0x61: {  	_ =	shalt  }
0x62: {  	_ =	shalt  }
0x63: {  	_ =	shalt  }
0x64: {  	_ =	shalt  }
0x65: {  	_ =	shalt  }
0x66: {  	_ =	shalt  }
0x67: {  	_ =	shalt  }
0x68: {  	_ =	shalt  }
0x69: {  	_ =	shalt  }
0x6a: {  	_ =	shalt  }
0x6b: {  	_ =	shalt  }
0x6c: {  	_ =	shalt  }
0x6d: {  	_ =	shalt  }
0x6e: {  	_ =	shalt  }
0x6f: {  	_ =	shalt  }
0x70: {  	_ =	shalt  }
0x71: {  	_ =	shalt  }
0x72: {  	_ =	shalt  }
0x73: {  	_ =	shalt  }
0x74: {  	_ =	shalt  }
0x75: {  	_ =	shalt  }
0x76: {  	_ =	shalt  }
0x77: {  	_ =	shalt  }
0x78: {  	_ =	shalt  }
0x79: {  	_ =	shalt  }
0x7a: {  	_ =	shalt  }
0x7b: {  	_ =	shalt  }
0x7c: {  	_ =	shalt  }
0x7d: {  	_ =	shalt  }
0x7e: {  	_ =	shalt  }
0x7f: {  	_ =	shalt  }
0x80: {  	_ =	shalt  }
0x81: {  	_ =	shalt  }
0x82: {  	_ =	shalt  }
0x83: {  	_ =	shalt  }
0x84: {  	_ =	shalt  }
0x85: {  	_ =	shalt  }
0x86: {  	_ =	shalt  }
0x87: {  	_ =	shalt  }
.Lfunc_end0:
.L_simem_size_0:
called_computation_lowered:
.L_overlay_start_0:
0x88: {  	s2 =	sld [smem:$0x3FD9]  }
0x89: {  	s3 =	sld [smem:$0x3FFE];
	_ =	sdelay $0x1  }
0x8a: {  	s1 =	srdreg.scid  }
0x8b: {  	s0 =	sand.u32 $0x1, s1  }
0x8c: {  	s17 =	sshll.u32 s0, $0xA;
	s2 =	sadd.s32 s3, s2  }
0x8d: {  	s2 =	sadd.s32 s2, s17  }
0x8e: {  	[smem:$0x3FC0] =	sst s2  }
0x8f: {  	_ = 	snop  }
0x90: {  	s2 =	sld [smem:$0x3FC6]  }
0x91: {  	s18 =	sld [smem:$0x3FD0];
	(tm) =	ssettm $0x1  }
0x92: {  	s4 =	sld [smem:$0x3FFB];
	_ =	sdelay $0x3  }
0x93: {  	_ =	strace s4  }
0x94: {  	s4 =	sld [smem:$0x3FFC];
	_ =	sdelay $0x3  }
0x95: {  	_ =	strace s4  }
0x96: {  	s4 =	sld [smem:$0x3FFD];
	_ =	sdelay $0x3  }
0x97: {  	_ =	strace s4  }
0x98: {  	_ =	strace $0x8FFFFFFF  }
0x99: {  	s19 =	sld [smem:$0x3FDB];
	_ =	sdelay $0x1  }
0x9a: {  	s5 =	simm.s32 $_scs_section_size  }
0x9b: {  	s6 =	simm.s32 $_size__tile_overlayer_lowered;
	s7 =	simm.s32 $_tile_overlayer_lowered  }
0x9c: {  	s22 =	simm.s32 $0x1BFF;
	s21 =	sshll.u32 s7, $0x1;
	s4 =	sadd.s32 s5, s19  }
0x9d: {  	s8 =	simm.s32 $0x0;
	s20 =	sshll.u32 s6, $0x1;
	s6 =	sadd.s32 s21, s4  }
0x9e: {  	[timem:s8], [sflag:s22] =	dma.local [hbm:s6], s20  }
0x9f: {  	_ =	swait.ge [sflag:s22], s20  }
0xa0: {  	s5 =	ssub.s32 $0x0, s20;
	[sflag:s22] =	ssyncset.done $0x0  }
0xa1: {  	[sflag:s22] =	ssyncadd.s32 s5;
	_ =	sdelay $0x1  }
0xa2: {  	s23 =	simm.s32 $0x1B8B  }
0xa3: {  	_ =	swait.ge [sflag:s23], $0x1  }
0xa4: {  	[sflag:s23] =	ssyncset.done $0x0  }
0xa5: {  	s25 =	simm.s32 $0x1B8E;
	s24 =	sld [smem:$0x3FFE];
	[sflag:s23] =	ssyncadd.s32 $0xFFFFFFFF  }
0xa6: {  	s26 =	simm.s32 $execute0_lowered;
	[smem:$0x3FD2] =	sst s25  }
0xa7: {  	s6 =	sshll.u32 s26, $0x1;
	_ =	strace $0x80000046;
	[dreg:$0x1] =	wrdreg $0xFFFFFFFF  }
0xa8: {  	s28 =	simm.s32 $_size_execute0_lowered;
	s4 =	sadd.s32 s4, s6;
	[dreg:$0x0] =	wrdreg $0x0  }
0xa9: {  	s6 =	sshll.u32 s28, $0x1;
	[dreg:$0x2] =	wrdreg s4  }
0xaa: {  	[dreg:$0x3] =	wrdreg s6  }
0xab: {  	[dreg:$0x4] =	wrdreg $0xC0  }
0xac: {  	_ =	task [dreg:s8], $0x5FFFF  }
0xad: {  	[dreg:$0x1] =	wrdreg $0xFFFFFFFF  }
0xae: {  	[dreg:$0x0] =	wrdreg $0x60  }
0xaf: {  	[dreg:$0x2] =	wrdreg s2  }
0xb0: {  	[dreg:$0x3] =	wrdreg s24  }
0xb1: {  	[dreg:$0x4] =	wrdreg s18  }
0xb2: {  	[dreg:$0x5] =	wrdreg $0x9  }
0xb3: {  	_ =	task.clear_ibuf [dreg:s8], $0x6FFFF;
	_ =	strace $0x90000046  }
0xb4: {  	s29 =	simm.s32 $0x9;
	_ =	strace $0x8000004F  }
0xb5: {  	_ =	swait.ge [sflag:s29], $0x1  }
0xb6: {  	[sflag:s29] =	ssyncadd.s32 $0xFFFFFFFF  }
0xb7: {  	_ =	strace $0x9000004F  }
0xb8: {  	_ =	sfence  }
0xb9: {  	s30 =	sld [smem:$0x0];
	_ =	sdelay $0x2  }
0xba: {  	s31 =	sshll.u32 s1, $0xD;
	s1 =	sshrl.u32 s1, $0x2  }
0xbb: {  	s3 =	sand.u32 $0x4000, s31;
	s1 =	sadd.s32 s1, s30  }
0xbc: {  	s0 =	sor.u32 s3, s0;
	s1 =	sshll.u32 s1, $0x11  }
0xbd: {  	s0 =	sor.u32 s1, s0  }
0xbe: {  	s0 =	sadd.s32 $0x8F2B, s0  }
0xbf: {  	[sflag:s0] =	ssyncadd.remote.s32 $0x1  }
0xc0: {  	_ =	sfence.sel $0xFFFF  }
0xc1: {  	[dreg:$0x0] =	wrdreg $0xFFFFFFFF;
	(pc) =	sbr.abs _section_cstart, $3  }
0xc2: {  	[dreg:$0x1] =	wrdreg $0xFFFFFFFF  }
0xc3: {  	_ =	task.clear_ibuf [dreg:s8], $0x2FFFF;
	_ =	strace $0x9FFFFFFF  }
0xc4: {  	(tm) =	ssettm $0x7FFFFFFF  }
0xc5: {  	_ =	shalt  }
tec
execute0_lowered:
.L_overlay_start_1:
0x0: {  	(tag) =	ssettag $0x1  }
0x1: {  	s0 =	rddreg [dreg:$0x0]  }
0x2: {  	s29 =	srdreg.scid;
	s3 =	rddreg [dreg:$0x1]  }
0x3: {  	s1 =	rddreg [dreg:$0x2];
	s31 =	simm.s32 $0x80;
	s9 =	simm.s32 $0x4  }
0x4: {  	s10 =	simm.s32 $0x0;
	[dreg:$0x4] =	wrdreg s0;
	s4 =	sand.u32 $0x1, s29  }
0x5: {  	s0 =	stileid.u32;
	[dreg:$0x6] =	wrdreg s1;
	s2 =	sshll.u32 s4, $0x4  }
0x6: {  	s1 =	rddreg [dreg:$0x3];
	s3 =	sadd.s32 $0x2A00, s3;
	s5 =	sor.u32 s0, s2  }
0x7: {  	s7 =	sshll.u32 s0, $0x8;
	s4 =	ssub.s32 $0x2, s4;
	s6 =	smul.u32 $0x500, s5  }
0x8: {  	s2 =	simm.s32 $0x0;
	s7 =	sand.u32 $0x300, s7;
	s8 =	sshrl.u32 s4, $0x1  }
0x9: {  	[smem:$0x7FF] =	sst s2;
	s30 =	ssub.s32 s4, s8;
	s6 =	sand.u32 $0xFC00, s6  }
0xa: {  	s4 =	smul.u32 $0xA, s5;
	s8 =	simm.s32 $0x5;
	s6 =	sor.u32 s7, s6  }
0xb: {  	_ =	strace $0x80000047;
	[dreg:$0x5] =	wrdreg s31;
	s6 =	sshrl.u32 s6, $0x3  }
0xc: {  	s7 =	simm.s32 $0x1;
	s5 =	sadd.s32 s3, s6;
	s6 =	smax.u32 s30, $0x1  }
.LBB2_1:
0xd: {  	_ =	strace $0x80000048;
	s11 =	simm.s32 $0x1;
	p0 =	por $0x0, $0x0  }
0xe: {  	[tilespmem:s2], [sflag:$0x1] =	stream.linear.gather [hbm4b:s5+s2], $0x80, $0x200038;
	[tilespmem:$0x8100] =	vst v63  }
0xf: {  	s11 =	simm.s32 @p0 $0x0  }
0x10: {  	p4 =	por $0x1, $0x1;
	s20 =	sand.u32 $0x1, s2;
	p1 =	sne.s32 s11, $0x0  }
0x11: {  	p2 =	por $0x1, $0x1;
	s17 =	simm.s32 $0x8;
	p0 =	por !p4, !p1  }
0x12: {  	s16 =	simm.s32 $0x0;
	p5 =	por $0x0, $0x0;
	p0 =	por !p0, !p0  }
0x13: {  	s23 =	sadd.s32 $0x0, s4;
	s30 =	sadd.s32 $0x1, s20;
	s12 =	sadd.s32 @p0 s4, s11  }
0x14: {  	_ =	strace $0x90000048;
	s13 =	sand.u32 @p0 $0x1, s7;
	s12 =	sshll.u32 @p0 s12, $0x4  }
0x15: {  	_ =	strace @p0 $0x80000049;
	s15 =	simm.s32 @p0 $0x0;
	s12 =	sand.u32 @p0 $0x1FFFFFF0, s12  }
0x16: {  	s14 =	sshll.u32 @p0 s13, $0x7;
	s13 =	sadd.s32 @p0 $0x1, s13;
	s12 =	sadd.s32 @p0 s3, s12  }
0x17: {  	[tilespmem:s14], [sflag:s13] =	stream.linear.gather @p0 [hbm4b:s12+s15], $0x80, $0x200038;
	[tilespmem:$0x8100] =	vst v63  }
0x18: {  	p3 =	por p2, p2;
	s21 =	sshll.u32 s20, $0xE;
	_ =	strace @p0 $0x90000049  }
0x19: {  	s16 =	sand.u32 $0x80, s16;
	p2 =	por p5, p5;
	_ =	strace $0x8000004A  }
0x1a: {  	s18 =	sadd.s32 $0x1, s11;
	s22 =	sor.u32 $0x100, s21;
	_ =	swait.ge [sflag:s30], $0x80  }
0x1b: {  	s21 =	simm.s32 $0x1;
	p6 =	por p1, p1;
	[sflag:s30] =	ssyncset.done $0x0  }
0x1c: {  	p1 =	por p3, p3;
	p4 =	por $0x1, $0x1;
	[sflag:s30] =	ssyncadd.s32 $0xFFFFFF80  }
0x1d: {  	s12 =	simm.s32 $0x9;
	s15 =	sand.u32 @!p3 $0x1, s2;
	_ =	strace $0x9000004A  }
0x1e: {  	s13 =	simm.s32 $0x1;
	p3 =	seq.s32 s18, $0xA;
	_ =	strace $0x8000004B  }
0x1f: {  	s13 =	simm.s32 @!p0 $0x0;
	s18 =	simm.s32 @p3 $0x0;
	s19 =	rddreg [dreg:$0x5]  }
0x20: {  	p0 =	por $0x0, $0x0;
	s14 =	sadd.s32 $0x1, s13;
	s31 =	rddreg [dreg:$0x4]  }
0x21: {  	[tilespmem:s22], [sflag:$0x5] =	stream.indirect.gather [hbm4b:s31+s19], $0x80, s16, s19, $0x2000b8;
	[tilespmem:$0x8100] =	vst v63  }
0x22: {  	p3 =	sne.s32 s11, s18;
	s21 =	simm.s32 @!p0 $0x0;
	_ =	swait.ge [sflag:s8], $0x4000  }
0x23: {  	p5 =	por !p4, !p3;
	p4 =	por $0x0, $0x0;
	[sflag:s8] =	ssyncset.done $0x0  }
0x24: {  	s13 =	simm.s32 $0x0;
	p6 =	por p4, p6;
	[sflag:s8] =	ssyncadd.s32 $0xFFFFC000  }
0x25: {  	s16 =	simm.s32 $0x0;
	s19 =	simm.s32 $0x0;
	_ =	strace $0x9000004B  }
.LBB2_2:
0x26: {  	_ =	strace @p6 $0x8000004C;
	s13 =	sadd.s32 s21, s13;
	s21 =	smov.u32 s12  }
0x27: {  	s12 =	smov.u32 s17;
	s17 =	sadd.s32 $0xFFFFFFFF, s17;
	p0 =	por p3, p3  }
0x28: {  	s28 =	sshll.u32 @p6 s23, $0xB;
	s20 =	sadd.s32 @p6 $0x3, s20;
	s24 =	simm.s32 @!p0 $0x0  }
0x29: {  	s25 =	rddreg [dreg:$0x6];
	s28 =	sand.u32 @p6 $0x1FFFF800, s28;
	s24 =	simm.s32 @p0 $0x1  }
0x2a: {  	s25 =	sadd.s32 @p6 s25, s28;
	s28 =	simm.s32 @p6 $0x0;
	p0 =	sne.s32 s17, $0x0  }
0x2b: {  	[hbm4b:s25+s28] =	stream.linear.scatter @p6 [tilespmem:s22], [sflag:s20], $0x4000, $0x200038;
	[tilespmem:$0x8100] =	vst v63  }
0x2c: {  	s20 =	sadd.s32 @!p1 $0x3, s15;
	s15 =	simm.s32 @!p0 $0x0  }
0x2d: {  	s26 =	simm.s32 $0x1;
	[smem:$0x7FC] =	sst s24;
	s15 =	simm.s32 @p0 $0x1  }
0x2e: {  	s26 =	simm.s32 @!p6 $0x0;
	_ =	strace @p6 $0x9000004C;
	[smem:$0x7FD] =	sst s15  }
0x2f: {  	p5 =	por !p5, !p5;
	s19 =	sadd.s32 s26, s19;
	_ =	strace @!p1 $0x8000004D  }
0x30: {  	s24 =	sand.u32 @!p2 $0x1, s13;
	s22 =	sadd.s32 @p5 s4, s18;
	_ =	swait.ge @!p1 [sflag:s20], $0x4000  }
0x31: {  	s22 =	sshll.u32 @p5 s22, $0x4;
	s15 =	smov.u32 s24;
	[sflag:s20] =	ssyncset.done @!p1 $0x0  }
0x32: {  	s24 =	sand.u32 @p5 $0x1, s14;
	s22 =	sand.u32 @p5 $0x1FFFFFF0, s22;
	[sflag:s20] =	ssyncadd.s32 @!p1 $0xFFFFC000  }
0x33: {  	s25 =	sshll.u32 @p5 s24, $0x7;
	s22 =	sadd.s32 @p5 s3, s22;
	_ =	strace @!p1 $0x9000004D  }
0x34: {  	s20 =	sadd.s32 @p5 $0x1, s24;
	s24 =	simm.s32 @p5 $0x0;
	_ =	strace @p5 $0x80000049  }
0x35: {  	[tilespmem:s25], [sflag:s20] =	stream.linear.gather @p5 [hbm4b:s22+s24], $0x80, $0x200038;
	[tilespmem:$0x8100] =	vst v63  }
0x36: {  	s16 =	sadd.s32 s26, s16;
	s26 =	sand.u32 $0x1, s19;
	_ =	strace @p5 $0x90000049  }
0x37: {  	s24 =	sadd.s32 $0x1, s26;
	_ =	strace $0x8000004A  }
0x38: {  	_ =	swait.ge [sflag:s24], $0x80  }
0x39: {  	[sflag:s24] =	ssyncset.done $0x0  }
0x3a: {  	s20 =	simm.s32 $0x1;
	[sflag:s24] =	ssyncadd.s32 $0xFFFFFF80  }
0x3b: {  	s20 =	simm.s32 @!p5 $0x0;
	_ =	strace $0x9000004A  }
0x3c: {  	s14 =	sadd.s32 s20, s14;
	s20 =	sand.u32 $0x1, s16;
	_ =	strace $0x8000004B  }
0x3d: {  	s29 =	sshll.u32 s19, $0x7;
	s25 =	sshll.u32 s20, $0xE;
	s26 =	rddreg [dreg:$0x5]  }
0x3e: {  	s29 =	sand.u32 $0x80, s29;
	s22 =	sor.u32 $0x100, s25;
	s30 =	rddreg [dreg:$0x4]  }
0x3f: {  	[tilespmem:s22], [sflag:$0x5] =	stream.indirect.gather [hbm4b:s30+s26], $0x80, s29, s26, $0x2000b8;
	[tilespmem:$0x8100] =	vst v63  }
0x40: {  	_ =	swait.ge [sflag:s8], $0x4000  }
0x41: {  	s31 =	sadd.s32 $0x1, s18;
	[sflag:s8] =	ssyncset.done $0x0  }
0x42: {  	s23 =	sadd.s32 s4, s11;
	s11 =	smov.u32 s18;
	[sflag:s8] =	ssyncadd.s32 $0xFFFFC000  }
0x43: {  	p3 =	seq.s32 s31, $0xA;
	s18 =	smov.u32 s31;
	_ =	strace $0x9000004B  }
0x44: {  	s18 =	simm.s32 @p3 $0x0;
	s31 =	sld [smem:$0x7FD]  }
0x45: {  	p6 =	sne.s32 s12, $0x1;
	p0 =	sne.s32 s21, $0xA;
	p3 =	sne.s32 s11, s18  }
0x46: {  	p5 =	por !p6, !p3;
	p6 =	seq.s32 s21, $0x1;
	s21 =	simm.s32 $0x1  }
0x47: {  	s21 =	simm.s32 @!p0 $0x0;
	p0 =	seq.s32 s31, $0x1  }
.Ltmp0:
0x48: {  	s30 =	sld [smem:$0x7FC];
	(pc) =	sbr.rel @p0 .LBB2_2-.Ltmp0, $4  }
0x49: {  	_ = 	snop  }
0x4a: {  	p4 =	seq.s32 s12, $0xA  }
0x4b: {  	p1 =	por p2, p2;
	p2 =	por p4, p4;
	p4 =	seq.s32 s30, $0x1  }
0x4c: {  	p6 =	por p6, p4  }
0x4d: {  	_ =	strace @p6 $0x8000004C;
	s23 =	sshll.u32 @p6 s23, $0xB  }
0x4e: {  	s17 =	rddreg [dreg:$0x6];
	s23 =	sand.u32 @p6 $0x1FFFF800, s23  }
0x4f: {  	s20 =	sadd.s32 @p6 $0x3, s20;
	s17 =	sadd.s32 @p6 s17, s23;
	s23 =	simm.s32 @p6 $0x0  }
0x50: {  	[hbm4b:s17+s23] =	stream.linear.scatter @p6 [tilespmem:s22], [sflag:s20], $0x4000, $0x200038;
	[tilespmem:$0x8100] =	vst v63  }
0x51: {  	p0 =	por !p5, !p5;
	_ =	strace @p6 $0x9000004C  }
0x52: {  	s15 =	sadd.s32 @!p1 $0x3, s15;
	s18 =	sadd.s32 @p0 s4, s18;
	_ =	strace @!p1 $0x8000004D  }
0x53: {  	s14 =	sand.u32 @p0 $0x1, s14;
	s18 =	sshll.u32 @p0 s18, $0x4;
	_ =	swait.ge @!p1 [sflag:s15], $0x4000  }
0x54: {  	s17 =	simm.s32 $0x1;
	s20 =	sshll.u32 @p0 s14, $0x7;
	[sflag:s15] =	ssyncset.done @!p1 $0x0  }
0x55: {  	s14 =	sadd.s32 @p0 $0x1, s14;
	s17 =	simm.s32 @!p6 $0x0;
	[sflag:s15] =	ssyncadd.s32 @!p1 $0xFFFFC000  }
0x56: {  	s19 =	sadd.s32 s17, s19;
	s15 =	sand.u32 @p0 $0x1FFFFFF0, s18;
	_ =	strace @!p1 $0x9000004D  }
0x57: {  	s18 =	simm.s32 @p0 $0x0;
	s15 =	sadd.s32 @p0 s3, s15;
	_ =	strace @p0 $0x80000049  }
0x58: {  	[tilespmem:s20], [sflag:s14] =	stream.linear.gather @p0 [hbm4b:s15+s18], $0x80, $0x200038;
	[tilespmem:$0x8100] =	vst v63  }
0x59: {  	s25 =	sand.u32 $0x1, s19;
	_ =	strace @p0 $0x90000049  }
0x5a: {  	s14 =	sadd.s32 $0x1, s25;
	_ =	strace $0x8000004A  }
0x5b: {  	_ =	swait.ge [sflag:s14], $0x80  }
0x5c: {  	[sflag:s14] =	ssyncset.done $0x0  }
0x5d: {  	[sflag:s14] =	ssyncadd.s32 $0xFFFFFF80  }
0x5e: {  	s26 =	sadd.s32 s17, s16;
	_ =	strace $0x9000004A  }
0x5f: {  	s14 =	sand.u32 $0x1, s26;
	_ =	strace $0x8000004B  }
0x60: {  	s30 =	sshll.u32 s19, $0x7;
	s31 =	sshll.u32 s14, $0xE;
	s28 =	rddreg [dreg:$0x5]  }
0x61: {  	s17 =	sand.u32 $0x80, s30;
	s18 =	sor.u32 $0x100, s31;
	s29 =	rddreg [dreg:$0x4]  }
0x62: {  	[tilespmem:s18], [sflag:$0x5] =	stream.indirect.gather [hbm4b:s29+s28], $0x80, s17, s28, $0x2000b8;
	[tilespmem:$0x8100] =	vst v63  }
0x63: {  	_ =	swait.ge [sflag:s8], $0x4000  }
0x64: {  	[sflag:s8] =	ssyncset.done $0x0  }
0x65: {  	p5 =	por p3, p3;
	p6 =	seq.s32 s12, $0x1;
	[sflag:s8] =	ssyncadd.s32 $0xFFFFC000  }
0x66: {  	s11 =	sadd.s32 s4, s11;
	p0 =	por p6, p5;
	_ =	strace $0x9000004B  }
0x67: {  	s11 =	sshll.u32 @p0 s11, $0xB;
	_ =	strace @p0 $0x8000004C  }
0x68: {  	s13 =	sadd.s32 s21, s13;
	s11 =	sand.u32 @p0 $0x1FFFF800, s11;
	s12 =	rddreg [dreg:$0x6]  }
0x69: {  	s14 =	sadd.s32 @p0 $0x3, s14;
	s11 =	sadd.s32 @p0 s12, s11;
	s12 =	simm.s32 @p0 $0x0  }
0x6a: {  	[hbm4b:s11+s12] =	stream.linear.scatter @p0 [tilespmem:s18], [sflag:s14], $0x4000, $0x200038;
	[tilespmem:$0x8100] =	vst v63  }
0x6b: {  	p1 =	por p2, p2;
	s11 =	sand.u32 @!p2 $0x1, s13;
	_ =	strace @p0 $0x9000004C  }
0x6c: {  	s11 =	sadd.s32 @!p1 $0x3, s11;
	_ =	strace @!p1 $0x8000004D  }
0x6d: {  	_ =	swait.ge @!p1 [sflag:s11], $0x4000  }
0x6e: {  	[sflag:s11] =	ssyncset.done @!p1 $0x0  }
0x6f: {  	s10 =	sadd.s32 $0x1, s10;
	[sflag:s11] =	ssyncadd.s32 @!p1 $0xFFFFC000  }
0x70: {  	p0 =	sne.s32 s10, s6;
	_ =	strace @!p1 $0x9000004D  }
.Ltmp1:
0x71: {  	_ =	strace $0x8000004E;
	(pc) =	sbr.rel @p0 .LBB2_1-.Ltmp1, $4  }
0x72: {  	_ =	swait.ge [sflag:s9], $0x4000  }
0x73: {  	[sflag:s9] =	ssyncset.done $0x0  }
0x74: {  	[sflag:s9] =	ssyncadd.s32 $0xFFFFC000  }
0x75: {  	_ =	strace $0x9000004E  }
0x76: {  	_ =	sfence.sel $0x180000  }
0x77: {  	[bflag:$0x0] =	sbarrier.arrive $0xFFFF  }
0x78: {  	p0 =	sne.s32 s0, $0x0;
	_ =	strace $0x90000047  }
0x79: {  	s0 =	sadd.s32 @!p0 $0x100000, s1;
	[bflag:$0x2] =	sbarrier.arrive $0xFFFF  }
0x7a: {  	[sflag:s0] =	ssyncadd.tile.s32 @!p0 $0x1;
	_ =	shalt  }
.Lfunc_end2:
_tile_overlayer_lowered:
.L_overlay_start_2:
0x7b: {  	(tag) =	ssettag $0x2  }
0x7c: {  	s0 =	rddreg [dreg:$0x0];
	s2 =	stileid.u32  }
0x7d: {  	s1 =	rddreg [dreg:$0x1];
	p0 =	sne.s32 s2, $0x0  }
0x7e: {  	s3 =	rddreg [dreg:$0x2];
	[bflag:$0x3] =	sbarrier.arrive $0xFFFF;
	s2 =	simm.s32 @!p0 $0x1C01  }
0x7f: {  	[timem:s3], [sflag:s2] =	dma.local @!p0 [hbm:s0], s1  }
0x80: {  	s0 =	simm.s32 @!p0 $0x1  }
0x81: {  	_ =	swait.ge @!p0 [sflag:s0], s1  }
0x82: {  	s1 =	ssub.s32 @!p0 $0x0, s1;
	[sflag:s0] =	ssyncset.done @!p0 $0x0  }
0x83: {  	[sflag:s0] =	ssyncadd.s32 @!p0 s1  }
0x84: {  	[bflag:$0x3] =	sbarrier.arrive $0xFFFF  }
0x85: {  	_ =	shalt  }

// kernel: kernel.15.cloned.1.call-start
scs
__scs_entry_jumppad:
0x0: {  	(pc) =	sbr.rel $0x88, $3  }
0x1: {  	(tag) =	ssettag $0x0;
	lr =	simm.s32 $0x1  }
0x2: {  	[smem:$0x3F99] =	sst lr;
	_ =	strace $0xD0000000  }
0x3: {  	_ = 	snop  }
0x4: {  	_ = 	snop  }
0x5: {  	_ = 	snop  }
0x6: {  	_ = 	snop  }
0x7: {  	_ = 	snop  }
__scs_overlays_trampoline_lowered:
0x8: {  	[smem:$0x3FA8] =	sst s0  }
0x9: {  	[smem:$0x3FA9] =	sst s1  }
0xa: {  	[smem:$0x3FAA] =	sst s2  }
0xb: {  	[smem:$0x3FAB] =	sst s3  }
0xc: {  	[smem:$0x3FAC] =	sst s4  }
0xd: {  	[smem:$0x3FAD] =	sst s5  }
0xe: {  	[smem:$0x3FAE] =	sst s6  }
0xf: {  	[smem:$0x3FAF] =	sst s7  }
0x10: {  	[smem:$0x3FB0] =	sst s8  }
0x11: {  	[smem:$0x3FB1] =	sst s9;
	s0 =	simm.s32 @!p0 $0x0  }
0x12: {  	s1 =	sld [smem:$0x3F97];
	s0 =	simm.s32 @p0 $0x1  }
0x13: {  	[smem:$0x3FB2] =	sst s0;
	s0 =	simm.s32 @!p1 $0x0  }
0x14: {  	s2 =	sld [smem:$0x3F96];
	s0 =	simm.s32 @p1 $0x1  }
0x15: {  	[smem:$0x3FB3] =	sst s0;
	s0 =	simm.s32 @!p2 $0x0  }
0x16: {  	s3 =	sld [smem:$0x3FDB];
	s0 =	simm.s32 @p2 $0x1  }
0x17: {  	s4 =	simm.s32 $0x1BF5;
	[smem:$0x3FB5] =	sst s0  }
0x18: {  	s0 =	sld [smem:$0x3F98];
	_ =	swait.ge [sflag:s4], $0x0  }
0x19: {  	s7 =	sld [smem:$0x3F99]  }
0x1a: {  	s8 =	sadd.s32 $0xFFFFE003, lr  }
0x1b: {  	s9 =	sadd.s32 $0xFFFFFEF7, lr;
	s5 =	simm.s32 $0xFFFFFFFF;
	p2 =	slt.u32 s8, $0xFFFFF086  }
0x1c: {  	p1 =	slt.u32 s9, $0xF7A;
	s5 =	simm.s32 @!p2 $0x0  }
0x1d: {  	s5 =	simm.s32 @p1 $0x1;
	p0 =	seq.s32 s7, s2  }
0x1e: {  	s7 =	smul.u32 @!p0 $0xF7A, s2;
	p2 =	seq.s32 @!p0 s5, $0x0  }
0x1f: {  	s9 =	smul.u32 $0xF7A, s1;
	s8 =	simm.s32 @!p0 $0x1BF5;
	p2 =	por !p2, p0  }
0x20: {  	[sflag:s8] =	ssyncset.s32 @!p0 $0xFFFFF086;
	s6 =	sadd.s32 @!p0 s3, s7;
	s7 =	simm.s32 @!p0 $0x108  }
0x21: {  	s3 =	sadd.s32 s3, s9;
	s6 =	sadd.s32 @!p0 $0x88, s6;
	s7 =	simm.s32 @p2 $0x1082  }
0x22: {  	[simem:s7], [sflag:s8] =	dma.local @!p0 [hbm:s6], $0xF7A  }
0x23: {  	s9 =	sor.u32 $0xD0000000, s2;
	s6 =	simm.s32 $0x108;
	_ =	swait.ge @!p0 [sflag:s8], $0x0  }
0x24: {  	s3 =	sadd.s32 $0x88, s3;
	s6 =	simm.s32 @!p1 $0x1082;
	[sflag:s4] =	ssyncset.s32 $0xFFFFF086  }
0x25: {  	[simem:s6], [sflag:s4] =	dma.local [hbm:s3], $0xF7A  }
0x26: {  	[smem:$0x3F99] =	sst s1;
	(tag) =	ssettag s2;
	_ =	strace s9  }
0x27: {  	s1 =	sld [smem:$0x3FA9]  }
0x28: {  	s2 =	sld [smem:$0x3FAA]  }
0x29: {  	s4 =	sld [smem:$0x3FAC]  }
0x2a: {  	p0 =	seq.s32 s5, $0x0;
	s5 =	sld [smem:$0x3FAD]  }
0x2b: {  	s6 =	sld [smem:$0x3FAE]  }
0x2c: {  	s7 =	sld [smem:$0x3FAF]  }
0x2d: {  	s3 =	simm.s32 $0x108;
	s8 =	sld [smem:$0x3FB0]  }
0x2e: {  	s3 =	simm.s32 @!p0 $0x1082;
	s9 =	sld [smem:$0x3FB1]  }
0x2f: {  	lr =	sadd.s32 s0, s3;
	s0 =	sld [smem:$0x3FA8]  }
0x30: {  	s3 =	sld [smem:$0x3FAB]  }
0x31: {  	[smem:$0x3FB4] =	sst s10  }
0x32: {  	s10 =	sld [smem:$0x3FB2];
	_ =	sdelay $0x3  }
0x33: {  	p0 =	seq.s32 s10, $0x1;
	s10 =	sld [smem:$0x3FB4];
	_ =	sdelay $0x3  }
0x34: {  	[smem:$0x3FB4] =	sst s10  }
0x35: {  	s10 =	sld [smem:$0x3FB3];
	_ =	sdelay $0x3  }
0x36: {  	p1 =	seq.s32 s10, $0x1;
	s10 =	sld [smem:$0x3FB4];
	_ =	sdelay $0x3  }
0x37: {  	[smem:$0x3FB4] =	sst s10  }
0x38: {  	s10 =	sld [smem:$0x3FB5]  }
0x39: {  	_ = 	snop;
	(pc) =	sbr.ind lr, $3  }
0x3a: {  	_ = 	snop  }
0x3b: {  	_ = 	snop  }
0x3c: {  	p2 =	seq.s32 s10, $0x1;
	s10 =	sld [smem:$0x3FB4]  }
0x3d: {  	_ =	shalt  }
0x3e: {  	_ =	shalt  }
0x3f: {  	_ =	shalt  }
0x40: {  	_ =	shalt  }
0x41: {  	_ =	shalt  }
0x42: {  	_ =	shalt  }
0x43: {  	_ =	shalt  }
0x44: {  	_ =	shalt  }
0x45: {  	_ =	shalt  }
0x46: {  	_ =	shalt  }
0x47: {  	_ =	shalt  }
0x48: {  	_ =	shalt  }
0x49: {  	_ =	shalt  }
0x4a: {  	_ =	shalt  }
0x4b: {  	_ =	shalt  }
0x4c: {  	_ =	shalt  }
0x4d: {  	_ =	shalt  }
0x4e: {  	_ =	shalt  }
0x4f: {  	_ =	shalt  }
0x50: {  	_ =	shalt  }
0x51: {  	_ =	shalt  }
0x52: {  	_ =	shalt  }
0x53: {  	_ =	shalt  }
0x54: {  	_ =	shalt  }
0x55: {  	_ =	shalt  }
0x56: {  	_ =	shalt  }
0x57: {  	_ =	shalt  }
0x58: {  	_ =	shalt  }
0x59: {  	_ =	shalt  }
0x5a: {  	_ =	shalt  }
0x5b: {  	_ =	shalt  }
0x5c: {  	_ =	shalt  }
0x5d: {  	_ =	shalt  }
0x5e: {  	_ =	shalt  }
0x5f: {  	_ =	shalt  }
0x60: {  	_ =	shalt  }
0x61: {  	_ =	shalt  }
0x62: {  	_ =	shalt  }
0x63: {  	_ =	shalt  }
0x64: {  	_ =	shalt  }
0x65: {  	_ =	shalt  }
0x66: {  	_ =	shalt  }
0x67: {  	_ =	shalt  }
0x68: {  	_ =	shalt  }
0x69: {  	_ =	shalt  }
0x6a: {  	_ =	shalt  }
0x6b: {  	_ =	shalt  }
0x6c: {  	_ =	shalt  }
0x6d: {  	_ =	shalt  }
0x6e: {  	_ =	shalt  }
0x6f: {  	_ =	shalt  }
0x70: {  	_ =	shalt  }
0x71: {  	_ =	shalt  }
0x72: {  	_ =	shalt  }
0x73: {  	_ =	shalt  }
0x74: {  	_ =	shalt  }
0x75: {  	_ =	shalt  }
0x76: {  	_ =	shalt  }
0x77: {  	_ =	shalt  }
0x78: {  	_ =	shalt  }
0x79: {  	_ =	shalt  }
0x7a: {  	_ =	shalt  }
0x7b: {  	_ =	shalt  }
0x7c: {  	_ =	shalt  }
0x7d: {  	_ =	shalt  }
0x7e: {  	_ =	shalt  }
0x7f: {  	_ =	shalt  }
0x80: {  	_ =	shalt  }
0x81: {  	_ =	shalt  }
0x82: {  	_ =	shalt  }
0x83: {  	_ =	shalt  }
0x84: {  	_ =	shalt  }
0x85: {  	_ =	shalt  }
0x86: {  	_ =	shalt  }
0x87: {  	_ =	shalt  }
.Lfunc_end0:
.L_simem_size_0:
called_computation.1_lowered:
.L_overlay_start_0:
0x88: {  	s2 =	sld [smem:$0x3FD9]  }
0x89: {  	s3 =	sld [smem:$0x3FFE];
	_ =	sdelay $0x1  }
0x8a: {  	s1 =	srdreg.scid  }
0x8b: {  	s0 =	sand.u32 $0x1, s1  }
0x8c: {  	s17 =	sshll.u32 s0, $0xA;
	s2 =	sadd.s32 s3, s2  }
0x8d: {  	s2 =	sadd.s32 s2, s17  }
0x8e: {  	[smem:$0x3FC0] =	sst s2  }
0x8f: {  	_ = 	snop  }
0x90: {  	s18 =	sld [smem:$0x3FC6];
	(tm) =	ssettm $0x1  }
0x91: {  	s19 =	sld [smem:$0x3FFB];
	_ =	sdelay $0x3  }
0x92: {  	_ =	strace s19  }
0x93: {  	s2 =	sld [smem:$0x3FFC];
	_ =	sdelay $0x3  }
0x94: {  	_ =	strace s2  }
0x95: {  	s2 =	sld [smem:$0x3FFD];
	_ =	sdelay $0x3  }
0x96: {  	_ =	strace s2  }
0x97: {  	_ =	strace $0x8FFFFFFF  }
0x98: {  	s20 =	sld [smem:$0x3FDB];
	_ =	sdelay $0x1  }
0x99: {  	s4 =	simm.s32 $_scs_section_size  }
0x9a: {  	s5 =	simm.s32 $_size__tile_overlayer_lowered;
	s6 =	simm.s32 $_tile_overlayer_lowered  }
0x9b: {  	s7 =	simm.s32 $0x1BFF;
	s21 =	sshll.u32 s6, $0x1;
	s4 =	sadd.s32 s4, s20  }
0x9c: {  	s22 =	simm.s32 $0x0;
	s5 =	sshll.u32 s5, $0x1;
	s6 =	sadd.s32 s21, s4  }
0x9d: {  	[timem:s22], [sflag:s7] =	dma.local [hbm:s6], s5  }
0x9e: {  	_ =	swait.ge [sflag:s7], s5  }
0x9f: {  	s5 =	ssub.s32 $0x0, s5;
	[sflag:s7] =	ssyncset.done $0x0  }
0xa0: {  	[sflag:s7] =	ssyncadd.s32 s5;
	_ =	sdelay $0x1  }
0xa1: {  	s23 =	simm.s32 $0x1B8B  }
0xa2: {  	_ =	swait.ge [sflag:s23], $0x1  }
0xa3: {  	[sflag:s23] =	ssyncset.done $0x0  }
0xa4: {  	[sflag:s23] =	ssyncadd.s32 $0xFFFFFFFF  }
0xa5: {  	s5 =	sld [smem:$0x0]  }
0xa6: {  	s6 =	sand.u32 $0xFFFFFFFE, s1  }
0xa7: {  	p0 =	sne.s32 s1, s6  }
0xa8: {  	s6 =	sshll.u32 @p0 s6, $0xE  }
0xa9: {  	s6 =	sadd.s32 @p0 $0x11B8D, s6;
	s7 =	sshll.u32 @p0 s5, $0x11  }
0xaa: {  	s6 =	sor.u32 @p0 s7, s6  }
0xab: {  	[sflag:s6] =	ssyncadd.remote.s32 @p0 $0x1;
	_ =	sdelay $0x1  }
0xac: {  	s6 =	simm.s32 @p0 $0x1B8D  }
0xad: {  	_ =	swait.eq @p0 [sflag:s6], $0x1  }
0xae: {  	[sflag:s6] =	ssyncadd.s32 @p0 $0xFFFFFFFF  }
0xaf: {  	s7 =	sshll.u32 @!p0 s1, $0xE  }
0xb0: {  	s7 =	sor.u32 @!p0 $0x4000, s7;
	s6 =	simm.s32 @!p0 $0x1B8D  }
0xb1: {  	s5 =	sshll.u32 @!p0 s5, $0x11;
	s7 =	sadd.s32 @!p0 $0x11B8D, s7;
	_ =	swait.eq @!p0 [sflag:s6], $0x1  }
0xb2: {  	s5 =	sor.u32 @!p0 s5, s7;
	[sflag:s6] =	ssyncadd.s32 @!p0 $0xFFFFFFFF  }
0xb3: {  	s25 =	simm.s32 $0x1B8E;
	s24 =	sld [smem:$0x3FFE];
	[sflag:s5] =	ssyncadd.remote.s32 @!p0 $0x1  }
0xb4: {  	s26 =	simm.s32 $execute0_lowered;
	[smem:$0x3FD2] =	sst s25  }
0xb5: {  	s6 =	sshll.u32 s26, $0x1;
	_ =	strace $0x80000050;
	[dreg:$0x1] =	wrdreg $0xFFFFFFFF  }
0xb6: {  	s28 =	simm.s32 $_size_execute0_lowered;
	s4 =	sadd.s32 s4, s6;
	[dreg:$0x0] =	wrdreg $0x0  }
0xb7: {  	s6 =	sshll.u32 s28, $0x1;
	[dreg:$0x2] =	wrdreg s4  }
0xb8: {  	[dreg:$0x3] =	wrdreg s6  }
0xb9: {  	[dreg:$0x4] =	wrdreg $0xC0  }
0xba: {  	_ =	task [dreg:s22], $0x5FFFF  }
0xbb: {  	[dreg:$0x1] =	wrdreg $0xFFFFFFFF  }
0xbc: {  	[dreg:$0x0] =	wrdreg $0x60  }
0xbd: {  	[dreg:$0x2] =	wrdreg s18  }
0xbe: {  	[dreg:$0x3] =	wrdreg s24  }
0xbf: {  	[dreg:$0x4] =	wrdreg $0xA  }
0xc0: {  	_ =	task.clear_ibuf [dreg:s22], $0x5FFFF;
	_ =	strace $0x90000050  }
0xc1: {  	s29 =	simm.s32 $0xA;
	_ =	strace $0x80000059  }
0xc2: {  	_ =	swait.ge [sflag:s29], $0x1  }
0xc3: {  	[sflag:s29] =	ssyncadd.s32 $0xFFFFFFFF  }
0xc4: {  	_ =	strace $0x90000059  }
0xc5: {  	_ =	sfence  }
0xc6: {  	s30 =	sld [smem:$0x0];
	_ =	sdelay $0x2  }
0xc7: {  	s31 =	sshll.u32 s1, $0xD;
	s1 =	sshrl.u32 s1, $0x2  }
0xc8: {  	s4 =	sand.u32 $0x4000, s31;
	s1 =	sadd.s32 s1, s30  }
0xc9: {  	s0 =	sor.u32 s4, s0;
	s1 =	sshll.u32 s1, $0x11  }
0xca: {  	s0 =	sor.u32 s1, s0  }
0xcb: {  	s0 =	sadd.s32 $0x8F2B, s0  }
0xcc: {  	[sflag:s0] =	ssyncadd.remote.s32 $0x1  }
0xcd: {  	_ =	sfence.sel $0xFFFF  }
0xce: {  	[dreg:$0x0] =	wrdreg $0xFFFFFFFF;
	(pc) =	sbr.abs _section_cstart, $3  }
0xcf: {  	[dreg:$0x1] =	wrdreg $0xFFFFFFFF  }
0xd0: {  	_ =	task.clear_ibuf [dreg:s22], $0x2FFFF;
	_ =	strace $0x9FFFFFFF  }
0xd1: {  	(tm) =	ssettm $0x7FFFFFFF  }
tec
execute0_lowered:
.L_overlay_start_1:
0x0: {  	(tag) =	ssettag $0x1  }
0x1: {  	s1 =	rddreg [dreg:$0x0]  }
0x2: {  	s0 =	srdreg.scid;
	s5 =	rddreg [dreg:$0x1];
	s2 =	simm.s32 $0x0  }
0x3: {  	s9 =	simm.s32 $0x80;
	s4 =	sand.u32 $0x1, s0;
	[dreg:$0x3] =	wrdreg s1  }
0x4: {  	s0 =	stileid.u32;
	s1 =	rddreg [dreg:$0x2];
	s29 =	sshll.u32 s4, $0x4  }
0x5: {  	s10 =	simm.s32 $0x0;
	[smem:$0x7FF] =	sst s2;
	s6 =	sor.u32 s0, s29  }
0x6: {  	s7 =	sshll.u32 s0, $0x8;
	_ =	strace $0x80000051;
	s3 =	smul.u32 $0x500, s6  }
0x7: {  	s4 =	ssub.s32 $0x2, s4;
	[dreg:$0x4] =	wrdreg s9;
	s9 =	simm.s32 $0x4  }
0x8: {  	s7 =	sand.u32 $0x300, s7;
	s30 =	sshrl.u32 s4, $0x1;
	s8 =	sand.u32 $0xFC00, s3  }
0x9: {  	s3 =	sadd.s32 $0x2A00, s5;
	s5 =	sadd.s32 $0x8E00, s5;
	s7 =	sor.u32 s7, s8  }
0xa: {  	[dreg:$0x5] =	wrdreg s5;
	s8 =	ssub.s32 s4, s30;
	s7 =	sadd.s32 $0xA000, s7  }
0xb: {  	s4 =	smul.u32 $0xA, s6;
	s6 =	smax.u32 s8, $0x1;
	s31 =	sshrl.u32 s7, $0x3  }
0xc: {  	s8 =	simm.s32 $0x5;
	s7 =	simm.s32 $0x1;
	s5 =	sadd.s32 s3, s31  }
.LBB2_1:
0xd: {  	_ =	strace $0x80000052  }
0xe: {  	s17 =	simm.s32 $0x1;
	p0 =	por $0x0, $0x0;
	p1 =	por $0x1, $0x1  }
0xf: {  	[tilespmem:s2], [sflag:$0x1] =	stream.linear.gather [hbm4b:s5+s2], $0x80, $0x200038;
	[tilespmem:$0x8100] =	vst v63  }
0x10: {  	s16 =	sadd.s32 $0x0, s4;
	s21 =	sand.u32 $0x1, s2;
	s17 =	simm.s32 @p0 $0x0  }
0x11: {  	p4 =	por $0x0, $0x0;
	s20 =	simm.s32 $0x0;
	p0 =	sne.s32 s17, $0x0  }
0x12: {  	p6 =	por $0x0, $0x0;
	p3 =	por $0x0, $0x0;
	p1 =	por !p1, !p0  }
0x13: {  	p5 =	por $0x1, $0x1;
	s31 =	sadd.s32 $0x1, s21;
	p2 =	por !p1, !p1  }
0x14: {  	s24 =	sshll.u32 s21, $0xE;
	s20 =	sand.u32 $0x80, s20;
	s11 =	sadd.s32 @p2 s4, s17  }
0x15: {  	_ =	strace $0x90000052;
	s24 =	sor.u32 $0x100, s24;
	s12 =	sshll.u32 @p2 s11, $0x7  }
0x16: {  	p0 =	por p0, p0;
	s13 =	sand.u32 @p2 $0x1, s7;
	s12 =	sadd.s32 @p2 $0xA000, s12  }
0x17: {  	s15 =	simm.s32 @p2 $0x0;
	_ =	strace @p2 $0x80000053;
	s12 =	sshrl.u32 @p2 s12, $0x3  }
0x18: {  	s14 =	sshll.u32 @p2 s13, $0x7;
	s13 =	sadd.s32 @p2 $0x1, s13;
	s12 =	sadd.s32 @p2 s3, s12  }
0x19: {  	[tilespmem:s14], [sflag:s13] =	stream.linear.gather @p2 [hbm4b:s12+s15], $0x80, $0x200038;
	[tilespmem:$0x8100] =	vst v63  }
0x1a: {  	p1 =	por $0x1, $0x1;
	p6 =	por p6, p0;
	_ =	strace @p2 $0x90000053  }
0x1b: {  	s18 =	sand.u32 @!p1 $0x1, s2;
	p1 =	por p1, p1;
	_ =	strace $0x80000054  }
0x1c: {  	s11 =	simm.s32 $0x9;
	s19 =	sadd.s32 @!p1 $0x3, s18;
	_ =	swait.ge [sflag:s31], $0x80  }
0x1d: {  	s18 =	sadd.s32 $0x1, s17;
	s12 =	simm.s32 $0x1;
	[sflag:s31] =	ssyncset.done $0x0  }
0x1e: {  	s15 =	simm.s32 $0x8;
	s13 =	simm.s32 $0x1;
	[sflag:s31] =	ssyncadd.s32 $0xFFFFFF80  }
0x1f: {  	s13 =	simm.s32 @!p3 $0x0;
	p3 =	seq.s32 s18, $0xA;
	_ =	strace $0x90000054  }
0x20: {  	s12 =	simm.s32 @!p2 $0x0;
	s18 =	simm.s32 @p3 $0x0;
	_ =	strace $0x80000055  }
0x21: {  	s14 =	sadd.s32 $0x1, s12;
	p3 =	sne.s32 s17, s18;
	s22 =	rddreg [dreg:$0x3]  }
0x22: {  	s12 =	sadd.s32 s4, s17;
	p5 =	por !p5, !p3;
	s23 =	rddreg [dreg:$0x4]  }
0x23: {  	[tilespmem:s24], [sflag:$0x5] =	stream.indirect.gather [hbm4b:s22+s23], $0x80, s20, s23, $0x2000b8;
	[tilespmem:$0x8100] =	vst v63  }
0x24: {  	s13 =	sadd.s32 $0x0, s13;
	p2 =	por !p5, !p5;
	_ =	swait.ge [sflag:s8], $0x4000  }
0x25: {  	s17 =	sadd.s32 @p2 s4, s18;
	s28 =	sand.u32 @p2 $0x1, s14;
	[sflag:s8] =	ssyncset.done $0x0  }
0x26: {  	s25 =	sshll.u32 @p2 s28, $0x7;
	s23 =	simm.s32 $0x1;
	[sflag:s8] =	ssyncadd.s32 $0xFFFFC000  }
0x27: {  	s22 =	sshll.u32 @p2 s17, $0x7;
	s17 =	simm.s32 $0x0;
	_ =	strace $0x90000055  }
0x28: {  	s20 =	simm.s32 $0x0;
	s23 =	simm.s32 @!p6 $0x0;
	_ =	strace @p6 $0x80000056  }
.LBB2_2:
0x29: {  	s31 =	rddreg [dreg:$0x5];
	p0 =	por p3, p3  }
0x2a: {  	[smem:$0x7FC] =	sst s0;
	s0 =	simm.s32 @!p0 $0x0  }
0x2b: {  	s16 =	sshll.u32 @p6 s16, $0xB;
	s0 =	simm.s32 @p0 $0x1  }
0x2c: {  	s21 =	sadd.s32 @p6 $0x3, s21;
	s16 =	sand.u32 @p6 $0x1FFFF800, s16;
	[smem:$0x7FD] =	sst s0  }
0x2d: {  	s16 =	sadd.s32 @p6 s31, s16;
	s31 =	simm.s32 @p6 $0x0;
	s0 =	sld [smem:$0x7FC]  }
0x2e: {  	[hbm4b:s16+s31] =	stream.linear.scatter @p6 [tilespmem:s24], [sflag:s21], $0x4000, $0x200038;
	[tilespmem:$0x8100] =	vst v63  }
0x2f: {  	s29 =	sadd.s32 @p2 $0xA000, s22;
	_ =	strace @p6 $0x90000056  }
0x30: {  	s30 =	simm.s32 $0x1;
	s26 =	smov.u32 s11;
	_ =	strace @!p1 $0x80000057  }
0x31: {  	s11 =	smov.u32 s15;
	s22 =	smov.u32 s18;
	_ =	swait.ge @!p1 [sflag:s19], $0x4000  }
0x32: {  	s17 =	sadd.s32 s23, s17;
	s28 =	sadd.s32 @p2 $0x1, s28;
	[sflag:s19] =	ssyncset.done @!p1 $0x0  }
0x33: {  	s20 =	sadd.s32 s23, s20;
	s15 =	sadd.s32 $0xFFFFFFFF, s15;
	[sflag:s19] =	ssyncadd.s32 @!p1 $0xFFFFC000  }
0x34: {  	s23 =	sand.u32 @!p4 $0x1, s13;
	s29 =	sshrl.u32 @p2 s29, $0x3;
	_ =	strace @!p1 $0x90000057  }
0x35: {  	s29 =	sadd.s32 @p2 s3, s29;
	s24 =	simm.s32 @p2 $0x0;
	_ =	strace @p2 $0x80000053  }
0x36: {  	[tilespmem:s25], [sflag:s28] =	stream.linear.gather @p2 [hbm4b:s29+s24], $0x80, $0x200038;
	[tilespmem:$0x8100] =	vst v63  }
0x37: {  	s30 =	simm.s32 @!p2 $0x0;
	s31 =	sand.u32 $0x1, s20;
	_ =	strace @p2 $0x90000053  }
0x38: {  	p3 =	sne.s32 s26, $0xA;
	s24 =	sadd.s32 $0x1, s31;
	_ =	strace $0x80000054  }
0x39: {  	s14 =	sadd.s32 s30, s14;
	s16 =	smov.u32 s12;
	_ =	swait.ge [sflag:s24], $0x80  }
0x3a: {  	s12 =	sadd.s32 s4, s18;
	s21 =	sand.u32 $0x1, s17;
	[sflag:s24] =	ssyncset.done $0x0  }
0x3b: {  	s18 =	sadd.s32 $0x1, s18;
	p1 =	por p4, p4;
	[sflag:s24] =	ssyncadd.s32 $0xFFFFFF80  }
0x3c: {  	s19 =	sadd.s32 @!p1 $0x3, s23;
	s25 =	sshll.u32 s20, $0x7;
	_ =	strace $0x90000054  }
0x3d: {  	s28 =	sshll.u32 s21, $0xE;
	s24 =	simm.s32 $0x1;
	_ =	strace $0x80000055  }
0x3e: {  	s23 =	sand.u32 $0x80, s25;
	s24 =	simm.s32 @!p3 $0x0;
	s29 =	rddreg [dreg:$0x3]  }
0x3f: {  	s13 =	sadd.s32 s24, s13;
	s24 =	sor.u32 $0x100, s28;
	s30 =	rddreg [dreg:$0x4]  }
0x40: {  	[tilespmem:s24], [sflag:$0x5] =	stream.indirect.gather [hbm4b:s29+s30], $0x80, s23, s30, $0x2000b8;
	[tilespmem:$0x8100] =	vst v63  }
0x41: {  	p5 =	sne.s32 s15, $0x0;
	p3 =	seq.s32 s18, $0xA;
	_ =	swait.ge [sflag:s8], $0x4000  }
0x42: {  	p0 =	sne.s32 s11, $0x1;
	s18 =	simm.s32 @p3 $0x0;
	s31 =	sld [smem:$0x7FD]  }
0x43: {  	p4 =	seq.s32 s11, $0xA;
	p2 =	seq.s32 s26, $0x1;
	p3 =	sne.s32 s22, s18  }
.Ltmp0:
0x44: {  	p0 =	por !p0, !p3;
	[sflag:s8] =	ssyncset.done $0x0;
	(pc) =	sbr.rel @p5 .LBB2_2-.Ltmp0, $4  }
0x45: {  	s23 =	simm.s32 $0x1;
	[sflag:s8] =	ssyncadd.s32 $0xFFFFC000;
	p6 =	seq.s32 s31, $0x1  }
0x46: {  	_ =	strace $0x90000055;
	p6 =	por p2, p6;
	p2 =	por !p0, !p0  }
0x47: {  	s23 =	simm.s32 @!p6 $0x0;
	s22 =	sadd.s32 @p2 s4, s18;
	s28 =	sand.u32 @p2 $0x1, s14  }
0x48: {  	_ =	strace @p6 $0x80000056;
	s22 =	sshll.u32 @p2 s22, $0x7;
	s25 =	sshll.u32 @p2 s28, $0x7  }
0x49: {  	s15 =	sshll.u32 @p6 s16, $0xB  }
0x4a: {  	s14 =	rddreg [dreg:$0x5];
	s15 =	sand.u32 @p6 $0x1FFFF800, s15  }
0x4b: {  	s16 =	sadd.s32 @p6 $0x3, s21;
	s14 =	sadd.s32 @p6 s14, s15;
	s15 =	simm.s32 @p6 $0x0  }
0x4c: {  	[hbm4b:s14+s15] =	stream.linear.scatter @p6 [tilespmem:s24], [sflag:s16], $0x4000, $0x200038;
	[tilespmem:$0x8100] =	vst v63  }
0x4d: {  	_ =	strace @p6 $0x90000056  }
0x4e: {  	_ =	strace @!p1 $0x80000057  }
0x4f: {  	_ =	swait.ge @!p1 [sflag:s19], $0x4000  }
0x50: {  	[sflag:s19] =	ssyncset.done @!p1 $0x0  }
0x51: {  	s18 =	simm.s32 @p2 $0x0;
	s14 =	sadd.s32 @p2 $0xA000, s22;
	[sflag:s19] =	ssyncadd.s32 @!p1 $0xFFFFC000  }
0x52: {  	s15 =	sadd.s32 @p2 $0x1, s28;
	s14 =	sshrl.u32 @p2 s14, $0x3;
	_ =	strace @!p1 $0x90000057  }
0x53: {  	s24 =	sadd.s32 s23, s20;
	s14 =	sadd.s32 @p2 s3, s14;
	_ =	strace @p2 $0x80000053  }
0x54: {  	[tilespmem:s25], [sflag:s15] =	stream.linear.gather @p2 [hbm4b:s14+s18], $0x80, $0x200038;
	[tilespmem:$0x8100] =	vst v63  }
0x55: {  	s26 =	sand.u32 $0x1, s24;
	_ =	strace @p2 $0x90000053  }
0x56: {  	s14 =	sadd.s32 $0x1, s26;
	_ =	strace $0x80000054  }
0x57: {  	_ =	swait.ge [sflag:s14], $0x80  }
0x58: {  	[sflag:s14] =	ssyncset.done $0x0  }
0x59: {  	[sflag:s14] =	ssyncadd.s32 $0xFFFFFF80  }
0x5a: {  	s28 =	sadd.s32 s23, s17;
	_ =	strace $0x90000054  }
0x5b: {  	s14 =	sand.u32 $0x1, s28;
	_ =	strace $0x80000055  }
0x5c: {  	s16 =	sshll.u32 s24, $0x7;
	s31 =	sshll.u32 s14, $0xE;
	s29 =	rddreg [dreg:$0x3]  }
0x5d: {  	s16 =	sand.u32 $0x80, s16;
	s18 =	sor.u32 $0x100, s31;
	s30 =	rddreg [dreg:$0x4]  }
0x5e: {  	[tilespmem:s18], [sflag:$0x5] =	stream.indirect.gather [hbm4b:s29+s30], $0x80, s16, s30, $0x2000b8;
	[tilespmem:$0x8100] =	vst v63  }
0x5f: {  	_ =	swait.ge [sflag:s8], $0x4000  }
0x60: {  	[sflag:s8] =	ssyncset.done $0x0  }
0x61: {  	p0 =	por p3, p3;
	p6 =	seq.s32 s11, $0x1;
	[sflag:s8] =	ssyncadd.s32 $0xFFFFC000  }
0x62: {  	p0 =	por p6, p0;
	_ =	strace $0x90000055  }
0x63: {  	s12 =	sshll.u32 @p0 s12, $0xB;
	_ =	strace @p0 $0x80000056  }
0x64: {  	s12 =	sand.u32 @p0 $0x1FFFF800, s12;
	s11 =	rddreg [dreg:$0x5]  }
0x65: {  	s14 =	sadd.s32 @p0 $0x3, s14;
	s11 =	sadd.s32 @p0 s11, s12;
	s12 =	simm.s32 @p0 $0x0  }
0x66: {  	[hbm4b:s11+s12] =	stream.linear.scatter @p0 [tilespmem:s18], [sflag:s14], $0x4000, $0x200038;
	[tilespmem:$0x8100] =	vst v63  }
0x67: {  	p1 =	por p4, p4;
	s11 =	sand.u32 @!p4 $0x1, s13;
	_ =	strace @p0 $0x90000056  }
0x68: {  	s11 =	sadd.s32 @!p1 $0x3, s11;
	_ =	strace @!p1 $0x80000057  }
0x69: {  	_ =	swait.ge @!p1 [sflag:s11], $0x4000  }
0x6a: {  	[sflag:s11] =	ssyncset.done @!p1 $0x0  }
0x6b: {  	s10 =	sadd.s32 $0x1, s10;
	[sflag:s11] =	ssyncadd.s32 @!p1 $0xFFFFC000  }
0x6c: {  	p0 =	sne.s32 s10, s6;
	_ =	strace @!p1 $0x90000057  }
.Ltmp1:
0x6d: {  	_ =	strace $0x80000058;
	(pc) =	sbr.rel @p0 .LBB2_1-.Ltmp1, $4  }
0x6e: {  	_ =	swait.ge [sflag:s9], $0x4000  }
0x6f: {  	[sflag:s9] =	ssyncset.done $0x0  }
0x70: {  	[sflag:s9] =	ssyncadd.s32 $0xFFFFC000  }
0x71: {  	_ =	strace $0x90000058  }
0x72: {  	_ =	sfence.sel $0x180000  }
0x73: {  	[bflag:$0x0] =	sbarrier.arrive $0xFFFF  }
0x74: {  	p0 =	sne.s32 s0, $0x0;
	_ =	strace $0x90000051  }
0x75: {  	s0 =	sadd.s32 @!p0 $0x100000, s1;
	[bflag:$0x2] =	sbarrier.arrive $0xFFFF  }
0x76: {  	[sflag:s0] =	ssyncadd.tile.s32 @!p0 $0x1;
	_ =	shalt  }
.Lfunc_end2:
_tile_overlayer_lowered:
.L_overlay_start_2:
0x77: {  	(tag) =	ssettag $0x2  }
0x78: {  	s0 =	rddreg [dreg:$0x0];
	s2 =	stileid.u32  }
0x79: {  	s1 =	rddreg [dreg:$0x1];
	p0 =	sne.s32 s2, $0x0  }
0x7a: {  	s3 =	rddreg [dreg:$0x2];
	[bflag:$0x3] =	sbarrier.arrive $0xFFFF;
	s2 =	simm.s32 @!p0 $0x1C01  }
0x7b: {  	[timem:s3], [sflag:s2] =	dma.local @!p0 [hbm:s0], s1  }
0x7c: {  	s0 =	simm.s32 @!p0 $0x1  }
0x7d: {  	_ =	swait.ge @!p0 [sflag:s0], s1  }
0x7e: {  	s1 =	ssub.s32 @!p0 $0x0, s1;
	[sflag:s0] =	ssyncset.done @!p0 $0x0  }
0x7f: {  	[sflag:s0] =	ssyncadd.s32 @!p0 s1  }
0x80: {  	[bflag:$0x3] =	sbarrier.arrive $0xFFFF  }
0x81: {  	_ =	shalt  }

// kernel: kernel.18.cloned.1.call-start
scs
__scs_entry_jumppad:
0x0: {  	(pc) =	sbr.rel $0x88, $3  }
0x1: {  	(tag) =	ssettag $0x0;
	lr =	simm.s32 $0x1  }
0x2: {  	[smem:$0x3F99] =	sst lr;
	_ =	strace $0xD0000000  }
0x3: {  	_ = 	snop  }
0x4: {  	_ = 	snop  }
0x5: {  	_ = 	snop  }
0x6: {  	_ = 	snop  }
0x7: {  	_ = 	snop  }
__scs_overlays_trampoline_lowered:
0x8: {  	[smem:$0x3FA8] =	sst s0  }
0x9: {  	[smem:$0x3FA9] =	sst s1  }
0xa: {  	[smem:$0x3FAA] =	sst s2  }
0xb: {  	[smem:$0x3FAB] =	sst s3  }
0xc: {  	[smem:$0x3FAC] =	sst s4  }
0xd: {  	[smem:$0x3FAD] =	sst s5  }
0xe: {  	[smem:$0x3FAE] =	sst s6  }
0xf: {  	[smem:$0x3FAF] =	sst s7  }
0x10: {  	[smem:$0x3FB0] =	sst s8  }
0x11: {  	[smem:$0x3FB1] =	sst s9;
	s0 =	simm.s32 @!p0 $0x0  }
0x12: {  	s1 =	sld [smem:$0x3F97];
	s0 =	simm.s32 @p0 $0x1  }
0x13: {  	[smem:$0x3FB2] =	sst s0;
	s0 =	simm.s32 @!p1 $0x0  }
0x14: {  	s2 =	sld [smem:$0x3F96];
	s0 =	simm.s32 @p1 $0x1  }
0x15: {  	[smem:$0x3FB3] =	sst s0;
	s0 =	simm.s32 @!p2 $0x0  }
0x16: {  	s3 =	sld [smem:$0x3FDB];
	s0 =	simm.s32 @p2 $0x1  }
0x17: {  	s4 =	simm.s32 $0x1BF5;
	[smem:$0x3FB5] =	sst s0  }
0x18: {  	s0 =	sld [smem:$0x3F98];
	_ =	swait.ge [sflag:s4], $0x0  }
0x19: {  	s7 =	sld [smem:$0x3F99]  }
0x1a: {  	s8 =	sadd.s32 $0xFFFFE003, lr  }
0x1b: {  	s9 =	sadd.s32 $0xFFFFFEF7, lr;
	s5 =	simm.s32 $0xFFFFFFFF;
	p2 =	slt.u32 s8, $0xFFFFF086  }
0x1c: {  	p1 =	slt.u32 s9, $0xF7A;
	s5 =	simm.s32 @!p2 $0x0  }
0x1d: {  	s5 =	simm.s32 @p1 $0x1;
	p0 =	seq.s32 s7, s2  }
0x1e: {  	s7 =	smul.u32 @!p0 $0xF7A, s2;
	p2 =	seq.s32 @!p0 s5, $0x0  }
0x1f: {  	s9 =	smul.u32 $0xF7A, s1;
	s8 =	simm.s32 @!p0 $0x1BF5;
	p2 =	por !p2, p0  }
0x20: {  	[sflag:s8] =	ssyncset.s32 @!p0 $0xFFFFF086;
	s6 =	sadd.s32 @!p0 s3, s7;
	s7 =	simm.s32 @!p0 $0x108  }
0x21: {  	s3 =	sadd.s32 s3, s9;
	s6 =	sadd.s32 @!p0 $0x88, s6;
	s7 =	simm.s32 @p2 $0x1082  }
0x22: {  	[simem:s7], [sflag:s8] =	dma.local @!p0 [hbm:s6], $0xF7A  }
0x23: {  	s9 =	sor.u32 $0xD0000000, s2;
	s6 =	simm.s32 $0x108;
	_ =	swait.ge @!p0 [sflag:s8], $0x0  }
0x24: {  	s3 =	sadd.s32 $0x88, s3;
	s6 =	simm.s32 @!p1 $0x1082;
	[sflag:s4] =	ssyncset.s32 $0xFFFFF086  }
0x25: {  	[simem:s6], [sflag:s4] =	dma.local [hbm:s3], $0xF7A  }
0x26: {  	[smem:$0x3F99] =	sst s1;
	(tag) =	ssettag s2;
	_ =	strace s9  }
0x27: {  	s1 =	sld [smem:$0x3FA9]  }
0x28: {  	s2 =	sld [smem:$0x3FAA]  }
0x29: {  	s4 =	sld [smem:$0x3FAC]  }
0x2a: {  	p0 =	seq.s32 s5, $0x0;
	s5 =	sld [smem:$0x3FAD]  }
0x2b: {  	s6 =	sld [smem:$0x3FAE]  }
0x2c: {  	s7 =	sld [smem:$0x3FAF]  }
0x2d: {  	s3 =	simm.s32 $0x108;
	s8 =	sld [smem:$0x3FB0]  }
0x2e: {  	s3 =	simm.s32 @!p0 $0x1082;
	s9 =	sld [smem:$0x3FB1]  }
0x2f: {  	lr =	sadd.s32 s0, s3;
	s0 =	sld [smem:$0x3FA8]  }
0x30: {  	s3 =	sld [smem:$0x3FAB]  }
0x31: {  	[smem:$0x3FB4] =	sst s10  }
0x32: {  	s10 =	sld [smem:$0x3FB2];
	_ =	sdelay $0x3  }
0x33: {  	p0 =	seq.s32 s10, $0x1;
	s10 =	sld [smem:$0x3FB4];
	_ =	sdelay $0x3  }
0x34: {  	[smem:$0x3FB4] =	sst s10  }
0x35: {  	s10 =	sld [smem:$0x3FB3];
	_ =	sdelay $0x3  }
0x36: {  	p1 =	seq.s32 s10, $0x1;
	s10 =	sld [smem:$0x3FB4];
	_ =	sdelay $0x3  }
0x37: {  	[smem:$0x3FB4] =	sst s10  }
0x38: {  	s10 =	sld [smem:$0x3FB5]  }
0x39: {  	_ = 	snop;
	(pc) =	sbr.ind lr, $3  }
0x3a: {  	_ = 	snop  }
0x3b: {  	_ = 	snop  }
0x3c: {  	p2 =	seq.s32 s10, $0x1;
	s10 =	sld [smem:$0x3FB4]  }
0x3d: {  	_ =	shalt  }
0x3e: {  	_ =	shalt  }
0x3f: {  	_ =	shalt  }
0x40: {  	_ =	shalt  }
0x41: {  	_ =	shalt  }
0x42: {  	_ =	shalt  }
0x43: {  	_ =	shalt  }
0x44: {  	_ =	shalt  }
0x45: {  	_ =	shalt  }
0x46: {  	_ =	shalt  }
0x47: {  	_ =	shalt  }
0x48: {  	_ =	shalt  }
0x49: {  	_ =	shalt  }
0x4a: {  	_ =	shalt  }
0x4b: {  	_ =	shalt  }
0x4c: {  	_ =	shalt  }
0x4d: {  	_ =	shalt  }
0x4e: {  	_ =	shalt  }
0x4f: {  	_ =	shalt  }
0x50: {  	_ =	shalt  }
0x51: {  	_ =	shalt  }
0x52: {  	_ =	shalt  }
0x53: {  	_ =	shalt  }
0x54: {  	_ =	shalt  }
0x55: {  	_ =	shalt  }
0x56: {  	_ =	shalt  }
0x57: {  	_ =	shalt  }
0x58: {  	_ =	shalt  }
0x59: {  	_ =	shalt  }
0x5a: {  	_ =	shalt  }
0x5b: {  	_ =	shalt  }
0x5c: {  	_ =	shalt  }
0x5d: {  	_ =	shalt  }
0x5e: {  	_ =	shalt  }
0x5f: {  	_ =	shalt  }
0x60: {  	_ =	shalt  }
0x61: {  	_ =	shalt  }
0x62: {  	_ =	shalt  }
0x63: {  	_ =	shalt  }
0x64: {  	_ =	shalt  }
0x65: {  	_ =	shalt  }
0x66: {  	_ =	shalt  }
0x67: {  	_ =	shalt  }
0x68: {  	_ =	shalt  }
0x69: {  	_ =	shalt  }
0x6a: {  	_ =	shalt  }
0x6b: {  	_ =	shalt  }
0x6c: {  	_ =	shalt  }
0x6d: {  	_ =	shalt  }
0x6e: {  	_ =	shalt  }
0x6f: {  	_ =	shalt  }
0x70: {  	_ =	shalt  }
0x71: {  	_ =	shalt  }
0x72: {  	_ =	shalt  }
0x73: {  	_ =	shalt  }
0x74: {  	_ =	shalt  }
0x75: {  	_ =	shalt  }
0x76: {  	_ =	shalt  }
0x77: {  	_ =	shalt  }
0x78: {  	_ =	shalt  }
0x79: {  	_ =	shalt  }
0x7a: {  	_ =	shalt  }
0x7b: {  	_ =	shalt  }
0x7c: {  	_ =	shalt  }
0x7d: {  	_ =	shalt  }
0x7e: {  	_ =	shalt  }
0x7f: {  	_ =	shalt  }
0x80: {  	_ =	shalt  }
0x81: {  	_ =	shalt  }
0x82: {  	_ =	shalt  }
0x83: {  	_ =	shalt  }
0x84: {  	_ =	shalt  }
0x85: {  	_ =	shalt  }
0x86: {  	_ =	shalt  }
0x87: {  	_ =	shalt  }
.Lfunc_end0:
.L_simem_size_0:
called_computation.2_lowered:
.L_overlay_start_0:
0x88: {  	s2 =	sld [smem:$0x3FD9]  }
0x89: {  	s3 =	sld [smem:$0x3FFE];
	_ =	sdelay $0x1  }
0x8a: {  	s1 =	srdreg.scid  }
0x8b: {  	s0 =	sand.u32 $0x1, s1  }
0x8c: {  	s17 =	sshll.u32 s0, $0xA;
	s2 =	sadd.s32 s3, s2  }
0x8d: {  	s2 =	sadd.s32 s2, s17  }
0x8e: {  	[smem:$0x3FC0] =	sst s2  }
0x8f: {  	_ = 	snop  }
0x90: {  	s18 =	sld [smem:$0x3FC6];
	(tm) =	ssettm $0x1  }
0x91: {  	s19 =	sld [smem:$0x3FFB];
	_ =	sdelay $0x3  }
0x92: {  	_ =	strace s19  }
0x93: {  	s2 =	sld [smem:$0x3FFC];
	_ =	sdelay $0x3  }
0x94: {  	_ =	strace s2  }
0x95: {  	s2 =	sld [smem:$0x3FFD];
	_ =	sdelay $0x3  }
0x96: {  	_ =	strace s2  }
0x97: {  	_ =	strace $0x8FFFFFFF  }
0x98: {  	s20 =	sld [smem:$0x3FDB];
	_ =	sdelay $0x1  }
0x99: {  	s4 =	simm.s32 $_scs_section_size  }
0x9a: {  	s5 =	simm.s32 $_size__tile_overlayer_lowered;
	s6 =	simm.s32 $_tile_overlayer_lowered  }
0x9b: {  	s7 =	simm.s32 $0x1BFF;
	s21 =	sshll.u32 s6, $0x1;
	s4 =	sadd.s32 s4, s20  }
0x9c: {  	s22 =	simm.s32 $0x0;
	s5 =	sshll.u32 s5, $0x1;
	s6 =	sadd.s32 s21, s4  }
0x9d: {  	[timem:s22], [sflag:s7] =	dma.local [hbm:s6], s5  }
0x9e: {  	_ =	swait.ge [sflag:s7], s5  }
0x9f: {  	s5 =	ssub.s32 $0x0, s5;
	[sflag:s7] =	ssyncset.done $0x0  }
0xa0: {  	[sflag:s7] =	ssyncadd.s32 s5;
	_ =	sdelay $0x1  }
0xa1: {  	s23 =	simm.s32 $0x1B8B  }
0xa2: {  	_ =	swait.ge [sflag:s23], $0x1  }
0xa3: {  	[sflag:s23] =	ssyncset.done $0x0  }
0xa4: {  	[sflag:s23] =	ssyncadd.s32 $0xFFFFFFFF  }
0xa5: {  	s5 =	sld [smem:$0x0]  }
0xa6: {  	s6 =	sand.u32 $0xFFFFFFFE, s1  }
0xa7: {  	p0 =	sne.s32 s1, s6  }
0xa8: {  	s6 =	sshll.u32 @p0 s6, $0xE  }
0xa9: {  	s6 =	sadd.s32 @p0 $0x11B8D, s6;
	s7 =	sshll.u32 @p0 s5, $0x11  }
0xaa: {  	s6 =	sor.u32 @p0 s7, s6  }
0xab: {  	[sflag:s6] =	ssyncadd.remote.s32 @p0 $0x1;
	_ =	sdelay $0x1  }
0xac: {  	s6 =	simm.s32 @p0 $0x1B8D  }
0xad: {  	_ =	swait.eq @p0 [sflag:s6], $0x1  }
0xae: {  	[sflag:s6] =	ssyncadd.s32 @p0 $0xFFFFFFFF  }
0xaf: {  	s7 =	sshll.u32 @!p0 s1, $0xE  }
0xb0: {  	s7 =	sor.u32 @!p0 $0x4000, s7;
	s6 =	simm.s32 @!p0 $0x1B8D  }
0xb1: {  	s5 =	sshll.u32 @!p0 s5, $0x11;
	s7 =	sadd.s32 @!p0 $0x11B8D, s7;
	_ =	swait.eq @!p0 [sflag:s6], $0x1  }
0xb2: {  	s5 =	sor.u32 @!p0 s5, s7;
	[sflag:s6] =	ssyncadd.s32 @!p0 $0xFFFFFFFF  }
0xb3: {  	s25 =	simm.s32 $0x1B8E;
	s24 =	sld [smem:$0x3FFE];
	[sflag:s5] =	ssyncadd.remote.s32 @!p0 $0x1  }
0xb4: {  	s26 =	simm.s32 $execute0_lowered;
	[smem:$0x3FD2] =	sst s25  }
0xb5: {  	s6 =	sshll.u32 s26, $0x1;
	_ =	strace $0x8000005A;
	[dreg:$0x1] =	wrdreg $0xFFFFFFFF  }
0xb6: {  	s28 =	simm.s32 $_size_execute0_lowered;
	s4 =	sadd.s32 s4, s6;
	[dreg:$0x0] =	wrdreg $0x0  }
0xb7: {  	s6 =	sshll.u32 s28, $0x1;
	[dreg:$0x2] =	wrdreg s4  }
0xb8: {  	[dreg:$0x3] =	wrdreg s6  }
0xb9: {  	[dreg:$0x4] =	wrdreg $0xC0  }
0xba: {  	_ =	task [dreg:s22], $0x5FFFF  }
0xbb: {  	[dreg:$0x1] =	wrdreg $0xFFFFFFFF  }
0xbc: {  	[dreg:$0x0] =	wrdreg $0x60  }
0xbd: {  	[dreg:$0x2] =	wrdreg s18  }
0xbe: {  	[dreg:$0x3] =	wrdreg s24  }
0xbf: {  	[dreg:$0x4] =	wrdreg $0xB  }
0xc0: {  	_ =	task.clear_ibuf [dreg:s22], $0x5FFFF;
	_ =	strace $0x9000005A  }
0xc1: {  	s29 =	simm.s32 $0xB;
	_ =	strace $0x80000063  }
0xc2: {  	_ =	swait.ge [sflag:s29], $0x1  }
0xc3: {  	[sflag:s29] =	ssyncadd.s32 $0xFFFFFFFF  }
0xc4: {  	_ =	strace $0x90000063  }
0xc5: {  	_ =	sfence  }
0xc6: {  	s30 =	sld [smem:$0x0];
	_ =	sdelay $0x2  }
0xc7: {  	s31 =	sshll.u32 s1, $0xD;
	s1 =	sshrl.u32 s1, $0x2  }
0xc8: {  	s4 =	sand.u32 $0x4000, s31;
	s1 =	sadd.s32 s1, s30  }
0xc9: {  	s0 =	sor.u32 s4, s0;
	s1 =	sshll.u32 s1, $0x11  }
0xca: {  	s0 =	sor.u32 s1, s0  }
0xcb: {  	s0 =	sadd.s32 $0x8F2B, s0  }
0xcc: {  	[sflag:s0] =	ssyncadd.remote.s32 $0x1  }
0xcd: {  	_ =	sfence.sel $0xFFFF  }
0xce: {  	[dreg:$0x0] =	wrdreg $0xFFFFFFFF;
	(pc) =	sbr.abs _section_cstart, $3  }
0xcf: {  	[dreg:$0x1] =	wrdreg $0xFFFFFFFF  }
0xd0: {  	_ =	task.clear_ibuf [dreg:s22], $0x2FFFF;
	_ =	strace $0x9FFFFFFF  }
0xd1: {  	(tm) =	ssettm $0x7FFFFFFF  }
tec
execute0_lowered:
.L_overlay_start_1:
0x0: {  	(tag) =	ssettag $0x1  }
0x1: {  	s1 =	rddreg [dreg:$0x0]  }
0x2: {  	s0 =	srdreg.scid;
	s5 =	rddreg [dreg:$0x1];
	s2 =	simm.s32 $0x0  }
0x3: {  	s9 =	simm.s32 $0x80;
	s4 =	sand.u32 $0x1, s0;
	[dreg:$0x3] =	wrdreg s1  }
0x4: {  	s0 =	stileid.u32;
	s1 =	rddreg [dreg:$0x2];
	s29 =	sshll.u32 s4, $0x4  }
0x5: {  	s10 =	simm.s32 $0x0;
	[smem:$0x7FF] =	sst s2;
	s6 =	sor.u32 s0, s29  }
0x6: {  	s7 =	sshll.u32 s0, $0x8;
	_ =	strace $0x8000005B;
	s3 =	smul.u32 $0x500, s6  }
0x7: {  	s4 =	ssub.s32 $0x2, s4;
	[dreg:$0x4] =	wrdreg s9;
	s9 =	simm.s32 $0x4  }
0x8: {  	s7 =	sand.u32 $0x300, s7;
	s30 =	sshrl.u32 s4, $0x1;
	s8 =	sand.u32 $0xFC00, s3  }
0x9: {  	s3 =	sadd.s32 $0x2A00, s5;
	s5 =	sadd.s32 $0xA8E00, s5;
	s7 =	sor.u32 s7, s8  }
0xa: {  	[dreg:$0x5] =	wrdreg s5;
	s8 =	ssub.s32 s4, s30;
	s7 =	sadd.s32 $0x14000, s7  }
0xb: {  	s4 =	smul.u32 $0xA, s6;
	s6 =	smax.u32 s8, $0x1;
	s31 =	sshrl.u32 s7, $0x3  }
0xc: {  	s8 =	simm.s32 $0x5;
	s7 =	simm.s32 $0x1;
	s5 =	sadd.s32 s3, s31  }
.LBB2_1:
0xd: {  	_ =	strace $0x8000005C  }
0xe: {  	s17 =	simm.s32 $0x1;
	p0 =	por $0x0, $0x0;
	p1 =	por $0x1, $0x1  }
0xf: {  	[tilespmem:s2], [sflag:$0x1] =	stream.linear.gather [hbm4b:s5+s2], $0x80, $0x200038;
	[tilespmem:$0x8100] =	vst v63  }
0x10: {  	s16 =	sadd.s32 $0x0, s4;
	s21 =	sand.u32 $0x1, s2;
	s17 =	simm.s32 @p0 $0x0  }
0x11: {  	p4 =	por $0x0, $0x0;
	s20 =	simm.s32 $0x0;
	p0 =	sne.s32 s17, $0x0  }
0x12: {  	p6 =	por $0x0, $0x0;
	p3 =	por $0x0, $0x0;
	p1 =	por !p1, !p0  }
0x13: {  	p5 =	por $0x1, $0x1;
	s31 =	sadd.s32 $0x1, s21;
	p2 =	por !p1, !p1  }
0x14: {  	s24 =	sshll.u32 s21, $0xE;
	s20 =	sand.u32 $0x80, s20;
	s11 =	sadd.s32 @p2 s4, s17  }
0x15: {  	_ =	strace $0x9000005C;
	s24 =	sor.u32 $0x100, s24;
	s12 =	sshll.u32 @p2 s11, $0x7  }
0x16: {  	p0 =	por p0, p0;
	s13 =	sand.u32 @p2 $0x1, s7;
	s12 =	sadd.s32 @p2 $0x14000, s12  }
0x17: {  	s15 =	simm.s32 @p2 $0x0;
	_ =	strace @p2 $0x8000005D;
	s12 =	sshrl.u32 @p2 s12, $0x3  }
0x18: {  	s14 =	sshll.u32 @p2 s13, $0x7;
	s13 =	sadd.s32 @p2 $0x1, s13;
	s12 =	sadd.s32 @p2 s3, s12  }
0x19: {  	[tilespmem:s14], [sflag:s13] =	stream.linear.gather @p2 [hbm4b:s12+s15], $0x80, $0x200038;
	[tilespmem:$0x8100] =	vst v63  }
0x1a: {  	p1 =	por $0x1, $0x1;
	p6 =	por p6, p0;
	_ =	strace @p2 $0x9000005D  }
0x1b: {  	s18 =	sand.u32 @!p1 $0x1, s2;
	p1 =	por p1, p1;
	_ =	strace $0x8000005E  }
0x1c: {  	s11 =	simm.s32 $0x9;
	s19 =	sadd.s32 @!p1 $0x3, s18;
	_ =	swait.ge [sflag:s31], $0x80  }
0x1d: {  	s18 =	sadd.s32 $0x1, s17;
	s12 =	simm.s32 $0x1;
	[sflag:s31] =	ssyncset.done $0x0  }
0x1e: {  	s15 =	simm.s32 $0x8;
	s13 =	simm.s32 $0x1;
	[sflag:s31] =	ssyncadd.s32 $0xFFFFFF80  }
0x1f: {  	s13 =	simm.s32 @!p3 $0x0;
	p3 =	seq.s32 s18, $0xA;
	_ =	strace $0x9000005E  }
0x20: {  	s12 =	simm.s32 @!p2 $0x0;
	s18 =	simm.s32 @p3 $0x0;
	_ =	strace $0x8000005F  }
0x21: {  	s14 =	sadd.s32 $0x1, s12;
	p3 =	sne.s32 s17, s18;
	s22 =	rddreg [dreg:$0x3]  }
0x22: {  	s12 =	sadd.s32 s4, s17;
	p5 =	por !p5, !p3;
	s23 =	rddreg [dreg:$0x4]  }
0x23: {  	[tilespmem:s24], [sflag:$0x5] =	stream.indirect.gather [hbm4b:s22+s23], $0x80, s20, s23, $0x2000b8;
	[tilespmem:$0x8100] =	vst v63  }
0x24: {  	s13 =	sadd.s32 $0x0, s13;
	p2 =	por !p5, !p5;
	_ =	swait.ge [sflag:s8], $0x4000  }
0x25: {  	s17 =	sadd.s32 @p2 s4, s18;
	s28 =	sand.u32 @p2 $0x1, s14;
	[sflag:s8] =	ssyncset.done $0x0  }
0x26: {  	s25 =	sshll.u32 @p2 s28, $0x7;
	s23 =	simm.s32 $0x1;
	[sflag:s8] =	ssyncadd.s32 $0xFFFFC000  }
0x27: {  	s22 =	sshll.u32 @p2 s17, $0x7;
	s17 =	simm.s32 $0x0;
	_ =	strace $0x9000005F  }
0x28: {  	s20 =	simm.s32 $0x0;
	s23 =	simm.s32 @!p6 $0x0;
	_ =	strace @p6 $0x80000060  }
.LBB2_2:
0x29: {  	s31 =	rddreg [dreg:$0x5];
	p0 =	por p3, p3  }
0x2a: {  	[smem:$0x7FC] =	sst s0;
	s0 =	simm.s32 @!p0 $0x0  }
0x2b: {  	s16 =	sshll.u32 @p6 s16, $0xB;
	s0 =	simm.s32 @p0 $0x1  }
0x2c: {  	s21 =	sadd.s32 @p6 $0x3, s21;
	s16 =	sand.u32 @p6 $0x1FFFF800, s16;
	[smem:$0x7FD] =	sst s0  }
0x2d: {  	s16 =	sadd.s32 @p6 s31, s16;
	s31 =	simm.s32 @p6 $0x0;
	s0 =	sld [smem:$0x7FC]  }
0x2e: {  	[hbm4b:s16+s31] =	stream.linear.scatter @p6 [tilespmem:s24], [sflag:s21], $0x4000, $0x200038;
	[tilespmem:$0x8100] =	vst v63  }
0x2f: {  	s29 =	sadd.s32 @p2 $0x14000, s22;
	_ =	strace @p6 $0x90000060  }
0x30: {  	s30 =	simm.s32 $0x1;
	s26 =	smov.u32 s11;
	_ =	strace @!p1 $0x80000061  }
0x31: {  	s11 =	smov.u32 s15;
	s22 =	smov.u32 s18;
	_ =	swait.ge @!p1 [sflag:s19], $0x4000  }
0x32: {  	s17 =	sadd.s32 s23, s17;
	s28 =	sadd.s32 @p2 $0x1, s28;
	[sflag:s19] =	ssyncset.done @!p1 $0x0  }
0x33: {  	s20 =	sadd.s32 s23, s20;
	s15 =	sadd.s32 $0xFFFFFFFF, s15;
	[sflag:s19] =	ssyncadd.s32 @!p1 $0xFFFFC000  }
0x34: {  	s23 =	sand.u32 @!p4 $0x1, s13;
	s29 =	sshrl.u32 @p2 s29, $0x3;
	_ =	strace @!p1 $0x90000061  }
0x35: {  	s29 =	sadd.s32 @p2 s3, s29;
	s24 =	simm.s32 @p2 $0x0;
	_ =	strace @p2 $0x8000005D  }
0x36: {  	[tilespmem:s25], [sflag:s28] =	stream.linear.gather @p2 [hbm4b:s29+s24], $0x80, $0x200038;
	[tilespmem:$0x8100] =	vst v63  }
0x37: {  	s30 =	simm.s32 @!p2 $0x0;
	s31 =	sand.u32 $0x1, s20;
	_ =	strace @p2 $0x9000005D  }
0x38: {  	p3 =	sne.s32 s26, $0xA;
	s24 =	sadd.s32 $0x1, s31;
	_ =	strace $0x8000005E  }
0x39: {  	s14 =	sadd.s32 s30, s14;
	s16 =	smov.u32 s12;
	_ =	swait.ge [sflag:s24], $0x80  }
0x3a: {  	s12 =	sadd.s32 s4, s18;
	s21 =	sand.u32 $0x1, s17;
	[sflag:s24] =	ssyncset.done $0x0  }
0x3b: {  	s18 =	sadd.s32 $0x1, s18;
	p1 =	por p4, p4;
	[sflag:s24] =	ssyncadd.s32 $0xFFFFFF80  }
0x3c: {  	s19 =	sadd.s32 @!p1 $0x3, s23;
	s25 =	sshll.u32 s20, $0x7;
	_ =	strace $0x9000005E  }
0x3d: {  	s28 =	sshll.u32 s21, $0xE;
	s24 =	simm.s32 $0x1;
	_ =	strace $0x8000005F  }
0x3e: {  	s23 =	sand.u32 $0x80, s25;
	s24 =	simm.s32 @!p3 $0x0;
	s29 =	rddreg [dreg:$0x3]  }
0x3f: {  	s13 =	sadd.s32 s24, s13;
	s24 =	sor.u32 $0x100, s28;
	s30 =	rddreg [dreg:$0x4]  }
0x40: {  	[tilespmem:s24], [sflag:$0x5] =	stream.indirect.gather [hbm4b:s29+s30], $0x80, s23, s30, $0x2000b8;
	[tilespmem:$0x8100] =	vst v63  }
0x41: {  	p5 =	sne.s32 s15, $0x0;
	p3 =	seq.s32 s18, $0xA;
	_ =	swait.ge [sflag:s8], $0x4000  }
0x42: {  	p0 =	sne.s32 s11, $0x1;
	s18 =	simm.s32 @p3 $0x0;
	s31 =	sld [smem:$0x7FD]  }
0x43: {  	p4 =	seq.s32 s11, $0xA;
	p2 =	seq.s32 s26, $0x1;
	p3 =	sne.s32 s22, s18  }
.Ltmp0:
0x44: {  	p0 =	por !p0, !p3;
	[sflag:s8] =	ssyncset.done $0x0;
	(pc) =	sbr.rel @p5 .LBB2_2-.Ltmp0, $4  }
0x45: {  	s23 =	simm.s32 $0x1;
	[sflag:s8] =	ssyncadd.s32 $0xFFFFC000;
	p6 =	seq.s32 s31, $0x1  }
0x46: {  	_ =	strace $0x9000005F;
	p6 =	por p2, p6;
	p2 =	por !p0, !p0  }
0x47: {  	s23 =	simm.s32 @!p6 $0x0;
	s22 =	sadd.s32 @p2 s4, s18;
	s28 =	sand.u32 @p2 $0x1, s14  }
0x48: {  	_ =	strace @p6 $0x80000060;
	s22 =	sshll.u32 @p2 s22, $0x7;
	s25 =	sshll.u32 @p2 s28, $0x7  }
0x49: {  	s15 =	sshll.u32 @p6 s16, $0xB  }
0x4a: {  	s14 =	rddreg [dreg:$0x5];
	s15 =	sand.u32 @p6 $0x1FFFF800, s15  }
0x4b: {  	s16 =	sadd.s32 @p6 $0x3, s21;
	s14 =	sadd.s32 @p6 s14, s15;
	s15 =	simm.s32 @p6 $0x0  }
0x4c: {  	[hbm4b:s14+s15] =	stream.linear.scatter @p6 [tilespmem:s24], [sflag:s16], $0x4000, $0x200038;
	[tilespmem:$0x8100] =	vst v63  }
0x4d: {  	_ =	strace @p6 $0x90000060  }
0x4e: {  	_ =	strace @!p1 $0x80000061  }
0x4f: {  	_ =	swait.ge @!p1 [sflag:s19], $0x4000  }
0x50: {  	[sflag:s19] =	ssyncset.done @!p1 $0x0  }
0x51: {  	s18 =	simm.s32 @p2 $0x0;
	s14 =	sadd.s32 @p2 $0x14000, s22;
	[sflag:s19] =	ssyncadd.s32 @!p1 $0xFFFFC000  }
0x52: {  	s15 =	sadd.s32 @p2 $0x1, s28;
	s14 =	sshrl.u32 @p2 s14, $0x3;
	_ =	strace @!p1 $0x90000061  }
0x53: {  	s24 =	sadd.s32 s23, s20;
	s14 =	sadd.s32 @p2 s3, s14;
	_ =	strace @p2 $0x8000005D  }
0x54: {  	[tilespmem:s25], [sflag:s15] =	stream.linear.gather @p2 [hbm4b:s14+s18], $0x80, $0x200038;
	[tilespmem:$0x8100] =	vst v63  }
0x55: {  	s26 =	sand.u32 $0x1, s24;
	_ =	strace @p2 $0x9000005D  }
0x56: {  	s14 =	sadd.s32 $0x1, s26;
	_ =	strace $0x8000005E  }
0x57: {  	_ =	swait.ge [sflag:s14], $0x80  }
0x58: {  	[sflag:s14] =	ssyncset.done $0x0  }
0x59: {  	[sflag:s14] =	ssyncadd.s32 $0xFFFFFF80  }
0x5a: {  	s28 =	sadd.s32 s23, s17;
	_ =	strace $0x9000005E  }
0x5b: {  	s14 =	sand.u32 $0x1, s28;
	_ =	strace $0x8000005F  }
0x5c: {  	s16 =	sshll.u32 s24, $0x7;
	s31 =	sshll.u32 s14, $0xE;
	s29 =	rddreg [dreg:$0x3]  }
0x5d: {  	s16 =	sand.u32 $0x80, s16;
	s18 =	sor.u32 $0x100, s31;
	s30 =	rddreg [dreg:$0x4]  }
0x5e: {  	[tilespmem:s18], [sflag:$0x5] =	stream.indirect.gather [hbm4b:s29+s30], $0x80, s16, s30, $0x2000b8;
	[tilespmem:$0x8100] =	vst v63  }
0x5f: {  	_ =	swait.ge [sflag:s8], $0x4000  }
0x60: {  	[sflag:s8] =	ssyncset.done $0x0  }
0x61: {  	p0 =	por p3, p3;
	p6 =	seq.s32 s11, $0x1;
	[sflag:s8] =	ssyncadd.s32 $0xFFFFC000  }
0x62: {  	p0 =	por p6, p0;
	_ =	strace $0x9000005F  }
0x63: {  	s12 =	sshll.u32 @p0 s12, $0xB;
	_ =	strace @p0 $0x80000060  }
0x64: {  	s12 =	sand.u32 @p0 $0x1FFFF800, s12;
	s11 =	rddreg [dreg:$0x5]  }
0x65: {  	s14 =	sadd.s32 @p0 $0x3, s14;
	s11 =	sadd.s32 @p0 s11, s12;
	s12 =	simm.s32 @p0 $0x0  }
0x66: {  	[hbm4b:s11+s12] =	stream.linear.scatter @p0 [tilespmem:s18], [sflag:s14], $0x4000, $0x200038;
	[tilespmem:$0x8100] =	vst v63  }
0x67: {  	p1 =	por p4, p4;
	s11 =	sand.u32 @!p4 $0x1, s13;
	_ =	strace @p0 $0x90000060  }
0x68: {  	s11 =	sadd.s32 @!p1 $0x3, s11;
	_ =	strace @!p1 $0x80000061  }
0x69: {  	_ =	swait.ge @!p1 [sflag:s11], $0x4000  }
0x6a: {  	[sflag:s11] =	ssyncset.done @!p1 $0x0  }
0x6b: {  	s10 =	sadd.s32 $0x1, s10;
	[sflag:s11] =	ssyncadd.s32 @!p1 $0xFFFFC000  }
0x6c: {  	p0 =	sne.s32 s10, s6;
	_ =	strace @!p1 $0x90000061  }
.Ltmp1:
0x6d: {  	_ =	strace $0x80000062;
	(pc) =	sbr.rel @p0 .LBB2_1-.Ltmp1, $4  }
0x6e: {  	_ =	swait.ge [sflag:s9], $0x4000  }
0x6f: {  	[sflag:s9] =	ssyncset.done $0x0  }
0x70: {  	[sflag:s9] =	ssyncadd.s32 $0xFFFFC000  }
0x71: {  	_ =	strace $0x90000062  }
0x72: {  	_ =	sfence.sel $0x180000  }
0x73: {  	[bflag:$0x0] =	sbarrier.arrive $0xFFFF  }
0x74: {  	p0 =	sne.s32 s0, $0x0;
	_ =	strace $0x9000005B  }
0x75: {  	s0 =	sadd.s32 @!p0 $0x100000, s1;
	[bflag:$0x2] =	sbarrier.arrive $0xFFFF  }
0x76: {  	[sflag:s0] =	ssyncadd.tile.s32 @!p0 $0x1;
	_ =	shalt  }
.Lfunc_end2:
_tile_overlayer_lowered:
.L_overlay_start_2:
0x77: {  	(tag) =	ssettag $0x2  }
0x78: {  	s0 =	rddreg [dreg:$0x0];
	s2 =	stileid.u32  }
0x79: {  	s1 =	rddreg [dreg:$0x1];
	p0 =	sne.s32 s2, $0x0  }
0x7a: {  	s3 =	rddreg [dreg:$0x2];
	[bflag:$0x3] =	sbarrier.arrive $0xFFFF;
	s2 =	simm.s32 @!p0 $0x1C01  }
0x7b: {  	[timem:s3], [sflag:s2] =	dma.local @!p0 [hbm:s0], s1  }
0x7c: {  	s0 =	simm.s32 @!p0 $0x1  }
0x7d: {  	_ =	swait.ge @!p0 [sflag:s0], s1  }
0x7e: {  	s1 =	ssub.s32 @!p0 $0x0, s1;
	[sflag:s0] =	ssyncset.done @!p0 $0x0  }
0x7f: {  	[sflag:s0] =	ssyncadd.s32 @!p0 s1  }
0x80: {  	[bflag:$0x3] =	sbarrier.arrive $0xFFFF  }
0x81: {  	_ =	shalt  }

// kernel: kernel.21.cloned.1.call-start
scs
__scs_entry_jumppad:
0x0: {  	(pc) =	sbr.rel $0x88, $3  }
0x1: {  	(tag) =	ssettag $0x0;
	lr =	simm.s32 $0x1  }
0x2: {  	[smem:$0x3F99] =	sst lr;
	_ =	strace $0xD0000000  }
0x3: {  	_ = 	snop  }
0x4: {  	_ = 	snop  }
0x5: {  	_ = 	snop  }
0x6: {  	_ = 	snop  }
0x7: {  	_ = 	snop  }
__scs_overlays_trampoline_lowered:
0x8: {  	[smem:$0x3FA8] =	sst s0  }
0x9: {  	[smem:$0x3FA9] =	sst s1  }
0xa: {  	[smem:$0x3FAA] =	sst s2  }
0xb: {  	[smem:$0x3FAB] =	sst s3  }
0xc: {  	[smem:$0x3FAC] =	sst s4  }
0xd: {  	[smem:$0x3FAD] =	sst s5  }
0xe: {  	[smem:$0x3FAE] =	sst s6  }
0xf: {  	[smem:$0x3FAF] =	sst s7  }
0x10: {  	[smem:$0x3FB0] =	sst s8  }
0x11: {  	[smem:$0x3FB1] =	sst s9;
	s0 =	simm.s32 @!p0 $0x0  }
0x12: {  	s1 =	sld [smem:$0x3F97];
	s0 =	simm.s32 @p0 $0x1  }
0x13: {  	[smem:$0x3FB2] =	sst s0;
	s0 =	simm.s32 @!p1 $0x0  }
0x14: {  	s2 =	sld [smem:$0x3F96];
	s0 =	simm.s32 @p1 $0x1  }
0x15: {  	[smem:$0x3FB3] =	sst s0;
	s0 =	simm.s32 @!p2 $0x0  }
0x16: {  	s3 =	sld [smem:$0x3FDB];
	s0 =	simm.s32 @p2 $0x1  }
0x17: {  	s4 =	simm.s32 $0x1BF5;
	[smem:$0x3FB5] =	sst s0  }
0x18: {  	s0 =	sld [smem:$0x3F98];
	_ =	swait.ge [sflag:s4], $0x0  }
0x19: {  	s7 =	sld [smem:$0x3F99]  }
0x1a: {  	s8 =	sadd.s32 $0xFFFFE003, lr  }
0x1b: {  	s9 =	sadd.s32 $0xFFFFFEF7, lr;
	s5 =	simm.s32 $0xFFFFFFFF;
	p2 =	slt.u32 s8, $0xFFFFF086  }
0x1c: {  	p1 =	slt.u32 s9, $0xF7A;
	s5 =	simm.s32 @!p2 $0x0  }
0x1d: {  	s5 =	simm.s32 @p1 $0x1;
	p0 =	seq.s32 s7, s2  }
0x1e: {  	s7 =	smul.u32 @!p0 $0xF7A, s2;
	p2 =	seq.s32 @!p0 s5, $0x0  }
0x1f: {  	s9 =	smul.u32 $0xF7A, s1;
	s8 =	simm.s32 @!p0 $0x1BF5;
	p2 =	por !p2, p0  }
0x20: {  	[sflag:s8] =	ssyncset.s32 @!p0 $0xFFFFF086;
	s6 =	sadd.s32 @!p0 s3, s7;
	s7 =	simm.s32 @!p0 $0x108  }
0x21: {  	s3 =	sadd.s32 s3, s9;
	s6 =	sadd.s32 @!p0 $0x88, s6;
	s7 =	simm.s32 @p2 $0x1082  }
0x22: {  	[simem:s7], [sflag:s8] =	dma.local @!p0 [hbm:s6], $0xF7A  }
0x23: {  	s9 =	sor.u32 $0xD0000000, s2;
	s6 =	simm.s32 $0x108;
	_ =	swait.ge @!p0 [sflag:s8], $0x0  }
0x24: {  	s3 =	sadd.s32 $0x88, s3;
	s6 =	simm.s32 @!p1 $0x1082;
	[sflag:s4] =	ssyncset.s32 $0xFFFFF086  }
0x25: {  	[simem:s6], [sflag:s4] =	dma.local [hbm:s3], $0xF7A  }
0x26: {  	[smem:$0x3F99] =	sst s1;
	(tag) =	ssettag s2;
	_ =	strace s9  }
0x27: {  	s1 =	sld [smem:$0x3FA9]  }
0x28: {  	s2 =	sld [smem:$0x3FAA]  }
0x29: {  	s4 =	sld [smem:$0x3FAC]  }
0x2a: {  	p0 =	seq.s32 s5, $0x0;
	s5 =	sld [smem:$0x3FAD]  }
0x2b: {  	s6 =	sld [smem:$0x3FAE]  }
0x2c: {  	s7 =	sld [smem:$0x3FAF]  }
0x2d: {  	s3 =	simm.s32 $0x108;
	s8 =	sld [smem:$0x3FB0]  }
0x2e: {  	s3 =	simm.s32 @!p0 $0x1082;
	s9 =	sld [smem:$0x3FB1]  }
0x2f: {  	lr =	sadd.s32 s0, s3;
	s0 =	sld [smem:$0x3FA8]  }
0x30: {  	s3 =	sld [smem:$0x3FAB]  }
0x31: {  	[smem:$0x3FB4] =	sst s10  }
0x32: {  	s10 =	sld [smem:$0x3FB2];
	_ =	sdelay $0x3  }
0x33: {  	p0 =	seq.s32 s10, $0x1;
	s10 =	sld [smem:$0x3FB4];
	_ =	sdelay $0x3  }
0x34: {  	[smem:$0x3FB4] =	sst s10  }
0x35: {  	s10 =	sld [smem:$0x3FB3];
	_ =	sdelay $0x3  }
0x36: {  	p1 =	seq.s32 s10, $0x1;
	s10 =	sld [smem:$0x3FB4];
	_ =	sdelay $0x3  }
0x37: {  	[smem:$0x3FB4] =	sst s10  }
0x38: {  	s10 =	sld [smem:$0x3FB5]  }
0x39: {  	_ = 	snop;
	(pc) =	sbr.ind lr, $3  }
0x3a: {  	_ = 	snop  }
0x3b: {  	_ = 	snop  }
0x3c: {  	p2 =	seq.s32 s10, $0x1;
	s10 =	sld [smem:$0x3FB4]  }
0x3d: {  	_ =	shalt  }
0x3e: {  	_ =	shalt  }
0x3f: {  	_ =	shalt  }
0x40: {  	_ =	shalt  }
0x41: {  	_ =	shalt  }
0x42: {  	_ =	shalt  }
0x43: {  	_ =	shalt  }
0x44: {  	_ =	shalt  }
0x45: {  	_ =	shalt  }
0x46: {  	_ =	shalt  }
0x47: {  	_ =	shalt  }
0x48: {  	_ =	shalt  }
0x49: {  	_ =	shalt  }
0x4a: {  	_ =	shalt  }
0x4b: {  	_ =	shalt  }
0x4c: {  	_ =	shalt  }
0x4d: {  	_ =	shalt  }
0x4e: {  	_ =	shalt  }
0x4f: {  	_ =	shalt  }
0x50: {  	_ =	shalt  }
0x51: {  	_ =	shalt  }
0x52: {  	_ =	shalt  }
0x53: {  	_ =	shalt  }
0x54: {  	_ =	shalt  }
0x55: {  	_ =	shalt  }
0x56: {  	_ =	shalt  }
0x57: {  	_ =	shalt  }
0x58: {  	_ =	shalt  }
0x59: {  	_ =	shalt  }
0x5a: {  	_ =	shalt  }
0x5b: {  	_ =	shalt  }
0x5c: {  	_ =	shalt  }
0x5d: {  	_ =	shalt  }
0x5e: {  	_ =	shalt  }
0x5f: {  	_ =	shalt  }
0x60: {  	_ =	shalt  }
0x61: {  	_ =	shalt  }
0x62: {  	_ =	shalt  }
0x63: {  	_ =	shalt  }
0x64: {  	_ =	shalt  }
0x65: {  	_ =	shalt  }
0x66: {  	_ =	shalt  }
0x67: {  	_ =	shalt  }
0x68: {  	_ =	shalt  }
0x69: {  	_ =	shalt  }
0x6a: {  	_ =	shalt  }
0x6b: {  	_ =	shalt  }
0x6c: {  	_ =	shalt  }
0x6d: {  	_ =	shalt  }
0x6e: {  	_ =	shalt  }
0x6f: {  	_ =	shalt  }
0x70: {  	_ =	shalt  }
0x71: {  	_ =	shalt  }
0x72: {  	_ =	shalt  }
0x73: {  	_ =	shalt  }
0x74: {  	_ =	shalt  }
0x75: {  	_ =	shalt  }
0x76: {  	_ =	shalt  }
0x77: {  	_ =	shalt  }
0x78: {  	_ =	shalt  }
0x79: {  	_ =	shalt  }
0x7a: {  	_ =	shalt  }
0x7b: {  	_ =	shalt  }
0x7c: {  	_ =	shalt  }
0x7d: {  	_ =	shalt  }
0x7e: {  	_ =	shalt  }
0x7f: {  	_ =	shalt  }
0x80: {  	_ =	shalt  }
0x81: {  	_ =	shalt  }
0x82: {  	_ =	shalt  }
0x83: {  	_ =	shalt  }
0x84: {  	_ =	shalt  }
0x85: {  	_ =	shalt  }
0x86: {  	_ =	shalt  }
0x87: {  	_ =	shalt  }
.Lfunc_end0:
.L_simem_size_0:
called_computation.3_lowered:
.L_overlay_start_0:
0x88: {  	s2 =	sld [smem:$0x3FD9]  }
0x89: {  	s3 =	sld [smem:$0x3FFE];
	_ =	sdelay $0x1  }
0x8a: {  	s1 =	srdreg.scid  }
0x8b: {  	s0 =	sand.u32 $0x1, s1  }
0x8c: {  	s17 =	sshll.u32 s0, $0xA;
	s2 =	sadd.s32 s3, s2  }
0x8d: {  	s2 =	sadd.s32 s2, s17  }
0x8e: {  	[smem:$0x3FC0] =	sst s2  }
0x8f: {  	_ = 	snop  }
0x90: {  	s18 =	sld [smem:$0x3FC6];
	(tm) =	ssettm $0x1  }
0x91: {  	s19 =	sld [smem:$0x3FFB];
	_ =	sdelay $0x3  }
0x92: {  	_ =	strace s19  }
0x93: {  	s2 =	sld [smem:$0x3FFC];
	_ =	sdelay $0x3  }
0x94: {  	_ =	strace s2  }
0x95: {  	s2 =	sld [smem:$0x3FFD];
	_ =	sdelay $0x3  }
0x96: {  	_ =	strace s2  }
0x97: {  	_ =	strace $0x8FFFFFFF  }
0x98: {  	s20 =	sld [smem:$0x3FDB];
	_ =	sdelay $0x1  }
0x99: {  	s4 =	simm.s32 $_scs_section_size  }
0x9a: {  	s5 =	simm.s32 $_size__tile_overlayer_lowered;
	s6 =	simm.s32 $_tile_overlayer_lowered  }
0x9b: {  	s7 =	simm.s32 $0x1BFF;
	s21 =	sshll.u32 s6, $0x1;
	s4 =	sadd.s32 s4, s20  }
0x9c: {  	s22 =	simm.s32 $0x0;
	s5 =	sshll.u32 s5, $0x1;
	s6 =	sadd.s32 s21, s4  }
0x9d: {  	[timem:s22], [sflag:s7] =	dma.local [hbm:s6], s5  }
0x9e: {  	_ =	swait.ge [sflag:s7], s5  }
0x9f: {  	s5 =	ssub.s32 $0x0, s5;
	[sflag:s7] =	ssyncset.done $0x0  }
0xa0: {  	[sflag:s7] =	ssyncadd.s32 s5;
	_ =	sdelay $0x1  }
0xa1: {  	s23 =	simm.s32 $0x1B8B  }
0xa2: {  	_ =	swait.ge [sflag:s23], $0x1  }
0xa3: {  	[sflag:s23] =	ssyncset.done $0x0  }
0xa4: {  	[sflag:s23] =	ssyncadd.s32 $0xFFFFFFFF  }
0xa5: {  	s5 =	sld [smem:$0x0]  }
0xa6: {  	s6 =	sand.u32 $0xFFFFFFFE, s1  }
0xa7: {  	p0 =	sne.s32 s1, s6  }
0xa8: {  	s6 =	sshll.u32 @p0 s6, $0xE  }
0xa9: {  	s6 =	sadd.s32 @p0 $0x11B8D, s6;
	s7 =	sshll.u32 @p0 s5, $0x11  }
0xaa: {  	s6 =	sor.u32 @p0 s7, s6  }
0xab: {  	[sflag:s6] =	ssyncadd.remote.s32 @p0 $0x1;
	_ =	sdelay $0x1  }
0xac: {  	s6 =	simm.s32 @p0 $0x1B8D  }
0xad: {  	_ =	swait.eq @p0 [sflag:s6], $0x1  }
0xae: {  	[sflag:s6] =	ssyncadd.s32 @p0 $0xFFFFFFFF  }
0xaf: {  	s7 =	sshll.u32 @!p0 s1, $0xE  }
0xb0: {  	s7 =	sor.u32 @!p0 $0x4000, s7;
	s6 =	simm.s32 @!p0 $0x1B8D  }
0xb1: {  	s5 =	sshll.u32 @!p0 s5, $0x11;
	s7 =	sadd.s32 @!p0 $0x11B8D, s7;
	_ =	swait.eq @!p0 [sflag:s6], $0x1  }
0xb2: {  	s5 =	sor.u32 @!p0 s5, s7;
	[sflag:s6] =	ssyncadd.s32 @!p0 $0xFFFFFFFF  }
0xb3: {  	s25 =	simm.s32 $0x1B8E;
	s24 =	sld [smem:$0x3FFE];
	[sflag:s5] =	ssyncadd.remote.s32 @!p0 $0x1  }
0xb4: {  	s26 =	simm.s32 $execute0_lowered;
	[smem:$0x3FD2] =	sst s25  }
0xb5: {  	s6 =	sshll.u32 s26, $0x1;
	_ =	strace $0x80000064;
	[dreg:$0x1] =	wrdreg $0xFFFFFFFF  }
0xb6: {  	s28 =	simm.s32 $_size_execute0_lowered;
	s4 =	sadd.s32 s4, s6;
	[dreg:$0x0] =	wrdreg $0x0  }
0xb7: {  	s6 =	sshll.u32 s28, $0x1;
	[dreg:$0x2] =	wrdreg s4  }
0xb8: {  	[dreg:$0x3] =	wrdreg s6  }
0xb9: {  	[dreg:$0x4] =	wrdreg $0xC0  }
0xba: {  	_ =	task [dreg:s22], $0x5FFFF  }
0xbb: {  	[dreg:$0x1] =	wrdreg $0xFFFFFFFF  }
0xbc: {  	[dreg:$0x0] =	wrdreg $0x60  }
0xbd: {  	[dreg:$0x2] =	wrdreg s18  }
0xbe: {  	[dreg:$0x3] =	wrdreg s24  }
0xbf: {  	[dreg:$0x4] =	wrdreg $0xC  }
0xc0: {  	_ =	task.clear_ibuf [dreg:s22], $0x5FFFF;
	_ =	strace $0x90000064  }
0xc1: {  	s29 =	simm.s32 $0xC;
	_ =	strace $0x8000006D  }
0xc2: {  	_ =	swait.ge [sflag:s29], $0x1  }
0xc3: {  	[sflag:s29] =	ssyncadd.s32 $0xFFFFFFFF  }
0xc4: {  	_ =	strace $0x9000006D  }
0xc5: {  	_ =	sfence  }
0xc6: {  	s30 =	sld [smem:$0x0];
	_ =	sdelay $0x2  }
0xc7: {  	s31 =	sshll.u32 s1, $0xD;
	s1 =	sshrl.u32 s1, $0x2  }
0xc8: {  	s4 =	sand.u32 $0x4000, s31;
	s1 =	sadd.s32 s1, s30  }
0xc9: {  	s0 =	sor.u32 s4, s0;
	s1 =	sshll.u32 s1, $0x11  }
0xca: {  	s0 =	sor.u32 s1, s0  }
0xcb: {  	s0 =	sadd.s32 $0x8F2B, s0  }
0xcc: {  	[sflag:s0] =	ssyncadd.remote.s32 $0x1  }
0xcd: {  	_ =	sfence.sel $0xFFFF  }
0xce: {  	[dreg:$0x0] =	wrdreg $0xFFFFFFFF;
	(pc) =	sbr.abs _section_cstart, $3  }
0xcf: {  	[dreg:$0x1] =	wrdreg $0xFFFFFFFF  }
0xd0: {  	_ =	task.clear_ibuf [dreg:s22], $0x2FFFF;
	_ =	strace $0x9FFFFFFF  }
0xd1: {  	(tm) =	ssettm $0x7FFFFFFF  }
tec
execute0_lowered:
.L_overlay_start_1:
0x0: {  	(tag) =	ssettag $0x1  }
0x1: {  	s1 =	rddreg [dreg:$0x0]  }
0x2: {  	s0 =	srdreg.scid;
	s5 =	rddreg [dreg:$0x1];
	s2 =	simm.s32 $0x0  }
0x3: {  	s9 =	simm.s32 $0x80;
	s4 =	sand.u32 $0x1, s0;
	[dreg:$0x3] =	wrdreg s1  }
0x4: {  	s0 =	stileid.u32;
	s1 =	rddreg [dreg:$0x2];
	s29 =	sshll.u32 s4, $0x4  }
0x5: {  	s10 =	simm.s32 $0x0;
	[smem:$0x7FF] =	sst s2;
	s6 =	sor.u32 s0, s29  }
0x6: {  	s7 =	sshll.u32 s0, $0x8;
	_ =	strace $0x80000065;
	s3 =	smul.u32 $0x500, s6  }
0x7: {  	s4 =	ssub.s32 $0x2, s4;
	[dreg:$0x4] =	wrdreg s9;
	s9 =	simm.s32 $0x4  }
0x8: {  	s7 =	sand.u32 $0x300, s7;
	s30 =	sshrl.u32 s4, $0x1;
	s8 =	sand.u32 $0xFC00, s3  }
0x9: {  	s3 =	sadd.s32 $0x2A00, s5;
	s5 =	sadd.s32 $0x148E00, s5;
	s7 =	sor.u32 s7, s8  }
0xa: {  	[dreg:$0x5] =	wrdreg s5;
	s8 =	ssub.s32 s4, s30;
	s7 =	sadd.s32 $0x1E000, s7  }
0xb: {  	s4 =	smul.u32 $0xA, s6;
	s6 =	smax.u32 s8, $0x1;
	s31 =	sshrl.u32 s7, $0x3  }
0xc: {  	s8 =	simm.s32 $0x5;
	s7 =	simm.s32 $0x1;
	s5 =	sadd.s32 s3, s31  }
.LBB2_1:
0xd: {  	_ =	strace $0x80000066  }
0xe: {  	s17 =	simm.s32 $0x1;
	p0 =	por $0x0, $0x0;
	p1 =	por $0x1, $0x1  }
0xf: {  	[tilespmem:s2], [sflag:$0x1] =	stream.linear.gather [hbm4b:s5+s2], $0x80, $0x200038;
	[tilespmem:$0x8100] =	vst v63  }
0x10: {  	s16 =	sadd.s32 $0x0, s4;
	s21 =	sand.u32 $0x1, s2;
	s17 =	simm.s32 @p0 $0x0  }
0x11: {  	p4 =	por $0x0, $0x0;
	s20 =	simm.s32 $0x0;
	p0 =	sne.s32 s17, $0x0  }
0x12: {  	p6 =	por $0x0, $0x0;
	p3 =	por $0x0, $0x0;
	p1 =	por !p1, !p0  }
0x13: {  	p5 =	por $0x1, $0x1;
	s31 =	sadd.s32 $0x1, s21;
	p2 =	por !p1, !p1  }
0x14: {  	s24 =	sshll.u32 s21, $0xE;
	s20 =	sand.u32 $0x80, s20;
	s11 =	sadd.s32 @p2 s4, s17  }
0x15: {  	_ =	strace $0x90000066;
	s24 =	sor.u32 $0x100, s24;
	s12 =	sshll.u32 @p2 s11, $0x7  }
0x16: {  	p0 =	por p0, p0;
	s13 =	sand.u32 @p2 $0x1, s7;
	s12 =	sadd.s32 @p2 $0x1E000, s12  }
0x17: {  	s15 =	simm.s32 @p2 $0x0;
	_ =	strace @p2 $0x80000067;
	s12 =	sshrl.u32 @p2 s12, $0x3  }
0x18: {  	s14 =	sshll.u32 @p2 s13, $0x7;
	s13 =	sadd.s32 @p2 $0x1, s13;
	s12 =	sadd.s32 @p2 s3, s12  }
0x19: {  	[tilespmem:s14], [sflag:s13] =	stream.linear.gather @p2 [hbm4b:s12+s15], $0x80, $0x200038;
	[tilespmem:$0x8100] =	vst v63  }
0x1a: {  	p1 =	por $0x1, $0x1;
	p6 =	por p6, p0;
	_ =	strace @p2 $0x90000067  }
0x1b: {  	s18 =	sand.u32 @!p1 $0x1, s2;
	p1 =	por p1, p1;
	_ =	strace $0x80000068  }
0x1c: {  	s11 =	simm.s32 $0x9;
	s19 =	sadd.s32 @!p1 $0x3, s18;
	_ =	swait.ge [sflag:s31], $0x80  }
0x1d: {  	s18 =	sadd.s32 $0x1, s17;
	s12 =	simm.s32 $0x1;
	[sflag:s31] =	ssyncset.done $0x0  }
0x1e: {  	s15 =	simm.s32 $0x8;
	s13 =	simm.s32 $0x1;
	[sflag:s31] =	ssyncadd.s32 $0xFFFFFF80  }
0x1f: {  	s13 =	simm.s32 @!p3 $0x0;
	p3 =	seq.s32 s18, $0xA;
	_ =	strace $0x90000068  }
0x20: {  	s12 =	simm.s32 @!p2 $0x0;
	s18 =	simm.s32 @p3 $0x0;
	_ =	strace $0x80000069  }
0x21: {  	s14 =	sadd.s32 $0x1, s12;
	p3 =	sne.s32 s17, s18;
	s22 =	rddreg [dreg:$0x3]  }
0x22: {  	s12 =	sadd.s32 s4, s17;
	p5 =	por !p5, !p3;
	s23 =	rddreg [dreg:$0x4]  }
0x23: {  	[tilespmem:s24], [sflag:$0x5] =	stream.indirect.gather [hbm4b:s22+s23], $0x80, s20, s23, $0x2000b8;
	[tilespmem:$0x8100] =	vst v63  }
0x24: {  	s13 =	sadd.s32 $0x0, s13;
	p2 =	por !p5, !p5;
	_ =	swait.ge [sflag:s8], $0x4000  }
0x25: {  	s17 =	sadd.s32 @p2 s4, s18;
	s28 =	sand.u32 @p2 $0x1, s14;
	[sflag:s8] =	ssyncset.done $0x0  }
0x26: {  	s25 =	sshll.u32 @p2 s28, $0x7;
	s23 =	simm.s32 $0x1;
	[sflag:s8] =	ssyncadd.s32 $0xFFFFC000  }
0x27: {  	s22 =	sshll.u32 @p2 s17, $0x7;
	s17 =	simm.s32 $0x0;
	_ =	strace $0x90000069  }
0x28: {  	s20 =	simm.s32 $0x0;
	s23 =	simm.s32 @!p6 $0x0;
	_ =	strace @p6 $0x8000006A  }
.LBB2_2:
0x29: {  	s31 =	rddreg [dreg:$0x5];
	p0 =	por p3, p3  }
0x2a: {  	[smem:$0x7FC] =	sst s0;
	s0 =	simm.s32 @!p0 $0x0  }
0x2b: {  	s16 =	sshll.u32 @p6 s16, $0xB;
	s0 =	simm.s32 @p0 $0x1  }
0x2c: {  	s21 =	sadd.s32 @p6 $0x3, s21;
	s16 =	sand.u32 @p6 $0x1FFFF800, s16;
	[smem:$0x7FD] =	sst s0  }
0x2d: {  	s16 =	sadd.s32 @p6 s31, s16;
	s31 =	simm.s32 @p6 $0x0;
	s0 =	sld [smem:$0x7FC]  }
0x2e: {  	[hbm4b:s16+s31] =	stream.linear.scatter @p6 [tilespmem:s24], [sflag:s21], $0x4000, $0x200038;
	[tilespmem:$0x8100] =	vst v63  }
0x2f: {  	s29 =	sadd.s32 @p2 $0x1E000, s22;
	_ =	strace @p6 $0x9000006A  }
0x30: {  	s30 =	simm.s32 $0x1;
	s26 =	smov.u32 s11;
	_ =	strace @!p1 $0x8000006B  }
0x31: {  	s11 =	smov.u32 s15;
	s22 =	smov.u32 s18;
	_ =	swait.ge @!p1 [sflag:s19], $0x4000  }
0x32: {  	s17 =	sadd.s32 s23, s17;
	s28 =	sadd.s32 @p2 $0x1, s28;
	[sflag:s19] =	ssyncset.done @!p1 $0x0  }
0x33: {  	s20 =	sadd.s32 s23, s20;
	s15 =	sadd.s32 $0xFFFFFFFF, s15;
	[sflag:s19] =	ssyncadd.s32 @!p1 $0xFFFFC000  }
0x34: {  	s23 =	sand.u32 @!p4 $0x1, s13;
	s29 =	sshrl.u32 @p2 s29, $0x3;
	_ =	strace @!p1 $0x9000006B  }
0x35: {  	s29 =	sadd.s32 @p2 s3, s29;
	s24 =	simm.s32 @p2 $0x0;
	_ =	strace @p2 $0x80000067  }
0x36: {  	[tilespmem:s25], [sflag:s28] =	stream.linear.gather @p2 [hbm4b:s29+s24], $0x80, $0x200038;
	[tilespmem:$0x8100] =	vst v63  }
0x37: {  	s30 =	simm.s32 @!p2 $0x0;
	s31 =	sand.u32 $0x1, s20;
	_ =	strace @p2 $0x90000067  }
0x38: {  	p3 =	sne.s32 s26, $0xA;
	s24 =	sadd.s32 $0x1, s31;
	_ =	strace $0x80000068  }
0x39: {  	s14 =	sadd.s32 s30, s14;
	s16 =	smov.u32 s12;
	_ =	swait.ge [sflag:s24], $0x80  }
0x3a: {  	s12 =	sadd.s32 s4, s18;
	s21 =	sand.u32 $0x1, s17;
	[sflag:s24] =	ssyncset.done $0x0  }
0x3b: {  	s18 =	sadd.s32 $0x1, s18;
	p1 =	por p4, p4;
	[sflag:s24] =	ssyncadd.s32 $0xFFFFFF80  }
0x3c: {  	s19 =	sadd.s32 @!p1 $0x3, s23;
	s25 =	sshll.u32 s20, $0x7;
	_ =	strace $0x90000068  }
0x3d: {  	s28 =	sshll.u32 s21, $0xE;
	s24 =	simm.s32 $0x1;
	_ =	strace $0x80000069  }
0x3e: {  	s23 =	sand.u32 $0x80, s25;
	s24 =	simm.s32 @!p3 $0x0;
	s29 =	rddreg [dreg:$0x3]  }
0x3f: {  	s13 =	sadd.s32 s24, s13;
	s24 =	sor.u32 $0x100, s28;
	s30 =	rddreg [dreg:$0x4]  }
0x40: {  	[tilespmem:s24], [sflag:$0x5] =	stream.indirect.gather [hbm4b:s29+s30], $0x80, s23, s30, $0x2000b8;
	[tilespmem:$0x8100] =	vst v63  }
0x41: {  	p5 =	sne.s32 s15, $0x0;
	p3 =	seq.s32 s18, $0xA;
	_ =	swait.ge [sflag:s8], $0x4000  }
0x42: {  	p0 =	sne.s32 s11, $0x1;
	s18 =	simm.s32 @p3 $0x0;
	s31 =	sld [smem:$0x7FD]  }
0x43: {  	p4 =	seq.s32 s11, $0xA;
	p2 =	seq.s32 s26, $0x1;
	p3 =	sne.s32 s22, s18  }
.Ltmp0:
0x44: {  	p0 =	por !p0, !p3;
	[sflag:s8] =	ssyncset.done $0x0;
	(pc) =	sbr.rel @p5 .LBB2_2-.Ltmp0, $4  }
0x45: {  	s23 =	simm.s32 $0x1;
	[sflag:s8] =	ssyncadd.s32 $0xFFFFC000;
	p6 =	seq.s32 s31, $0x1  }
0x46: {  	_ =	strace $0x90000069;
	p6 =	por p2, p6;
	p2 =	por !p0, !p0  }
0x47: {  	s23 =	simm.s32 @!p6 $0x0;
	s22 =	sadd.s32 @p2 s4, s18;
	s28 =	sand.u32 @p2 $0x1, s14  }
0x48: {  	_ =	strace @p6 $0x8000006A;
	s22 =	sshll.u32 @p2 s22, $0x7;
	s25 =	sshll.u32 @p2 s28, $0x7  }
0x49: {  	s15 =	sshll.u32 @p6 s16, $0xB  }
0x4a: {  	s14 =	rddreg [dreg:$0x5];
	s15 =	sand.u32 @p6 $0x1FFFF800, s15  }
0x4b: {  	s16 =	sadd.s32 @p6 $0x3, s21;
	s14 =	sadd.s32 @p6 s14, s15;
	s15 =	simm.s32 @p6 $0x0  }
0x4c: {  	[hbm4b:s14+s15] =	stream.linear.scatter @p6 [tilespmem:s24], [sflag:s16], $0x4000, $0x200038;
	[tilespmem:$0x8100] =	vst v63  }
0x4d: {  	_ =	strace @p6 $0x9000006A  }
0x4e: {  	_ =	strace @!p1 $0x8000006B  }
0x4f: {  	_ =	swait.ge @!p1 [sflag:s19], $0x4000  }
0x50: {  	[sflag:s19] =	ssyncset.done @!p1 $0x0  }
0x51: {  	s18 =	simm.s32 @p2 $0x0;
	s14 =	sadd.s32 @p2 $0x1E000, s22;
	[sflag:s19] =	ssyncadd.s32 @!p1 $0xFFFFC000  }
0x52: {  	s15 =	sadd.s32 @p2 $0x1, s28;
	s14 =	sshrl.u32 @p2 s14, $0x3;
	_ =	strace @!p1 $0x9000006B  }
0x53: {  	s24 =	sadd.s32 s23, s20;
	s14 =	sadd.s32 @p2 s3, s14;
	_ =	strace @p2 $0x80000067  }
0x54: {  	[tilespmem:s25], [sflag:s15] =	stream.linear.gather @p2 [hbm4b:s14+s18], $0x80, $0x200038;
	[tilespmem:$0x8100] =	vst v63  }
0x55: {  	s26 =	sand.u32 $0x1, s24;
	_ =	strace @p2 $0x90000067  }
0x56: {  	s14 =	sadd.s32 $0x1, s26;
	_ =	strace $0x80000068  }
0x57: {  	_ =	swait.ge [sflag:s14], $0x80  }
0x58: {  	[sflag:s14] =	ssyncset.done $0x0  }
0x59: {  	[sflag:s14] =	ssyncadd.s32 $0xFFFFFF80  }
0x5a: {  	s28 =	sadd.s32 s23, s17;
	_ =	strace $0x90000068  }
0x5b: {  	s14 =	sand.u32 $0x1, s28;
	_ =	strace $0x80000069  }
0x5c: {  	s16 =	sshll.u32 s24, $0x7;
	s31 =	sshll.u32 s14, $0xE;
	s29 =	rddreg [dreg:$0x3]  }
0x5d: {  	s16 =	sand.u32 $0x80, s16;
	s18 =	sor.u32 $0x100, s31;
	s30 =	rddreg [dreg:$0x4]  }
0x5e: {  	[tilespmem:s18], [sflag:$0x5] =	stream.indirect.gather [hbm4b:s29+s30], $0x80, s16, s30, $0x2000b8;
	[tilespmem:$0x8100] =	vst v63  }
0x5f: {  	_ =	swait.ge [sflag:s8], $0x4000  }
0x60: {  	[sflag:s8] =	ssyncset.done $0x0  }
0x61: {  	p0 =	por p3, p3;
	p6 =	seq.s32 s11, $0x1;
	[sflag:s8] =	ssyncadd.s32 $0xFFFFC000  }
0x62: {  	p0 =	por p6, p0;
	_ =	strace $0x90000069  }
0x63: {  	s12 =	sshll.u32 @p0 s12, $0xB;
	_ =	strace @p0 $0x8000006A  }
0x64: {  	s12 =	sand.u32 @p0 $0x1FFFF800, s12;
	s11 =	rddreg [dreg:$0x5]  }
0x65: {  	s14 =	sadd.s32 @p0 $0x3, s14;
	s11 =	sadd.s32 @p0 s11, s12;
	s12 =	simm.s32 @p0 $0x0  }
0x66: {  	[hbm4b:s11+s12] =	stream.linear.scatter @p0 [tilespmem:s18], [sflag:s14], $0x4000, $0x200038;
	[tilespmem:$0x8100] =	vst v63  }
0x67: {  	p1 =	por p4, p4;
	s11 =	sand.u32 @!p4 $0x1, s13;
	_ =	strace @p0 $0x9000006A  }
0x68: {  	s11 =	sadd.s32 @!p1 $0x3, s11;
	_ =	strace @!p1 $0x8000006B  }
0x69: {  	_ =	swait.ge @!p1 [sflag:s11], $0x4000  }
0x6a: {  	[sflag:s11] =	ssyncset.done @!p1 $0x0  }
0x6b: {  	s10 =	sadd.s32 $0x1, s10;
	[sflag:s11] =	ssyncadd.s32 @!p1 $0xFFFFC000  }
0x6c: {  	p0 =	sne.s32 s10, s6;
	_ =	strace @!p1 $0x9000006B  }
.Ltmp1:
0x6d: {  	_ =	strace $0x8000006C;
	(pc) =	sbr.rel @p0 .LBB2_1-.Ltmp1, $4  }
0x6e: {  	_ =	swait.ge [sflag:s9], $0x4000  }
0x6f: {  	[sflag:s9] =	ssyncset.done $0x0  }
0x70: {  	[sflag:s9] =	ssyncadd.s32 $0xFFFFC000  }
0x71: {  	_ =	strace $0x9000006C  }
0x72: {  	_ =	sfence.sel $0x180000  }
0x73: {  	[bflag:$0x0] =	sbarrier.arrive $0xFFFF  }
0x74: {  	p0 =	sne.s32 s0, $0x0;
	_ =	strace $0x90000065  }
0x75: {  	s0 =	sadd.s32 @!p0 $0x100000, s1;
	[bflag:$0x2] =	sbarrier.arrive $0xFFFF  }
0x76: {  	[sflag:s0] =	ssyncadd.tile.s32 @!p0 $0x1;
	_ =	shalt  }
.Lfunc_end2:
_tile_overlayer_lowered:
.L_overlay_start_2:
0x77: {  	(tag) =	ssettag $0x2  }
0x78: {  	s0 =	rddreg [dreg:$0x0];
	s2 =	stileid.u32  }
0x79: {  	s1 =	rddreg [dreg:$0x1];
	p0 =	sne.s32 s2, $0x0  }
0x7a: {  	s3 =	rddreg [dreg:$0x2];
	[bflag:$0x3] =	sbarrier.arrive $0xFFFF;
	s2 =	simm.s32 @!p0 $0x1C01  }
0x7b: {  	[timem:s3], [sflag:s2] =	dma.local @!p0 [hbm:s0], s1  }
0x7c: {  	s0 =	simm.s32 @!p0 $0x1  }
0x7d: {  	_ =	swait.ge @!p0 [sflag:s0], s1  }
0x7e: {  	s1 =	ssub.s32 @!p0 $0x0, s1;
	[sflag:s0] =	ssyncset.done @!p0 $0x0  }
0x7f: {  	[sflag:s0] =	ssyncadd.s32 @!p0 s1  }
0x80: {  	[bflag:$0x3] =	sbarrier.arrive $0xFFFF  }
0x81: {  	_ =	shalt  }

// kernel: kernel.24.cloned.1.call-start
scs
__scs_entry_jumppad:
0x0: {  	(pc) =	sbr.rel $0x88, $3  }
0x1: {  	(tag) =	ssettag $0x0;
	lr =	simm.s32 $0x1  }
0x2: {  	[smem:$0x3F99] =	sst lr;
	_ =	strace $0xD0000000  }
0x3: {  	_ = 	snop  }
0x4: {  	_ = 	snop  }
0x5: {  	_ = 	snop  }
0x6: {  	_ = 	snop  }
0x7: {  	_ = 	snop  }
__scs_overlays_trampoline_lowered:
0x8: {  	[smem:$0x3FA8] =	sst s0  }
0x9: {  	[smem:$0x3FA9] =	sst s1  }
0xa: {  	[smem:$0x3FAA] =	sst s2  }
0xb: {  	[smem:$0x3FAB] =	sst s3  }
0xc: {  	[smem:$0x3FAC] =	sst s4  }
0xd: {  	[smem:$0x3FAD] =	sst s5  }
0xe: {  	[smem:$0x3FAE] =	sst s6  }
0xf: {  	[smem:$0x3FAF] =	sst s7  }
0x10: {  	[smem:$0x3FB0] =	sst s8  }
0x11: {  	[smem:$0x3FB1] =	sst s9;
	s0 =	simm.s32 @!p0 $0x0  }
0x12: {  	s1 =	sld [smem:$0x3F97];
	s0 =	simm.s32 @p0 $0x1  }
0x13: {  	[smem:$0x3FB2] =	sst s0;
	s0 =	simm.s32 @!p1 $0x0  }
0x14: {  	s2 =	sld [smem:$0x3F96];
	s0 =	simm.s32 @p1 $0x1  }
0x15: {  	[smem:$0x3FB3] =	sst s0;
	s0 =	simm.s32 @!p2 $0x0  }
0x16: {  	s3 =	sld [smem:$0x3FDB];
	s0 =	simm.s32 @p2 $0x1  }
0x17: {  	s4 =	simm.s32 $0x1BF5;
	[smem:$0x3FB5] =	sst s0  }
0x18: {  	s0 =	sld [smem:$0x3F98];
	_ =	swait.ge [sflag:s4], $0x0  }
0x19: {  	s7 =	sld [smem:$0x3F99]  }
0x1a: {  	s8 =	sadd.s32 $0xFFFFE003, lr  }
0x1b: {  	s9 =	sadd.s32 $0xFFFFFEF7, lr;
	s5 =	simm.s32 $0xFFFFFFFF;
	p2 =	slt.u32 s8, $0xFFFFF086  }
0x1c: {  	p1 =	slt.u32 s9, $0xF7A;
	s5 =	simm.s32 @!p2 $0x0  }
0x1d: {  	s5 =	simm.s32 @p1 $0x1;
	p0 =	seq.s32 s7, s2  }
0x1e: {  	s7 =	smul.u32 @!p0 $0xF7A, s2;
	p2 =	seq.s32 @!p0 s5, $0x0  }
0x1f: {  	s9 =	smul.u32 $0xF7A, s1;
	s8 =	simm.s32 @!p0 $0x1BF5;
	p2 =	por !p2, p0  }
0x20: {  	[sflag:s8] =	ssyncset.s32 @!p0 $0xFFFFF086;
	s6 =	sadd.s32 @!p0 s3, s7;
	s7 =	simm.s32 @!p0 $0x108  }
0x21: {  	s3 =	sadd.s32 s3, s9;
	s6 =	sadd.s32 @!p0 $0x88, s6;
	s7 =	simm.s32 @p2 $0x1082  }
0x22: {  	[simem:s7], [sflag:s8] =	dma.local @!p0 [hbm:s6], $0xF7A  }
0x23: {  	s9 =	sor.u32 $0xD0000000, s2;
	s6 =	simm.s32 $0x108;
	_ =	swait.ge @!p0 [sflag:s8], $0x0  }
0x24: {  	s3 =	sadd.s32 $0x88, s3;
	s6 =	simm.s32 @!p1 $0x1082;
	[sflag:s4] =	ssyncset.s32 $0xFFFFF086  }
0x25: {  	[simem:s6], [sflag:s4] =	dma.local [hbm:s3], $0xF7A  }
0x26: {  	[smem:$0x3F99] =	sst s1;
	(tag) =	ssettag s2;
	_ =	strace s9  }
0x27: {  	s1 =	sld [smem:$0x3FA9]  }
0x28: {  	s2 =	sld [smem:$0x3FAA]  }
0x29: {  	s4 =	sld [smem:$0x3FAC]  }
0x2a: {  	p0 =	seq.s32 s5, $0x0;
	s5 =	sld [smem:$0x3FAD]  }
0x2b: {  	s6 =	sld [smem:$0x3FAE]  }
0x2c: {  	s7 =	sld [smem:$0x3FAF]  }
0x2d: {  	s3 =	simm.s32 $0x108;
	s8 =	sld [smem:$0x3FB0]  }
0x2e: {  	s3 =	simm.s32 @!p0 $0x1082;
	s9 =	sld [smem:$0x3FB1]  }
0x2f: {  	lr =	sadd.s32 s0, s3;
	s0 =	sld [smem:$0x3FA8]  }
0x30: {  	s3 =	sld [smem:$0x3FAB]  }
0x31: {  	[smem:$0x3FB4] =	sst s10  }
0x32: {  	s10 =	sld [smem:$0x3FB2];
	_ =	sdelay $0x3  }
0x33: {  	p0 =	seq.s32 s10, $0x1;
	s10 =	sld [smem:$0x3FB4];
	_ =	sdelay $0x3  }
0x34: {  	[smem:$0x3FB4] =	sst s10  }
0x35: {  	s10 =	sld [smem:$0x3FB3];
	_ =	sdelay $0x3  }
0x36: {  	p1 =	seq.s32 s10, $0x1;
	s10 =	sld [smem:$0x3FB4];
	_ =	sdelay $0x3  }
0x37: {  	[smem:$0x3FB4] =	sst s10  }
0x38: {  	s10 =	sld [smem:$0x3FB5]  }
0x39: {  	_ = 	snop;
	(pc) =	sbr.ind lr, $3  }
0x3a: {  	_ = 	snop  }
0x3b: {  	_ = 	snop  }
0x3c: {  	p2 =	seq.s32 s10, $0x1;
	s10 =	sld [smem:$0x3FB4]  }
0x3d: {  	_ =	shalt  }
0x3e: {  	_ =	shalt  }
0x3f: {  	_ =	shalt  }
0x40: {  	_ =	shalt  }
0x41: {  	_ =	shalt  }
0x42: {  	_ =	shalt  }
0x43: {  	_ =	shalt  }
0x44: {  	_ =	shalt  }
0x45: {  	_ =	shalt  }
0x46: {  	_ =	shalt  }
0x47: {  	_ =	shalt  }
0x48: {  	_ =	shalt  }
0x49: {  	_ =	shalt  }
0x4a: {  	_ =	shalt  }
0x4b: {  	_ =	shalt  }
0x4c: {  	_ =	shalt  }
0x4d: {  	_ =	shalt  }
0x4e: {  	_ =	shalt  }
0x4f: {  	_ =	shalt  }
0x50: {  	_ =	shalt  }
0x51: {  	_ =	shalt  }
0x52: {  	_ =	shalt  }
0x53: {  	_ =	shalt  }
0x54: {  	_ =	shalt  }
0x55: {  	_ =	shalt  }
0x56: {  	_ =	shalt  }
0x57: {  	_ =	shalt  }
0x58: {  	_ =	shalt  }
0x59: {  	_ =	shalt  }
0x5a: {  	_ =	shalt  }
0x5b: {  	_ =	shalt  }
0x5c: {  	_ =	shalt  }
0x5d: {  	_ =	shalt  }
0x5e: {  	_ =	shalt  }
0x5f: {  	_ =	shalt  }
0x60: {  	_ =	shalt  }
0x61: {  	_ =	shalt  }
0x62: {  	_ =	shalt  }
0x63: {  	_ =	shalt  }
0x64: {  	_ =	shalt  }
0x65: {  	_ =	shalt  }
0x66: {  	_ =	shalt  }
0x67: {  	_ =	shalt  }
0x68: {  	_ =	shalt  }
0x69: {  	_ =	shalt  }
0x6a: {  	_ =	shalt  }
0x6b: {  	_ =	shalt  }
0x6c: {  	_ =	shalt  }
0x6d: {  	_ =	shalt  }
0x6e: {  	_ =	shalt  }
0x6f: {  	_ =	shalt  }
0x70: {  	_ =	shalt  }
0x71: {  	_ =	shalt  }
0x72: {  	_ =	shalt  }
0x73: {  	_ =	shalt  }
0x74: {  	_ =	shalt  }
0x75: {  	_ =	shalt  }
0x76: {  	_ =	shalt  }
0x77: {  	_ =	shalt  }
0x78: {  	_ =	shalt  }
0x79: {  	_ =	shalt  }
0x7a: {  	_ =	shalt  }
0x7b: {  	_ =	shalt  }
0x7c: {  	_ =	shalt  }
0x7d: {  	_ =	shalt  }
0x7e: {  	_ =	shalt  }
0x7f: {  	_ =	shalt  }
0x80: {  	_ =	shalt  }
0x81: {  	_ =	shalt  }
0x82: {  	_ =	shalt  }
0x83: {  	_ =	shalt  }
0x84: {  	_ =	shalt  }
0x85: {  	_ =	shalt  }
0x86: {  	_ =	shalt  }
0x87: {  	_ =	shalt  }
.Lfunc_end0:
.L_simem_size_0:
called_computation.4_lowered:
.L_overlay_start_0:
0x88: {  	s2 =	sld [smem:$0x3FD9]  }
0x89: {  	s3 =	sld [smem:$0x3FFE];
	_ =	sdelay $0x1  }
0x8a: {  	s1 =	srdreg.scid  }
0x8b: {  	s0 =	sand.u32 $0x1, s1  }
0x8c: {  	s17 =	sshll.u32 s0, $0xA;
	s2 =	sadd.s32 s3, s2  }
0x8d: {  	s2 =	sadd.s32 s2, s17  }
0x8e: {  	[smem:$0x3FC0] =	sst s2  }
0x8f: {  	_ = 	snop  }
0x90: {  	s18 =	sld [smem:$0x3FC6];
	(tm) =	ssettm $0x1  }
0x91: {  	s19 =	sld [smem:$0x3FFB];
	_ =	sdelay $0x3  }
0x92: {  	_ =	strace s19  }
0x93: {  	s2 =	sld [smem:$0x3FFC];
	_ =	sdelay $0x3  }
0x94: {  	_ =	strace s2  }
0x95: {  	s2 =	sld [smem:$0x3FFD];
	_ =	sdelay $0x3  }
0x96: {  	_ =	strace s2  }
0x97: {  	_ =	strace $0x8FFFFFFF  }
0x98: {  	s20 =	sld [smem:$0x3FDB];
	_ =	sdelay $0x1  }
0x99: {  	s4 =	simm.s32 $_scs_section_size  }
0x9a: {  	s5 =	simm.s32 $_size__tile_overlayer_lowered;
	s6 =	simm.s32 $_tile_overlayer_lowered  }
0x9b: {  	s7 =	simm.s32 $0x1BFF;
	s21 =	sshll.u32 s6, $0x1;
	s4 =	sadd.s32 s4, s20  }
0x9c: {  	s22 =	simm.s32 $0x0;
	s5 =	sshll.u32 s5, $0x1;
	s6 =	sadd.s32 s21, s4  }
0x9d: {  	[timem:s22], [sflag:s7] =	dma.local [hbm:s6], s5  }
0x9e: {  	_ =	swait.ge [sflag:s7], s5  }
0x9f: {  	s5 =	ssub.s32 $0x0, s5;
	[sflag:s7] =	ssyncset.done $0x0  }
0xa0: {  	[sflag:s7] =	ssyncadd.s32 s5;
	_ =	sdelay $0x1  }
0xa1: {  	s23 =	simm.s32 $0x1B8B  }
0xa2: {  	_ =	swait.ge [sflag:s23], $0x1  }
0xa3: {  	[sflag:s23] =	ssyncset.done $0x0  }
0xa4: {  	[sflag:s23] =	ssyncadd.s32 $0xFFFFFFFF  }
0xa5: {  	s5 =	sld [smem:$0x0]  }
0xa6: {  	s6 =	sand.u32 $0xFFFFFFFE, s1  }
0xa7: {  	p0 =	sne.s32 s1, s6  }
0xa8: {  	s6 =	sshll.u32 @p0 s6, $0xE  }
0xa9: {  	s6 =	sadd.s32 @p0 $0x11B8D, s6;
	s7 =	sshll.u32 @p0 s5, $0x11  }
0xaa: {  	s6 =	sor.u32 @p0 s7, s6  }
0xab: {  	[sflag:s6] =	ssyncadd.remote.s32 @p0 $0x1;
	_ =	sdelay $0x1  }
0xac: {  	s6 =	simm.s32 @p0 $0x1B8D  }
0xad: {  	_ =	swait.eq @p0 [sflag:s6], $0x1  }
0xae: {  	[sflag:s6] =	ssyncadd.s32 @p0 $0xFFFFFFFF  }
0xaf: {  	s7 =	sshll.u32 @!p0 s1, $0xE  }
0xb0: {  	s7 =	sor.u32 @!p0 $0x4000, s7;
	s6 =	simm.s32 @!p0 $0x1B8D  }
0xb1: {  	s5 =	sshll.u32 @!p0 s5, $0x11;
	s7 =	sadd.s32 @!p0 $0x11B8D, s7;
	_ =	swait.eq @!p0 [sflag:s6], $0x1  }
0xb2: {  	s5 =	sor.u32 @!p0 s5, s7;
	[sflag:s6] =	ssyncadd.s32 @!p0 $0xFFFFFFFF  }
0xb3: {  	s25 =	simm.s32 $0x1B8E;
	s24 =	sld [smem:$0x3FFE];
	[sflag:s5] =	ssyncadd.remote.s32 @!p0 $0x1  }
0xb4: {  	s26 =	simm.s32 $execute0_lowered;
	[smem:$0x3FD2] =	sst s25  }
0xb5: {  	s6 =	sshll.u32 s26, $0x1;
	_ =	strace $0x8000006E;
	[dreg:$0x1] =	wrdreg $0xFFFFFFFF  }
0xb6: {  	s28 =	simm.s32 $_size_execute0_lowered;
	s4 =	sadd.s32 s4, s6;
	[dreg:$0x0] =	wrdreg $0x0  }
0xb7: {  	s6 =	sshll.u32 s28, $0x1;
	[dreg:$0x2] =	wrdreg s4  }
0xb8: {  	[dreg:$0x3] =	wrdreg s6  }
0xb9: {  	[dreg:$0x4] =	wrdreg $0xC0  }
0xba: {  	_ =	task [dreg:s22], $0x5FFFF  }
0xbb: {  	[dreg:$0x1] =	wrdreg $0xFFFFFFFF  }
0xbc: {  	[dreg:$0x0] =	wrdreg $0x60  }
0xbd: {  	[dreg:$0x2] =	wrdreg s18  }
0xbe: {  	[dreg:$0x3] =	wrdreg s24  }
0xbf: {  	[dreg:$0x4] =	wrdreg $0xD  }
0xc0: {  	_ =	task.clear_ibuf [dreg:s22], $0x5FFFF;
	_ =	strace $0x9000006E  }
0xc1: {  	s29 =	simm.s32 $0xD;
	_ =	strace $0x80000077  }
0xc2: {  	_ =	swait.ge [sflag:s29], $0x1  }
0xc3: {  	[sflag:s29] =	ssyncadd.s32 $0xFFFFFFFF  }
0xc4: {  	_ =	strace $0x90000077  }
0xc5: {  	_ =	sfence  }
0xc6: {  	s30 =	sld [smem:$0x0];
	_ =	sdelay $0x2  }
0xc7: {  	s31 =	sshll.u32 s1, $0xD;
	s1 =	sshrl.u32 s1, $0x2  }
0xc8: {  	s4 =	sand.u32 $0x4000, s31;
	s1 =	sadd.s32 s1, s30  }
0xc9: {  	s0 =	sor.u32 s4, s0;
	s1 =	sshll.u32 s1, $0x11  }
0xca: {  	s0 =	sor.u32 s1, s0  }
0xcb: {  	s0 =	sadd.s32 $0x8F2B, s0  }
0xcc: {  	[sflag:s0] =	ssyncadd.remote.s32 $0x1  }
0xcd: {  	_ =	sfence.sel $0xFFFF  }
0xce: {  	[dreg:$0x0] =	wrdreg $0xFFFFFFFF;
	(pc) =	sbr.abs _section_cstart, $3  }
0xcf: {  	[dreg:$0x1] =	wrdreg $0xFFFFFFFF  }
0xd0: {  	_ =	task.clear_ibuf [dreg:s22], $0x2FFFF;
	_ =	strace $0x9FFFFFFF  }
0xd1: {  	(tm) =	ssettm $0x7FFFFFFF  }
tec
execute0_lowered:
.L_overlay_start_1:
0x0: {  	(tag) =	ssettag $0x1  }
0x1: {  	s1 =	rddreg [dreg:$0x0]  }
0x2: {  	s0 =	srdreg.scid;
	s5 =	rddreg [dreg:$0x1];
	s2 =	simm.s32 $0x0  }
0x3: {  	s9 =	simm.s32 $0x80;
	s4 =	sand.u32 $0x1, s0;
	[dreg:$0x3] =	wrdreg s1  }
0x4: {  	s0 =	stileid.u32;
	s1 =	rddreg [dreg:$0x2];
	s29 =	sshll.u32 s4, $0x4  }
0x5: {  	s10 =	simm.s32 $0x0;
	[smem:$0x7FF] =	sst s2;
	s6 =	sor.u32 s0, s29  }
0x6: {  	s7 =	sshll.u32 s0, $0x8;
	_ =	strace $0x8000006F;
	s3 =	smul.u32 $0x500, s6  }
0x7: {  	s4 =	ssub.s32 $0x2, s4;
	[dreg:$0x4] =	wrdreg s9;
	s9 =	simm.s32 $0x4  }
0x8: {  	s7 =	sand.u32 $0x300, s7;
	s30 =	sshrl.u32 s4, $0x1;
	s8 =	sand.u32 $0xFC00, s3  }
0x9: {  	s3 =	sadd.s32 $0x2A00, s5;
	s5 =	sadd.s32 $0x1E8E00, s5;
	s7 =	sor.u32 s7, s8  }
0xa: {  	[dreg:$0x5] =	wrdreg s5;
	s8 =	ssub.s32 s4, s30;
	s7 =	sadd.s32 $0x28000, s7  }
0xb: {  	s4 =	smul.u32 $0xA, s6;
	s6 =	smax.u32 s8, $0x1;
	s31 =	sshrl.u32 s7, $0x3  }
0xc: {  	s8 =	simm.s32 $0x5;
	s7 =	simm.s32 $0x1;
	s5 =	sadd.s32 s3, s31  }
.LBB2_1:
0xd: {  	_ =	strace $0x80000070  }
0xe: {  	s17 =	simm.s32 $0x1;
	p0 =	por $0x0, $0x0;
	p1 =	por $0x1, $0x1  }
0xf: {  	[tilespmem:s2], [sflag:$0x1] =	stream.linear.gather [hbm4b:s5+s2], $0x80, $0x200038;
	[tilespmem:$0x8100] =	vst v63  }
0x10: {  	s16 =	sadd.s32 $0x0, s4;
	s21 =	sand.u32 $0x1, s2;
	s17 =	simm.s32 @p0 $0x0  }
0x11: {  	p4 =	por $0x0, $0x0;
	s20 =	simm.s32 $0x0;
	p0 =	sne.s32 s17, $0x0  }
0x12: {  	p6 =	por $0x0, $0x0;
	p3 =	por $0x0, $0x0;
	p1 =	por !p1, !p0  }
0x13: {  	p5 =	por $0x1, $0x1;
	s31 =	sadd.s32 $0x1, s21;
	p2 =	por !p1, !p1  }
0x14: {  	s24 =	sshll.u32 s21, $0xE;
	s20 =	sand.u32 $0x80, s20;
	s11 =	sadd.s32 @p2 s4, s17  }
0x15: {  	_ =	strace $0x90000070;
	s24 =	sor.u32 $0x100, s24;
	s12 =	sshll.u32 @p2 s11, $0x7  }
0x16: {  	p0 =	por p0, p0;
	s13 =	sand.u32 @p2 $0x1, s7;
	s12 =	sadd.s32 @p2 $0x28000, s12  }
0x17: {  	s15 =	simm.s32 @p2 $0x0;
	_ =	strace @p2 $0x80000071;
	s12 =	sshrl.u32 @p2 s12, $0x3  }
0x18: {  	s14 =	sshll.u32 @p2 s13, $0x7;
	s13 =	sadd.s32 @p2 $0x1, s13;
	s12 =	sadd.s32 @p2 s3, s12  }
0x19: {  	[tilespmem:s14], [sflag:s13] =	stream.linear.gather @p2 [hbm4b:s12+s15], $0x80, $0x200038;
	[tilespmem:$0x8100] =	vst v63  }
0x1a: {  	p1 =	por $0x1, $0x1;
	p6 =	por p6, p0;
	_ =	strace @p2 $0x90000071  }
0x1b: {  	s18 =	sand.u32 @!p1 $0x1, s2;
	p1 =	por p1, p1;
	_ =	strace $0x80000072  }
0x1c: {  	s11 =	simm.s32 $0x9;
	s19 =	sadd.s32 @!p1 $0x3, s18;
	_ =	swait.ge [sflag:s31], $0x80  }
0x1d: {  	s18 =	sadd.s32 $0x1, s17;
	s12 =	simm.s32 $0x1;
	[sflag:s31] =	ssyncset.done $0x0  }
0x1e: {  	s15 =	simm.s32 $0x8;
	s13 =	simm.s32 $0x1;
	[sflag:s31] =	ssyncadd.s32 $0xFFFFFF80  }
0x1f: {  	s13 =	simm.s32 @!p3 $0x0;
	p3 =	seq.s32 s18, $0xA;
	_ =	strace $0x90000072  }
0x20: {  	s12 =	simm.s32 @!p2 $0x0;
	s18 =	simm.s32 @p3 $0x0;
	_ =	strace $0x80000073  }
0x21: {  	s14 =	sadd.s32 $0x1, s12;
	p3 =	sne.s32 s17, s18;
	s22 =	rddreg [dreg:$0x3]  }
0x22: {  	s12 =	sadd.s32 s4, s17;
	p5 =	por !p5, !p3;
	s23 =	rddreg [dreg:$0x4]  }
0x23: {  	[tilespmem:s24], [sflag:$0x5] =	stream.indirect.gather [hbm4b:s22+s23], $0x80, s20, s23, $0x2000b8;
	[tilespmem:$0x8100] =	vst v63  }
0x24: {  	s13 =	sadd.s32 $0x0, s13;
	p2 =	por !p5, !p5;
	_ =	swait.ge [sflag:s8], $0x4000  }
0x25: {  	s17 =	sadd.s32 @p2 s4, s18;
	s28 =	sand.u32 @p2 $0x1, s14;
	[sflag:s8] =	ssyncset.done $0x0  }
0x26: {  	s25 =	sshll.u32 @p2 s28, $0x7;
	s23 =	simm.s32 $0x1;
	[sflag:s8] =	ssyncadd.s32 $0xFFFFC000  }
0x27: {  	s22 =	sshll.u32 @p2 s17, $0x7;
	s17 =	simm.s32 $0x0;
	_ =	strace $0x90000073  }
0x28: {  	s20 =	simm.s32 $0x0;
	s23 =	simm.s32 @!p6 $0x0;
	_ =	strace @p6 $0x80000074  }
.LBB2_2:
0x29: {  	s31 =	rddreg [dreg:$0x5];
	p0 =	por p3, p3  }
0x2a: {  	[smem:$0x7FC] =	sst s0;
	s0 =	simm.s32 @!p0 $0x0  }
0x2b: {  	s16 =	sshll.u32 @p6 s16, $0xB;
	s0 =	simm.s32 @p0 $0x1  }
0x2c: {  	s21 =	sadd.s32 @p6 $0x3, s21;
	s16 =	sand.u32 @p6 $0x1FFFF800, s16;
	[smem:$0x7FD] =	sst s0  }
0x2d: {  	s16 =	sadd.s32 @p6 s31, s16;
	s31 =	simm.s32 @p6 $0x0;
	s0 =	sld [smem:$0x7FC]  }
0x2e: {  	[hbm4b:s16+s31] =	stream.linear.scatter @p6 [tilespmem:s24], [sflag:s21], $0x4000, $0x200038;
	[tilespmem:$0x8100] =	vst v63  }
0x2f: {  	s29 =	sadd.s32 @p2 $0x28000, s22;
	_ =	strace @p6 $0x90000074  }
0x30: {  	s30 =	simm.s32 $0x1;
	s26 =	smov.u32 s11;
	_ =	strace @!p1 $0x80000075  }
0x31: {  	s11 =	smov.u32 s15;
	s22 =	smov.u32 s18;
	_ =	swait.ge @!p1 [sflag:s19], $0x4000  }
0x32: {  	s17 =	sadd.s32 s23, s17;
	s28 =	sadd.s32 @p2 $0x1, s28;
	[sflag:s19] =	ssyncset.done @!p1 $0x0  }
0x33: {  	s20 =	sadd.s32 s23, s20;
	s15 =	sadd.s32 $0xFFFFFFFF, s15;
	[sflag:s19] =	ssyncadd.s32 @!p1 $0xFFFFC000  }
0x34: {  	s23 =	sand.u32 @!p4 $0x1, s13;
	s29 =	sshrl.u32 @p2 s29, $0x3;
	_ =	strace @!p1 $0x90000075  }
0x35: {  	s29 =	sadd.s32 @p2 s3, s29;
	s24 =	simm.s32 @p2 $0x0;
	_ =	strace @p2 $0x80000071  }
0x36: {  	[tilespmem:s25], [sflag:s28] =	stream.linear.gather @p2 [hbm4b:s29+s24], $0x80, $0x200038;
	[tilespmem:$0x8100] =	vst v63  }
0x37: {  	s30 =	simm.s32 @!p2 $0x0;
	s31 =	sand.u32 $0x1, s20;
	_ =	strace @p2 $0x90000071  }
0x38: {  	p3 =	sne.s32 s26, $0xA;
	s24 =	sadd.s32 $0x1, s31;
	_ =	strace $0x80000072  }
0x39: {  	s14 =	sadd.s32 s30, s14;
	s16 =	smov.u32 s12;
	_ =	swait.ge [sflag:s24], $0x80  }
0x3a: {  	s12 =	sadd.s32 s4, s18;
	s21 =	sand.u32 $0x1, s17;
	[sflag:s24] =	ssyncset.done $0x0  }
0x3b: {  	s18 =	sadd.s32 $0x1, s18;
	p1 =	por p4, p4;
	[sflag:s24] =	ssyncadd.s32 $0xFFFFFF80  }
0x3c: {  	s19 =	sadd.s32 @!p1 $0x3, s23;
	s25 =	sshll.u32 s20, $0x7;
	_ =	strace $0x90000072  }
0x3d: {  	s28 =	sshll.u32 s21, $0xE;
	s24 =	simm.s32 $0x1;
	_ =	strace $0x80000073  }
0x3e: {  	s23 =	sand.u32 $0x80, s25;
	s24 =	simm.s32 @!p3 $0x0;
	s29 =	rddreg [dreg:$0x3]  }
0x3f: {  	s13 =	sadd.s32 s24, s13;
	s24 =	sor.u32 $0x100, s28;
	s30 =	rddreg [dreg:$0x4]  }
0x40: {  	[tilespmem:s24], [sflag:$0x5] =	stream.indirect.gather [hbm4b:s29+s30], $0x80, s23, s30, $0x2000b8;
	[tilespmem:$0x8100] =	vst v63  }
0x41: {  	p5 =	sne.s32 s15, $0x0;
	p3 =	seq.s32 s18, $0xA;
	_ =	swait.ge [sflag:s8], $0x4000  }
0x42: {  	p0 =	sne.s32 s11, $0x1;
	s18 =	simm.s32 @p3 $0x0;
	s31 =	sld [smem:$0x7FD]  }
0x43: {  	p4 =	seq.s32 s11, $0xA;
	p2 =	seq.s32 s26, $0x1;
	p3 =	sne.s32 s22, s18  }
.Ltmp0:
0x44: {  	p0 =	por !p0, !p3;
	[sflag:s8] =	ssyncset.done $0x0;
	(pc) =	sbr.rel @p5 .LBB2_2-.Ltmp0, $4  }
0x45: {  	s23 =	simm.s32 $0x1;
	[sflag:s8] =	ssyncadd.s32 $0xFFFFC000;
	p6 =	seq.s32 s31, $0x1  }
0x46: {  	_ =	strace $0x90000073;
	p6 =	por p2, p6;
	p2 =	por !p0, !p0  }
0x47: {  	s23 =	simm.s32 @!p6 $0x0;
	s22 =	sadd.s32 @p2 s4, s18;
	s28 =	sand.u32 @p2 $0x1, s14  }
0x48: {  	_ =	strace @p6 $0x80000074;
	s22 =	sshll.u32 @p2 s22, $0x7;
	s25 =	sshll.u32 @p2 s28, $0x7  }
0x49: {  	s15 =	sshll.u32 @p6 s16, $0xB  }
0x4a: {  	s14 =	rddreg [dreg:$0x5];
	s15 =	sand.u32 @p6 $0x1FFFF800, s15  }
0x4b: {  	s16 =	sadd.s32 @p6 $0x3, s21;
	s14 =	sadd.s32 @p6 s14, s15;
	s15 =	simm.s32 @p6 $0x0  }
0x4c: {  	[hbm4b:s14+s15] =	stream.linear.scatter @p6 [tilespmem:s24], [sflag:s16], $0x4000, $0x200038;
	[tilespmem:$0x8100] =	vst v63  }
0x4d: {  	_ =	strace @p6 $0x90000074  }
0x4e: {  	_ =	strace @!p1 $0x80000075  }
0x4f: {  	_ =	swait.ge @!p1 [sflag:s19], $0x4000  }
0x50: {  	[sflag:s19] =	ssyncset.done @!p1 $0x0  }
0x51: {  	s18 =	simm.s32 @p2 $0x0;
	s14 =	sadd.s32 @p2 $0x28000, s22;
	[sflag:s19] =	ssyncadd.s32 @!p1 $0xFFFFC000  }
0x52: {  	s15 =	sadd.s32 @p2 $0x1, s28;
	s14 =	sshrl.u32 @p2 s14, $0x3;
	_ =	strace @!p1 $0x90000075  }
0x53: {  	s24 =	sadd.s32 s23, s20;
	s14 =	sadd.s32 @p2 s3, s14;
	_ =	strace @p2 $0x80000071  }
0x54: {  	[tilespmem:s25], [sflag:s15] =	stream.linear.gather @p2 [hbm4b:s14+s18], $0x80, $0x200038;
	[tilespmem:$0x8100] =	vst v63  }
0x55: {  	s26 =	sand.u32 $0x1, s24;
	_ =	strace @p2 $0x90000071  }
0x56: {  	s14 =	sadd.s32 $0x1, s26;
	_ =	strace $0x80000072  }
0x57: {  	_ =	swait.ge [sflag:s14], $0x80  }
0x58: {  	[sflag:s14] =	ssyncset.done $0x0  }
0x59: {  	[sflag:s14] =	ssyncadd.s32 $0xFFFFFF80  }
0x5a: {  	s28 =	sadd.s32 s23, s17;
	_ =	strace $0x90000072  }
0x5b: {  	s14 =	sand.u32 $0x1, s28;
	_ =	strace $0x80000073  }
0x5c: {  	s16 =	sshll.u32 s24, $0x7;
	s31 =	sshll.u32 s14, $0xE;
	s29 =	rddreg [dreg:$0x3]  }
0x5d: {  	s16 =	sand.u32 $0x80, s16;
	s18 =	sor.u32 $0x100, s31;
	s30 =	rddreg [dreg:$0x4]  }
0x5e: {  	[tilespmem:s18], [sflag:$0x5] =	stream.indirect.gather [hbm4b:s29+s30], $0x80, s16, s30, $0x2000b8;
	[tilespmem:$0x8100] =	vst v63  }
0x5f: {  	_ =	swait.ge [sflag:s8], $0x4000  }
0x60: {  	[sflag:s8] =	ssyncset.done $0x0  }
0x61: {  	p0 =	por p3, p3;
	p6 =	seq.s32 s11, $0x1;
	[sflag:s8] =	ssyncadd.s32 $0xFFFFC000  }
0x62: {  	p0 =	por p6, p0;
	_ =	strace $0x90000073  }
0x63: {  	s12 =	sshll.u32 @p0 s12, $0xB;
	_ =	strace @p0 $0x80000074  }
0x64: {  	s12 =	sand.u32 @p0 $0x1FFFF800, s12;
	s11 =	rddreg [dreg:$0x5]  }
0x65: {  	s14 =	sadd.s32 @p0 $0x3, s14;
	s11 =	sadd.s32 @p0 s11, s12;
	s12 =	simm.s32 @p0 $0x0  }
0x66: {  	[hbm4b:s11+s12] =	stream.linear.scatter @p0 [tilespmem:s18], [sflag:s14], $0x4000, $0x200038;
	[tilespmem:$0x8100] =	vst v63  }
0x67: {  	p1 =	por p4, p4;
	s11 =	sand.u32 @!p4 $0x1, s13;
	_ =	strace @p0 $0x90000074  }
0x68: {  	s11 =	sadd.s32 @!p1 $0x3, s11;
	_ =	strace @!p1 $0x80000075  }
0x69: {  	_ =	swait.ge @!p1 [sflag:s11], $0x4000  }
0x6a: {  	[sflag:s11] =	ssyncset.done @!p1 $0x0  }
0x6b: {  	s10 =	sadd.s32 $0x1, s10;
	[sflag:s11] =	ssyncadd.s32 @!p1 $0xFFFFC000  }
0x6c: {  	p0 =	sne.s32 s10, s6;
	_ =	strace @!p1 $0x90000075  }
.Ltmp1:
0x6d: {  	_ =	strace $0x80000076;
	(pc) =	sbr.rel @p0 .LBB2_1-.Ltmp1, $4  }
0x6e: {  	_ =	swait.ge [sflag:s9], $0x4000  }
0x6f: {  	[sflag:s9] =	ssyncset.done $0x0  }
0x70: {  	[sflag:s9] =	ssyncadd.s32 $0xFFFFC000  }
0x71: {  	_ =	strace $0x90000076  }
0x72: {  	_ =	sfence.sel $0x180000  }
0x73: {  	[bflag:$0x0] =	sbarrier.arrive $0xFFFF  }
0x74: {  	p0 =	sne.s32 s0, $0x0;
	_ =	strace $0x9000006F  }
0x75: {  	s0 =	sadd.s32 @!p0 $0x100000, s1;
	[bflag:$0x2] =	sbarrier.arrive $0xFFFF  }
0x76: {  	[sflag:s0] =	ssyncadd.tile.s32 @!p0 $0x1;
	_ =	shalt  }
.Lfunc_end2:
_tile_overlayer_lowered:
.L_overlay_start_2:
0x77: {  	(tag) =	ssettag $0x2  }
0x78: {  	s0 =	rddreg [dreg:$0x0];
	s2 =	stileid.u32  }
0x79: {  	s1 =	rddreg [dreg:$0x1];
	p0 =	sne.s32 s2, $0x0  }
0x7a: {  	s3 =	rddreg [dreg:$0x2];
	[bflag:$0x3] =	sbarrier.arrive $0xFFFF;
	s2 =	simm.s32 @!p0 $0x1C01  }
0x7b: {  	[timem:s3], [sflag:s2] =	dma.local @!p0 [hbm:s0], s1  }
0x7c: {  	s0 =	simm.s32 @!p0 $0x1  }
0x7d: {  	_ =	swait.ge @!p0 [sflag:s0], s1  }
0x7e: {  	s1 =	ssub.s32 @!p0 $0x0, s1;
	[sflag:s0] =	ssyncset.done @!p0 $0x0  }
0x7f: {  	[sflag:s0] =	ssyncadd.s32 @!p0 s1  }
0x80: {  	[bflag:$0x3] =	sbarrier.arrive $0xFFFF  }
0x81: {  	_ =	shalt  }

</sc_bundles>
